<compile_context>
chip_gen: v7x
topology: tpu7x:2x2x1
jax: 0.10.2.dev20260603
libtpu: 0.0.44.dev20260713+nightly
codegen_flags: <defaults>
</compile_context>

<pallas_src>
import functools

import jax
import jax.numpy as jnp
from jax import lax
from jax.experimental import pallas as pl
from jax.experimental.pallas import tpu as pltpu, tpu_sc as plsc

_N_NODES = 100000
_N_EDGES = 6400000
_LANES = 16
_NW = 32
_CB = 2560
_NCB = _N_EDGES // _CB
_CPT = 79
_VPC = _CB // _LANES
_UNROLL = 20
_NPAD = 100352
_COLS = 1024
_NBLK = _NPAD // _COLS


def _wid():
    return lax.axis_index("s") * 2 + lax.axis_index("c")


def _chunk0():
    w = _wid()
    return w * 78 + jnp.minimum(w, 4)


def _coff(c0, c):
    return jnp.minimum((c0 + c) * _CB, _N_EDGES - _CB)


def _start_in(e_hbm, ei_hbm, ebuf, tbuf, sems, c0, c, b):
    off = _coff(c0, c)
    pltpu.async_copy(e_hbm.at[pl.ds(off, _CB)], ebuf[b], sems[b])
    pltpu.async_copy(ei_hbm.at[:, pl.ds(off, _CB)], tbuf[b], sems[b])


def _wait_in(e_hbm, ei_hbm, ebuf, tbuf, sems, b):
    pltpu.make_async_copy(e_hbm.at[pl.ds(0, _CB)], ebuf[b], sems[b]).wait()
    pltpu.make_async_copy(ei_hbm.at[:, pl.ds(0, _CB)], tbuf[b], sems[b]).wait()


def _sc_sum_kernel(e_hbm, ei_hbm, part_hbm, acc, ebuf0, ebuf1, tbuf0, tbuf1,
                   sem0, sem1):
    sems = (sem0, sem1)
    ebuf = (ebuf0, ebuf1)
    tbuf = (tbuf0, tbuf1)
    c0 = _chunk0()
    nown = 78 + (_wid() < 4).astype(jnp.int32)
    _start_in(e_hbm, ei_hbm, ebuf, tbuf, sems, c0, 0, 0)
    _start_in(e_hbm, ei_hbm, ebuf, tbuf, sems, c0, 1, 1)

    zeros = jnp.zeros((_LANES,), jnp.float32)

    def zero_body(i, _):
        for u in range(16):
            acc[pl.ds((i * 16 + u) * _LANES, _LANES)] = zeros
        return 0

    lax.fori_loop(0, _NPAD // _LANES // 16, zero_body, 0)

    def process(c, b):
        mask = lax.broadcast(c < nown, (_LANES,))
        eb = ebuf[b]
        tb = tbuf[b]

        def vec_body(j, _):
            sl = [pl.ds((j * _UNROLL + u) * _LANES, _LANES)
                  for u in range(_UNROLL)]
            idx = [tb[1, s] for s in sl]
            ev = [eb[s] for s in sl]
            ex = [jnp.exp(v) for v in ev]
            for u in range(_UNROLL):
                plsc.addupdate_scatter(acc, [idx[u]], ex[u], mask=mask)
            return 0

        lax.fori_loop(0, _VPC // _UNROLL, vec_body, 0)

    def pair_body(p, _):
        for b in range(2):
            c = 2 * p + b
            _wait_in(e_hbm, ei_hbm, ebuf, tbuf, sems, b)
            process(c, b)

            @pl.when(c + 2 < _CPT)
            def _():
                _start_in(e_hbm, ei_hbm, ebuf, tbuf, sems, c0, c + 2, b)

        return 0

    lax.fori_loop(0, (_CPT - 1) // 2, pair_body, 0)
    _wait_in(e_hbm, ei_hbm, ebuf, tbuf, sems, 0)
    process(_CPT - 1, 0)

    pltpu.sync_copy(acc, part_hbm.at[_wid()])


def _tc_reduce_kernel(part_ref, r_ref):
    s = jnp.sum(part_ref[...], axis=0)
    r_ref[...] = 1.0 / (s.reshape(8, 128) + 1e-16)


def _sc_alpha_kernel(e_hbm, ei_hbm, r_hbm, out_hbm, racc, ebuf0, ebuf1,
                     tbuf0, tbuf1, obuf0, obuf1, isem0, isem1, osem0, osem1):
    isems = (isem0, isem1)
    osems = (osem0, osem1)
    ebuf = (ebuf0, ebuf1)
    tbuf = (tbuf0, tbuf1)
    obuf = (obuf0, obuf1)
    c0 = _chunk0()
    _start_in(e_hbm, ei_hbm, ebuf, tbuf, isems, c0, 0, 0)
    _start_in(e_hbm, ei_hbm, ebuf, tbuf, isems, c0, 1, 1)
    pltpu.sync_copy(r_hbm, racc)

    def owait(b):
        pltpu.make_async_copy(
            obuf[b], out_hbm.at[pl.ds(0, _CB)], osems[b]).wait()

    def process(c, b):
        eb = ebuf[b]
        tb = tbuf[b]
        ob = obuf[b]

        def vec_body(j, _):
            sl = [pl.ds((j * _UNROLL + u) * _LANES, _LANES)
                  for u in range(_UNROLL)]
            idx = [tb[1, s] for s in sl]
            ev = [eb[s] for s in sl]
            rv = [plsc.load_gather(racc, [i]) for i in idx]
            ex = [jnp.exp(v) for v in ev]
            for u in range(_UNROLL):
                ob[sl[u]] = ex[u] * rv[u]
            return 0

        lax.fori_loop(0, _VPC // _UNROLL, vec_body, 0)
        pltpu.async_copy(ob, out_hbm.at[pl.ds(_coff(c0, c), _CB)], osems[b])

    def pair_body(p, _):
        for b in range(2):
            c = 2 * p + b
            _wait_in(e_hbm, ei_hbm, ebuf, tbuf, isems, b)

            @pl.when(c >= 2)
            def _():
                owait(b)

            process(c, b)

            @pl.when(c + 2 < _CPT)
            def _():
                _start_in(e_hbm, ei_hbm, ebuf, tbuf, isems, c0, c + 2, b)

        return 0

    lax.fori_loop(0, (_CPT - 1) // 2, pair_body, 0)
    _wait_in(e_hbm, ei_hbm, ebuf, tbuf, isems, 0)
    owait(0)
    process(_CPT - 1, 0)
    owait(1)
    owait(0)


_sc_mesh = plsc.VectorSubcoreMesh(core_axis_name="c", subcore_axis_name="s")
_sc_params = pltpu.CompilerParams(needs_layout_passes=False)

_phase1 = functools.partial(
    pl.kernel,
    out_type=jax.ShapeDtypeStruct((_NW, _NPAD), jnp.float32),
    mesh=_sc_mesh,
    compiler_params=_sc_params,
    scratch_types=[
        pltpu.VMEM((_NPAD,), jnp.float32),
        pltpu.VMEM((_CB,), jnp.float32),
        pltpu.VMEM((_CB,), jnp.float32),
        pltpu.VMEM((2, _CB), jnp.int32),
        pltpu.VMEM((2, _CB), jnp.int32),
        pltpu.SemaphoreType.DMA,
        pltpu.SemaphoreType.DMA,
    ],
)(_sc_sum_kernel)

_phase3 = functools.partial(
    pl.kernel,
    out_type=jax.ShapeDtypeStruct((_N_EDGES,), jnp.float32),
    mesh=_sc_mesh,
    compiler_params=_sc_params,
    scratch_types=[
        pltpu.VMEM((_NPAD,), jnp.float32),
        pltpu.VMEM((_CB,), jnp.float32),
        pltpu.VMEM((_CB,), jnp.float32),
        pltpu.VMEM((2, _CB), jnp.int32),
        pltpu.VMEM((2, _CB), jnp.int32),
        pltpu.VMEM((_CB,), jnp.float32),
        pltpu.VMEM((_CB,), jnp.float32),
        pltpu.SemaphoreType.DMA,
        pltpu.SemaphoreType.DMA,
        pltpu.SemaphoreType.DMA,
        pltpu.SemaphoreType.DMA,
    ],
)(_sc_alpha_kernel)


def _phase2(partials):
    return pl.pallas_call(
        _tc_reduce_kernel,
        grid=(_NBLK,),
        in_specs=[pl.BlockSpec((_NW, _COLS), lambda i: (0, i))],
        out_specs=pl.BlockSpec((8, 128), lambda i: (i, 0)),
        out_shape=jax.ShapeDtypeStruct((_NPAD // 128, 128), jnp.float32),
    )(partials)


def kernel(e, edge_index):
    partials = _phase1(e, edge_index)
    r = _phase2(partials).reshape(_NPAD)
    return _phase3(e, edge_index, r)

# --- scband reference (transcript-rebuilt; emitter-appended) ---
"""Pipeline reference for scband-p7-gatsoftmax-41807211659482 (READ-ONLY COPY).

The authoritative reference and input builder live on the scoring server;
editing this copy changes nothing except your own understanding.
"""

import jax, jax.numpy as jnp
import numpy as np

N_NODES = 100000
N_EDGES = 6400000


def setup_inputs(seed: int = 0) -> dict:
    key = jax.random.key(seed)
    k1, k2 = jax.random.split(key)
    e = jax.random.normal(k1, (N_EDGES,), dtype=jnp.float32)
    edge_index = jax.random.randint(k2, (2, N_EDGES), 0, N_NODES, dtype=jnp.int32)
    return {"e": e, "edge_index": edge_index}


def reference(e, edge_index):
    num_nodes = N_NODES
    target_nodes = edge_index[1]
    # scatter max for numerical stability
    e_max = jax.ops.segment_max(e, target_nodes, num_segments=num_nodes)
    e_stable = e - e_max[target_nodes]
    exp_e = jnp.exp(e_stable)
    # scatter add
    sum_exp = jax.ops.segment_sum(exp_e, target_nodes, num_segments=num_nodes)
    alpha = exp_e / (sum_exp[target_nodes] + 1e-16)
    return alpha

if __name__ == "__main__":
    import jax
    _d = setup_inputs()
    print(jax.jit(kernel)(*tuple(_d.values())))

</pallas_src>

<mosaic_0001>
#map = affine_map<(d0, d1) -> (0)>
#map1 = affine_map<(d0, d1) -> (0, 0)>
module attributes {stable_mosaic.version = 14 : i64} {
  func.func @_sc_alpha_kernel(%arg0: i32, %arg1: i32, %arg2: memref<6400000xf32, #tpu.memory_space<hbm>>, %arg3: memref<2x6400000xi32, #tpu.memory_space<hbm>>, %arg4: memref<100352xf32, #tpu.memory_space<hbm>>, %arg5: memref<6400000xf32, #tpu.memory_space<hbm>>, %arg6: memref<100352xf32, #tpu.memory_space<vmem>>, %arg7: memref<2560xf32, #tpu.memory_space<vmem>>, %arg8: memref<2560xf32, #tpu.memory_space<vmem>>, %arg9: memref<2x2560xi32, #tpu.memory_space<vmem>>, %arg10: memref<2x2560xi32, #tpu.memory_space<vmem>>, %arg11: memref<2560xf32, #tpu.memory_space<vmem>>, %arg12: memref<2560xf32, #tpu.memory_space<vmem>>, %arg13: memref<!tpu.dma_semaphore, #tpu.memory_space<semaphore_mem>>, %arg14: memref<!tpu.dma_semaphore, #tpu.memory_space<semaphore_mem>>, %arg15: memref<!tpu.dma_semaphore, #tpu.memory_space<semaphore_mem>>, %arg16: memref<!tpu.dma_semaphore, #tpu.memory_space<semaphore_mem>>) attributes {dimension_semantics = [#tpu.dimension_semantics<core_parallel>, #tpu.dimension_semantics<subcore_parallel>], iteration_bounds = array<i64: 2, 16>, scalar_prefetch = 0 : i64, scratch_operands = 11 : i64, tpu.core_type = #tpu.core_type<sc_vector_subcore>, window_params = [{transform_indices = #map}, {transform_indices = #map1}, {transform_indices = #map}, {transform_indices = #map}]} {
    %mul3A = arith.constant 2 : i32
    %mul3A_0 = arith.muli %arg1, %mul3A : i32
    %add3A = arith.addi %mul3A_0, %arg0 : i32
    %mul3A_1 = arith.constant 78 : i32
    %mul3A_2 = arith.muli %add3A, %mul3A_1 : i32
    %min3A = arith.constant 4 : i32
    %min3A_3 = arith.minsi %add3A, %min3A : i32
    %add3A_4 = arith.addi %mul3A_2, %min3A_3 : i32
    %add3A_5 = arith.constant 0 : i32
    %add3A_6 = arith.addi %add3A_4, %add3A_5 : i32
    %mul3A_7 = arith.constant 2560 : i32
    %mul3A_8 = arith.muli %add3A_6, %mul3A_7 : i32
    %min3A_9 = arith.constant 6397440 : i32
    %min3A_10 = arith.minsi %mul3A_8, %min3A_9 : i32
    %dma_start3A = tpu.memref_slice %arg2[%min3A_10] : memref<6400000xf32, #tpu.memory_space<hbm>> -> memref<2560xf32, #tpu.memory_space<hbm>>
    %dma_start3A_11 = tpu.memref_slice %arg2[%min3A_10] : memref<6400000xf32, #tpu.memory_space<hbm>> -> memref<2560xf32, #tpu.memory_space<hbm>>
    tpu.enqueue_dma source(%dma_start3A_11 : memref<2560xf32, #tpu.memory_space<hbm>>) target(%arg7 : memref<2560xf32, #tpu.memory_space<vmem>>) target_semaphore(%arg13 : memref<!tpu.dma_semaphore, #tpu.memory_space<semaphore_mem>>)
    %dma_start3A_12 = arith.constant 0 : i32
    %dma_start3A_13 = tpu.memref_slice %arg3[%dma_start3A_12, %min3A_10] : memref<2x6400000xi32, #tpu.memory_space<hbm>> -> memref<2x2560xi32, #tpu.memory_space<hbm>>
    %dma_start3A_14 = arith.constant 0 : i32
    %dma_start3A_15 = tpu.memref_slice %arg3[%dma_start3A_14, %min3A_10] : memref<2x6400000xi32, #tpu.memory_space<hbm>> -> memref<2x2560xi32, #tpu.memory_space<hbm>>
    tpu.enqueue_dma source(%dma_start3A_15 : memref<2x2560xi32, #tpu.memory_space<hbm>>) target(%arg9 : memref<2x2560xi32, #tpu.memory_space<vmem>>) target_semaphore(%arg13 : memref<!tpu.dma_semaphore, #tpu.memory_space<semaphore_mem>>)
    %add3A_16 = arith.constant 1 : i32
    %add3A_17 = arith.addi %add3A_4, %add3A_16 : i32
    %mul3A_18 = arith.constant 2560 : i32
    %mul3A_19 = arith.muli %add3A_17, %mul3A_18 : i32
    %min3A_20 = arith.constant 6397440 : i32
    %min3A_21 = arith.minsi %mul3A_19, %min3A_20 : i32
    %dma_start3A_22 = tpu.memref_slice %arg2[%min3A_21] : memref<6400000xf32, #tpu.memory_space<hbm>> -> memref<2560xf32, #tpu.memory_space<hbm>>
    %dma_start3A_23 = tpu.memref_slice %arg2[%min3A_21] : memref<6400000xf32, #tpu.memory_space<hbm>> -> memref<2560xf32, #tpu.memory_space<hbm>>
    tpu.enqueue_dma source(%dma_start3A_23 : memref<2560xf32, #tpu.memory_space<hbm>>) target(%arg8 : memref<2560xf32, #tpu.memory_space<vmem>>) target_semaphore(%arg14 : memref<!tpu.dma_semaphore, #tpu.memory_space<semaphore_mem>>)
    %dma_start3A_24 = arith.constant 0 : i32
    %dma_start3A_25 = tpu.memref_slice %arg3[%dma_start3A_24, %min3A_21] : memref<2x6400000xi32, #tpu.memory_space<hbm>> -> memref<2x2560xi32, #tpu.memory_space<hbm>>
    %dma_start3A_26 = arith.constant 0 : i32
    %dma_start3A_27 = tpu.memref_slice %arg3[%dma_start3A_26, %min3A_21] : memref<2x6400000xi32, #tpu.memory_space<hbm>> -> memref<2x2560xi32, #tpu.memory_space<hbm>>
    tpu.enqueue_dma source(%dma_start3A_27 : memref<2x2560xi32, #tpu.memory_space<hbm>>) target(%arg10 : memref<2x2560xi32, #tpu.memory_space<vmem>>) target_semaphore(%arg14 : memref<!tpu.dma_semaphore, #tpu.memory_space<semaphore_mem>>)
    "tpu.region"() ({
      %run_scoped3A = tpu.sem_alloc : memref<!tpu.dma_semaphore, #tpu.memory_space<semaphore_mem>>
      tpu.enqueue_dma source(%arg4 : memref<100352xf32, #tpu.memory_space<hbm>>) target(%arg6 : memref<100352xf32, #tpu.memory_space<vmem>>) target_semaphore(%run_scoped3A : memref<!tpu.dma_semaphore, #tpu.memory_space<semaphore_mem>>)
      tpu.wait_dma2 semaphore(%run_scoped3A : memref<!tpu.dma_semaphore, #tpu.memory_space<semaphore_mem>>) src(%arg4 : memref<100352xf32, #tpu.memory_space<hbm>>) dst(%arg6 : memref<100352xf32, #tpu.memory_space<vmem>>)
      tpu.yield
    }) : () -> ()
    %scan3A = arith.constant 0 : i32
    %scan3A_28 = arith.constant 0 : i32
    %scan3A_29 = arith.constant 39 : i32
    %scan3A_30 = arith.addi %scan3A_28, %scan3A_29 : i32
    %scan3A_31 = arith.constant 1 : i32
    %scan3A_32 = scf.for %scan3A_70 = %scan3A_28 to %scan3A_30 step %scan3A_31 iter_args(%scan3A_71 = %scan3A) -> (i32)  : i32 {
      %mul3A_72 = arith.constant 2 : i32
      %mul3A_73 = arith.muli %mul3A_72, %scan3A_70 : i32
      %add3A_74 = arith.constant 0 : i32
      %add3A_75 = arith.addi %mul3A_73, %add3A_74 : i32
      %dma_wait3A_76 = arith.constant 0 : i32
      %dma_wait3A_77 = tpu.memref_slice %arg2[%dma_wait3A_76] : memref<6400000xf32, #tpu.memory_space<hbm>> -> memref<2560xf32, #tpu.memory_space<hbm>>
      %dma_wait3A_78 = arith.constant 0 : i32
      %dma_wait3A_79 = tpu.memref_slice %arg2[%dma_wait3A_78] : memref<6400000xf32, #tpu.memory_space<hbm>> -> memref<2560xf32, #tpu.memory_space<hbm>>
      tpu.wait_dma2 semaphore(%arg13 : memref<!tpu.dma_semaphore, #tpu.memory_space<semaphore_mem>>) src(%dma_wait3A_79 : memref<2560xf32, #tpu.memory_space<hbm>>) dst(%arg7 : memref<2560xf32, #tpu.memory_space<vmem>>)
      %dma_wait3A_80 = arith.constant 0 : i32
      %dma_wait3A_81 = arith.constant 0 : i32
      %dma_wait3A_82 = tpu.memref_slice %arg3[%dma_wait3A_80, %dma_wait3A_81] : memref<2x6400000xi32, #tpu.memory_space<hbm>> -> memref<2x2560xi32, #tpu.memory_space<hbm>>
      %dma_wait3A_83 = arith.constant 0 : i32
      %dma_wait3A_84 = arith.constant 0 : i32
      %dma_wait3A_85 = tpu.memref_slice %arg3[%dma_wait3A_83, %dma_wait3A_84] : memref<2x6400000xi32, #tpu.memory_space<hbm>> -> memref<2x2560xi32, #tpu.memory_space<hbm>>
      tpu.wait_dma2 semaphore(%arg13 : memref<!tpu.dma_semaphore, #tpu.memory_space<semaphore_mem>>) src(%dma_wait3A_85 : memref<2x2560xi32, #tpu.memory_space<hbm>>) dst(%arg9 : memref<2x2560xi32, #tpu.memory_space<vmem>>)
      %ge3A = arith.constant 2 : i32
      %ge3A_86 = arith.cmpi sge, %add3A_75, %ge3A : i32
      %convert_element_type3A = arith.extui %ge3A_86 : i1 to i32
      %cond3A = arith.constant 0 : i32
      %cond3A_87 = arith.cmpi ne, %convert_element_type3A, %cond3A : i32
      scf.if %cond3A_87 {
        %dma_wait3A_149 = arith.constant 0 : i32
        %dma_wait3A_150 = tpu.memref_slice %arg5[%dma_wait3A_149] : memref<6400000xf32, #tpu.memory_space<hbm>> -> memref<2560xf32, #tpu.memory_space<hbm>>
        %dma_wait3A_151 = arith.constant 0 : i32
        %dma_wait3A_152 = tpu.memref_slice %arg5[%dma_wait3A_151] : memref<6400000xf32, #tpu.memory_space<hbm>> -> memref<2560xf32, #tpu.memory_space<hbm>>
        tpu.wait_dma2 semaphore(%arg15 : memref<!tpu.dma_semaphore, #tpu.memory_space<semaphore_mem>>) src(%arg11 : memref<2560xf32, #tpu.memory_space<vmem>>) dst(%dma_wait3A_152 : memref<2560xf32, #tpu.memory_space<hbm>>)
      } else {
      }
      %scan3A_88 = arith.constant 0 : i32
      %scan3A_89 = arith.constant 0 : i32
      %scan3A_90 = arith.constant 8 : i32
      %scan3A_91 = arith.addi %scan3A_89, %scan3A_90 : i32
      %scan3A_92 = arith.constant 1 : i32
      %scan3A_93 = scf.for %scan3A_149 = %scan3A_89 to %scan3A_91 step %scan3A_92 iter_args(%scan3A_150 = %scan3A_88) -> (i32)  : i32 {
        %mul3A_151 = arith.constant 20 : i32
        %mul3A_152 = arith.muli %scan3A_149, %mul3A_151 : i32
        %add3A_153 = arith.constant 0 : i32
        %add3A_154 = arith.addi %mul3A_152, %add3A_153 : i32
        %mul3A_155 = arith.constant 16 : i32
        %mul3A_156 = arith.muli %add3A_154, %mul3A_155 : i32
        %mul3A_157 = arith.constant 20 : i32
        %mul3A_158 = arith.muli %scan3A_149, %mul3A_157 : i32
        %add3A_159 = arith.constant 1 : i32
        %add3A_160 = arith.addi %mul3A_158, %add3A_159 : i32
        %mul3A_161 = arith.constant 16 : i32
        %mul3A_162 = arith.muli %add3A_160, %mul3A_161 : i32
        %mul3A_163 = arith.constant 20 : i32
        %mul3A_164 = arith.muli %scan3A_149, %mul3A_163 : i32
        %add3A_165 = arith.constant 2 : i32
        %add3A_166 = arith.addi %mul3A_164, %add3A_165 : i32
        %mul3A_167 = arith.constant 16 : i32
        %mul3A_168 = arith.muli %add3A_166, %mul3A_167 : i32
        %mul3A_169 = arith.constant 20 : i32
        %mul3A_170 = arith.muli %scan3A_149, %mul3A_169 : i32
        %add3A_171 = arith.constant 3 : i32
        %add3A_172 = arith.addi %mul3A_170, %add3A_171 : i32
        %mul3A_173 = arith.constant 16 : i32
        %mul3A_174 = arith.muli %add3A_172, %mul3A_173 : i32
        %mul3A_175 = arith.constant 20 : i32
        %mul3A_176 = arith.muli %scan3A_149, %mul3A_175 : i32
        %add3A_177 = arith.constant 4 : i32
        %add3A_178 = arith.addi %mul3A_176, %add3A_177 : i32
        %mul3A_179 = arith.constant 16 : i32
        %mul3A_180 = arith.muli %add3A_178, %mul3A_179 : i32
        %mul3A_181 = arith.constant 20 : i32
        %mul3A_182 = arith.muli %scan3A_149, %mul3A_181 : i32
        %add3A_183 = arith.constant 5 : i32
        %add3A_184 = arith.addi %mul3A_182, %add3A_183 : i32
        %mul3A_185 = arith.constant 16 : i32
        %mul3A_186 = arith.muli %add3A_184, %mul3A_185 : i32
        %mul3A_187 = arith.constant 20 : i32
        %mul3A_188 = arith.muli %scan3A_149, %mul3A_187 : i32
        %add3A_189 = arith.constant 6 : i32
        %add3A_190 = arith.addi %mul3A_188, %add3A_189 : i32
        %mul3A_191 = arith.constant 16 : i32
        %mul3A_192 = arith.muli %add3A_190, %mul3A_191 : i32
        %mul3A_193 = arith.constant 20 : i32
        %mul3A_194 = arith.muli %scan3A_149, %mul3A_193 : i32
        %add3A_195 = arith.constant 7 : i32
        %add3A_196 = arith.addi %mul3A_194, %add3A_195 : i32
        %mul3A_197 = arith.constant 16 : i32
        %mul3A_198 = arith.muli %add3A_196, %mul3A_197 : i32
        %mul3A_199 = arith.constant 20 : i32
        %mul3A_200 = arith.muli %scan3A_149, %mul3A_199 : i32
        %add3A_201 = arith.constant 8 : i32
        %add3A_202 = arith.addi %mul3A_200, %add3A_201 : i32
        %mul3A_203 = arith.constant 16 : i32
        %mul3A_204 = arith.muli %add3A_202, %mul3A_203 : i32
        %mul3A_205 = arith.constant 20 : i32
        %mul3A_206 = arith.muli %scan3A_149, %mul3A_205 : i32
        %add3A_207 = arith.constant 9 : i32
        %add3A_208 = arith.addi %mul3A_206, %add3A_207 : i32
        %mul3A_209 = arith.constant 16 : i32
        %mul3A_210 = arith.muli %add3A_208, %mul3A_209 : i32
        %mul3A_211 = arith.constant 20 : i32
        %mul3A_212 = arith.muli %scan3A_149, %mul3A_211 : i32
        %add3A_213 = arith.constant 10 : i32
        %add3A_214 = arith.addi %mul3A_212, %add3A_213 : i32
        %mul3A_215 = arith.constant 16 : i32
        %mul3A_216 = arith.muli %add3A_214, %mul3A_215 : i32
        %mul3A_217 = arith.constant 20 : i32
        %mul3A_218 = arith.muli %scan3A_149, %mul3A_217 : i32
        %add3A_219 = arith.constant 11 : i32
        %add3A_220 = arith.addi %mul3A_218, %add3A_219 : i32
        %mul3A_221 = arith.constant 16 : i32
        %mul3A_222 = arith.muli %add3A_220, %mul3A_221 : i32
        %mul3A_223 = arith.constant 20 : i32
        %mul3A_224 = arith.muli %scan3A_149, %mul3A_223 : i32
        %add3A_225 = arith.constant 12 : i32
        %add3A_226 = arith.addi %mul3A_224, %add3A_225 : i32
        %mul3A_227 = arith.constant 16 : i32
        %mul3A_228 = arith.muli %add3A_226, %mul3A_227 : i32
        %mul3A_229 = arith.constant 20 : i32
        %mul3A_230 = arith.muli %scan3A_149, %mul3A_229 : i32
        %add3A_231 = arith.constant 13 : i32
        %add3A_232 = arith.addi %mul3A_230, %add3A_231 : i32
        %mul3A_233 = arith.constant 16 : i32
        %mul3A_234 = arith.muli %add3A_232, %mul3A_233 : i32
        %mul3A_235 = arith.constant 20 : i32
        %mul3A_236 = arith.muli %scan3A_149, %mul3A_235 : i32
        %add3A_237 = arith.constant 14 : i32
        %add3A_238 = arith.addi %mul3A_236, %add3A_237 : i32
        %mul3A_239 = arith.constant 16 : i32
        %mul3A_240 = arith.muli %add3A_238, %mul3A_239 : i32
        %mul3A_241 = arith.constant 20 : i32
        %mul3A_242 = arith.muli %scan3A_149, %mul3A_241 : i32
        %add3A_243 = arith.constant 15 : i32
        %add3A_244 = arith.addi %mul3A_242, %add3A_243 : i32
        %mul3A_245 = arith.constant 16 : i32
        %mul3A_246 = arith.muli %add3A_244, %mul3A_245 : i32
        %mul3A_247 = arith.constant 20 : i32
        %mul3A_248 = arith.muli %scan3A_149, %mul3A_247 : i32
        %add3A_249 = arith.constant 16 : i32
        %add3A_250 = arith.addi %mul3A_248, %add3A_249 : i32
        %mul3A_251 = arith.constant 16 : i32
        %mul3A_252 = arith.muli %add3A_250, %mul3A_251 : i32
        %mul3A_253 = arith.constant 20 : i32
        %mul3A_254 = arith.muli %scan3A_149, %mul3A_253 : i32
        %add3A_255 = arith.constant 17 : i32
        %add3A_256 = arith.addi %mul3A_254, %add3A_255 : i32
        %mul3A_257 = arith.constant 16 : i32
        %mul3A_258 = arith.muli %add3A_256, %mul3A_257 : i32
        %mul3A_259 = arith.constant 20 : i32
        %mul3A_260 = arith.muli %scan3A_149, %mul3A_259 : i32
        %add3A_261 = arith.constant 18 : i32
        %add3A_262 = arith.addi %mul3A_260, %add3A_261 : i32
        %mul3A_263 = arith.constant 16 : i32
        %mul3A_264 = arith.muli %add3A_262, %mul3A_263 : i32
        %mul3A_265 = arith.constant 20 : i32
        %mul3A_266 = arith.muli %scan3A_149, %mul3A_265 : i32
        %add3A_267 = arith.constant 19 : i32
        %add3A_268 = arith.addi %mul3A_266, %add3A_267 : i32
        %mul3A_269 = arith.constant 16 : i32
        %mul3A_270 = arith.muli %add3A_268, %mul3A_269 : i32
        %get3A = arith.constant 1 : i32
        %get3A_271 = arith.index_cast %get3A : i32 to index
        %get3A_272 = arith.index_cast %mul3A_156 : i32 to index
        %get3A_273 = tpu.vector_load %arg9[%get3A_271, %get3A_272] {strides = array<i32>} : memref<2x2560xi32, #tpu.memory_space<vmem>>, vector<16xi32>,
        %get3A_274 = arith.constant 1 : i32
        %get3A_275 = arith.index_cast %get3A_274 : i32 to index
        %get3A_276 = arith.index_cast %mul3A_162 : i32 to index
        %get3A_277 = tpu.vector_load %arg9[%get3A_275, %get3A_276] {strides = array<i32>} : memref<2x2560xi32, #tpu.memory_space<vmem>>, vector<16xi32>,
        %get3A_278 = arith.constant 1 : i32
        %get3A_279 = arith.index_cast %get3A_278 : i32 to index
        %get3A_280 = arith.index_cast %mul3A_168 : i32 to index
        %get3A_281 = tpu.vector_load %arg9[%get3A_279, %get3A_280] {strides = array<i32>} : memref<2x2560xi32, #tpu.memory_space<vmem>>, vector<16xi32>,
        %get3A_282 = arith.constant 1 : i32
        %get3A_283 = arith.index_cast %get3A_282 : i32 to index
        %get3A_284 = arith.index_cast %mul3A_174 : i32 to index
        %get3A_285 = tpu.vector_load %arg9[%get3A_283, %get3A_284] {strides = array<i32>} : memref<2x2560xi32, #tpu.memory_space<vmem>>, vector<16xi32>,
        %get3A_286 = arith.constant 1 : i32
        %get3A_287 = arith.index_cast %get3A_286 : i32 to index
        %get3A_288 = arith.index_cast %mul3A_180 : i32 to index
        %get3A_289 = tpu.vector_load %arg9[%get3A_287, %get3A_288] {strides = array<i32>} : memref<2x2560xi32, #tpu.memory_space<vmem>>, vector<16xi32>,
        %get3A_290 = arith.constant 1 : i32
        %get3A_291 = arith.index_cast %get3A_290 : i32 to index
        %get3A_292 = arith.index_cast %mul3A_186 : i32 to index
        %get3A_293 = tpu.vector_load %arg9[%get3A_291, %get3A_292] {strides = array<i32>} : memref<2x2560xi32, #tpu.memory_space<vmem>>, vector<16xi32>,
        %get3A_294 = arith.constant 1 : i32
        %get3A_295 = arith.index_cast %get3A_294 : i32 to index
        %get3A_296 = arith.index_cast %mul3A_192 : i32 to index
        %get3A_297 = tpu.vector_load %arg9[%get3A_295, %get3A_296] {strides = array<i32>} : memref<2x2560xi32, #tpu.memory_space<vmem>>, vector<16xi32>,
        %get3A_298 = arith.constant 1 : i32
        %get3A_299 = arith.index_cast %get3A_298 : i32 to index
        %get3A_300 = arith.index_cast %mul3A_198 : i32 to index
        %get3A_301 = tpu.vector_load %arg9[%get3A_299, %get3A_300] {strides = array<i32>} : memref<2x2560xi32, #tpu.memory_space<vmem>>, vector<16xi32>,
        %get3A_302 = arith.constant 1 : i32
        %get3A_303 = arith.index_cast %get3A_302 : i32 to index
        %get3A_304 = arith.index_cast %mul3A_204 : i32 to index
        %get3A_305 = tpu.vector_load %arg9[%get3A_303, %get3A_304] {strides = array<i32>} : memref<2x2560xi32, #tpu.memory_space<vmem>>, vector<16xi32>,
        %get3A_306 = arith.constant 1 : i32
        %get3A_307 = arith.index_cast %get3A_306 : i32 to index
        %get3A_308 = arith.index_cast %mul3A_210 : i32 to index
        %get3A_309 = tpu.vector_load %arg9[%get3A_307, %get3A_308] {strides = array<i32>} : memref<2x2560xi32, #tpu.memory_space<vmem>>, vector<16xi32>,
        %get3A_310 = arith.constant 1 : i32
        %get3A_311 = arith.index_cast %get3A_310 : i32 to index
        %get3A_312 = arith.index_cast %mul3A_216 : i32 to index
        %get3A_313 = tpu.vector_load %arg9[%get3A_311, %get3A_312] {strides = array<i32>} : memref<2x2560xi32, #tpu.memory_space<vmem>>, vector<16xi32>,
        %get3A_314 = arith.constant 1 : i32
        %get3A_315 = arith.index_cast %get3A_314 : i32 to index
        %get3A_316 = arith.index_cast %mul3A_222 : i32 to index
        %get3A_317 = tpu.vector_load %arg9[%get3A_315, %get3A_316] {strides = array<i32>} : memref<2x2560xi32, #tpu.memory_space<vmem>>, vector<16xi32>,
        %get3A_318 = arith.constant 1 : i32
        %get3A_319 = arith.index_cast %get3A_318 : i32 to index
        %get3A_320 = arith.index_cast %mul3A_228 : i32 to index
        %get3A_321 = tpu.vector_load %arg9[%get3A_319, %get3A_320] {strides = array<i32>} : memref<2x2560xi32, #tpu.memory_space<vmem>>, vector<16xi32>,
        %get3A_322 = arith.constant 1 : i32
        %get3A_323 = arith.index_cast %get3A_322 : i32 to index
        %get3A_324 = arith.index_cast %mul3A_234 : i32 to index
        %get3A_325 = tpu.vector_load %arg9[%get3A_323, %get3A_324] {strides = array<i32>} : memref<2x2560xi32, #tpu.memory_space<vmem>>, vector<16xi32>,
        %get3A_326 = arith.constant 1 : i32
        %get3A_327 = arith.index_cast %get3A_326 : i32 to index
        %get3A_328 = arith.index_cast %mul3A_240 : i32 to index
        %get3A_329 = tpu.vector_load %arg9[%get3A_327, %get3A_328] {strides = array<i32>} : memref<2x2560xi32, #tpu.memory_space<vmem>>, vector<16xi32>,
        %get3A_330 = arith.constant 1 : i32
        %get3A_331 = arith.index_cast %get3A_330 : i32 to index
        %get3A_332 = arith.index_cast %mul3A_246 : i32 to index
        %get3A_333 = tpu.vector_load %arg9[%get3A_331, %get3A_332] {strides = array<i32>} : memref<2x2560xi32, #tpu.memory_space<vmem>>, vector<16xi32>,
        %get3A_334 = arith.constant 1 : i32
        %get3A_335 = arith.index_cast %get3A_334 : i32 to index
        %get3A_336 = arith.index_cast %mul3A_252 : i32 to index
        %get3A_337 = tpu.vector_load %arg9[%get3A_335, %get3A_336] {strides = array<i32>} : memref<2x2560xi32, #tpu.memory_space<vmem>>, vector<16xi32>,
        %get3A_338 = arith.constant 1 : i32
        %get3A_339 = arith.index_cast %get3A_338 : i32 to index
        %get3A_340 = arith.index_cast %mul3A_258 : i32 to index
        %get3A_341 = tpu.vector_load %arg9[%get3A_339, %get3A_340] {strides = array<i32>} : memref<2x2560xi32, #tpu.memory_space<vmem>>, vector<16xi32>,
        %get3A_342 = arith.constant 1 : i32
        %get3A_343 = arith.index_cast %get3A_342 : i32 to index
        %get3A_344 = arith.index_cast %mul3A_264 : i32 to index
        %get3A_345 = tpu.vector_load %arg9[%get3A_343, %get3A_344] {strides = array<i32>} : memref<2x2560xi32, #tpu.memory_space<vmem>>, vector<16xi32>,
        %get3A_346 = arith.constant 1 : i32
        %get3A_347 = arith.index_cast %get3A_346 : i32 to index
        %get3A_348 = arith.index_cast %mul3A_270 : i32 to index
        %get3A_349 = tpu.vector_load %arg9[%get3A_347, %get3A_348] {strides = array<i32>} : memref<2x2560xi32, #tpu.memory_space<vmem>>, vector<16xi32>,
        %get3A_350 = arith.index_cast %mul3A_156 : i32 to index
        %get3A_351 = tpu.vector_load %arg7[%get3A_350] {strides = array<i32>} : memref<2560xf32, #tpu.memory_space<vmem>>, vector<16xf32>,
        %get3A_352 = arith.index_cast %mul3A_162 : i32 to index
        %get3A_353 = tpu.vector_load %arg7[%get3A_352] {strides = array<i32>} : memref<2560xf32, #tpu.memory_space<vmem>>, vector<16xf32>,
        %get3A_354 = arith.index_cast %mul3A_168 : i32 to index
        %get3A_355 = tpu.vector_load %arg7[%get3A_354] {strides = array<i32>} : memref<2560xf32, #tpu.memory_space<vmem>>, vector<16xf32>,
        %get3A_356 = arith.index_cast %mul3A_174 : i32 to index
        %get3A_357 = tpu.vector_load %arg7[%get3A_356] {strides = array<i32>} : memref<2560xf32, #tpu.memory_space<vmem>>, vector<16xf32>,
        %get3A_358 = arith.index_cast %mul3A_180 : i32 to index
        %get3A_359 = tpu.vector_load %arg7[%get3A_358] {strides = array<i32>} : memref<2560xf32, #tpu.memory_space<vmem>>, vector<16xf32>,
        %get3A_360 = arith.index_cast %mul3A_186 : i32 to index
        %get3A_361 = tpu.vector_load %arg7[%get3A_360] {strides = array<i32>} : memref<2560xf32, #tpu.memory_space<vmem>>, vector<16xf32>,
        %get3A_362 = arith.index_cast %mul3A_192 : i32 to index
        %get3A_363 = tpu.vector_load %arg7[%get3A_362] {strides = array<i32>} : memref<2560xf32, #tpu.memory_space<vmem>>, vector<16xf32>,
        %get3A_364 = arith.index_cast %mul3A_198 : i32 to index
        %get3A_365 = tpu.vector_load %arg7[%get3A_364] {strides = array<i32>} : memref<2560xf32, #tpu.memory_space<vmem>>, vector<16xf32>,
        %get3A_366 = arith.index_cast %mul3A_204 : i32 to index
        %get3A_367 = tpu.vector_load %arg7[%get3A_366] {strides = array<i32>} : memref<2560xf32, #tpu.memory_space<vmem>>, vector<16xf32>,
        %get3A_368 = arith.index_cast %mul3A_210 : i32 to index
        %get3A_369 = tpu.vector_load %arg7[%get3A_368] {strides = array<i32>} : memref<2560xf32, #tpu.memory_space<vmem>>, vector<16xf32>,
        %get3A_370 = arith.index_cast %mul3A_216 : i32 to index
        %get3A_371 = tpu.vector_load %arg7[%get3A_370] {strides = array<i32>} : memref<2560xf32, #tpu.memory_space<vmem>>, vector<16xf32>,
        %get3A_372 = arith.index_cast %mul3A_222 : i32 to index
        %get3A_373 = tpu.vector_load %arg7[%get3A_372] {strides = array<i32>} : memref<2560xf32, #tpu.memory_space<vmem>>, vector<16xf32>,
        %get3A_374 = arith.index_cast %mul3A_228 : i32 to index
        %get3A_375 = tpu.vector_load %arg7[%get3A_374] {strides = array<i32>} : memref<2560xf32, #tpu.memory_space<vmem>>, vector<16xf32>,
        %get3A_376 = arith.index_cast %mul3A_234 : i32 to index
        %get3A_377 = tpu.vector_load %arg7[%get3A_376] {strides = array<i32>} : memref<2560xf32, #tpu.memory_space<vmem>>, vector<16xf32>,
        %get3A_378 = arith.index_cast %mul3A_240 : i32 to index
        %get3A_379 = tpu.vector_load %arg7[%get3A_378] {strides = array<i32>} : memref<2560xf32, #tpu.memory_space<vmem>>, vector<16xf32>,
        %get3A_380 = arith.index_cast %mul3A_246 : i32 to index
        %get3A_381 = tpu.vector_load %arg7[%get3A_380] {strides = array<i32>} : memref<2560xf32, #tpu.memory_space<vmem>>, vector<16xf32>,
        %get3A_382 = arith.index_cast %mul3A_252 : i32 to index
        %get3A_383 = tpu.vector_load %arg7[%get3A_382] {strides = array<i32>} : memref<2560xf32, #tpu.memory_space<vmem>>, vector<16xf32>,
        %get3A_384 = arith.index_cast %mul3A_258 : i32 to index
        %get3A_385 = tpu.vector_load %arg7[%get3A_384] {strides = array<i32>} : memref<2560xf32, #tpu.memory_space<vmem>>, vector<16xf32>,
        %get3A_386 = arith.index_cast %mul3A_264 : i32 to index
        %get3A_387 = tpu.vector_load %arg7[%get3A_386] {strides = array<i32>} : memref<2560xf32, #tpu.memory_space<vmem>>, vector<16xf32>,
        %get3A_388 = arith.index_cast %mul3A_270 : i32 to index
        %get3A_389 = tpu.vector_load %arg7[%get3A_388] {strides = array<i32>} : memref<2560xf32, #tpu.memory_space<vmem>>, vector<16xf32>,
        %gather3A = tpu.vector_load_idx %arg6[%get3A_273] : memref<100352xf32, #tpu.memory_space<vmem>>[vector<16xi32>], vector<16xf32>,
        %gather3A_390 = tpu.vector_load_idx %arg6[%get3A_277] : memref<100352xf32, #tpu.memory_space<vmem>>[vector<16xi32>], vector<16xf32>,
        %gather3A_391 = tpu.vector_load_idx %arg6[%get3A_281] : memref<100352xf32, #tpu.memory_space<vmem>>[vector<16xi32>], vector<16xf32>,
        %gather3A_392 = tpu.vector_load_idx %arg6[%get3A_285] : memref<100352xf32, #tpu.memory_space<vmem>>[vector<16xi32>], vector<16xf32>,
        %gather3A_393 = tpu.vector_load_idx %arg6[%get3A_289] : memref<100352xf32, #tpu.memory_space<vmem>>[vector<16xi32>], vector<16xf32>,
        %gather3A_394 = tpu.vector_load_idx %arg6[%get3A_293] : memref<100352xf32, #tpu.memory_space<vmem>>[vector<16xi32>], vector<16xf32>,
        %gather3A_395 = tpu.vector_load_idx %arg6[%get3A_297] : memref<100352xf32, #tpu.memory_space<vmem>>[vector<16xi32>], vector<16xf32>,
        %gather3A_396 = tpu.vector_load_idx %arg6[%get3A_301] : memref<100352xf32, #tpu.memory_space<vmem>>[vector<16xi32>], vector<16xf32>,
        %gather3A_397 = tpu.vector_load_idx %arg6[%get3A_305] : memref<100352xf32, #tpu.memory_space<vmem>>[vector<16xi32>], vector<16xf32>,
        %gather3A_398 = tpu.vector_load_idx %arg6[%get3A_309] : memref<100352xf32, #tpu.memory_space<vmem>>[vector<16xi32>], vector<16xf32>,
        %gather3A_399 = tpu.vector_load_idx %arg6[%get3A_313] : memref<100352xf32, #tpu.memory_space<vmem>>[vector<16xi32>], vector<16xf32>,
        %gather3A_400 = tpu.vector_load_idx %arg6[%get3A_317] : memref<100352xf32, #tpu.memory_space<vmem>>[vector<16xi32>], vector<16xf32>,
        %gather3A_401 = tpu.vector_load_idx %arg6[%get3A_321] : memref<100352xf32, #tpu.memory_space<vmem>>[vector<16xi32>], vector<16xf32>,
        %gather3A_402 = tpu.vector_load_idx %arg6[%get3A_325] : memref<100352xf32, #tpu.memory_space<vmem>>[vector<16xi32>], vector<16xf32>,
        %gather3A_403 = tpu.vector_load_idx %arg6[%get3A_329] : memref<100352xf32, #tpu.memory_space<vmem>>[vector<16xi32>], vector<16xf32>,
        %gather3A_404 = tpu.vector_load_idx %arg6[%get3A_333] : memref<100352xf32, #tpu.memory_space<vmem>>[vector<16xi32>], vector<16xf32>,
        %gather3A_405 = tpu.vector_load_idx %arg6[%get3A_337] : memref<100352xf32, #tpu.memory_space<vmem>>[vector<16xi32>], vector<16xf32>,
        %gather3A_406 = tpu.vector_load_idx %arg6[%get3A_341] : memref<100352xf32, #tpu.memory_space<vmem>>[vector<16xi32>], vector<16xf32>,
        %gather3A_407 = tpu.vector_load_idx %arg6[%get3A_345] : memref<100352xf32, #tpu.memory_space<vmem>>[vector<16xi32>], vector<16xf32>,
        %gather3A_408 = tpu.vector_load_idx %arg6[%get3A_349] : memref<100352xf32, #tpu.memory_space<vmem>>[vector<16xi32>], vector<16xf32>,
        %exp3A = math.exp %get3A_351 : vector<16xf32>
        %exp3A_409 = math.exp %get3A_353 : vector<16xf32>
        %exp3A_410 = math.exp %get3A_355 : vector<16xf32>
        %exp3A_411 = math.exp %get3A_357 : vector<16xf32>
        %exp3A_412 = math.exp %get3A_359 : vector<16xf32>
        %exp3A_413 = math.exp %get3A_361 : vector<16xf32>
        %exp3A_414 = math.exp %get3A_363 : vector<16xf32>
        %exp3A_415 = math.exp %get3A_365 : vector<16xf32>
        %exp3A_416 = math.exp %get3A_367 : vector<16xf32>
        %exp3A_417 = math.exp %get3A_369 : vector<16xf32>
        %exp3A_418 = math.exp %get3A_371 : vector<16xf32>
        %exp3A_419 = math.exp %get3A_373 : vector<16xf32>
        %exp3A_420 = math.exp %get3A_375 : vector<16xf32>
        %exp3A_421 = math.exp %get3A_377 : vector<16xf32>
        %exp3A_422 = math.exp %get3A_379 : vector<16xf32>
        %exp3A_423 = math.exp %get3A_381 : vector<16xf32>
        %exp3A_424 = math.exp %get3A_383 : vector<16xf32>
        %exp3A_425 = math.exp %get3A_385 : vector<16xf32>
        %exp3A_426 = math.exp %get3A_387 : vector<16xf32>
        %exp3A_427 = math.exp %get3A_389 : vector<16xf32>
        %mul3A_428 = arith.mulf %exp3A, %gather3A : vector<16xf32>
        %swap3A = arith.index_cast %mul3A_156 : i32 to index
        %swap3A_429 = tpu.vector_load %arg11[%swap3A] {strides = array<i32>} : memref<2560xf32, #tpu.memory_space<vmem>>, vector<16xf32>,
        tpu.vector_store %arg11[%swap3A], %mul3A_428 {strides = array<i32>} : memref<2560xf32, #tpu.memory_space<vmem>>, vector<16xf32>,
        %mul3A_430 = arith.mulf %exp3A_409, %gather3A_390 : vector<16xf32>
        %swap3A_431 = arith.index_cast %mul3A_162 : i32 to index
        %swap3A_432 = tpu.vector_load %arg11[%swap3A_431] {strides = array<i32>} : memref<2560xf32, #tpu.memory_space<vmem>>, vector<16xf32>,
        tpu.vector_store %arg11[%swap3A_431], %mul3A_430 {strides = array<i32>} : memref<2560xf32, #tpu.memory_space<vmem>>, vector<16xf32>,
        %mul3A_433 = arith.mulf %exp3A_410, %gather3A_391 : vector<16xf32>
        %swap3A_434 = arith.index_cast %mul3A_168 : i32 to index
        %swap3A_435 = tpu.vector_load %arg11[%swap3A_434] {strides = array<i32>} : memref<2560xf32, #tpu.memory_space<vmem>>, vector<16xf32>,
        tpu.vector_store %arg11[%swap3A_434], %mul3A_433 {strides = array<i32>} : memref<2560xf32, #tpu.memory_space<vmem>>, vector<16xf32>,
        %mul3A_436 = arith.mulf %exp3A_411, %gather3A_392 : vector<16xf32>
        %swap3A_437 = arith.index_cast %mul3A_174 : i32 to index
        %swap3A_438 = tpu.vector_load %arg11[%swap3A_437] {strides = array<i32>} : memref<2560xf32, #tpu.memory_space<vmem>>, vector<16xf32>,
        tpu.vector_store %arg11[%swap3A_437], %mul3A_436 {strides = array<i32>} : memref<2560xf32, #tpu.memory_space<vmem>>, vector<16xf32>,
        %mul3A_439 = arith.mulf %exp3A_412, %gather3A_393 : vector<16xf32>
        %swap3A_440 = arith.index_cast %mul3A_180 : i32 to index
        %swap3A_441 = tpu.vector_load %arg11[%swap3A_440] {strides = array<i32>} : memref<2560xf32, #tpu.memory_space<vmem>>, vector<16xf32>,
        tpu.vector_store %arg11[%swap3A_440], %mul3A_439 {strides = array<i32>} : memref<2560xf32, #tpu.memory_space<vmem>>, vector<16xf32>,
        %mul3A_442 = arith.mulf %exp3A_413, %gather3A_394 : vector<16xf32>
        %swap3A_443 = arith.index_cast %mul3A_186 : i32 to index
        %swap3A_444 = tpu.vector_load %arg11[%swap3A_443] {strides = array<i32>} : memref<2560xf32, #tpu.memory_space<vmem>>, vector<16xf32>,
        tpu.vector_store %arg11[%swap3A_443], %mul3A_442 {strides = array<i32>} : memref<2560xf32, #tpu.memory_space<vmem>>, vector<16xf32>,
        %mul3A_445 = arith.mulf %exp3A_414, %gather3A_395 : vector<16xf32>
        %swap3A_446 = arith.index_cast %mul3A_192 : i32 to index
        %swap3A_447 = tpu.vector_load %arg11[%swap3A_446] {strides = array<i32>} : memref<2560xf32, #tpu.memory_space<vmem>>, vector<16xf32>,
        tpu.vector_store %arg11[%swap3A_446], %mul3A_445 {strides = array<i32>} : memref<2560xf32, #tpu.memory_space<vmem>>, vector<16xf32>,
        %mul3A_448 = arith.mulf %exp3A_415, %gather3A_396 : vector<16xf32>
        %swap3A_449 = arith.index_cast %mul3A_198 : i32 to index
        %swap3A_450 = tpu.vector_load %arg11[%swap3A_449] {strides = array<i32>} : memref<2560xf32, #tpu.memory_space<vmem>>, vector<16xf32>,
        tpu.vector_store %arg11[%swap3A_449], %mul3A_448 {strides = array<i32>} : memref<2560xf32, #tpu.memory_space<vmem>>, vector<16xf32>,
        %mul3A_451 = arith.mulf %exp3A_416, %gather3A_397 : vector<16xf32>
        %swap3A_452 = arith.index_cast %mul3A_204 : i32 to index
        %swap3A_453 = tpu.vector_load %arg11[%swap3A_452] {strides = array<i32>} : memref<2560xf32, #tpu.memory_space<vmem>>, vector<16xf32>,
        tpu.vector_store %arg11[%swap3A_452], %mul3A_451 {strides = array<i32>} : memref<2560xf32, #tpu.memory_space<vmem>>, vector<16xf32>,
        %mul3A_454 = arith.mulf %exp3A_417, %gather3A_398 : vector<16xf32>
        %swap3A_455 = arith.index_cast %mul3A_210 : i32 to index
        %swap3A_456 = tpu.vector_load %arg11[%swap3A_455] {strides = array<i32>} : memref<2560xf32, #tpu.memory_space<vmem>>, vector<16xf32>,
        tpu.vector_store %arg11[%swap3A_455], %mul3A_454 {strides = array<i32>} : memref<2560xf32, #tpu.memory_space<vmem>>, vector<16xf32>,
        %mul3A_457 = arith.mulf %exp3A_418, %gather3A_399 : vector<16xf32>
        %swap3A_458 = arith.index_cast %mul3A_216 : i32 to index
        %swap3A_459 = tpu.vector_load %arg11[%swap3A_458] {strides = array<i32>} : memref<2560xf32, #tpu.memory_space<vmem>>, vector<16xf32>,
        tpu.vector_store %arg11[%swap3A_458], %mul3A_457 {strides = array<i32>} : memref<2560xf32, #tpu.memory_space<vmem>>, vector<16xf32>,
        %mul3A_460 = arith.mulf %exp3A_419, %gather3A_400 : vector<16xf32>
        %swap3A_461 = arith.index_cast %mul3A_222 : i32 to index
        %swap3A_462 = tpu.vector_load %arg11[%swap3A_461] {strides = array<i32>} : memref<2560xf32, #tpu.memory_space<vmem>>, vector<16xf32>,
        tpu.vector_store %arg11[%swap3A_461], %mul3A_460 {strides = array<i32>} : memref<2560xf32, #tpu.memory_space<vmem>>, vector<16xf32>,
        %mul3A_463 = arith.mulf %exp3A_420, %gather3A_401 : vector<16xf32>
        %swap3A_464 = arith.index_cast %mul3A_228 : i32 to index
        %swap3A_465 = tpu.vector_load %arg11[%swap3A_464] {strides = array<i32>} : memref<2560xf32, #tpu.memory_space<vmem>>, vector<16xf32>,
        tpu.vector_store %arg11[%swap3A_464], %mul3A_463 {strides = array<i32>} : memref<2560xf32, #tpu.memory_space<vmem>>, vector<16xf32>,
        %mul3A_466 = arith.mulf %exp3A_421, %gather3A_402 : vector<16xf32>
        %swap3A_467 = arith.index_cast %mul3A_234 : i32 to index
        %swap3A_468 = tpu.vector_load %arg11[%swap3A_467] {strides = array<i32>} : memref<2560xf32, #tpu.memory_space<vmem>>, vector<16xf32>,
        tpu.vector_store %arg11[%swap3A_467], %mul3A_466 {strides = array<i32>} : memref<2560xf32, #tpu.memory_space<vmem>>, vector<16xf32>,
        %mul3A_469 = arith.mulf %exp3A_422, %gather3A_403 : vector<16xf32>
        %swap3A_470 = arith.index_cast %mul3A_240 : i32 to index
        %swap3A_471 = tpu.vector_load %arg11[%swap3A_470] {strides = array<i32>} : memref<2560xf32, #tpu.memory_space<vmem>>, vector<16xf32>,
        tpu.vector_store %arg11[%swap3A_470], %mul3A_469 {strides = array<i32>} : memref<2560xf32, #tpu.memory_space<vmem>>, vector<16xf32>,
        %mul3A_472 = arith.mulf %exp3A_423, %gather3A_404 : vector<16xf32>
        %swap3A_473 = arith.index_cast %mul3A_246 : i32 to index
        %swap3A_474 = tpu.vector_load %arg11[%swap3A_473] {strides = array<i32>} : memref<2560xf32, #tpu.memory_space<vmem>>, vector<16xf32>,
        tpu.vector_store %arg11[%swap3A_473], %mul3A_472 {strides = array<i32>} : memref<2560xf32, #tpu.memory_space<vmem>>, vector<16xf32>,
        %mul3A_475 = arith.mulf %exp3A_424, %gather3A_405 : vector<16xf32>
        %swap3A_476 = arith.index_cast %mul3A_252 : i32 to index
        %swap3A_477 = tpu.vector_load %arg11[%swap3A_476] {strides = array<i32>} : memref<2560xf32, #tpu.memory_space<vmem>>, vector<16xf32>,
        tpu.vector_store %arg11[%swap3A_476], %mul3A_475 {strides = array<i32>} : memref<2560xf32, #tpu.memory_space<vmem>>, vector<16xf32>,
        %mul3A_478 = arith.mulf %exp3A_425, %gather3A_406 : vector<16xf32>
        %swap3A_479 = arith.index_cast %mul3A_258 : i32 to index
        %swap3A_480 = tpu.vector_load %arg11[%swap3A_479] {strides = array<i32>} : memref<2560xf32, #tpu.memory_space<vmem>>, vector<16xf32>,
        tpu.vector_store %arg11[%swap3A_479], %mul3A_478 {strides = array<i32>} : memref<2560xf32, #tpu.memory_space<vmem>>, vector<16xf32>,
        %mul3A_481 = arith.mulf %exp3A_426, %gather3A_407 : vector<16xf32>
        %swap3A_482 = arith.index_cast %mul3A_264 : i32 to index
        %swap3A_483 = tpu.vector_load %arg11[%swap3A_482] {strides = array<i32>} : memref<2560xf32, #tpu.memory_space<vmem>>, vector<16xf32>,
        tpu.vector_store %arg11[%swap3A_482], %mul3A_481 {strides = array<i32>} : memref<2560xf32, #tpu.memory_space<vmem>>, vector<16xf32>,
        %mul3A_484 = arith.mulf %exp3A_427, %gather3A_408 : vector<16xf32>
        %swap3A_485 = arith.index_cast %mul3A_270 : i32 to index
        %swap3A_486 = tpu.vector_load %arg11[%swap3A_485] {strides = array<i32>} : memref<2560xf32, #tpu.memory_space<vmem>>, vector<16xf32>,
        tpu.vector_store %arg11[%swap3A_485], %mul3A_484 {strides = array<i32>} : memref<2560xf32, #tpu.memory_space<vmem>>, vector<16xf32>,
        %scan3A_487 = arith.constant 0 : i32
        scf.yield %scan3A_487 : i32
      }
      %scan3A_94 = arith.constant 8 : i32
      %add3A_95 = arith.addi %add3A_4, %add3A_75 : i32
      %mul3A_96 = arith.constant 2560 : i32
      %mul3A_97 = arith.muli %add3A_95, %mul3A_96 : i32
      %min3A_98 = arith.constant 6397440 : i32
      %min3A_99 = arith.minsi %mul3A_97, %min3A_98 : i32
      %dma_start3A_100 = tpu.memref_slice %arg5[%min3A_99] : memref<6400000xf32, #tpu.memory_space<hbm>> -> memref<2560xf32, #tpu.memory_space<hbm>>
      %dma_start3A_101 = tpu.memref_slice %arg5[%min3A_99] : memref<6400000xf32, #tpu.memory_space<hbm>> -> memref<2560xf32, #tpu.memory_space<hbm>>
      tpu.enqueue_dma source(%arg11 : memref<2560xf32, #tpu.memory_space<vmem>>) target(%dma_start3A_101 : memref<2560xf32, #tpu.memory_space<hbm>>) target_semaphore(%arg15 : memref<!tpu.dma_semaphore, #tpu.memory_space<semaphore_mem>>)
      %add3A_102 = arith.constant 2 : i32
      %add3A_103 = arith.addi %add3A_75, %add3A_102 : i32
      %lt3A = arith.constant 79 : i32
      %lt3A_104 = arith.cmpi slt, %add3A_103, %lt3A : i32
      %convert_element_type3A_105 = arith.extui %lt3A_104 : i1 to i32
      %cond3A_106 = arith.constant 0 : i32
      %cond3A_107 = arith.cmpi ne, %convert_element_type3A_105, %cond3A_106 : i32
      scf.if %cond3A_107 {
        %add3A_149 = arith.constant 2 : i32
        %add3A_150 = arith.addi %add3A_75, %add3A_149 : i32
        %add3A_151 = arith.addi %add3A_4, %add3A_150 : i32
        %mul3A_152 = arith.constant 2560 : i32
        %mul3A_153 = arith.muli %add3A_151, %mul3A_152 : i32
        %min3A_154 = arith.constant 6397440 : i32
        %min3A_155 = arith.minsi %mul3A_153, %min3A_154 : i32
        %dma_start3A_156 = tpu.memref_slice %arg2[%min3A_155] : memref<6400000xf32, #tpu.memory_space<hbm>> -> memref<2560xf32, #tpu.memory_space<hbm>>
        %dma_start3A_157 = tpu.memref_slice %arg2[%min3A_155] : memref<6400000xf32, #tpu.memory_space<hbm>> -> memref<2560xf32, #tpu.memory_space<hbm>>
        tpu.enqueue_dma source(%dma_start3A_157 : memref<2560xf32, #tpu.memory_space<hbm>>) target(%arg7 : memref<2560xf32, #tpu.memory_space<vmem>>) target_semaphore(%arg13 : memref<!tpu.dma_semaphore, #tpu.memory_space<semaphore_mem>>)
        %dma_start3A_158 = arith.constant 0 : i32
        %dma_start3A_159 = tpu.memref_slice %arg3[%dma_start3A_158, %min3A_155] : memref<2x6400000xi32, #tpu.memory_space<hbm>> -> memref<2x2560xi32, #tpu.memory_space<hbm>>
        %dma_start3A_160 = arith.constant 0 : i32
        %dma_start3A_161 = tpu.memref_slice %arg3[%dma_start3A_160, %min3A_155] : memref<2x6400000xi32, #tpu.memory_space<hbm>> -> memref<2x2560xi32, #tpu.memory_space<hbm>>
        tpu.enqueue_dma source(%dma_start3A_161 : memref<2x2560xi32, #tpu.memory_space<hbm>>) target(%arg9 : memref<2x2560xi32, #tpu.memory_space<vmem>>) target_semaphore(%arg13 : memref<!tpu.dma_semaphore, #tpu.memory_space<semaphore_mem>>)
      } else {
      }
      %mul3A_108 = arith.constant 2 : i32
      %mul3A_109 = arith.muli %mul3A_108, %scan3A_70 : i32
      %add3A_110 = arith.constant 1 : i32
      %add3A_111 = arith.addi %mul3A_109, %add3A_110 : i32
      %dma_wait3A_112 = arith.constant 0 : i32
      %dma_wait3A_113 = tpu.memref_slice %arg2[%dma_wait3A_112] : memref<6400000xf32, #tpu.memory_space<hbm>> -> memref<2560xf32, #tpu.memory_space<hbm>>
      %dma_wait3A_114 = arith.constant 0 : i32
      %dma_wait3A_115 = tpu.memref_slice %arg2[%dma_wait3A_114] : memref<6400000xf32, #tpu.memory_space<hbm>> -> memref<2560xf32, #tpu.memory_space<hbm>>
      tpu.wait_dma2 semaphore(%arg14 : memref<!tpu.dma_semaphore, #tpu.memory_space<semaphore_mem>>) src(%dma_wait3A_115 : memref<2560xf32, #tpu.memory_space<hbm>>) dst(%arg8 : memref<2560xf32, #tpu.memory_space<vmem>>)
      %dma_wait3A_116 = arith.constant 0 : i32
      %dma_wait3A_117 = arith.constant 0 : i32
      %dma_wait3A_118 = tpu.memref_slice %arg3[%dma_wait3A_116, %dma_wait3A_117] : memref<2x6400000xi32, #tpu.memory_space<hbm>> -> memref<2x2560xi32, #tpu.memory_space<hbm>>
      %dma_wait3A_119 = arith.constant 0 : i32
      %dma_wait3A_120 = arith.constant 0 : i32
      %dma_wait3A_121 = tpu.memref_slice %arg3[%dma_wait3A_119, %dma_wait3A_120] : memref<2x6400000xi32, #tpu.memory_space<hbm>> -> memref<2x2560xi32, #tpu.memory_space<hbm>>
      tpu.wait_dma2 semaphore(%arg14 : memref<!tpu.dma_semaphore, #tpu.memory_space<semaphore_mem>>) src(%dma_wait3A_121 : memref<2x2560xi32, #tpu.memory_space<hbm>>) dst(%arg10 : memref<2x2560xi32, #tpu.memory_space<vmem>>)
      %ge3A_122 = arith.constant 2 : i32
      %ge3A_123 = arith.cmpi sge, %add3A_111, %ge3A_122 : i32
      %convert_element_type3A_124 = arith.extui %ge3A_123 : i1 to i32
      %cond3A_125 = arith.constant 0 : i32
      %cond3A_126 = arith.cmpi ne, %convert_element_type3A_124, %cond3A_125 : i32
      scf.if %cond3A_126 {
        %dma_wait3A_149 = arith.constant 0 : i32
        %dma_wait3A_150 = tpu.memref_slice %arg5[%dma_wait3A_149] : memref<6400000xf32, #tpu.memory_space<hbm>> -> memref<2560xf32, #tpu.memory_space<hbm>>
        %dma_wait3A_151 = arith.constant 0 : i32
        %dma_wait3A_152 = tpu.memref_slice %arg5[%dma_wait3A_151] : memref<6400000xf32, #tpu.memory_space<hbm>> -> memref<2560xf32, #tpu.memory_space<hbm>>
        tpu.wait_dma2 semaphore(%arg16 : memref<!tpu.dma_semaphore, #tpu.memory_space<semaphore_mem>>) src(%arg12 : memref<2560xf32, #tpu.memory_space<vmem>>) dst(%dma_wait3A_152 : memref<2560xf32, #tpu.memory_space<hbm>>)
      } else {
      }
      %scan3A_127 = arith.constant 0 : i32
      %scan3A_128 = arith.constant 0 : i32
      %scan3A_129 = arith.constant 8 : i32
      %scan3A_130 = arith.addi %scan3A_128, %scan3A_129 : i32
      %scan3A_131 = arith.constant 1 : i32
      %scan3A_132 = scf.for %scan3A_149 = %scan3A_128 to %scan3A_130 step %scan3A_131 iter_args(%scan3A_150 = %scan3A_127) -> (i32)  : i32 {
        %mul3A_151 = arith.constant 20 : i32
        %mul3A_152 = arith.muli %scan3A_149, %mul3A_151 : i32
        %add3A_153 = arith.constant 0 : i32
        %add3A_154 = arith.addi %mul3A_152, %add3A_153 : i32
        %mul3A_155 = arith.constant 16 : i32
        %mul3A_156 = arith.muli %add3A_154, %mul3A_155 : i32
        %mul3A_157 = arith.constant 20 : i32
        %mul3A_158 = arith.muli %scan3A_149, %mul3A_157 : i32
        %add3A_159 = arith.constant 1 : i32
        %add3A_160 = arith.addi %mul3A_158, %add3A_159 : i32
        %mul3A_161 = arith.constant 16 : i32
        %mul3A_162 = arith.muli %add3A_160, %mul3A_161 : i32
        %mul3A_163 = arith.constant 20 : i32
        %mul3A_164 = arith.muli %scan3A_149, %mul3A_163 : i32
        %add3A_165 = arith.constant 2 : i32
        %add3A_166 = arith.addi %mul3A_164, %add3A_165 : i32
        %mul3A_167 = arith.constant 16 : i32
        %mul3A_168 = arith.muli %add3A_166, %mul3A_167 : i32
        %mul3A_169 = arith.constant 20 : i32
        %mul3A_170 = arith.muli %scan3A_149, %mul3A_169 : i32
        %add3A_171 = arith.constant 3 : i32
        %add3A_172 = arith.addi %mul3A_170, %add3A_171 : i32
        %mul3A_173 = arith.constant 16 : i32
        %mul3A_174 = arith.muli %add3A_172, %mul3A_173 : i32
        %mul3A_175 = arith.constant 20 : i32
        %mul3A_176 = arith.muli %scan3A_149, %mul3A_175 : i32
        %add3A_177 = arith.constant 4 : i32
        %add3A_178 = arith.addi %mul3A_176, %add3A_177 : i32
        %mul3A_179 = arith.constant 16 : i32
        %mul3A_180 = arith.muli %add3A_178, %mul3A_179 : i32
        %mul3A_181 = arith.constant 20 : i32
        %mul3A_182 = arith.muli %scan3A_149, %mul3A_181 : i32
        %add3A_183 = arith.constant 5 : i32
        %add3A_184 = arith.addi %mul3A_182, %add3A_183 : i32
        %mul3A_185 = arith.constant 16 : i32
        %mul3A_186 = arith.muli %add3A_184, %mul3A_185 : i32
        %mul3A_187 = arith.constant 20 : i32
        %mul3A_188 = arith.muli %scan3A_149, %mul3A_187 : i32
        %add3A_189 = arith.constant 6 : i32
        %add3A_190 = arith.addi %mul3A_188, %add3A_189 : i32
        %mul3A_191 = arith.constant 16 : i32
        %mul3A_192 = arith.muli %add3A_190, %mul3A_191 : i32
        %mul3A_193 = arith.constant 20 : i32
        %mul3A_194 = arith.muli %scan3A_149, %mul3A_193 : i32
        %add3A_195 = arith.constant 7 : i32
        %add3A_196 = arith.addi %mul3A_194, %add3A_195 : i32
        %mul3A_197 = arith.constant 16 : i32
        %mul3A_198 = arith.muli %add3A_196, %mul3A_197 : i32
        %mul3A_199 = arith.constant 20 : i32
        %mul3A_200 = arith.muli %scan3A_149, %mul3A_199 : i32
        %add3A_201 = arith.constant 8 : i32
        %add3A_202 = arith.addi %mul3A_200, %add3A_201 : i32
        %mul3A_203 = arith.constant 16 : i32
        %mul3A_204 = arith.muli %add3A_202, %mul3A_203 : i32
        %mul3A_205 = arith.constant 20 : i32
        %mul3A_206 = arith.muli %scan3A_149, %mul3A_205 : i32
        %add3A_207 = arith.constant 9 : i32
        %add3A_208 = arith.addi %mul3A_206, %add3A_207 : i32
        %mul3A_209 = arith.constant 16 : i32
        %mul3A_210 = arith.muli %add3A_208, %mul3A_209 : i32
        %mul3A_211 = arith.constant 20 : i32
        %mul3A_212 = arith.muli %scan3A_149, %mul3A_211 : i32
        %add3A_213 = arith.constant 10 : i32
        %add3A_214 = arith.addi %mul3A_212, %add3A_213 : i32
        %mul3A_215 = arith.constant 16 : i32
        %mul3A_216 = arith.muli %add3A_214, %mul3A_215 : i32
        %mul3A_217 = arith.constant 20 : i32
        %mul3A_218 = arith.muli %scan3A_149, %mul3A_217 : i32
        %add3A_219 = arith.constant 11 : i32
        %add3A_220 = arith.addi %mul3A_218, %add3A_219 : i32
        %mul3A_221 = arith.constant 16 : i32
        %mul3A_222 = arith.muli %add3A_220, %mul3A_221 : i32
        %mul3A_223 = arith.constant 20 : i32
        %mul3A_224 = arith.muli %scan3A_149, %mul3A_223 : i32
        %add3A_225 = arith.constant 12 : i32
        %add3A_226 = arith.addi %mul3A_224, %add3A_225 : i32
        %mul3A_227 = arith.constant 16 : i32
        %mul3A_228 = arith.muli %add3A_226, %mul3A_227 : i32
        %mul3A_229 = arith.constant 20 : i32
        %mul3A_230 = arith.muli %scan3A_149, %mul3A_229 : i32
        %add3A_231 = arith.constant 13 : i32
        %add3A_232 = arith.addi %mul3A_230, %add3A_231 : i32
        %mul3A_233 = arith.constant 16 : i32
        %mul3A_234 = arith.muli %add3A_232, %mul3A_233 : i32
        %mul3A_235 = arith.constant 20 : i32
        %mul3A_236 = arith.muli %scan3A_149, %mul3A_235 : i32
        %add3A_237 = arith.constant 14 : i32
        %add3A_238 = arith.addi %mul3A_236, %add3A_237 : i32
        %mul3A_239 = arith.constant 16 : i32
        %mul3A_240 = arith.muli %add3A_238, %mul3A_239 : i32
        %mul3A_241 = arith.constant 20 : i32
        %mul3A_242 = arith.muli %scan3A_149, %mul3A_241 : i32
        %add3A_243 = arith.constant 15 : i32
        %add3A_244 = arith.addi %mul3A_242, %add3A_243 : i32
        %mul3A_245 = arith.constant 16 : i32
        %mul3A_246 = arith.muli %add3A_244, %mul3A_245 : i32
        %mul3A_247 = arith.constant 20 : i32
        %mul3A_248 = arith.muli %scan3A_149, %mul3A_247 : i32
        %add3A_249 = arith.constant 16 : i32
        %add3A_250 = arith.addi %mul3A_248, %add3A_249 : i32
        %mul3A_251 = arith.constant 16 : i32
        %mul3A_252 = arith.muli %add3A_250, %mul3A_251 : i32
        %mul3A_253 = arith.constant 20 : i32
        %mul3A_254 = arith.muli %scan3A_149, %mul3A_253 : i32
        %add3A_255 = arith.constant 17 : i32
        %add3A_256 = arith.addi %mul3A_254, %add3A_255 : i32
        %mul3A_257 = arith.constant 16 : i32
        %mul3A_258 = arith.muli %add3A_256, %mul3A_257 : i32
        %mul3A_259 = arith.constant 20 : i32
        %mul3A_260 = arith.muli %scan3A_149, %mul3A_259 : i32
        %add3A_261 = arith.constant 18 : i32
        %add3A_262 = arith.addi %mul3A_260, %add3A_261 : i32
        %mul3A_263 = arith.constant 16 : i32
        %mul3A_264 = arith.muli %add3A_262, %mul3A_263 : i32
        %mul3A_265 = arith.constant 20 : i32
        %mul3A_266 = arith.muli %scan3A_149, %mul3A_265 : i32
        %add3A_267 = arith.constant 19 : i32
        %add3A_268 = arith.addi %mul3A_266, %add3A_267 : i32
        %mul3A_269 = arith.constant 16 : i32
        %mul3A_270 = arith.muli %add3A_268, %mul3A_269 : i32
        %get3A = arith.constant 1 : i32
        %get3A_271 = arith.index_cast %get3A : i32 to index
        %get3A_272 = arith.index_cast %mul3A_156 : i32 to index
        %get3A_273 = tpu.vector_load %arg10[%get3A_271, %get3A_272] {strides = array<i32>} : memref<2x2560xi32, #tpu.memory_space<vmem>>, vector<16xi32>,
        %get3A_274 = arith.constant 1 : i32
        %get3A_275 = arith.index_cast %get3A_274 : i32 to index
        %get3A_276 = arith.index_cast %mul3A_162 : i32 to index
        %get3A_277 = tpu.vector_load %arg10[%get3A_275, %get3A_276] {strides = array<i32>} : memref<2x2560xi32, #tpu.memory_space<vmem>>, vector<16xi32>,
        %get3A_278 = arith.constant 1 : i32
        %get3A_279 = arith.index_cast %get3A_278 : i32 to index
        %get3A_280 = arith.index_cast %mul3A_168 : i32 to index
        %get3A_281 = tpu.vector_load %arg10[%get3A_279, %get3A_280] {strides = array<i32>} : memref<2x2560xi32, #tpu.memory_space<vmem>>, vector<16xi32>,
        %get3A_282 = arith.constant 1 : i32
        %get3A_283 = arith.index_cast %get3A_282 : i32 to index
        %get3A_284 = arith.index_cast %mul3A_174 : i32 to index
        %get3A_285 = tpu.vector_load %arg10[%get3A_283, %get3A_284] {strides = array<i32>} : memref<2x2560xi32, #tpu.memory_space<vmem>>, vector<16xi32>,
        %get3A_286 = arith.constant 1 : i32
        %get3A_287 = arith.index_cast %get3A_286 : i32 to index
        %get3A_288 = arith.index_cast %mul3A_180 : i32 to index
        %get3A_289 = tpu.vector_load %arg10[%get3A_287, %get3A_288] {strides = array<i32>} : memref<2x2560xi32, #tpu.memory_space<vmem>>, vector<16xi32>,
        %get3A_290 = arith.constant 1 : i32
        %get3A_291 = arith.index_cast %get3A_290 : i32 to index
        %get3A_292 = arith.index_cast %mul3A_186 : i32 to index
        %get3A_293 = tpu.vector_load %arg10[%get3A_291, %get3A_292] {strides = array<i32>} : memref<2x2560xi32, #tpu.memory_space<vmem>>, vector<16xi32>,
        %get3A_294 = arith.constant 1 : i32
        %get3A_295 = arith.index_cast %get3A_294 : i32 to index
        %get3A_296 = arith.index_cast %mul3A_192 : i32 to index
        %get3A_297 = tpu.vector_load %arg10[%get3A_295, %get3A_296] {strides = array<i32>} : memref<2x2560xi32, #tpu.memory_space<vmem>>, vector<16xi32>,
        %get3A_298 = arith.constant 1 : i32
        %get3A_299 = arith.index_cast %get3A_298 : i32 to index
        %get3A_300 = arith.index_cast %mul3A_198 : i32 to index
        %get3A_301 = tpu.vector_load %arg10[%get3A_299, %get3A_300] {strides = array<i32>} : memref<2x2560xi32, #tpu.memory_space<vmem>>, vector<16xi32>,
        %get3A_302 = arith.constant 1 : i32
        %get3A_303 = arith.index_cast %get3A_302 : i32 to index
        %get3A_304 = arith.index_cast %mul3A_204 : i32 to index
        %get3A_305 = tpu.vector_load %arg10[%get3A_303, %get3A_304] {strides = array<i32>} : memref<2x2560xi32, #tpu.memory_space<vmem>>, vector<16xi32>,
        %get3A_306 = arith.constant 1 : i32
        %get3A_307 = arith.index_cast %get3A_306 : i32 to index
        %get3A_308 = arith.index_cast %mul3A_210 : i32 to index
        %get3A_309 = tpu.vector_load %arg10[%get3A_307, %get3A_308] {strides = array<i32>} : memref<2x2560xi32, #tpu.memory_space<vmem>>, vector<16xi32>,
        %get3A_310 = arith.constant 1 : i32
        %get3A_311 = arith.index_cast %get3A_310 : i32 to index
        %get3A_312 = arith.index_cast %mul3A_216 : i32 to index
        %get3A_313 = tpu.vector_load %arg10[%get3A_311, %get3A_312] {strides = array<i32>} : memref<2x2560xi32, #tpu.memory_space<vmem>>, vector<16xi32>,
        %get3A_314 = arith.constant 1 : i32
        %get3A_315 = arith.index_cast %get3A_314 : i32 to index
        %get3A_316 = arith.index_cast %mul3A_222 : i32 to index
        %get3A_317 = tpu.vector_load %arg10[%get3A_315, %get3A_316] {strides = array<i32>} : memref<2x2560xi32, #tpu.memory_space<vmem>>, vector<16xi32>,
        %get3A_318 = arith.constant 1 : i32
        %get3A_319 = arith.index_cast %get3A_318 : i32 to index
        %get3A_320 = arith.index_cast %mul3A_228 : i32 to index
        %get3A_321 = tpu.vector_load %arg10[%get3A_319, %get3A_320] {strides = array<i32>} : memref<2x2560xi32, #tpu.memory_space<vmem>>, vector<16xi32>,
        %get3A_322 = arith.constant 1 : i32
        %get3A_323 = arith.index_cast %get3A_322 : i32 to index
        %get3A_324 = arith.index_cast %mul3A_234 : i32 to index
        %get3A_325 = tpu.vector_load %arg10[%get3A_323, %get3A_324] {strides = array<i32>} : memref<2x2560xi32, #tpu.memory_space<vmem>>, vector<16xi32>,
        %get3A_326 = arith.constant 1 : i32
        %get3A_327 = arith.index_cast %get3A_326 : i32 to index
        %get3A_328 = arith.index_cast %mul3A_240 : i32 to index
        %get3A_329 = tpu.vector_load %arg10[%get3A_327, %get3A_328] {strides = array<i32>} : memref<2x2560xi32, #tpu.memory_space<vmem>>, vector<16xi32>,
        %get3A_330 = arith.constant 1 : i32
        %get3A_331 = arith.index_cast %get3A_330 : i32 to index
        %get3A_332 = arith.index_cast %mul3A_246 : i32 to index
        %get3A_333 = tpu.vector_load %arg10[%get3A_331, %get3A_332] {strides = array<i32>} : memref<2x2560xi32, #tpu.memory_space<vmem>>, vector<16xi32>,
        %get3A_334 = arith.constant 1 : i32
        %get3A_335 = arith.index_cast %get3A_334 : i32 to index
        %get3A_336 = arith.index_cast %mul3A_252 : i32 to index
        %get3A_337 = tpu.vector_load %arg10[%get3A_335, %get3A_336] {strides = array<i32>} : memref<2x2560xi32, #tpu.memory_space<vmem>>, vector<16xi32>,
        %get3A_338 = arith.constant 1 : i32
        %get3A_339 = arith.index_cast %get3A_338 : i32 to index
        %get3A_340 = arith.index_cast %mul3A_258 : i32 to index
        %get3A_341 = tpu.vector_load %arg10[%get3A_339, %get3A_340] {strides = array<i32>} : memref<2x2560xi32, #tpu.memory_space<vmem>>, vector<16xi32>,
        %get3A_342 = arith.constant 1 : i32
        %get3A_343 = arith.index_cast %get3A_342 : i32 to index
        %get3A_344 = arith.index_cast %mul3A_264 : i32 to index
        %get3A_345 = tpu.vector_load %arg10[%get3A_343, %get3A_344] {strides = array<i32>} : memref<2x2560xi32, #tpu.memory_space<vmem>>, vector<16xi32>,
        %get3A_346 = arith.constant 1 : i32
        %get3A_347 = arith.index_cast %get3A_346 : i32 to index
        %get3A_348 = arith.index_cast %mul3A_270 : i32 to index
        %get3A_349 = tpu.vector_load %arg10[%get3A_347, %get3A_348] {strides = array<i32>} : memref<2x2560xi32, #tpu.memory_space<vmem>>, vector<16xi32>,
        %get3A_350 = arith.index_cast %mul3A_156 : i32 to index
        %get3A_351 = tpu.vector_load %arg8[%get3A_350] {strides = array<i32>} : memref<2560xf32, #tpu.memory_space<vmem>>, vector<16xf32>,
        %get3A_352 = arith.index_cast %mul3A_162 : i32 to index
        %get3A_353 = tpu.vector_load %arg8[%get3A_352] {strides = array<i32>} : memref<2560xf32, #tpu.memory_space<vmem>>, vector<16xf32>,
        %get3A_354 = arith.index_cast %mul3A_168 : i32 to index
        %get3A_355 = tpu.vector_load %arg8[%get3A_354] {strides = array<i32>} : memref<2560xf32, #tpu.memory_space<vmem>>, vector<16xf32>,
        %get3A_356 = arith.index_cast %mul3A_174 : i32 to index
        %get3A_357 = tpu.vector_load %arg8[%get3A_356] {strides = array<i32>} : memref<2560xf32, #tpu.memory_space<vmem>>, vector<16xf32>,
        %get3A_358 = arith.index_cast %mul3A_180 : i32 to index
        %get3A_359 = tpu.vector_load %arg8[%get3A_358] {strides = array<i32>} : memref<2560xf32, #tpu.memory_space<vmem>>, vector<16xf32>,
        %get3A_360 = arith.index_cast %mul3A_186 : i32 to index
        %get3A_361 = tpu.vector_load %arg8[%get3A_360] {strides = array<i32>} : memref<2560xf32, #tpu.memory_space<vmem>>, vector<16xf32>,
        %get3A_362 = arith.index_cast %mul3A_192 : i32 to index
        %get3A_363 = tpu.vector_load %arg8[%get3A_362] {strides = array<i32>} : memref<2560xf32, #tpu.memory_space<vmem>>, vector<16xf32>,
        %get3A_364 = arith.index_cast %mul3A_198 : i32 to index
        %get3A_365 = tpu.vector_load %arg8[%get3A_364] {strides = array<i32>} : memref<2560xf32, #tpu.memory_space<vmem>>, vector<16xf32>,
        %get3A_366 = arith.index_cast %mul3A_204 : i32 to index
        %get3A_367 = tpu.vector_load %arg8[%get3A_366] {strides = array<i32>} : memref<2560xf32, #tpu.memory_space<vmem>>, vector<16xf32>,
        %get3A_368 = arith.index_cast %mul3A_210 : i32 to index
        %get3A_369 = tpu.vector_load %arg8[%get3A_368] {strides = array<i32>} : memref<2560xf32, #tpu.memory_space<vmem>>, vector<16xf32>,
        %get3A_370 = arith.index_cast %mul3A_216 : i32 to index
        %get3A_371 = tpu.vector_load %arg8[%get3A_370] {strides = array<i32>} : memref<2560xf32, #tpu.memory_space<vmem>>, vector<16xf32>,
        %get3A_372 = arith.index_cast %mul3A_222 : i32 to index
        %get3A_373 = tpu.vector_load %arg8[%get3A_372] {strides = array<i32>} : memref<2560xf32, #tpu.memory_space<vmem>>, vector<16xf32>,
        %get3A_374 = arith.index_cast %mul3A_228 : i32 to index
        %get3A_375 = tpu.vector_load %arg8[%get3A_374] {strides = array<i32>} : memref<2560xf32, #tpu.memory_space<vmem>>, vector<16xf32>,
        %get3A_376 = arith.index_cast %mul3A_234 : i32 to index
        %get3A_377 = tpu.vector_load %arg8[%get3A_376] {strides = array<i32>} : memref<2560xf32, #tpu.memory_space<vmem>>, vector<16xf32>,
        %get3A_378 = arith.index_cast %mul3A_240 : i32 to index
        %get3A_379 = tpu.vector_load %arg8[%get3A_378] {strides = array<i32>} : memref<2560xf32, #tpu.memory_space<vmem>>, vector<16xf32>,
        %get3A_380 = arith.index_cast %mul3A_246 : i32 to index
        %get3A_381 = tpu.vector_load %arg8[%get3A_380] {strides = array<i32>} : memref<2560xf32, #tpu.memory_space<vmem>>, vector<16xf32>,
        %get3A_382 = arith.index_cast %mul3A_252 : i32 to index
        %get3A_383 = tpu.vector_load %arg8[%get3A_382] {strides = array<i32>} : memref<2560xf32, #tpu.memory_space<vmem>>, vector<16xf32>,
        %get3A_384 = arith.index_cast %mul3A_258 : i32 to index
        %get3A_385 = tpu.vector_load %arg8[%get3A_384] {strides = array<i32>} : memref<2560xf32, #tpu.memory_space<vmem>>, vector<16xf32>,
        %get3A_386 = arith.index_cast %mul3A_264 : i32 to index
        %get3A_387 = tpu.vector_load %arg8[%get3A_386] {strides = array<i32>} : memref<2560xf32, #tpu.memory_space<vmem>>, vector<16xf32>,
        %get3A_388 = arith.index_cast %mul3A_270 : i32 to index
        %get3A_389 = tpu.vector_load %arg8[%get3A_388] {strides = array<i32>} : memref<2560xf32, #tpu.memory_space<vmem>>, vector<16xf32>,
        %gather3A = tpu.vector_load_idx %arg6[%get3A_273] : memref<100352xf32, #tpu.memory_space<vmem>>[vector<16xi32>], vector<16xf32>,
        %gather3A_390 = tpu.vector_load_idx %arg6[%get3A_277] : memref<100352xf32, #tpu.memory_space<vmem>>[vector<16xi32>], vector<16xf32>,
        %gather3A_391 = tpu.vector_load_idx %arg6[%get3A_281] : memref<100352xf32, #tpu.memory_space<vmem>>[vector<16xi32>], vector<16xf32>,
        %gather3A_392 = tpu.vector_load_idx %arg6[%get3A_285] : memref<100352xf32, #tpu.memory_space<vmem>>[vector<16xi32>], vector<16xf32>,
        %gather3A_393 = tpu.vector_load_idx %arg6[%get3A_289] : memref<100352xf32, #tpu.memory_space<vmem>>[vector<16xi32>], vector<16xf32>,
        %gather3A_394 = tpu.vector_load_idx %arg6[%get3A_293] : memref<100352xf32, #tpu.memory_space<vmem>>[vector<16xi32>], vector<16xf32>,
        %gather3A_395 = tpu.vector_load_idx %arg6[%get3A_297] : memref<100352xf32, #tpu.memory_space<vmem>>[vector<16xi32>], vector<16xf32>,
        %gather3A_396 = tpu.vector_load_idx %arg6[%get3A_301] : memref<100352xf32, #tpu.memory_space<vmem>>[vector<16xi32>], vector<16xf32>,
        %gather3A_397 = tpu.vector_load_idx %arg6[%get3A_305] : memref<100352xf32, #tpu.memory_space<vmem>>[vector<16xi32>], vector<16xf32>,
        %gather3A_398 = tpu.vector_load_idx %arg6[%get3A_309] : memref<100352xf32, #tpu.memory_space<vmem>>[vector<16xi32>], vector<16xf32>,
        %gather3A_399 = tpu.vector_load_idx %arg6[%get3A_313] : memref<100352xf32, #tpu.memory_space<vmem>>[vector<16xi32>], vector<16xf32>,
        %gather3A_400 = tpu.vector_load_idx %arg6[%get3A_317] : memref<100352xf32, #tpu.memory_space<vmem>>[vector<16xi32>], vector<16xf32>,
        %gather3A_401 = tpu.vector_load_idx %arg6[%get3A_321] : memref<100352xf32, #tpu.memory_space<vmem>>[vector<16xi32>], vector<16xf32>,
        %gather3A_402 = tpu.vector_load_idx %arg6[%get3A_325] : memref<100352xf32, #tpu.memory_space<vmem>>[vector<16xi32>], vector<16xf32>,
        %gather3A_403 = tpu.vector_load_idx %arg6[%get3A_329] : memref<100352xf32, #tpu.memory_space<vmem>>[vector<16xi32>], vector<16xf32>,
        %gather3A_404 = tpu.vector_load_idx %arg6[%get3A_333] : memref<100352xf32, #tpu.memory_space<vmem>>[vector<16xi32>], vector<16xf32>,
        %gather3A_405 = tpu.vector_load_idx %arg6[%get3A_337] : memref<100352xf32, #tpu.memory_space<vmem>>[vector<16xi32>], vector<16xf32>,
        %gather3A_406 = tpu.vector_load_idx %arg6[%get3A_341] : memref<100352xf32, #tpu.memory_space<vmem>>[vector<16xi32>], vector<16xf32>,
        %gather3A_407 = tpu.vector_load_idx %arg6[%get3A_345] : memref<100352xf32, #tpu.memory_space<vmem>>[vector<16xi32>], vector<16xf32>,
        %gather3A_408 = tpu.vector_load_idx %arg6[%get3A_349] : memref<100352xf32, #tpu.memory_space<vmem>>[vector<16xi32>], vector<16xf32>,
        %exp3A = math.exp %get3A_351 : vector<16xf32>
        %exp3A_409 = math.exp %get3A_353 : vector<16xf32>
        %exp3A_410 = math.exp %get3A_355 : vector<16xf32>
        %exp3A_411 = math.exp %get3A_357 : vector<16xf32>
        %exp3A_412 = math.exp %get3A_359 : vector<16xf32>
        %exp3A_413 = math.exp %get3A_361 : vector<16xf32>
        %exp3A_414 = math.exp %get3A_363 : vector<16xf32>
        %exp3A_415 = math.exp %get3A_365 : vector<16xf32>
        %exp3A_416 = math.exp %get3A_367 : vector<16xf32>
        %exp3A_417 = math.exp %get3A_369 : vector<16xf32>
        %exp3A_418 = math.exp %get3A_371 : vector<16xf32>
        %exp3A_419 = math.exp %get3A_373 : vector<16xf32>
        %exp3A_420 = math.exp %get3A_375 : vector<16xf32>
        %exp3A_421 = math.exp %get3A_377 : vector<16xf32>
        %exp3A_422 = math.exp %get3A_379 : vector<16xf32>
        %exp3A_423 = math.exp %get3A_381 : vector<16xf32>
        %exp3A_424 = math.exp %get3A_383 : vector<16xf32>
        %exp3A_425 = math.exp %get3A_385 : vector<16xf32>
        %exp3A_426 = math.exp %get3A_387 : vector<16xf32>
        %exp3A_427 = math.exp %get3A_389 : vector<16xf32>
        %mul3A_428 = arith.mulf %exp3A, %gather3A : vector<16xf32>
        %swap3A = arith.index_cast %mul3A_156 : i32 to index
        %swap3A_429 = tpu.vector_load %arg12[%swap3A] {strides = array<i32>} : memref<2560xf32, #tpu.memory_space<vmem>>, vector<16xf32>,
        tpu.vector_store %arg12[%swap3A], %mul3A_428 {strides = array<i32>} : memref<2560xf32, #tpu.memory_space<vmem>>, vector<16xf32>,
        %mul3A_430 = arith.mulf %exp3A_409, %gather3A_390 : vector<16xf32>
        %swap3A_431 = arith.index_cast %mul3A_162 : i32 to index
        %swap3A_432 = tpu.vector_load %arg12[%swap3A_431] {strides = array<i32>} : memref<2560xf32, #tpu.memory_space<vmem>>, vector<16xf32>,
        tpu.vector_store %arg12[%swap3A_431], %mul3A_430 {strides = array<i32>} : memref<2560xf32, #tpu.memory_space<vmem>>, vector<16xf32>,
        %mul3A_433 = arith.mulf %exp3A_410, %gather3A_391 : vector<16xf32>
        %swap3A_434 = arith.index_cast %mul3A_168 : i32 to index
        %swap3A_435 = tpu.vector_load %arg12[%swap3A_434] {strides = array<i32>} : memref<2560xf32, #tpu.memory_space<vmem>>, vector<16xf32>,
        tpu.vector_store %arg12[%swap3A_434], %mul3A_433 {strides = array<i32>} : memref<2560xf32, #tpu.memory_space<vmem>>, vector<16xf32>,
        %mul3A_436 = arith.mulf %exp3A_411, %gather3A_392 : vector<16xf32>
        %swap3A_437 = arith.index_cast %mul3A_174 : i32 to index
        %swap3A_438 = tpu.vector_load %arg12[%swap3A_437] {strides = array<i32>} : memref<2560xf32, #tpu.memory_space<vmem>>, vector<16xf32>,
        tpu.vector_store %arg12[%swap3A_437], %mul3A_436 {strides = array<i32>} : memref<2560xf32, #tpu.memory_space<vmem>>, vector<16xf32>,
        %mul3A_439 = arith.mulf %exp3A_412, %gather3A_393 : vector<16xf32>
        %swap3A_440 = arith.index_cast %mul3A_180 : i32 to index
        %swap3A_441 = tpu.vector_load %arg12[%swap3A_440] {strides = array<i32>} : memref<2560xf32, #tpu.memory_space<vmem>>, vector<16xf32>,
        tpu.vector_store %arg12[%swap3A_440], %mul3A_439 {strides = array<i32>} : memref<2560xf32, #tpu.memory_space<vmem>>, vector<16xf32>,
        %mul3A_442 = arith.mulf %exp3A_413, %gather3A_394 : vector<16xf32>
        %swap3A_443 = arith.index_cast %mul3A_186 : i32 to index
        %swap3A_444 = tpu.vector_load %arg12[%swap3A_443] {strides = array<i32>} : memref<2560xf32, #tpu.memory_space<vmem>>, vector<16xf32>,
        tpu.vector_store %arg12[%swap3A_443], %mul3A_442 {strides = array<i32>} : memref<2560xf32, #tpu.memory_space<vmem>>, vector<16xf32>,
        %mul3A_445 = arith.mulf %exp3A_414, %gather3A_395 : vector<16xf32>
        %swap3A_446 = arith.index_cast %mul3A_192 : i32 to index
        %swap3A_447 = tpu.vector_load %arg12[%swap3A_446] {strides = array<i32>} : memref<2560xf32, #tpu.memory_space<vmem>>, vector<16xf32>,
        tpu.vector_store %arg12[%swap3A_446], %mul3A_445 {strides = array<i32>} : memref<2560xf32, #tpu.memory_space<vmem>>, vector<16xf32>,
        %mul3A_448 = arith.mulf %exp3A_415, %gather3A_396 : vector<16xf32>
        %swap3A_449 = arith.index_cast %mul3A_198 : i32 to index
        %swap3A_450 = tpu.vector_load %arg12[%swap3A_449] {strides = array<i32>} : memref<2560xf32, #tpu.memory_space<vmem>>, vector<16xf32>,
        tpu.vector_store %arg12[%swap3A_449], %mul3A_448 {strides = array<i32>} : memref<2560xf32, #tpu.memory_space<vmem>>, vector<16xf32>,
        %mul3A_451 = arith.mulf %exp3A_416, %gather3A_397 : vector<16xf32>
        %swap3A_452 = arith.index_cast %mul3A_204 : i32 to index
        %swap3A_453 = tpu.vector_load %arg12[%swap3A_452] {strides = array<i32>} : memref<2560xf32, #tpu.memory_space<vmem>>, vector<16xf32>,
        tpu.vector_store %arg12[%swap3A_452], %mul3A_451 {strides = array<i32>} : memref<2560xf32, #tpu.memory_space<vmem>>, vector<16xf32>,
        %mul3A_454 = arith.mulf %exp3A_417, %gather3A_398 : vector<16xf32>
        %swap3A_455 = arith.index_cast %mul3A_210 : i32 to index
        %swap3A_456 = tpu.vector_load %arg12[%swap3A_455] {strides = array<i32>} : memref<2560xf32, #tpu.memory_space<vmem>>, vector<16xf32>,
        tpu.vector_store %arg12[%swap3A_455], %mul3A_454 {strides = array<i32>} : memref<2560xf32, #tpu.memory_space<vmem>>, vector<16xf32>,
        %mul3A_457 = arith.mulf %exp3A_418, %gather3A_399 : vector<16xf32>
        %swap3A_458 = arith.index_cast %mul3A_216 : i32 to index
        %swap3A_459 = tpu.vector_load %arg12[%swap3A_458] {strides = array<i32>} : memref<2560xf32, #tpu.memory_space<vmem>>, vector<16xf32>,
        tpu.vector_store %arg12[%swap3A_458], %mul3A_457 {strides = array<i32>} : memref<2560xf32, #tpu.memory_space<vmem>>, vector<16xf32>,
        %mul3A_460 = arith.mulf %exp3A_419, %gather3A_400 : vector<16xf32>
        %swap3A_461 = arith.index_cast %mul3A_222 : i32 to index
        %swap3A_462 = tpu.vector_load %arg12[%swap3A_461] {strides = array<i32>} : memref<2560xf32, #tpu.memory_space<vmem>>, vector<16xf32>,
        tpu.vector_store %arg12[%swap3A_461], %mul3A_460 {strides = array<i32>} : memref<2560xf32, #tpu.memory_space<vmem>>, vector<16xf32>,
        %mul3A_463 = arith.mulf %exp3A_420, %gather3A_401 : vector<16xf32>
        %swap3A_464 = arith.index_cast %mul3A_228 : i32 to index
        %swap3A_465 = tpu.vector_load %arg12[%swap3A_464] {strides = array<i32>} : memref<2560xf32, #tpu.memory_space<vmem>>, vector<16xf32>,
        tpu.vector_store %arg12[%swap3A_464], %mul3A_463 {strides = array<i32>} : memref<2560xf32, #tpu.memory_space<vmem>>, vector<16xf32>,
        %mul3A_466 = arith.mulf %exp3A_421, %gather3A_402 : vector<16xf32>
        %swap3A_467 = arith.index_cast %mul3A_234 : i32 to index
        %swap3A_468 = tpu.vector_load %arg12[%swap3A_467] {strides = array<i32>} : memref<2560xf32, #tpu.memory_space<vmem>>, vector<16xf32>,
        tpu.vector_store %arg12[%swap3A_467], %mul3A_466 {strides = array<i32>} : memref<2560xf32, #tpu.memory_space<vmem>>, vector<16xf32>,
        %mul3A_469 = arith.mulf %exp3A_422, %gather3A_403 : vector<16xf32>
        %swap3A_470 = arith.index_cast %mul3A_240 : i32 to index
        %swap3A_471 = tpu.vector_load %arg12[%swap3A_470] {strides = array<i32>} : memref<2560xf32, #tpu.memory_space<vmem>>, vector<16xf32>,
        tpu.vector_store %arg12[%swap3A_470], %mul3A_469 {strides = array<i32>} : memref<2560xf32, #tpu.memory_space<vmem>>, vector<16xf32>,
        %mul3A_472 = arith.mulf %exp3A_423, %gather3A_404 : vector<16xf32>
        %swap3A_473 = arith.index_cast %mul3A_246 : i32 to index
        %swap3A_474 = tpu.vector_load %arg12[%swap3A_473] {strides = array<i32>} : memref<2560xf32, #tpu.memory_space<vmem>>, vector<16xf32>,
        tpu.vector_store %arg12[%swap3A_473], %mul3A_472 {strides = array<i32>} : memref<2560xf32, #tpu.memory_space<vmem>>, vector<16xf32>,
        %mul3A_475 = arith.mulf %exp3A_424, %gather3A_405 : vector<16xf32>
        %swap3A_476 = arith.index_cast %mul3A_252 : i32 to index
        %swap3A_477 = tpu.vector_load %arg12[%swap3A_476] {strides = array<i32>} : memref<2560xf32, #tpu.memory_space<vmem>>, vector<16xf32>,
        tpu.vector_store %arg12[%swap3A_476], %mul3A_475 {strides = array<i32>} : memref<2560xf32, #tpu.memory_space<vmem>>, vector<16xf32>,
        %mul3A_478 = arith.mulf %exp3A_425, %gather3A_406 : vector<16xf32>
        %swap3A_479 = arith.index_cast %mul3A_258 : i32 to index
        %swap3A_480 = tpu.vector_load %arg12[%swap3A_479] {strides = array<i32>} : memref<2560xf32, #tpu.memory_space<vmem>>, vector<16xf32>,
        tpu.vector_store %arg12[%swap3A_479], %mul3A_478 {strides = array<i32>} : memref<2560xf32, #tpu.memory_space<vmem>>, vector<16xf32>,
        %mul3A_481 = arith.mulf %exp3A_426, %gather3A_407 : vector<16xf32>
        %swap3A_482 = arith.index_cast %mul3A_264 : i32 to index
        %swap3A_483 = tpu.vector_load %arg12[%swap3A_482] {strides = array<i32>} : memref<2560xf32, #tpu.memory_space<vmem>>, vector<16xf32>,
        tpu.vector_store %arg12[%swap3A_482], %mul3A_481 {strides = array<i32>} : memref<2560xf32, #tpu.memory_space<vmem>>, vector<16xf32>,
        %mul3A_484 = arith.mulf %exp3A_427, %gather3A_408 : vector<16xf32>
        %swap3A_485 = arith.index_cast %mul3A_270 : i32 to index
        %swap3A_486 = tpu.vector_load %arg12[%swap3A_485] {strides = array<i32>} : memref<2560xf32, #tpu.memory_space<vmem>>, vector<16xf32>,
        tpu.vector_store %arg12[%swap3A_485], %mul3A_484 {strides = array<i32>} : memref<2560xf32, #tpu.memory_space<vmem>>, vector<16xf32>,
        %scan3A_487 = arith.constant 0 : i32
        scf.yield %scan3A_487 : i32
      }
      %scan3A_133 = arith.constant 8 : i32
      %add3A_134 = arith.addi %add3A_4, %add3A_111 : i32
      %mul3A_135 = arith.constant 2560 : i32
      %mul3A_136 = arith.muli %add3A_134, %mul3A_135 : i32
      %min3A_137 = arith.constant 6397440 : i32
      %min3A_138 = arith.minsi %mul3A_136, %min3A_137 : i32
      %dma_start3A_139 = tpu.memref_slice %arg5[%min3A_138] : memref<6400000xf32, #tpu.memory_space<hbm>> -> memref<2560xf32, #tpu.memory_space<hbm>>
      %dma_start3A_140 = tpu.memref_slice %arg5[%min3A_138] : memref<6400000xf32, #tpu.memory_space<hbm>> -> memref<2560xf32, #tpu.memory_space<hbm>>
      tpu.enqueue_dma source(%arg12 : memref<2560xf32, #tpu.memory_space<vmem>>) target(%dma_start3A_140 : memref<2560xf32, #tpu.memory_space<hbm>>) target_semaphore(%arg16 : memref<!tpu.dma_semaphore, #tpu.memory_space<semaphore_mem>>)
      %add3A_141 = arith.constant 2 : i32
      %add3A_142 = arith.addi %add3A_111, %add3A_141 : i32
      %lt3A_143 = arith.constant 79 : i32
      %lt3A_144 = arith.cmpi slt, %add3A_142, %lt3A_143 : i32
      %convert_element_type3A_145 = arith.extui %lt3A_144 : i1 to i32
      %cond3A_146 = arith.constant 0 : i32
      %cond3A_147 = arith.cmpi ne, %convert_element_type3A_145, %cond3A_146 : i32
      scf.if %cond3A_147 {
        %add3A_149 = arith.constant 2 : i32
        %add3A_150 = arith.addi %add3A_111, %add3A_149 : i32
        %add3A_151 = arith.addi %add3A_4, %add3A_150 : i32
        %mul3A_152 = arith.constant 2560 : i32
        %mul3A_153 = arith.muli %add3A_151, %mul3A_152 : i32
        %min3A_154 = arith.constant 6397440 : i32
        %min3A_155 = arith.minsi %mul3A_153, %min3A_154 : i32
        %dma_start3A_156 = tpu.memref_slice %arg2[%min3A_155] : memref<6400000xf32, #tpu.memory_space<hbm>> -> memref<2560xf32, #tpu.memory_space<hbm>>
        %dma_start3A_157 = tpu.memref_slice %arg2[%min3A_155] : memref<6400000xf32, #tpu.memory_space<hbm>> -> memref<2560xf32, #tpu.memory_space<hbm>>
        tpu.enqueue_dma source(%dma_start3A_157 : memref<2560xf32, #tpu.memory_space<hbm>>) target(%arg8 : memref<2560xf32, #tpu.memory_space<vmem>>) target_semaphore(%arg14 : memref<!tpu.dma_semaphore, #tpu.memory_space<semaphore_mem>>)
        %dma_start3A_158 = arith.constant 0 : i32
        %dma_start3A_159 = tpu.memref_slice %arg3[%dma_start3A_158, %min3A_155] : memref<2x6400000xi32, #tpu.memory_space<hbm>> -> memref<2x2560xi32, #tpu.memory_space<hbm>>
        %dma_start3A_160 = arith.constant 0 : i32
        %dma_start3A_161 = tpu.memref_slice %arg3[%dma_start3A_160, %min3A_155] : memref<2x6400000xi32, #tpu.memory_space<hbm>> -> memref<2x2560xi32, #tpu.memory_space<hbm>>
        tpu.enqueue_dma source(%dma_start3A_161 : memref<2x2560xi32, #tpu.memory_space<hbm>>) target(%arg10 : memref<2x2560xi32, #tpu.memory_space<vmem>>) target_semaphore(%arg14 : memref<!tpu.dma_semaphore, #tpu.memory_space<semaphore_mem>>)
      } else {
      }
      %scan3A_148 = arith.constant 0 : i32
      scf.yield %scan3A_148 : i32
    }
    %scan3A_33 = arith.constant 39 : i32
    %dma_wait3A = arith.constant 0 : i32
    %dma_wait3A_34 = tpu.memref_slice %arg2[%dma_wait3A] : memref<6400000xf32, #tpu.memory_space<hbm>> -> memref<2560xf32, #tpu.memory_space<hbm>>
    %dma_wait3A_35 = arith.constant 0 : i32
    %dma_wait3A_36 = tpu.memref_slice %arg2[%dma_wait3A_35] : memref<6400000xf32, #tpu.memory_space<hbm>> -> memref<2560xf32, #tpu.memory_space<hbm>>
    tpu.wait_dma2 semaphore(%arg13 : memref<!tpu.dma_semaphore, #tpu.memory_space<semaphore_mem>>) src(%dma_wait3A_36 : memref<2560xf32, #tpu.memory_space<hbm>>) dst(%arg7 : memref<2560xf32, #tpu.memory_space<vmem>>)
    %dma_wait3A_37 = arith.constant 0 : i32
    %dma_wait3A_38 = arith.constant 0 : i32
    %dma_wait3A_39 = tpu.memref_slice %arg3[%dma_wait3A_37, %dma_wait3A_38] : memref<2x6400000xi32, #tpu.memory_space<hbm>> -> memref<2x2560xi32, #tpu.memory_space<hbm>>
    %dma_wait3A_40 = arith.constant 0 : i32
    %dma_wait3A_41 = arith.constant 0 : i32
    %dma_wait3A_42 = tpu.memref_slice %arg3[%dma_wait3A_40, %dma_wait3A_41] : memref<2x6400000xi32, #tpu.memory_space<hbm>> -> memref<2x2560xi32, #tpu.memory_space<hbm>>
    tpu.wait_dma2 semaphore(%arg13 : memref<!tpu.dma_semaphore, #tpu.memory_space<semaphore_mem>>) src(%dma_wait3A_42 : memref<2x2560xi32, #tpu.memory_space<hbm>>) dst(%arg9 : memref<2x2560xi32, #tpu.memory_space<vmem>>)
    %dma_wait3A_43 = arith.constant 0 : i32
    %dma_wait3A_44 = tpu.memref_slice %arg5[%dma_wait3A_43] : memref<6400000xf32, #tpu.memory_space<hbm>> -> memref<2560xf32, #tpu.memory_space<hbm>>
    %dma_wait3A_45 = arith.constant 0 : i32
    %dma_wait3A_46 = tpu.memref_slice %arg5[%dma_wait3A_45] : memref<6400000xf32, #tpu.memory_space<hbm>> -> memref<2560xf32, #tpu.memory_space<hbm>>
    tpu.wait_dma2 semaphore(%arg15 : memref<!tpu.dma_semaphore, #tpu.memory_space<semaphore_mem>>) src(%arg11 : memref<2560xf32, #tpu.memory_space<vmem>>) dst(%dma_wait3A_46 : memref<2560xf32, #tpu.memory_space<hbm>>)
    %scan3A_47 = arith.constant 0 : i32
    %scan3A_48 = arith.constant 0 : i32
    %scan3A_49 = arith.constant 8 : i32
    %scan3A_50 = arith.addi %scan3A_48, %scan3A_49 : i32
    %scan3A_51 = arith.constant 1 : i32
    %scan3A_52 = scf.for %scan3A_70 = %scan3A_48 to %scan3A_50 step %scan3A_51 iter_args(%scan3A_71 = %scan3A_47) -> (i32)  : i32 {
      %mul3A_72 = arith.constant 20 : i32
      %mul3A_73 = arith.muli %scan3A_70, %mul3A_72 : i32
      %add3A_74 = arith.constant 0 : i32
      %add3A_75 = arith.addi %mul3A_73, %add3A_74 : i32
      %mul3A_76 = arith.constant 16 : i32
      %mul3A_77 = arith.muli %add3A_75, %mul3A_76 : i32
      %mul3A_78 = arith.constant 20 : i32
      %mul3A_79 = arith.muli %scan3A_70, %mul3A_78 : i32
      %add3A_80 = arith.constant 1 : i32
      %add3A_81 = arith.addi %mul3A_79, %add3A_80 : i32
      %mul3A_82 = arith.constant 16 : i32
      %mul3A_83 = arith.muli %add3A_81, %mul3A_82 : i32
      %mul3A_84 = arith.constant 20 : i32
      %mul3A_85 = arith.muli %scan3A_70, %mul3A_84 : i32
      %add3A_86 = arith.constant 2 : i32
      %add3A_87 = arith.addi %mul3A_85, %add3A_86 : i32
      %mul3A_88 = arith.constant 16 : i32
      %mul3A_89 = arith.muli %add3A_87, %mul3A_88 : i32
      %mul3A_90 = arith.constant 20 : i32
      %mul3A_91 = arith.muli %scan3A_70, %mul3A_90 : i32
      %add3A_92 = arith.constant 3 : i32
      %add3A_93 = arith.addi %mul3A_91, %add3A_92 : i32
      %mul3A_94 = arith.constant 16 : i32
      %mul3A_95 = arith.muli %add3A_93, %mul3A_94 : i32
      %mul3A_96 = arith.constant 20 : i32
      %mul3A_97 = arith.muli %scan3A_70, %mul3A_96 : i32
      %add3A_98 = arith.constant 4 : i32
      %add3A_99 = arith.addi %mul3A_97, %add3A_98 : i32
      %mul3A_100 = arith.constant 16 : i32
      %mul3A_101 = arith.muli %add3A_99, %mul3A_100 : i32
      %mul3A_102 = arith.constant 20 : i32
      %mul3A_103 = arith.muli %scan3A_70, %mul3A_102 : i32
      %add3A_104 = arith.constant 5 : i32
      %add3A_105 = arith.addi %mul3A_103, %add3A_104 : i32
      %mul3A_106 = arith.constant 16 : i32
      %mul3A_107 = arith.muli %add3A_105, %mul3A_106 : i32
      %mul3A_108 = arith.constant 20 : i32
      %mul3A_109 = arith.muli %scan3A_70, %mul3A_108 : i32
      %add3A_110 = arith.constant 6 : i32
      %add3A_111 = arith.addi %mul3A_109, %add3A_110 : i32
      %mul3A_112 = arith.constant 16 : i32
      %mul3A_113 = arith.muli %add3A_111, %mul3A_112 : i32
      %mul3A_114 = arith.constant 20 : i32
      %mul3A_115 = arith.muli %scan3A_70, %mul3A_114 : i32
      %add3A_116 = arith.constant 7 : i32
      %add3A_117 = arith.addi %mul3A_115, %add3A_116 : i32
      %mul3A_118 = arith.constant 16 : i32
      %mul3A_119 = arith.muli %add3A_117, %mul3A_118 : i32
      %mul3A_120 = arith.constant 20 : i32
      %mul3A_121 = arith.muli %scan3A_70, %mul3A_120 : i32
      %add3A_122 = arith.constant 8 : i32
      %add3A_123 = arith.addi %mul3A_121, %add3A_122 : i32
      %mul3A_124 = arith.constant 16 : i32
      %mul3A_125 = arith.muli %add3A_123, %mul3A_124 : i32
      %mul3A_126 = arith.constant 20 : i32
      %mul3A_127 = arith.muli %scan3A_70, %mul3A_126 : i32
      %add3A_128 = arith.constant 9 : i32
      %add3A_129 = arith.addi %mul3A_127, %add3A_128 : i32
      %mul3A_130 = arith.constant 16 : i32
      %mul3A_131 = arith.muli %add3A_129, %mul3A_130 : i32
      %mul3A_132 = arith.constant 20 : i32
      %mul3A_133 = arith.muli %scan3A_70, %mul3A_132 : i32
      %add3A_134 = arith.constant 10 : i32
      %add3A_135 = arith.addi %mul3A_133, %add3A_134 : i32
      %mul3A_136 = arith.constant 16 : i32
      %mul3A_137 = arith.muli %add3A_135, %mul3A_136 : i32
      %mul3A_138 = arith.constant 20 : i32
      %mul3A_139 = arith.muli %scan3A_70, %mul3A_138 : i32
      %add3A_140 = arith.constant 11 : i32
      %add3A_141 = arith.addi %mul3A_139, %add3A_140 : i32
      %mul3A_142 = arith.constant 16 : i32
      %mul3A_143 = arith.muli %add3A_141, %mul3A_142 : i32
      %mul3A_144 = arith.constant 20 : i32
      %mul3A_145 = arith.muli %scan3A_70, %mul3A_144 : i32
      %add3A_146 = arith.constant 12 : i32
      %add3A_147 = arith.addi %mul3A_145, %add3A_146 : i32
      %mul3A_148 = arith.constant 16 : i32
      %mul3A_149 = arith.muli %add3A_147, %mul3A_148 : i32
      %mul3A_150 = arith.constant 20 : i32
      %mul3A_151 = arith.muli %scan3A_70, %mul3A_150 : i32
      %add3A_152 = arith.constant 13 : i32
      %add3A_153 = arith.addi %mul3A_151, %add3A_152 : i32
      %mul3A_154 = arith.constant 16 : i32
      %mul3A_155 = arith.muli %add3A_153, %mul3A_154 : i32
      %mul3A_156 = arith.constant 20 : i32
      %mul3A_157 = arith.muli %scan3A_70, %mul3A_156 : i32
      %add3A_158 = arith.constant 14 : i32
      %add3A_159 = arith.addi %mul3A_157, %add3A_158 : i32
      %mul3A_160 = arith.constant 16 : i32
      %mul3A_161 = arith.muli %add3A_159, %mul3A_160 : i32
      %mul3A_162 = arith.constant 20 : i32
      %mul3A_163 = arith.muli %scan3A_70, %mul3A_162 : i32
      %add3A_164 = arith.constant 15 : i32
      %add3A_165 = arith.addi %mul3A_163, %add3A_164 : i32
      %mul3A_166 = arith.constant 16 : i32
      %mul3A_167 = arith.muli %add3A_165, %mul3A_166 : i32
      %mul3A_168 = arith.constant 20 : i32
      %mul3A_169 = arith.muli %scan3A_70, %mul3A_168 : i32
      %add3A_170 = arith.constant 16 : i32
      %add3A_171 = arith.addi %mul3A_169, %add3A_170 : i32
      %mul3A_172 = arith.constant 16 : i32
      %mul3A_173 = arith.muli %add3A_171, %mul3A_172 : i32
      %mul3A_174 = arith.constant 20 : i32
      %mul3A_175 = arith.muli %scan3A_70, %mul3A_174 : i32
      %add3A_176 = arith.constant 17 : i32
      %add3A_177 = arith.addi %mul3A_175, %add3A_176 : i32
      %mul3A_178 = arith.constant 16 : i32
      %mul3A_179 = arith.muli %add3A_177, %mul3A_178 : i32
      %mul3A_180 = arith.constant 20 : i32
      %mul3A_181 = arith.muli %scan3A_70, %mul3A_180 : i32
      %add3A_182 = arith.constant 18 : i32
      %add3A_183 = arith.addi %mul3A_181, %add3A_182 : i32
      %mul3A_184 = arith.constant 16 : i32
      %mul3A_185 = arith.muli %add3A_183, %mul3A_184 : i32
      %mul3A_186 = arith.constant 20 : i32
      %mul3A_187 = arith.muli %scan3A_70, %mul3A_186 : i32
      %add3A_188 = arith.constant 19 : i32
      %add3A_189 = arith.addi %mul3A_187, %add3A_188 : i32
      %mul3A_190 = arith.constant 16 : i32
      %mul3A_191 = arith.muli %add3A_189, %mul3A_190 : i32
      %get3A = arith.constant 1 : i32
      %get3A_192 = arith.index_cast %get3A : i32 to index
      %get3A_193 = arith.index_cast %mul3A_77 : i32 to index
      %get3A_194 = tpu.vector_load %arg9[%get3A_192, %get3A_193] {strides = array<i32>} : memref<2x2560xi32, #tpu.memory_space<vmem>>, vector<16xi32>,
      %get3A_195 = arith.constant 1 : i32
      %get3A_196 = arith.index_cast %get3A_195 : i32 to index
      %get3A_197 = arith.index_cast %mul3A_83 : i32 to index
      %get3A_198 = tpu.vector_load %arg9[%get3A_196, %get3A_197] {strides = array<i32>} : memref<2x2560xi32, #tpu.memory_space<vmem>>, vector<16xi32>,
      %get3A_199 = arith.constant 1 : i32
      %get3A_200 = arith.index_cast %get3A_199 : i32 to index
      %get3A_201 = arith.index_cast %mul3A_89 : i32 to index
      %get3A_202 = tpu.vector_load %arg9[%get3A_200, %get3A_201] {strides = array<i32>} : memref<2x2560xi32, #tpu.memory_space<vmem>>, vector<16xi32>,
      %get3A_203 = arith.constant 1 : i32
      %get3A_204 = arith.index_cast %get3A_203 : i32 to index
      %get3A_205 = arith.index_cast %mul3A_95 : i32 to index
      %get3A_206 = tpu.vector_load %arg9[%get3A_204, %get3A_205] {strides = array<i32>} : memref<2x2560xi32, #tpu.memory_space<vmem>>, vector<16xi32>,
      %get3A_207 = arith.constant 1 : i32
      %get3A_208 = arith.index_cast %get3A_207 : i32 to index
      %get3A_209 = arith.index_cast %mul3A_101 : i32 to index
      %get3A_210 = tpu.vector_load %arg9[%get3A_208, %get3A_209] {strides = array<i32>} : memref<2x2560xi32, #tpu.memory_space<vmem>>, vector<16xi32>,
      %get3A_211 = arith.constant 1 : i32
      %get3A_212 = arith.index_cast %get3A_211 : i32 to index
      %get3A_213 = arith.index_cast %mul3A_107 : i32 to index
      %get3A_214 = tpu.vector_load %arg9[%get3A_212, %get3A_213] {strides = array<i32>} : memref<2x2560xi32, #tpu.memory_space<vmem>>, vector<16xi32>,
      %get3A_215 = arith.constant 1 : i32
      %get3A_216 = arith.index_cast %get3A_215 : i32 to index
      %get3A_217 = arith.index_cast %mul3A_113 : i32 to index
      %get3A_218 = tpu.vector_load %arg9[%get3A_216, %get3A_217] {strides = array<i32>} : memref<2x2560xi32, #tpu.memory_space<vmem>>, vector<16xi32>,
      %get3A_219 = arith.constant 1 : i32
      %get3A_220 = arith.index_cast %get3A_219 : i32 to index
      %get3A_221 = arith.index_cast %mul3A_119 : i32 to index
      %get3A_222 = tpu.vector_load %arg9[%get3A_220, %get3A_221] {strides = array<i32>} : memref<2x2560xi32, #tpu.memory_space<vmem>>, vector<16xi32>,
      %get3A_223 = arith.constant 1 : i32
      %get3A_224 = arith.index_cast %get3A_223 : i32 to index
      %get3A_225 = arith.index_cast %mul3A_125 : i32 to index
      %get3A_226 = tpu.vector_load %arg9[%get3A_224, %get3A_225] {strides = array<i32>} : memref<2x2560xi32, #tpu.memory_space<vmem>>, vector<16xi32>,
      %get3A_227 = arith.constant 1 : i32
      %get3A_228 = arith.index_cast %get3A_227 : i32 to index
      %get3A_229 = arith.index_cast %mul3A_131 : i32 to index
      %get3A_230 = tpu.vector_load %arg9[%get3A_228, %get3A_229] {strides = array<i32>} : memref<2x2560xi32, #tpu.memory_space<vmem>>, vector<16xi32>,
      %get3A_231 = arith.constant 1 : i32
      %get3A_232 = arith.index_cast %get3A_231 : i32 to index
      %get3A_233 = arith.index_cast %mul3A_137 : i32 to index
      %get3A_234 = tpu.vector_load %arg9[%get3A_232, %get3A_233] {strides = array<i32>} : memref<2x2560xi32, #tpu.memory_space<vmem>>, vector<16xi32>,
      %get3A_235 = arith.constant 1 : i32
      %get3A_236 = arith.index_cast %get3A_235 : i32 to index
      %get3A_237 = arith.index_cast %mul3A_143 : i32 to index
      %get3A_238 = tpu.vector_load %arg9[%get3A_236, %get3A_237] {strides = array<i32>} : memref<2x2560xi32, #tpu.memory_space<vmem>>, vector<16xi32>,
      %get3A_239 = arith.constant 1 : i32
      %get3A_240 = arith.index_cast %get3A_239 : i32 to index
      %get3A_241 = arith.index_cast %mul3A_149 : i32 to index
      %get3A_242 = tpu.vector_load %arg9[%get3A_240, %get3A_241] {strides = array<i32>} : memref<2x2560xi32, #tpu.memory_space<vmem>>, vector<16xi32>,
      %get3A_243 = arith.constant 1 : i32
      %get3A_244 = arith.index_cast %get3A_243 : i32 to index
      %get3A_245 = arith.index_cast %mul3A_155 : i32 to index
      %get3A_246 = tpu.vector_load %arg9[%get3A_244, %get3A_245] {strides = array<i32>} : memref<2x2560xi32, #tpu.memory_space<vmem>>, vector<16xi32>,
      %get3A_247 = arith.constant 1 : i32
      %get3A_248 = arith.index_cast %get3A_247 : i32 to index
      %get3A_249 = arith.index_cast %mul3A_161 : i32 to index
      %get3A_250 = tpu.vector_load %arg9[%get3A_248, %get3A_249] {strides = array<i32>} : memref<2x2560xi32, #tpu.memory_space<vmem>>, vector<16xi32>,
      %get3A_251 = arith.constant 1 : i32
      %get3A_252 = arith.index_cast %get3A_251 : i32 to index
      %get3A_253 = arith.index_cast %mul3A_167 : i32 to index
      %get3A_254 = tpu.vector_load %arg9[%get3A_252, %get3A_253] {strides = array<i32>} : memref<2x2560xi32, #tpu.memory_space<vmem>>, vector<16xi32>,
      %get3A_255 = arith.constant 1 : i32
      %get3A_256 = arith.index_cast %get3A_255 : i32 to index
      %get3A_257 = arith.index_cast %mul3A_173 : i32 to index
      %get3A_258 = tpu.vector_load %arg9[%get3A_256, %get3A_257] {strides = array<i32>} : memref<2x2560xi32, #tpu.memory_space<vmem>>, vector<16xi32>,
      %get3A_259 = arith.constant 1 : i32
      %get3A_260 = arith.index_cast %get3A_259 : i32 to index
      %get3A_261 = arith.index_cast %mul3A_179 : i32 to index
      %get3A_262 = tpu.vector_load %arg9[%get3A_260, %get3A_261] {strides = array<i32>} : memref<2x2560xi32, #tpu.memory_space<vmem>>, vector<16xi32>,
      %get3A_263 = arith.constant 1 : i32
      %get3A_264 = arith.index_cast %get3A_263 : i32 to index
      %get3A_265 = arith.index_cast %mul3A_185 : i32 to index
      %get3A_266 = tpu.vector_load %arg9[%get3A_264, %get3A_265] {strides = array<i32>} : memref<2x2560xi32, #tpu.memory_space<vmem>>, vector<16xi32>,
      %get3A_267 = arith.constant 1 : i32
      %get3A_268 = arith.index_cast %get3A_267 : i32 to index
      %get3A_269 = arith.index_cast %mul3A_191 : i32 to index
      %get3A_270 = tpu.vector_load %arg9[%get3A_268, %get3A_269] {strides = array<i32>} : memref<2x2560xi32, #tpu.memory_space<vmem>>, vector<16xi32>,
      %get3A_271 = arith.index_cast %mul3A_77 : i32 to index
      %get3A_272 = tpu.vector_load %arg7[%get3A_271] {strides = array<i32>} : memref<2560xf32, #tpu.memory_space<vmem>>, vector<16xf32>,
      %get3A_273 = arith.index_cast %mul3A_83 : i32 to index
      %get3A_274 = tpu.vector_load %arg7[%get3A_273] {strides = array<i32>} : memref<2560xf32, #tpu.memory_space<vmem>>, vector<16xf32>,
      %get3A_275 = arith.index_cast %mul3A_89 : i32 to index
      %get3A_276 = tpu.vector_load %arg7[%get3A_275] {strides = array<i32>} : memref<2560xf32, #tpu.memory_space<vmem>>, vector<16xf32>,
      %get3A_277 = arith.index_cast %mul3A_95 : i32 to index
      %get3A_278 = tpu.vector_load %arg7[%get3A_277] {strides = array<i32>} : memref<2560xf32, #tpu.memory_space<vmem>>, vector<16xf32>,
      %get3A_279 = arith.index_cast %mul3A_101 : i32 to index
      %get3A_280 = tpu.vector_load %arg7[%get3A_279] {strides = array<i32>} : memref<2560xf32, #tpu.memory_space<vmem>>, vector<16xf32>,
      %get3A_281 = arith.index_cast %mul3A_107 : i32 to index
      %get3A_282 = tpu.vector_load %arg7[%get3A_281] {strides = array<i32>} : memref<2560xf32, #tpu.memory_space<vmem>>, vector<16xf32>,
      %get3A_283 = arith.index_cast %mul3A_113 : i32 to index
      %get3A_284 = tpu.vector_load %arg7[%get3A_283] {strides = array<i32>} : memref<2560xf32, #tpu.memory_space<vmem>>, vector<16xf32>,
      %get3A_285 = arith.index_cast %mul3A_119 : i32 to index
      %get3A_286 = tpu.vector_load %arg7[%get3A_285] {strides = array<i32>} : memref<2560xf32, #tpu.memory_space<vmem>>, vector<16xf32>,
      %get3A_287 = arith.index_cast %mul3A_125 : i32 to index
      %get3A_288 = tpu.vector_load %arg7[%get3A_287] {strides = array<i32>} : memref<2560xf32, #tpu.memory_space<vmem>>, vector<16xf32>,
      %get3A_289 = arith.index_cast %mul3A_131 : i32 to index
      %get3A_290 = tpu.vector_load %arg7[%get3A_289] {strides = array<i32>} : memref<2560xf32, #tpu.memory_space<vmem>>, vector<16xf32>,
      %get3A_291 = arith.index_cast %mul3A_137 : i32 to index
      %get3A_292 = tpu.vector_load %arg7[%get3A_291] {strides = array<i32>} : memref<2560xf32, #tpu.memory_space<vmem>>, vector<16xf32>,
      %get3A_293 = arith.index_cast %mul3A_143 : i32 to index
      %get3A_294 = tpu.vector_load %arg7[%get3A_293] {strides = array<i32>} : memref<2560xf32, #tpu.memory_space<vmem>>, vector<16xf32>,
      %get3A_295 = arith.index_cast %mul3A_149 : i32 to index
      %get3A_296 = tpu.vector_load %arg7[%get3A_295] {strides = array<i32>} : memref<2560xf32, #tpu.memory_space<vmem>>, vector<16xf32>,
      %get3A_297 = arith.index_cast %mul3A_155 : i32 to index
      %get3A_298 = tpu.vector_load %arg7[%get3A_297] {strides = array<i32>} : memref<2560xf32, #tpu.memory_space<vmem>>, vector<16xf32>,
      %get3A_299 = arith.index_cast %mul3A_161 : i32 to index
      %get3A_300 = tpu.vector_load %arg7[%get3A_299] {strides = array<i32>} : memref<2560xf32, #tpu.memory_space<vmem>>, vector<16xf32>,
      %get3A_301 = arith.index_cast %mul3A_167 : i32 to index
      %get3A_302 = tpu.vector_load %arg7[%get3A_301] {strides = array<i32>} : memref<2560xf32, #tpu.memory_space<vmem>>, vector<16xf32>,
      %get3A_303 = arith.index_cast %mul3A_173 : i32 to index
      %get3A_304 = tpu.vector_load %arg7[%get3A_303] {strides = array<i32>} : memref<2560xf32, #tpu.memory_space<vmem>>, vector<16xf32>,
      %get3A_305 = arith.index_cast %mul3A_179 : i32 to index
      %get3A_306 = tpu.vector_load %arg7[%get3A_305] {strides = array<i32>} : memref<2560xf32, #tpu.memory_space<vmem>>, vector<16xf32>,
      %get3A_307 = arith.index_cast %mul3A_185 : i32 to index
      %get3A_308 = tpu.vector_load %arg7[%get3A_307] {strides = array<i32>} : memref<2560xf32, #tpu.memory_space<vmem>>, vector<16xf32>,
      %get3A_309 = arith.index_cast %mul3A_191 : i32 to index
      %get3A_310 = tpu.vector_load %arg7[%get3A_309] {strides = array<i32>} : memref<2560xf32, #tpu.memory_space<vmem>>, vector<16xf32>,
      %gather3A = tpu.vector_load_idx %arg6[%get3A_194] : memref<100352xf32, #tpu.memory_space<vmem>>[vector<16xi32>], vector<16xf32>,
      %gather3A_311 = tpu.vector_load_idx %arg6[%get3A_198] : memref<100352xf32, #tpu.memory_space<vmem>>[vector<16xi32>], vector<16xf32>,
      %gather3A_312 = tpu.vector_load_idx %arg6[%get3A_202] : memref<100352xf32, #tpu.memory_space<vmem>>[vector<16xi32>], vector<16xf32>,
      %gather3A_313 = tpu.vector_load_idx %arg6[%get3A_206] : memref<100352xf32, #tpu.memory_space<vmem>>[vector<16xi32>], vector<16xf32>,
      %gather3A_314 = tpu.vector_load_idx %arg6[%get3A_210] : memref<100352xf32, #tpu.memory_space<vmem>>[vector<16xi32>], vector<16xf32>,
      %gather3A_315 = tpu.vector_load_idx %arg6[%get3A_214] : memref<100352xf32, #tpu.memory_space<vmem>>[vector<16xi32>], vector<16xf32>,
      %gather3A_316 = tpu.vector_load_idx %arg6[%get3A_218] : memref<100352xf32, #tpu.memory_space<vmem>>[vector<16xi32>], vector<16xf32>,
      %gather3A_317 = tpu.vector_load_idx %arg6[%get3A_222] : memref<100352xf32, #tpu.memory_space<vmem>>[vector<16xi32>], vector<16xf32>,
      %gather3A_318 = tpu.vector_load_idx %arg6[%get3A_226] : memref<100352xf32, #tpu.memory_space<vmem>>[vector<16xi32>], vector<16xf32>,
      %gather3A_319 = tpu.vector_load_idx %arg6[%get3A_230] : memref<100352xf32, #tpu.memory_space<vmem>>[vector<16xi32>], vector<16xf32>,
      %gather3A_320 = tpu.vector_load_idx %arg6[%get3A_234] : memref<100352xf32, #tpu.memory_space<vmem>>[vector<16xi32>], vector<16xf32>,
      %gather3A_321 = tpu.vector_load_idx %arg6[%get3A_238] : memref<100352xf32, #tpu.memory_space<vmem>>[vector<16xi32>], vector<16xf32>,
      %gather3A_322 = tpu.vector_load_idx %arg6[%get3A_242] : memref<100352xf32, #tpu.memory_space<vmem>>[vector<16xi32>], vector<16xf32>,
      %gather3A_323 = tpu.vector_load_idx %arg6[%get3A_246] : memref<100352xf32, #tpu.memory_space<vmem>>[vector<16xi32>], vector<16xf32>,
      %gather3A_324 = tpu.vector_load_idx %arg6[%get3A_250] : memref<100352xf32, #tpu.memory_space<vmem>>[vector<16xi32>], vector<16xf32>,
      %gather3A_325 = tpu.vector_load_idx %arg6[%get3A_254] : memref<100352xf32, #tpu.memory_space<vmem>>[vector<16xi32>], vector<16xf32>,
      %gather3A_326 = tpu.vector_load_idx %arg6[%get3A_258] : memref<100352xf32, #tpu.memory_space<vmem>>[vector<16xi32>], vector<16xf32>,
      %gather3A_327 = tpu.vector_load_idx %arg6[%get3A_262] : memref<100352xf32, #tpu.memory_space<vmem>>[vector<16xi32>], vector<16xf32>,
      %gather3A_328 = tpu.vector_load_idx %arg6[%get3A_266] : memref<100352xf32, #tpu.memory_space<vmem>>[vector<16xi32>], vector<16xf32>,
      %gather3A_329 = tpu.vector_load_idx %arg6[%get3A_270] : memref<100352xf32, #tpu.memory_space<vmem>>[vector<16xi32>], vector<16xf32>,
      %exp3A = math.exp %get3A_272 : vector<16xf32>
      %exp3A_330 = math.exp %get3A_274 : vector<16xf32>
      %exp3A_331 = math.exp %get3A_276 : vector<16xf32>
      %exp3A_332 = math.exp %get3A_278 : vector<16xf32>
      %exp3A_333 = math.exp %get3A_280 : vector<16xf32>
      %exp3A_334 = math.exp %get3A_282 : vector<16xf32>
      %exp3A_335 = math.exp %get3A_284 : vector<16xf32>
      %exp3A_336 = math.exp %get3A_286 : vector<16xf32>
      %exp3A_337 = math.exp %get3A_288 : vector<16xf32>
      %exp3A_338 = math.exp %get3A_290 : vector<16xf32>
      %exp3A_339 = math.exp %get3A_292 : vector<16xf32>
      %exp3A_340 = math.exp %get3A_294 : vector<16xf32>
      %exp3A_341 = math.exp %get3A_296 : vector<16xf32>
      %exp3A_342 = math.exp %get3A_298 : vector<16xf32>
      %exp3A_343 = math.exp %get3A_300 : vector<16xf32>
      %exp3A_344 = math.exp %get3A_302 : vector<16xf32>
      %exp3A_345 = math.exp %get3A_304 : vector<16xf32>
      %exp3A_346 = math.exp %get3A_306 : vector<16xf32>
      %exp3A_347 = math.exp %get3A_308 : vector<16xf32>
      %exp3A_348 = math.exp %get3A_310 : vector<16xf32>
      %mul3A_349 = arith.mulf %exp3A, %gather3A : vector<16xf32>
      %swap3A = arith.index_cast %mul3A_77 : i32 to index
      %swap3A_350 = tpu.vector_load %arg11[%swap3A] {strides = array<i32>} : memref<2560xf32, #tpu.memory_space<vmem>>, vector<16xf32>,
      tpu.vector_store %arg11[%swap3A], %mul3A_349 {strides = array<i32>} : memref<2560xf32, #tpu.memory_space<vmem>>, vector<16xf32>,
      %mul3A_351 = arith.mulf %exp3A_330, %gather3A_311 : vector<16xf32>
      %swap3A_352 = arith.index_cast %mul3A_83 : i32 to index
      %swap3A_353 = tpu.vector_load %arg11[%swap3A_352] {strides = array<i32>} : memref<2560xf32, #tpu.memory_space<vmem>>, vector<16xf32>,
      tpu.vector_store %arg11[%swap3A_352], %mul3A_351 {strides = array<i32>} : memref<2560xf32, #tpu.memory_space<vmem>>, vector<16xf32>,
      %mul3A_354 = arith.mulf %exp3A_331, %gather3A_312 : vector<16xf32>
      %swap3A_355 = arith.index_cast %mul3A_89 : i32 to index
      %swap3A_356 = tpu.vector_load %arg11[%swap3A_355] {strides = array<i32>} : memref<2560xf32, #tpu.memory_space<vmem>>, vector<16xf32>,
      tpu.vector_store %arg11[%swap3A_355], %mul3A_354 {strides = array<i32>} : memref<2560xf32, #tpu.memory_space<vmem>>, vector<16xf32>,
      %mul3A_357 = arith.mulf %exp3A_332, %gather3A_313 : vector<16xf32>
      %swap3A_358 = arith.index_cast %mul3A_95 : i32 to index
      %swap3A_359 = tpu.vector_load %arg11[%swap3A_358] {strides = array<i32>} : memref<2560xf32, #tpu.memory_space<vmem>>, vector<16xf32>,
      tpu.vector_store %arg11[%swap3A_358], %mul3A_357 {strides = array<i32>} : memref<2560xf32, #tpu.memory_space<vmem>>, vector<16xf32>,
      %mul3A_360 = arith.mulf %exp3A_333, %gather3A_314 : vector<16xf32>
      %swap3A_361 = arith.index_cast %mul3A_101 : i32 to index
      %swap3A_362 = tpu.vector_load %arg11[%swap3A_361] {strides = array<i32>} : memref<2560xf32, #tpu.memory_space<vmem>>, vector<16xf32>,
      tpu.vector_store %arg11[%swap3A_361], %mul3A_360 {strides = array<i32>} : memref<2560xf32, #tpu.memory_space<vmem>>, vector<16xf32>,
      %mul3A_363 = arith.mulf %exp3A_334, %gather3A_315 : vector<16xf32>
      %swap3A_364 = arith.index_cast %mul3A_107 : i32 to index
      %swap3A_365 = tpu.vector_load %arg11[%swap3A_364] {strides = array<i32>} : memref<2560xf32, #tpu.memory_space<vmem>>, vector<16xf32>,
      tpu.vector_store %arg11[%swap3A_364], %mul3A_363 {strides = array<i32>} : memref<2560xf32, #tpu.memory_space<vmem>>, vector<16xf32>,
      %mul3A_366 = arith.mulf %exp3A_335, %gather3A_316 : vector<16xf32>
      %swap3A_367 = arith.index_cast %mul3A_113 : i32 to index
      %swap3A_368 = tpu.vector_load %arg11[%swap3A_367] {strides = array<i32>} : memref<2560xf32, #tpu.memory_space<vmem>>, vector<16xf32>,
      tpu.vector_store %arg11[%swap3A_367], %mul3A_366 {strides = array<i32>} : memref<2560xf32, #tpu.memory_space<vmem>>, vector<16xf32>,
      %mul3A_369 = arith.mulf %exp3A_336, %gather3A_317 : vector<16xf32>
      %swap3A_370 = arith.index_cast %mul3A_119 : i32 to index
      %swap3A_371 = tpu.vector_load %arg11[%swap3A_370] {strides = array<i32>} : memref<2560xf32, #tpu.memory_space<vmem>>, vector<16xf32>,
      tpu.vector_store %arg11[%swap3A_370], %mul3A_369 {strides = array<i32>} : memref<2560xf32, #tpu.memory_space<vmem>>, vector<16xf32>,
      %mul3A_372 = arith.mulf %exp3A_337, %gather3A_318 : vector<16xf32>
      %swap3A_373 = arith.index_cast %mul3A_125 : i32 to index
      %swap3A_374 = tpu.vector_load %arg11[%swap3A_373] {strides = array<i32>} : memref<2560xf32, #tpu.memory_space<vmem>>, vector<16xf32>,
      tpu.vector_store %arg11[%swap3A_373], %mul3A_372 {strides = array<i32>} : memref<2560xf32, #tpu.memory_space<vmem>>, vector<16xf32>,
      %mul3A_375 = arith.mulf %exp3A_338, %gather3A_319 : vector<16xf32>
      %swap3A_376 = arith.index_cast %mul3A_131 : i32 to index
      %swap3A_377 = tpu.vector_load %arg11[%swap3A_376] {strides = array<i32>} : memref<2560xf32, #tpu.memory_space<vmem>>, vector<16xf32>,
      tpu.vector_store %arg11[%swap3A_376], %mul3A_375 {strides = array<i32>} : memref<2560xf32, #tpu.memory_space<vmem>>, vector<16xf32>,
      %mul3A_378 = arith.mulf %exp3A_339, %gather3A_320 : vector<16xf32>
      %swap3A_379 = arith.index_cast %mul3A_137 : i32 to index
      %swap3A_380 = tpu.vector_load %arg11[%swap3A_379] {strides = array<i32>} : memref<2560xf32, #tpu.memory_space<vmem>>, vector<16xf32>,
      tpu.vector_store %arg11[%swap3A_379], %mul3A_378 {strides = array<i32>} : memref<2560xf32, #tpu.memory_space<vmem>>, vector<16xf32>,
      %mul3A_381 = arith.mulf %exp3A_340, %gather3A_321 : vector<16xf32>
      %swap3A_382 = arith.index_cast %mul3A_143 : i32 to index
      %swap3A_383 = tpu.vector_load %arg11[%swap3A_382] {strides = array<i32>} : memref<2560xf32, #tpu.memory_space<vmem>>, vector<16xf32>,
      tpu.vector_store %arg11[%swap3A_382], %mul3A_381 {strides = array<i32>} : memref<2560xf32, #tpu.memory_space<vmem>>, vector<16xf32>,
      %mul3A_384 = arith.mulf %exp3A_341, %gather3A_322 : vector<16xf32>
      %swap3A_385 = arith.index_cast %mul3A_149 : i32 to index
      %swap3A_386 = tpu.vector_load %arg11[%swap3A_385] {strides = array<i32>} : memref<2560xf32, #tpu.memory_space<vmem>>, vector<16xf32>,
      tpu.vector_store %arg11[%swap3A_385], %mul3A_384 {strides = array<i32>} : memref<2560xf32, #tpu.memory_space<vmem>>, vector<16xf32>,
      %mul3A_387 = arith.mulf %exp3A_342, %gather3A_323 : vector<16xf32>
      %swap3A_388 = arith.index_cast %mul3A_155 : i32 to index
      %swap3A_389 = tpu.vector_load %arg11[%swap3A_388] {strides = array<i32>} : memref<2560xf32, #tpu.memory_space<vmem>>, vector<16xf32>,
      tpu.vector_store %arg11[%swap3A_388], %mul3A_387 {strides = array<i32>} : memref<2560xf32, #tpu.memory_space<vmem>>, vector<16xf32>,
      %mul3A_390 = arith.mulf %exp3A_343, %gather3A_324 : vector<16xf32>
      %swap3A_391 = arith.index_cast %mul3A_161 : i32 to index
      %swap3A_392 = tpu.vector_load %arg11[%swap3A_391] {strides = array<i32>} : memref<2560xf32, #tpu.memory_space<vmem>>, vector<16xf32>,
      tpu.vector_store %arg11[%swap3A_391], %mul3A_390 {strides = array<i32>} : memref<2560xf32, #tpu.memory_space<vmem>>, vector<16xf32>,
      %mul3A_393 = arith.mulf %exp3A_344, %gather3A_325 : vector<16xf32>
      %swap3A_394 = arith.index_cast %mul3A_167 : i32 to index
      %swap3A_395 = tpu.vector_load %arg11[%swap3A_394] {strides = array<i32>} : memref<2560xf32, #tpu.memory_space<vmem>>, vector<16xf32>,
      tpu.vector_store %arg11[%swap3A_394], %mul3A_393 {strides = array<i32>} : memref<2560xf32, #tpu.memory_space<vmem>>, vector<16xf32>,
      %mul3A_396 = arith.mulf %exp3A_345, %gather3A_326 : vector<16xf32>
      %swap3A_397 = arith.index_cast %mul3A_173 : i32 to index
      %swap3A_398 = tpu.vector_load %arg11[%swap3A_397] {strides = array<i32>} : memref<2560xf32, #tpu.memory_space<vmem>>, vector<16xf32>,
      tpu.vector_store %arg11[%swap3A_397], %mul3A_396 {strides = array<i32>} : memref<2560xf32, #tpu.memory_space<vmem>>, vector<16xf32>,
      %mul3A_399 = arith.mulf %exp3A_346, %gather3A_327 : vector<16xf32>
      %swap3A_400 = arith.index_cast %mul3A_179 : i32 to index
      %swap3A_401 = tpu.vector_load %arg11[%swap3A_400] {strides = array<i32>} : memref<2560xf32, #tpu.memory_space<vmem>>, vector<16xf32>,
      tpu.vector_store %arg11[%swap3A_400], %mul3A_399 {strides = array<i32>} : memref<2560xf32, #tpu.memory_space<vmem>>, vector<16xf32>,
      %mul3A_402 = arith.mulf %exp3A_347, %gather3A_328 : vector<16xf32>
      %swap3A_403 = arith.index_cast %mul3A_185 : i32 to index
      %swap3A_404 = tpu.vector_load %arg11[%swap3A_403] {strides = array<i32>} : memref<2560xf32, #tpu.memory_space<vmem>>, vector<16xf32>,
      tpu.vector_store %arg11[%swap3A_403], %mul3A_402 {strides = array<i32>} : memref<2560xf32, #tpu.memory_space<vmem>>, vector<16xf32>,
      %mul3A_405 = arith.mulf %exp3A_348, %gather3A_329 : vector<16xf32>
      %swap3A_406 = arith.index_cast %mul3A_191 : i32 to index
      %swap3A_407 = tpu.vector_load %arg11[%swap3A_406] {strides = array<i32>} : memref<2560xf32, #tpu.memory_space<vmem>>, vector<16xf32>,
      tpu.vector_store %arg11[%swap3A_406], %mul3A_405 {strides = array<i32>} : memref<2560xf32, #tpu.memory_space<vmem>>, vector<16xf32>,
      %scan3A_408 = arith.constant 0 : i32
      scf.yield %scan3A_408 : i32
    }
    %scan3A_53 = arith.constant 8 : i32
    %add3A_54 = arith.constant 78 : i32
    %add3A_55 = arith.addi %add3A_4, %add3A_54 : i32
    %mul3A_56 = arith.constant 2560 : i32
    %mul3A_57 = arith.muli %add3A_55, %mul3A_56 : i32
    %min3A_58 = arith.constant 6397440 : i32
    %min3A_59 = arith.minsi %mul3A_57, %min3A_58 : i32
    %dma_start3A_60 = tpu.memref_slice %arg5[%min3A_59] : memref<6400000xf32, #tpu.memory_space<hbm>> -> memref<2560xf32, #tpu.memory_space<hbm>>
    %dma_start3A_61 = tpu.memref_slice %arg5[%min3A_59] : memref<6400000xf32, #tpu.memory_space<hbm>> -> memref<2560xf32, #tpu.memory_space<hbm>>
    tpu.enqueue_dma source(%arg11 : memref<2560xf32, #tpu.memory_space<vmem>>) target(%dma_start3A_61 : memref<2560xf32, #tpu.memory_space<hbm>>) target_semaphore(%arg15 : memref<!tpu.dma_semaphore, #tpu.memory_space<semaphore_mem>>)
    %dma_wait3A_62 = arith.constant 0 : i32
    %dma_wait3A_63 = tpu.memref_slice %arg5[%dma_wait3A_62] : memref<6400000xf32, #tpu.memory_space<hbm>> -> memref<2560xf32, #tpu.memory_space<hbm>>
    %dma_wait3A_64 = arith.constant 0 : i32
    %dma_wait3A_65 = tpu.memref_slice %arg5[%dma_wait3A_64] : memref<6400000xf32, #tpu.memory_space<hbm>> -> memref<2560xf32, #tpu.memory_space<hbm>>
    tpu.wait_dma2 semaphore(%arg16 : memref<!tpu.dma_semaphore, #tpu.memory_space<semaphore_mem>>) src(%arg12 : memref<2560xf32, #tpu.memory_space<vmem>>) dst(%dma_wait3A_65 : memref<2560xf32, #tpu.memory_space<hbm>>)
    %dma_wait3A_66 = arith.constant 0 : i32
    %dma_wait3A_67 = tpu.memref_slice %arg5[%dma_wait3A_66] : memref<6400000xf32, #tpu.memory_space<hbm>> -> memref<2560xf32, #tpu.memory_space<hbm>>
    %dma_wait3A_68 = arith.constant 0 : i32
    %dma_wait3A_69 = tpu.memref_slice %arg5[%dma_wait3A_68] : memref<6400000xf32, #tpu.memory_space<hbm>> -> memref<2560xf32, #tpu.memory_space<hbm>>
    tpu.wait_dma2 semaphore(%arg15 : memref<!tpu.dma_semaphore, #tpu.memory_space<semaphore_mem>>) src(%arg11 : memref<2560xf32, #tpu.memory_space<vmem>>) dst(%dma_wait3A_69 : memref<2560xf32, #tpu.memory_space<hbm>>)
    return
  }
}

#map = affine_map<(d0, d1) -> (0)>
#map1 = affine_map<(d0, d1) -> (0, 0)>
module attributes {stable_mosaic.version = 14 : i64} {
  func.func @_sc_sum_kernel(%arg0: i32, %arg1: i32, %arg2: memref<6400000xf32, #tpu.memory_space<hbm>>, %arg3: memref<2x6400000xi32, #tpu.memory_space<hbm>>, %arg4: memref<32x100352xf32, #tpu.memory_space<hbm>>, %arg5: memref<100352xf32, #tpu.memory_space<vmem>>, %arg6: memref<2560xf32, #tpu.memory_space<vmem>>, %arg7: memref<2560xf32, #tpu.memory_space<vmem>>, %arg8: memref<2x2560xi32, #tpu.memory_space<vmem>>, %arg9: memref<2x2560xi32, #tpu.memory_space<vmem>>, %arg10: memref<!tpu.dma_semaphore, #tpu.memory_space<semaphore_mem>>, %arg11: memref<!tpu.dma_semaphore, #tpu.memory_space<semaphore_mem>>) attributes {dimension_semantics = [#tpu.dimension_semantics<core_parallel>, #tpu.dimension_semantics<subcore_parallel>], iteration_bounds = array<i64: 2, 16>, scalar_prefetch = 0 : i64, scratch_operands = 7 : i64, tpu.core_type = #tpu.core_type<sc_vector_subcore>, window_params = [{transform_indices = #map}, {transform_indices = #map1}, {transform_indices = #map1}]} {
    %mul3A = arith.constant 2 : i32
    %mul3A_0 = arith.muli %arg1, %mul3A : i32
    %add3A = arith.addi %mul3A_0, %arg0 : i32
    %mul3A_1 = arith.constant 78 : i32
    %mul3A_2 = arith.muli %add3A, %mul3A_1 : i32
    %min3A = arith.constant 4 : i32
    %min3A_3 = arith.minsi %add3A, %min3A : i32
    %add3A_4 = arith.addi %mul3A_2, %min3A_3 : i32
    %mul3A_5 = arith.constant 2 : i32
    %mul3A_6 = arith.muli %arg1, %mul3A_5 : i32
    %add3A_7 = arith.addi %mul3A_6, %arg0 : i32
    %lt3A = arith.constant 4 : i32
    %lt3A_8 = arith.cmpi slt, %add3A_7, %lt3A : i32
    %convert_element_type3A = arith.extui %lt3A_8 : i1 to i32
    %add3A_9 = arith.constant 78 : i32
    %add3A_10 = arith.addi %add3A_9, %convert_element_type3A : i32
    %add3A_11 = arith.constant 0 : i32
    %add3A_12 = arith.addi %add3A_4, %add3A_11 : i32
    %mul3A_13 = arith.constant 2560 : i32
    %mul3A_14 = arith.muli %add3A_12, %mul3A_13 : i32
    %min3A_15 = arith.constant 6397440 : i32
    %min3A_16 = arith.minsi %mul3A_14, %min3A_15 : i32
    %dma_start3A = tpu.memref_slice %arg2[%min3A_16] : memref<6400000xf32, #tpu.memory_space<hbm>> -> memref<2560xf32, #tpu.memory_space<hbm>>
    %dma_start3A_17 = tpu.memref_slice %arg2[%min3A_16] : memref<6400000xf32, #tpu.memory_space<hbm>> -> memref<2560xf32, #tpu.memory_space<hbm>>
    tpu.enqueue_dma source(%dma_start3A_17 : memref<2560xf32, #tpu.memory_space<hbm>>) target(%arg6 : memref<2560xf32, #tpu.memory_space<vmem>>) target_semaphore(%arg10 : memref<!tpu.dma_semaphore, #tpu.memory_space<semaphore_mem>>)
    %dma_start3A_18 = arith.constant 0 : i32
    %dma_start3A_19 = tpu.memref_slice %arg3[%dma_start3A_18, %min3A_16] : memref<2x6400000xi32, #tpu.memory_space<hbm>> -> memref<2x2560xi32, #tpu.memory_space<hbm>>
    %dma_start3A_20 = arith.constant 0 : i32
    %dma_start3A_21 = tpu.memref_slice %arg3[%dma_start3A_20, %min3A_16] : memref<2x6400000xi32, #tpu.memory_space<hbm>> -> memref<2x2560xi32, #tpu.memory_space<hbm>>
    tpu.enqueue_dma source(%dma_start3A_21 : memref<2x2560xi32, #tpu.memory_space<hbm>>) target(%arg8 : memref<2x2560xi32, #tpu.memory_space<vmem>>) target_semaphore(%arg10 : memref<!tpu.dma_semaphore, #tpu.memory_space<semaphore_mem>>)
    %add3A_22 = arith.constant 1 : i32
    %add3A_23 = arith.addi %add3A_4, %add3A_22 : i32
    %mul3A_24 = arith.constant 2560 : i32
    %mul3A_25 = arith.muli %add3A_23, %mul3A_24 : i32
    %min3A_26 = arith.constant 6397440 : i32
    %min3A_27 = arith.minsi %mul3A_25, %min3A_26 : i32
    %dma_start3A_28 = tpu.memref_slice %arg2[%min3A_27] : memref<6400000xf32, #tpu.memory_space<hbm>> -> memref<2560xf32, #tpu.memory_space<hbm>>
    %dma_start3A_29 = tpu.memref_slice %arg2[%min3A_27] : memref<6400000xf32, #tpu.memory_space<hbm>> -> memref<2560xf32, #tpu.memory_space<hbm>>
    tpu.enqueue_dma source(%dma_start3A_29 : memref<2560xf32, #tpu.memory_space<hbm>>) target(%arg7 : memref<2560xf32, #tpu.memory_space<vmem>>) target_semaphore(%arg11 : memref<!tpu.dma_semaphore, #tpu.memory_space<semaphore_mem>>)
    %dma_start3A_30 = arith.constant 0 : i32
    %dma_start3A_31 = tpu.memref_slice %arg3[%dma_start3A_30, %min3A_27] : memref<2x6400000xi32, #tpu.memory_space<hbm>> -> memref<2x2560xi32, #tpu.memory_space<hbm>>
    %dma_start3A_32 = arith.constant 0 : i32
    %dma_start3A_33 = tpu.memref_slice %arg3[%dma_start3A_32, %min3A_27] : memref<2x6400000xi32, #tpu.memory_space<hbm>> -> memref<2x2560xi32, #tpu.memory_space<hbm>>
    tpu.enqueue_dma source(%dma_start3A_33 : memref<2x2560xi32, #tpu.memory_space<hbm>>) target(%arg9 : memref<2x2560xi32, #tpu.memory_space<vmem>>) target_semaphore(%arg11 : memref<!tpu.dma_semaphore, #tpu.memory_space<semaphore_mem>>)
    %broadcast_in_dim3A = arith.constant 0.000000e+00 : f32
    %broadcast_in_dim3A_34 = vector.broadcast %broadcast_in_dim3A : f32 to vector<16xf32>
    %scan3A = arith.constant 0 : i32
    %scan3A_35 = arith.constant 0 : i32
    %scan3A_36 = arith.constant 392 : i32
    %scan3A_37 = arith.addi %scan3A_35, %scan3A_36 : i32
    %scan3A_38 = arith.constant 1 : i32
    %scan3A_39 = scf.for %scan3A_69 = %scan3A_35 to %scan3A_37 step %scan3A_38 iter_args(%scan3A_70 = %scan3A) -> (i32)  : i32 {
      %mul3A_71 = arith.constant 16 : i32
      %mul3A_72 = arith.muli %scan3A_69, %mul3A_71 : i32
      %add3A_73 = arith.constant 0 : i32
      %add3A_74 = arith.addi %mul3A_72, %add3A_73 : i32
      %mul3A_75 = arith.constant 16 : i32
      %mul3A_76 = arith.muli %add3A_74, %mul3A_75 : i32
      %swap3A = arith.index_cast %mul3A_76 : i32 to index
      %swap3A_77 = tpu.vector_load %arg5[%swap3A] {strides = array<i32>} : memref<100352xf32, #tpu.memory_space<vmem>>, vector<16xf32>,
      tpu.vector_store %arg5[%swap3A], %broadcast_in_dim3A_34 {strides = array<i32>} : memref<100352xf32, #tpu.memory_space<vmem>>, vector<16xf32>,
      %mul3A_78 = arith.constant 16 : i32
      %mul3A_79 = arith.muli %scan3A_69, %mul3A_78 : i32
      %add3A_80 = arith.constant 1 : i32
      %add3A_81 = arith.addi %mul3A_79, %add3A_80 : i32
      %mul3A_82 = arith.constant 16 : i32
      %mul3A_83 = arith.muli %add3A_81, %mul3A_82 : i32
      %swap3A_84 = arith.index_cast %mul3A_83 : i32 to index
      %swap3A_85 = tpu.vector_load %arg5[%swap3A_84] {strides = array<i32>} : memref<100352xf32, #tpu.memory_space<vmem>>, vector<16xf32>,
      tpu.vector_store %arg5[%swap3A_84], %broadcast_in_dim3A_34 {strides = array<i32>} : memref<100352xf32, #tpu.memory_space<vmem>>, vector<16xf32>,
      %mul3A_86 = arith.constant 16 : i32
      %mul3A_87 = arith.muli %scan3A_69, %mul3A_86 : i32
      %add3A_88 = arith.constant 2 : i32
      %add3A_89 = arith.addi %mul3A_87, %add3A_88 : i32
      %mul3A_90 = arith.constant 16 : i32
      %mul3A_91 = arith.muli %add3A_89, %mul3A_90 : i32
      %swap3A_92 = arith.index_cast %mul3A_91 : i32 to index
      %swap3A_93 = tpu.vector_load %arg5[%swap3A_92] {strides = array<i32>} : memref<100352xf32, #tpu.memory_space<vmem>>, vector<16xf32>,
      tpu.vector_store %arg5[%swap3A_92], %broadcast_in_dim3A_34 {strides = array<i32>} : memref<100352xf32, #tpu.memory_space<vmem>>, vector<16xf32>,
      %mul3A_94 = arith.constant 16 : i32
      %mul3A_95 = arith.muli %scan3A_69, %mul3A_94 : i32
      %add3A_96 = arith.constant 3 : i32
      %add3A_97 = arith.addi %mul3A_95, %add3A_96 : i32
      %mul3A_98 = arith.constant 16 : i32
      %mul3A_99 = arith.muli %add3A_97, %mul3A_98 : i32
      %swap3A_100 = arith.index_cast %mul3A_99 : i32 to index
      %swap3A_101 = tpu.vector_load %arg5[%swap3A_100] {strides = array<i32>} : memref<100352xf32, #tpu.memory_space<vmem>>, vector<16xf32>,
      tpu.vector_store %arg5[%swap3A_100], %broadcast_in_dim3A_34 {strides = array<i32>} : memref<100352xf32, #tpu.memory_space<vmem>>, vector<16xf32>,
      %mul3A_102 = arith.constant 16 : i32
      %mul3A_103 = arith.muli %scan3A_69, %mul3A_102 : i32
      %add3A_104 = arith.constant 4 : i32
      %add3A_105 = arith.addi %mul3A_103, %add3A_104 : i32
      %mul3A_106 = arith.constant 16 : i32
      %mul3A_107 = arith.muli %add3A_105, %mul3A_106 : i32
      %swap3A_108 = arith.index_cast %mul3A_107 : i32 to index
      %swap3A_109 = tpu.vector_load %arg5[%swap3A_108] {strides = array<i32>} : memref<100352xf32, #tpu.memory_space<vmem>>, vector<16xf32>,
      tpu.vector_store %arg5[%swap3A_108], %broadcast_in_dim3A_34 {strides = array<i32>} : memref<100352xf32, #tpu.memory_space<vmem>>, vector<16xf32>,
      %mul3A_110 = arith.constant 16 : i32
      %mul3A_111 = arith.muli %scan3A_69, %mul3A_110 : i32
      %add3A_112 = arith.constant 5 : i32
      %add3A_113 = arith.addi %mul3A_111, %add3A_112 : i32
      %mul3A_114 = arith.constant 16 : i32
      %mul3A_115 = arith.muli %add3A_113, %mul3A_114 : i32
      %swap3A_116 = arith.index_cast %mul3A_115 : i32 to index
      %swap3A_117 = tpu.vector_load %arg5[%swap3A_116] {strides = array<i32>} : memref<100352xf32, #tpu.memory_space<vmem>>, vector<16xf32>,
      tpu.vector_store %arg5[%swap3A_116], %broadcast_in_dim3A_34 {strides = array<i32>} : memref<100352xf32, #tpu.memory_space<vmem>>, vector<16xf32>,
      %mul3A_118 = arith.constant 16 : i32
      %mul3A_119 = arith.muli %scan3A_69, %mul3A_118 : i32
      %add3A_120 = arith.constant 6 : i32
      %add3A_121 = arith.addi %mul3A_119, %add3A_120 : i32
      %mul3A_122 = arith.constant 16 : i32
      %mul3A_123 = arith.muli %add3A_121, %mul3A_122 : i32
      %swap3A_124 = arith.index_cast %mul3A_123 : i32 to index
      %swap3A_125 = tpu.vector_load %arg5[%swap3A_124] {strides = array<i32>} : memref<100352xf32, #tpu.memory_space<vmem>>, vector<16xf32>,
      tpu.vector_store %arg5[%swap3A_124], %broadcast_in_dim3A_34 {strides = array<i32>} : memref<100352xf32, #tpu.memory_space<vmem>>, vector<16xf32>,
      %mul3A_126 = arith.constant 16 : i32
      %mul3A_127 = arith.muli %scan3A_69, %mul3A_126 : i32
      %add3A_128 = arith.constant 7 : i32
      %add3A_129 = arith.addi %mul3A_127, %add3A_128 : i32
      %mul3A_130 = arith.constant 16 : i32
      %mul3A_131 = arith.muli %add3A_129, %mul3A_130 : i32
      %swap3A_132 = arith.index_cast %mul3A_131 : i32 to index
      %swap3A_133 = tpu.vector_load %arg5[%swap3A_132] {strides = array<i32>} : memref<100352xf32, #tpu.memory_space<vmem>>, vector<16xf32>,
      tpu.vector_store %arg5[%swap3A_132], %broadcast_in_dim3A_34 {strides = array<i32>} : memref<100352xf32, #tpu.memory_space<vmem>>, vector<16xf32>,
      %mul3A_134 = arith.constant 16 : i32
      %mul3A_135 = arith.muli %scan3A_69, %mul3A_134 : i32
      %add3A_136 = arith.constant 8 : i32
      %add3A_137 = arith.addi %mul3A_135, %add3A_136 : i32
      %mul3A_138 = arith.constant 16 : i32
      %mul3A_139 = arith.muli %add3A_137, %mul3A_138 : i32
      %swap3A_140 = arith.index_cast %mul3A_139 : i32 to index
      %swap3A_141 = tpu.vector_load %arg5[%swap3A_140] {strides = array<i32>} : memref<100352xf32, #tpu.memory_space<vmem>>, vector<16xf32>,
      tpu.vector_store %arg5[%swap3A_140], %broadcast_in_dim3A_34 {strides = array<i32>} : memref<100352xf32, #tpu.memory_space<vmem>>, vector<16xf32>,
      %mul3A_142 = arith.constant 16 : i32
      %mul3A_143 = arith.muli %scan3A_69, %mul3A_142 : i32
      %add3A_144 = arith.constant 9 : i32
      %add3A_145 = arith.addi %mul3A_143, %add3A_144 : i32
      %mul3A_146 = arith.constant 16 : i32
      %mul3A_147 = arith.muli %add3A_145, %mul3A_146 : i32
      %swap3A_148 = arith.index_cast %mul3A_147 : i32 to index
      %swap3A_149 = tpu.vector_load %arg5[%swap3A_148] {strides = array<i32>} : memref<100352xf32, #tpu.memory_space<vmem>>, vector<16xf32>,
      tpu.vector_store %arg5[%swap3A_148], %broadcast_in_dim3A_34 {strides = array<i32>} : memref<100352xf32, #tpu.memory_space<vmem>>, vector<16xf32>,
      %mul3A_150 = arith.constant 16 : i32
      %mul3A_151 = arith.muli %scan3A_69, %mul3A_150 : i32
      %add3A_152 = arith.constant 10 : i32
      %add3A_153 = arith.addi %mul3A_151, %add3A_152 : i32
      %mul3A_154 = arith.constant 16 : i32
      %mul3A_155 = arith.muli %add3A_153, %mul3A_154 : i32
      %swap3A_156 = arith.index_cast %mul3A_155 : i32 to index
      %swap3A_157 = tpu.vector_load %arg5[%swap3A_156] {strides = array<i32>} : memref<100352xf32, #tpu.memory_space<vmem>>, vector<16xf32>,
      tpu.vector_store %arg5[%swap3A_156], %broadcast_in_dim3A_34 {strides = array<i32>} : memref<100352xf32, #tpu.memory_space<vmem>>, vector<16xf32>,
      %mul3A_158 = arith.constant 16 : i32
      %mul3A_159 = arith.muli %scan3A_69, %mul3A_158 : i32
      %add3A_160 = arith.constant 11 : i32
      %add3A_161 = arith.addi %mul3A_159, %add3A_160 : i32
      %mul3A_162 = arith.constant 16 : i32
      %mul3A_163 = arith.muli %add3A_161, %mul3A_162 : i32
      %swap3A_164 = arith.index_cast %mul3A_163 : i32 to index
      %swap3A_165 = tpu.vector_load %arg5[%swap3A_164] {strides = array<i32>} : memref<100352xf32, #tpu.memory_space<vmem>>, vector<16xf32>,
      tpu.vector_store %arg5[%swap3A_164], %broadcast_in_dim3A_34 {strides = array<i32>} : memref<100352xf32, #tpu.memory_space<vmem>>, vector<16xf32>,
      %mul3A_166 = arith.constant 16 : i32
      %mul3A_167 = arith.muli %scan3A_69, %mul3A_166 : i32
      %add3A_168 = arith.constant 12 : i32
      %add3A_169 = arith.addi %mul3A_167, %add3A_168 : i32
      %mul3A_170 = arith.constant 16 : i32
      %mul3A_171 = arith.muli %add3A_169, %mul3A_170 : i32
      %swap3A_172 = arith.index_cast %mul3A_171 : i32 to index
      %swap3A_173 = tpu.vector_load %arg5[%swap3A_172] {strides = array<i32>} : memref<100352xf32, #tpu.memory_space<vmem>>, vector<16xf32>,
      tpu.vector_store %arg5[%swap3A_172], %broadcast_in_dim3A_34 {strides = array<i32>} : memref<100352xf32, #tpu.memory_space<vmem>>, vector<16xf32>,
      %mul3A_174 = arith.constant 16 : i32
      %mul3A_175 = arith.muli %scan3A_69, %mul3A_174 : i32
      %add3A_176 = arith.constant 13 : i32
      %add3A_177 = arith.addi %mul3A_175, %add3A_176 : i32
      %mul3A_178 = arith.constant 16 : i32
      %mul3A_179 = arith.muli %add3A_177, %mul3A_178 : i32
      %swap3A_180 = arith.index_cast %mul3A_179 : i32 to index
      %swap3A_181 = tpu.vector_load %arg5[%swap3A_180] {strides = array<i32>} : memref<100352xf32, #tpu.memory_space<vmem>>, vector<16xf32>,
      tpu.vector_store %arg5[%swap3A_180], %broadcast_in_dim3A_34 {strides = array<i32>} : memref<100352xf32, #tpu.memory_space<vmem>>, vector<16xf32>,
      %mul3A_182 = arith.constant 16 : i32
      %mul3A_183 = arith.muli %scan3A_69, %mul3A_182 : i32
      %add3A_184 = arith.constant 14 : i32
      %add3A_185 = arith.addi %mul3A_183, %add3A_184 : i32
      %mul3A_186 = arith.constant 16 : i32
      %mul3A_187 = arith.muli %add3A_185, %mul3A_186 : i32
      %swap3A_188 = arith.index_cast %mul3A_187 : i32 to index
      %swap3A_189 = tpu.vector_load %arg5[%swap3A_188] {strides = array<i32>} : memref<100352xf32, #tpu.memory_space<vmem>>, vector<16xf32>,
      tpu.vector_store %arg5[%swap3A_188], %broadcast_in_dim3A_34 {strides = array<i32>} : memref<100352xf32, #tpu.memory_space<vmem>>, vector<16xf32>,
      %mul3A_190 = arith.constant 16 : i32
      %mul3A_191 = arith.muli %scan3A_69, %mul3A_190 : i32
      %add3A_192 = arith.constant 15 : i32
      %add3A_193 = arith.addi %mul3A_191, %add3A_192 : i32
      %mul3A_194 = arith.constant 16 : i32
      %mul3A_195 = arith.muli %add3A_193, %mul3A_194 : i32
      %swap3A_196 = arith.index_cast %mul3A_195 : i32 to index
      %swap3A_197 = tpu.vector_load %arg5[%swap3A_196] {strides = array<i32>} : memref<100352xf32, #tpu.memory_space<vmem>>, vector<16xf32>,
      tpu.vector_store %arg5[%swap3A_196], %broadcast_in_dim3A_34 {strides = array<i32>} : memref<100352xf32, #tpu.memory_space<vmem>>, vector<16xf32>,
      %scan3A_198 = arith.constant 0 : i32
      scf.yield %scan3A_198 : i32
    }
    %scan3A_40 = arith.constant 392 : i32
    %scan3A_41 = arith.constant 0 : i32
    %scan3A_42 = arith.constant 0 : i32
    %scan3A_43 = arith.constant 39 : i32
    %scan3A_44 = arith.addi %scan3A_42, %scan3A_43 : i32
    %scan3A_45 = arith.constant 1 : i32
    %scan3A_46 = scf.for %scan3A_69 = %scan3A_42 to %scan3A_44 step %scan3A_45 iter_args(%scan3A_70 = %scan3A_41) -> (i32)  : i32 {
      %mul3A_71 = arith.constant 2 : i32
      %mul3A_72 = arith.muli %mul3A_71, %scan3A_69 : i32
      %add3A_73 = arith.constant 0 : i32
      %add3A_74 = arith.addi %mul3A_72, %add3A_73 : i32
      %dma_wait3A_75 = arith.constant 0 : i32
      %dma_wait3A_76 = tpu.memref_slice %arg2[%dma_wait3A_75] : memref<6400000xf32, #tpu.memory_space<hbm>> -> memref<2560xf32, #tpu.memory_space<hbm>>
      %dma_wait3A_77 = arith.constant 0 : i32
      %dma_wait3A_78 = tpu.memref_slice %arg2[%dma_wait3A_77] : memref<6400000xf32, #tpu.memory_space<hbm>> -> memref<2560xf32, #tpu.memory_space<hbm>>
      tpu.wait_dma2 semaphore(%arg10 : memref<!tpu.dma_semaphore, #tpu.memory_space<semaphore_mem>>) src(%dma_wait3A_78 : memref<2560xf32, #tpu.memory_space<hbm>>) dst(%arg6 : memref<2560xf32, #tpu.memory_space<vmem>>)
      %dma_wait3A_79 = arith.constant 0 : i32
      %dma_wait3A_80 = arith.constant 0 : i32
      %dma_wait3A_81 = tpu.memref_slice %arg3[%dma_wait3A_79, %dma_wait3A_80] : memref<2x6400000xi32, #tpu.memory_space<hbm>> -> memref<2x2560xi32, #tpu.memory_space<hbm>>
      %dma_wait3A_82 = arith.constant 0 : i32
      %dma_wait3A_83 = arith.constant 0 : i32
      %dma_wait3A_84 = tpu.memref_slice %arg3[%dma_wait3A_82, %dma_wait3A_83] : memref<2x6400000xi32, #tpu.memory_space<hbm>> -> memref<2x2560xi32, #tpu.memory_space<hbm>>
      tpu.wait_dma2 semaphore(%arg10 : memref<!tpu.dma_semaphore, #tpu.memory_space<semaphore_mem>>) src(%dma_wait3A_84 : memref<2x2560xi32, #tpu.memory_space<hbm>>) dst(%arg8 : memref<2x2560xi32, #tpu.memory_space<vmem>>)
      %lt3A_85 = arith.cmpi slt, %add3A_74, %add3A_10 : i32
      %broadcast_in_dim3A_86 = vector.broadcast %lt3A_85 : i1 to vector<16xi1>
      %scan3A_87 = arith.constant 0 : i32
      %scan3A_88 = arith.constant 0 : i32
      %scan3A_89 = arith.constant 8 : i32
      %scan3A_90 = arith.addi %scan3A_88, %scan3A_89 : i32
      %scan3A_91 = arith.constant 1 : i32
      %scan3A_92 = scf.for %scan3A_131 = %scan3A_88 to %scan3A_90 step %scan3A_91 iter_args(%scan3A_132 = %scan3A_87) -> (i32)  : i32 {
        %mul3A_133 = arith.constant 20 : i32
        %mul3A_134 = arith.muli %scan3A_131, %mul3A_133 : i32
        %add3A_135 = arith.constant 0 : i32
        %add3A_136 = arith.addi %mul3A_134, %add3A_135 : i32
        %mul3A_137 = arith.constant 16 : i32
        %mul3A_138 = arith.muli %add3A_136, %mul3A_137 : i32
        %mul3A_139 = arith.constant 20 : i32
        %mul3A_140 = arith.muli %scan3A_131, %mul3A_139 : i32
        %add3A_141 = arith.constant 1 : i32
        %add3A_142 = arith.addi %mul3A_140, %add3A_141 : i32
        %mul3A_143 = arith.constant 16 : i32
        %mul3A_144 = arith.muli %add3A_142, %mul3A_143 : i32
        %mul3A_145 = arith.constant 20 : i32
        %mul3A_146 = arith.muli %scan3A_131, %mul3A_145 : i32
        %add3A_147 = arith.constant 2 : i32
        %add3A_148 = arith.addi %mul3A_146, %add3A_147 : i32
        %mul3A_149 = arith.constant 16 : i32
        %mul3A_150 = arith.muli %add3A_148, %mul3A_149 : i32
        %mul3A_151 = arith.constant 20 : i32
        %mul3A_152 = arith.muli %scan3A_131, %mul3A_151 : i32
        %add3A_153 = arith.constant 3 : i32
        %add3A_154 = arith.addi %mul3A_152, %add3A_153 : i32
        %mul3A_155 = arith.constant 16 : i32
        %mul3A_156 = arith.muli %add3A_154, %mul3A_155 : i32
        %mul3A_157 = arith.constant 20 : i32
        %mul3A_158 = arith.muli %scan3A_131, %mul3A_157 : i32
        %add3A_159 = arith.constant 4 : i32
        %add3A_160 = arith.addi %mul3A_158, %add3A_159 : i32
        %mul3A_161 = arith.constant 16 : i32
        %mul3A_162 = arith.muli %add3A_160, %mul3A_161 : i32
        %mul3A_163 = arith.constant 20 : i32
        %mul3A_164 = arith.muli %scan3A_131, %mul3A_163 : i32
        %add3A_165 = arith.constant 5 : i32
        %add3A_166 = arith.addi %mul3A_164, %add3A_165 : i32
        %mul3A_167 = arith.constant 16 : i32
        %mul3A_168 = arith.muli %add3A_166, %mul3A_167 : i32
        %mul3A_169 = arith.constant 20 : i32
        %mul3A_170 = arith.muli %scan3A_131, %mul3A_169 : i32
        %add3A_171 = arith.constant 6 : i32
        %add3A_172 = arith.addi %mul3A_170, %add3A_171 : i32
        %mul3A_173 = arith.constant 16 : i32
        %mul3A_174 = arith.muli %add3A_172, %mul3A_173 : i32
        %mul3A_175 = arith.constant 20 : i32
        %mul3A_176 = arith.muli %scan3A_131, %mul3A_175 : i32
        %add3A_177 = arith.constant 7 : i32
        %add3A_178 = arith.addi %mul3A_176, %add3A_177 : i32
        %mul3A_179 = arith.constant 16 : i32
        %mul3A_180 = arith.muli %add3A_178, %mul3A_179 : i32
        %mul3A_181 = arith.constant 20 : i32
        %mul3A_182 = arith.muli %scan3A_131, %mul3A_181 : i32
        %add3A_183 = arith.constant 8 : i32
        %add3A_184 = arith.addi %mul3A_182, %add3A_183 : i32
        %mul3A_185 = arith.constant 16 : i32
        %mul3A_186 = arith.muli %add3A_184, %mul3A_185 : i32
        %mul3A_187 = arith.constant 20 : i32
        %mul3A_188 = arith.muli %scan3A_131, %mul3A_187 : i32
        %add3A_189 = arith.constant 9 : i32
        %add3A_190 = arith.addi %mul3A_188, %add3A_189 : i32
        %mul3A_191 = arith.constant 16 : i32
        %mul3A_192 = arith.muli %add3A_190, %mul3A_191 : i32
        %mul3A_193 = arith.constant 20 : i32
        %mul3A_194 = arith.muli %scan3A_131, %mul3A_193 : i32
        %add3A_195 = arith.constant 10 : i32
        %add3A_196 = arith.addi %mul3A_194, %add3A_195 : i32
        %mul3A_197 = arith.constant 16 : i32
        %mul3A_198 = arith.muli %add3A_196, %mul3A_197 : i32
        %mul3A_199 = arith.constant 20 : i32
        %mul3A_200 = arith.muli %scan3A_131, %mul3A_199 : i32
        %add3A_201 = arith.constant 11 : i32
        %add3A_202 = arith.addi %mul3A_200, %add3A_201 : i32
        %mul3A_203 = arith.constant 16 : i32
        %mul3A_204 = arith.muli %add3A_202, %mul3A_203 : i32
        %mul3A_205 = arith.constant 20 : i32
        %mul3A_206 = arith.muli %scan3A_131, %mul3A_205 : i32
        %add3A_207 = arith.constant 12 : i32
        %add3A_208 = arith.addi %mul3A_206, %add3A_207 : i32
        %mul3A_209 = arith.constant 16 : i32
        %mul3A_210 = arith.muli %add3A_208, %mul3A_209 : i32
        %mul3A_211 = arith.constant 20 : i32
        %mul3A_212 = arith.muli %scan3A_131, %mul3A_211 : i32
        %add3A_213 = arith.constant 13 : i32
        %add3A_214 = arith.addi %mul3A_212, %add3A_213 : i32
        %mul3A_215 = arith.constant 16 : i32
        %mul3A_216 = arith.muli %add3A_214, %mul3A_215 : i32
        %mul3A_217 = arith.constant 20 : i32
        %mul3A_218 = arith.muli %scan3A_131, %mul3A_217 : i32
        %add3A_219 = arith.constant 14 : i32
        %add3A_220 = arith.addi %mul3A_218, %add3A_219 : i32
        %mul3A_221 = arith.constant 16 : i32
        %mul3A_222 = arith.muli %add3A_220, %mul3A_221 : i32
        %mul3A_223 = arith.constant 20 : i32
        %mul3A_224 = arith.muli %scan3A_131, %mul3A_223 : i32
        %add3A_225 = arith.constant 15 : i32
        %add3A_226 = arith.addi %mul3A_224, %add3A_225 : i32
        %mul3A_227 = arith.constant 16 : i32
        %mul3A_228 = arith.muli %add3A_226, %mul3A_227 : i32
        %mul3A_229 = arith.constant 20 : i32
        %mul3A_230 = arith.muli %scan3A_131, %mul3A_229 : i32
        %add3A_231 = arith.constant 16 : i32
        %add3A_232 = arith.addi %mul3A_230, %add3A_231 : i32
        %mul3A_233 = arith.constant 16 : i32
        %mul3A_234 = arith.muli %add3A_232, %mul3A_233 : i32
        %mul3A_235 = arith.constant 20 : i32
        %mul3A_236 = arith.muli %scan3A_131, %mul3A_235 : i32
        %add3A_237 = arith.constant 17 : i32
        %add3A_238 = arith.addi %mul3A_236, %add3A_237 : i32
        %mul3A_239 = arith.constant 16 : i32
        %mul3A_240 = arith.muli %add3A_238, %mul3A_239 : i32
        %mul3A_241 = arith.constant 20 : i32
        %mul3A_242 = arith.muli %scan3A_131, %mul3A_241 : i32
        %add3A_243 = arith.constant 18 : i32
        %add3A_244 = arith.addi %mul3A_242, %add3A_243 : i32
        %mul3A_245 = arith.constant 16 : i32
        %mul3A_246 = arith.muli %add3A_244, %mul3A_245 : i32
        %mul3A_247 = arith.constant 20 : i32
        %mul3A_248 = arith.muli %scan3A_131, %mul3A_247 : i32
        %add3A_249 = arith.constant 19 : i32
        %add3A_250 = arith.addi %mul3A_248, %add3A_249 : i32
        %mul3A_251 = arith.constant 16 : i32
        %mul3A_252 = arith.muli %add3A_250, %mul3A_251 : i32
        %get3A = arith.constant 1 : i32
        %get3A_253 = arith.index_cast %get3A : i32 to index
        %get3A_254 = arith.index_cast %mul3A_138 : i32 to index
        %get3A_255 = tpu.vector_load %arg8[%get3A_253, %get3A_254] {strides = array<i32>} : memref<2x2560xi32, #tpu.memory_space<vmem>>, vector<16xi32>,
        %get3A_256 = arith.constant 1 : i32
        %get3A_257 = arith.index_cast %get3A_256 : i32 to index
        %get3A_258 = arith.index_cast %mul3A_144 : i32 to index
        %get3A_259 = tpu.vector_load %arg8[%get3A_257, %get3A_258] {strides = array<i32>} : memref<2x2560xi32, #tpu.memory_space<vmem>>, vector<16xi32>,
        %get3A_260 = arith.constant 1 : i32
        %get3A_261 = arith.index_cast %get3A_260 : i32 to index
        %get3A_262 = arith.index_cast %mul3A_150 : i32 to index
        %get3A_263 = tpu.vector_load %arg8[%get3A_261, %get3A_262] {strides = array<i32>} : memref<2x2560xi32, #tpu.memory_space<vmem>>, vector<16xi32>,
        %get3A_264 = arith.constant 1 : i32
        %get3A_265 = arith.index_cast %get3A_264 : i32 to index
        %get3A_266 = arith.index_cast %mul3A_156 : i32 to index
        %get3A_267 = tpu.vector_load %arg8[%get3A_265, %get3A_266] {strides = array<i32>} : memref<2x2560xi32, #tpu.memory_space<vmem>>, vector<16xi32>,
        %get3A_268 = arith.constant 1 : i32
        %get3A_269 = arith.index_cast %get3A_268 : i32 to index
        %get3A_270 = arith.index_cast %mul3A_162 : i32 to index
        %get3A_271 = tpu.vector_load %arg8[%get3A_269, %get3A_270] {strides = array<i32>} : memref<2x2560xi32, #tpu.memory_space<vmem>>, vector<16xi32>,
        %get3A_272 = arith.constant 1 : i32
        %get3A_273 = arith.index_cast %get3A_272 : i32 to index
        %get3A_274 = arith.index_cast %mul3A_168 : i32 to index
        %get3A_275 = tpu.vector_load %arg8[%get3A_273, %get3A_274] {strides = array<i32>} : memref<2x2560xi32, #tpu.memory_space<vmem>>, vector<16xi32>,
        %get3A_276 = arith.constant 1 : i32
        %get3A_277 = arith.index_cast %get3A_276 : i32 to index
        %get3A_278 = arith.index_cast %mul3A_174 : i32 to index
        %get3A_279 = tpu.vector_load %arg8[%get3A_277, %get3A_278] {strides = array<i32>} : memref<2x2560xi32, #tpu.memory_space<vmem>>, vector<16xi32>,
        %get3A_280 = arith.constant 1 : i32
        %get3A_281 = arith.index_cast %get3A_280 : i32 to index
        %get3A_282 = arith.index_cast %mul3A_180 : i32 to index
        %get3A_283 = tpu.vector_load %arg8[%get3A_281, %get3A_282] {strides = array<i32>} : memref<2x2560xi32, #tpu.memory_space<vmem>>, vector<16xi32>,
        %get3A_284 = arith.constant 1 : i32
        %get3A_285 = arith.index_cast %get3A_284 : i32 to index
        %get3A_286 = arith.index_cast %mul3A_186 : i32 to index
        %get3A_287 = tpu.vector_load %arg8[%get3A_285, %get3A_286] {strides = array<i32>} : memref<2x2560xi32, #tpu.memory_space<vmem>>, vector<16xi32>,
        %get3A_288 = arith.constant 1 : i32
        %get3A_289 = arith.index_cast %get3A_288 : i32 to index
        %get3A_290 = arith.index_cast %mul3A_192 : i32 to index
        %get3A_291 = tpu.vector_load %arg8[%get3A_289, %get3A_290] {strides = array<i32>} : memref<2x2560xi32, #tpu.memory_space<vmem>>, vector<16xi32>,
        %get3A_292 = arith.constant 1 : i32
        %get3A_293 = arith.index_cast %get3A_292 : i32 to index
        %get3A_294 = arith.index_cast %mul3A_198 : i32 to index
        %get3A_295 = tpu.vector_load %arg8[%get3A_293, %get3A_294] {strides = array<i32>} : memref<2x2560xi32, #tpu.memory_space<vmem>>, vector<16xi32>,
        %get3A_296 = arith.constant 1 : i32
        %get3A_297 = arith.index_cast %get3A_296 : i32 to index
        %get3A_298 = arith.index_cast %mul3A_204 : i32 to index
        %get3A_299 = tpu.vector_load %arg8[%get3A_297, %get3A_298] {strides = array<i32>} : memref<2x2560xi32, #tpu.memory_space<vmem>>, vector<16xi32>,
        %get3A_300 = arith.constant 1 : i32
        %get3A_301 = arith.index_cast %get3A_300 : i32 to index
        %get3A_302 = arith.index_cast %mul3A_210 : i32 to index
        %get3A_303 = tpu.vector_load %arg8[%get3A_301, %get3A_302] {strides = array<i32>} : memref<2x2560xi32, #tpu.memory_space<vmem>>, vector<16xi32>,
        %get3A_304 = arith.constant 1 : i32
        %get3A_305 = arith.index_cast %get3A_304 : i32 to index
        %get3A_306 = arith.index_cast %mul3A_216 : i32 to index
        %get3A_307 = tpu.vector_load %arg8[%get3A_305, %get3A_306] {strides = array<i32>} : memref<2x2560xi32, #tpu.memory_space<vmem>>, vector<16xi32>,
        %get3A_308 = arith.constant 1 : i32
        %get3A_309 = arith.index_cast %get3A_308 : i32 to index
        %get3A_310 = arith.index_cast %mul3A_222 : i32 to index
        %get3A_311 = tpu.vector_load %arg8[%get3A_309, %get3A_310] {strides = array<i32>} : memref<2x2560xi32, #tpu.memory_space<vmem>>, vector<16xi32>,
        %get3A_312 = arith.constant 1 : i32
        %get3A_313 = arith.index_cast %get3A_312 : i32 to index
        %get3A_314 = arith.index_cast %mul3A_228 : i32 to index
        %get3A_315 = tpu.vector_load %arg8[%get3A_313, %get3A_314] {strides = array<i32>} : memref<2x2560xi32, #tpu.memory_space<vmem>>, vector<16xi32>,
        %get3A_316 = arith.constant 1 : i32
        %get3A_317 = arith.index_cast %get3A_316 : i32 to index
        %get3A_318 = arith.index_cast %mul3A_234 : i32 to index
        %get3A_319 = tpu.vector_load %arg8[%get3A_317, %get3A_318] {strides = array<i32>} : memref<2x2560xi32, #tpu.memory_space<vmem>>, vector<16xi32>,
        %get3A_320 = arith.constant 1 : i32
        %get3A_321 = arith.index_cast %get3A_320 : i32 to index
        %get3A_322 = arith.index_cast %mul3A_240 : i32 to index
        %get3A_323 = tpu.vector_load %arg8[%get3A_321, %get3A_322] {strides = array<i32>} : memref<2x2560xi32, #tpu.memory_space<vmem>>, vector<16xi32>,
        %get3A_324 = arith.constant 1 : i32
        %get3A_325 = arith.index_cast %get3A_324 : i32 to index
        %get3A_326 = arith.index_cast %mul3A_246 : i32 to index
        %get3A_327 = tpu.vector_load %arg8[%get3A_325, %get3A_326] {strides = array<i32>} : memref<2x2560xi32, #tpu.memory_space<vmem>>, vector<16xi32>,
        %get3A_328 = arith.constant 1 : i32
        %get3A_329 = arith.index_cast %get3A_328 : i32 to index
        %get3A_330 = arith.index_cast %mul3A_252 : i32 to index
        %get3A_331 = tpu.vector_load %arg8[%get3A_329, %get3A_330] {strides = array<i32>} : memref<2x2560xi32, #tpu.memory_space<vmem>>, vector<16xi32>,
        %get3A_332 = arith.index_cast %mul3A_138 : i32 to index
        %get3A_333 = tpu.vector_load %arg6[%get3A_332] {strides = array<i32>} : memref<2560xf32, #tpu.memory_space<vmem>>, vector<16xf32>,
        %get3A_334 = arith.index_cast %mul3A_144 : i32 to index
        %get3A_335 = tpu.vector_load %arg6[%get3A_334] {strides = array<i32>} : memref<2560xf32, #tpu.memory_space<vmem>>, vector<16xf32>,
        %get3A_336 = arith.index_cast %mul3A_150 : i32 to index
        %get3A_337 = tpu.vector_load %arg6[%get3A_336] {strides = array<i32>} : memref<2560xf32, #tpu.memory_space<vmem>>, vector<16xf32>,
        %get3A_338 = arith.index_cast %mul3A_156 : i32 to index
        %get3A_339 = tpu.vector_load %arg6[%get3A_338] {strides = array<i32>} : memref<2560xf32, #tpu.memory_space<vmem>>, vector<16xf32>,
        %get3A_340 = arith.index_cast %mul3A_162 : i32 to index
        %get3A_341 = tpu.vector_load %arg6[%get3A_340] {strides = array<i32>} : memref<2560xf32, #tpu.memory_space<vmem>>, vector<16xf32>,
        %get3A_342 = arith.index_cast %mul3A_168 : i32 to index
        %get3A_343 = tpu.vector_load %arg6[%get3A_342] {strides = array<i32>} : memref<2560xf32, #tpu.memory_space<vmem>>, vector<16xf32>,
        %get3A_344 = arith.index_cast %mul3A_174 : i32 to index
        %get3A_345 = tpu.vector_load %arg6[%get3A_344] {strides = array<i32>} : memref<2560xf32, #tpu.memory_space<vmem>>, vector<16xf32>,
        %get3A_346 = arith.index_cast %mul3A_180 : i32 to index
        %get3A_347 = tpu.vector_load %arg6[%get3A_346] {strides = array<i32>} : memref<2560xf32, #tpu.memory_space<vmem>>, vector<16xf32>,
        %get3A_348 = arith.index_cast %mul3A_186 : i32 to index
        %get3A_349 = tpu.vector_load %arg6[%get3A_348] {strides = array<i32>} : memref<2560xf32, #tpu.memory_space<vmem>>, vector<16xf32>,
        %get3A_350 = arith.index_cast %mul3A_192 : i32 to index
        %get3A_351 = tpu.vector_load %arg6[%get3A_350] {strides = array<i32>} : memref<2560xf32, #tpu.memory_space<vmem>>, vector<16xf32>,
        %get3A_352 = arith.index_cast %mul3A_198 : i32 to index
        %get3A_353 = tpu.vector_load %arg6[%get3A_352] {strides = array<i32>} : memref<2560xf32, #tpu.memory_space<vmem>>, vector<16xf32>,
        %get3A_354 = arith.index_cast %mul3A_204 : i32 to index
        %get3A_355 = tpu.vector_load %arg6[%get3A_354] {strides = array<i32>} : memref<2560xf32, #tpu.memory_space<vmem>>, vector<16xf32>,
        %get3A_356 = arith.index_cast %mul3A_210 : i32 to index
        %get3A_357 = tpu.vector_load %arg6[%get3A_356] {strides = array<i32>} : memref<2560xf32, #tpu.memory_space<vmem>>, vector<16xf32>,
        %get3A_358 = arith.index_cast %mul3A_216 : i32 to index
        %get3A_359 = tpu.vector_load %arg6[%get3A_358] {strides = array<i32>} : memref<2560xf32, #tpu.memory_space<vmem>>, vector<16xf32>,
        %get3A_360 = arith.index_cast %mul3A_222 : i32 to index
        %get3A_361 = tpu.vector_load %arg6[%get3A_360] {strides = array<i32>} : memref<2560xf32, #tpu.memory_space<vmem>>, vector<16xf32>,
        %get3A_362 = arith.index_cast %mul3A_228 : i32 to index
        %get3A_363 = tpu.vector_load %arg6[%get3A_362] {strides = array<i32>} : memref<2560xf32, #tpu.memory_space<vmem>>, vector<16xf32>,
        %get3A_364 = arith.index_cast %mul3A_234 : i32 to index
        %get3A_365 = tpu.vector_load %arg6[%get3A_364] {strides = array<i32>} : memref<2560xf32, #tpu.memory_space<vmem>>, vector<16xf32>,
        %get3A_366 = arith.index_cast %mul3A_240 : i32 to index
        %get3A_367 = tpu.vector_load %arg6[%get3A_366] {strides = array<i32>} : memref<2560xf32, #tpu.memory_space<vmem>>, vector<16xf32>,
        %get3A_368 = arith.index_cast %mul3A_246 : i32 to index
        %get3A_369 = tpu.vector_load %arg6[%get3A_368] {strides = array<i32>} : memref<2560xf32, #tpu.memory_space<vmem>>, vector<16xf32>,
        %get3A_370 = arith.index_cast %mul3A_252 : i32 to index
        %get3A_371 = tpu.vector_load %arg6[%get3A_370] {strides = array<i32>} : memref<2560xf32, #tpu.memory_space<vmem>>, vector<16xf32>,
        %exp3A = math.exp %get3A_333 : vector<16xf32>
        %exp3A_372 = math.exp %get3A_335 : vector<16xf32>
        %exp3A_373 = math.exp %get3A_337 : vector<16xf32>
        %exp3A_374 = math.exp %get3A_339 : vector<16xf32>
        %exp3A_375 = math.exp %get3A_341 : vector<16xf32>
        %exp3A_376 = math.exp %get3A_343 : vector<16xf32>
        %exp3A_377 = math.exp %get3A_345 : vector<16xf32>
        %exp3A_378 = math.exp %get3A_347 : vector<16xf32>
        %exp3A_379 = math.exp %get3A_349 : vector<16xf32>
        %exp3A_380 = math.exp %get3A_351 : vector<16xf32>
        %exp3A_381 = math.exp %get3A_353 : vector<16xf32>
        %exp3A_382 = math.exp %get3A_355 : vector<16xf32>
        %exp3A_383 = math.exp %get3A_357 : vector<16xf32>
        %exp3A_384 = math.exp %get3A_359 : vector<16xf32>
        %exp3A_385 = math.exp %get3A_361 : vector<16xf32>
        %exp3A_386 = math.exp %get3A_363 : vector<16xf32>
        %exp3A_387 = math.exp %get3A_365 : vector<16xf32>
        %exp3A_388 = math.exp %get3A_367 : vector<16xf32>
        %exp3A_389 = math.exp %get3A_369 : vector<16xf32>
        %exp3A_390 = math.exp %get3A_371 : vector<16xf32>
        tpu.vector_store_idx %arg5[%get3A_255], %exp3A masked %broadcast_in_dim3A_86 {add = true} : memref<100352xf32, #tpu.memory_space<vmem>>[vector<16xi32>], vector<16xf32>, vector<16xi1>
        tpu.vector_store_idx %arg5[%get3A_259], %exp3A_372 masked %broadcast_in_dim3A_86 {add = true} : memref<100352xf32, #tpu.memory_space<vmem>>[vector<16xi32>], vector<16xf32>, vector<16xi1>
        tpu.vector_store_idx %arg5[%get3A_263], %exp3A_373 masked %broadcast_in_dim3A_86 {add = true} : memref<100352xf32, #tpu.memory_space<vmem>>[vector<16xi32>], vector<16xf32>, vector<16xi1>
        tpu.vector_store_idx %arg5[%get3A_267], %exp3A_374 masked %broadcast_in_dim3A_86 {add = true} : memref<100352xf32, #tpu.memory_space<vmem>>[vector<16xi32>], vector<16xf32>, vector<16xi1>
        tpu.vector_store_idx %arg5[%get3A_271], %exp3A_375 masked %broadcast_in_dim3A_86 {add = true} : memref<100352xf32, #tpu.memory_space<vmem>>[vector<16xi32>], vector<16xf32>, vector<16xi1>
        tpu.vector_store_idx %arg5[%get3A_275], %exp3A_376 masked %broadcast_in_dim3A_86 {add = true} : memref<100352xf32, #tpu.memory_space<vmem>>[vector<16xi32>], vector<16xf32>, vector<16xi1>
        tpu.vector_store_idx %arg5[%get3A_279], %exp3A_377 masked %broadcast_in_dim3A_86 {add = true} : memref<100352xf32, #tpu.memory_space<vmem>>[vector<16xi32>], vector<16xf32>, vector<16xi1>
        tpu.vector_store_idx %arg5[%get3A_283], %exp3A_378 masked %broadcast_in_dim3A_86 {add = true} : memref<100352xf32, #tpu.memory_space<vmem>>[vector<16xi32>], vector<16xf32>, vector<16xi1>
        tpu.vector_store_idx %arg5[%get3A_287], %exp3A_379 masked %broadcast_in_dim3A_86 {add = true} : memref<100352xf32, #tpu.memory_space<vmem>>[vector<16xi32>], vector<16xf32>, vector<16xi1>
        tpu.vector_store_idx %arg5[%get3A_291], %exp3A_380 masked %broadcast_in_dim3A_86 {add = true} : memref<100352xf32, #tpu.memory_space<vmem>>[vector<16xi32>], vector<16xf32>, vector<16xi1>
        tpu.vector_store_idx %arg5[%get3A_295], %exp3A_381 masked %broadcast_in_dim3A_86 {add = true} : memref<100352xf32, #tpu.memory_space<vmem>>[vector<16xi32>], vector<16xf32>, vector<16xi1>
        tpu.vector_store_idx %arg5[%get3A_299], %exp3A_382 masked %broadcast_in_dim3A_86 {add = true} : memref<100352xf32, #tpu.memory_space<vmem>>[vector<16xi32>], vector<16xf32>, vector<16xi1>
        tpu.vector_store_idx %arg5[%get3A_303], %exp3A_383 masked %broadcast_in_dim3A_86 {add = true} : memref<100352xf32, #tpu.memory_space<vmem>>[vector<16xi32>], vector<16xf32>, vector<16xi1>
        tpu.vector_store_idx %arg5[%get3A_307], %exp3A_384 masked %broadcast_in_dim3A_86 {add = true} : memref<100352xf32, #tpu.memory_space<vmem>>[vector<16xi32>], vector<16xf32>, vector<16xi1>
        tpu.vector_store_idx %arg5[%get3A_311], %exp3A_385 masked %broadcast_in_dim3A_86 {add = true} : memref<100352xf32, #tpu.memory_space<vmem>>[vector<16xi32>], vector<16xf32>, vector<16xi1>
        tpu.vector_store_idx %arg5[%get3A_315], %exp3A_386 masked %broadcast_in_dim3A_86 {add = true} : memref<100352xf32, #tpu.memory_space<vmem>>[vector<16xi32>], vector<16xf32>, vector<16xi1>
        tpu.vector_store_idx %arg5[%get3A_319], %exp3A_387 masked %broadcast_in_dim3A_86 {add = true} : memref<100352xf32, #tpu.memory_space<vmem>>[vector<16xi32>], vector<16xf32>, vector<16xi1>
        tpu.vector_store_idx %arg5[%get3A_323], %exp3A_388 masked %broadcast_in_dim3A_86 {add = true} : memref<100352xf32, #tpu.memory_space<vmem>>[vector<16xi32>], vector<16xf32>, vector<16xi1>
        tpu.vector_store_idx %arg5[%get3A_327], %exp3A_389 masked %broadcast_in_dim3A_86 {add = true} : memref<100352xf32, #tpu.memory_space<vmem>>[vector<16xi32>], vector<16xf32>, vector<16xi1>
        tpu.vector_store_idx %arg5[%get3A_331], %exp3A_390 masked %broadcast_in_dim3A_86 {add = true} : memref<100352xf32, #tpu.memory_space<vmem>>[vector<16xi32>], vector<16xf32>, vector<16xi1>
        %scan3A_391 = arith.constant 0 : i32
        scf.yield %scan3A_391 : i32
      }
      %scan3A_93 = arith.constant 8 : i32
      %add3A_94 = arith.constant 2 : i32
      %add3A_95 = arith.addi %add3A_74, %add3A_94 : i32
      %lt3A_96 = arith.constant 79 : i32
      %lt3A_97 = arith.cmpi slt, %add3A_95, %lt3A_96 : i32
      %convert_element_type3A_98 = arith.extui %lt3A_97 : i1 to i32
      %cond3A = arith.constant 0 : i32
      %cond3A_99 = arith.cmpi ne, %convert_element_type3A_98, %cond3A : i32
      scf.if %cond3A_99 {
        %add3A_131 = arith.constant 2 : i32
        %add3A_132 = arith.addi %add3A_74, %add3A_131 : i32
        %add3A_133 = arith.addi %add3A_4, %add3A_132 : i32
        %mul3A_134 = arith.constant 2560 : i32
        %mul3A_135 = arith.muli %add3A_133, %mul3A_134 : i32
        %min3A_136 = arith.constant 6397440 : i32
        %min3A_137 = arith.minsi %mul3A_135, %min3A_136 : i32
        %dma_start3A_138 = tpu.memref_slice %arg2[%min3A_137] : memref<6400000xf32, #tpu.memory_space<hbm>> -> memref<2560xf32, #tpu.memory_space<hbm>>
        %dma_start3A_139 = tpu.memref_slice %arg2[%min3A_137] : memref<6400000xf32, #tpu.memory_space<hbm>> -> memref<2560xf32, #tpu.memory_space<hbm>>
        tpu.enqueue_dma source(%dma_start3A_139 : memref<2560xf32, #tpu.memory_space<hbm>>) target(%arg6 : memref<2560xf32, #tpu.memory_space<vmem>>) target_semaphore(%arg10 : memref<!tpu.dma_semaphore, #tpu.memory_space<semaphore_mem>>)
        %dma_start3A_140 = arith.constant 0 : i32
        %dma_start3A_141 = tpu.memref_slice %arg3[%dma_start3A_140, %min3A_137] : memref<2x6400000xi32, #tpu.memory_space<hbm>> -> memref<2x2560xi32, #tpu.memory_space<hbm>>
        %dma_start3A_142 = arith.constant 0 : i32
        %dma_start3A_143 = tpu.memref_slice %arg3[%dma_start3A_142, %min3A_137] : memref<2x6400000xi32, #tpu.memory_space<hbm>> -> memref<2x2560xi32, #tpu.memory_space<hbm>>
        tpu.enqueue_dma source(%dma_start3A_143 : memref<2x2560xi32, #tpu.memory_space<hbm>>) target(%arg8 : memref<2x2560xi32, #tpu.memory_space<vmem>>) target_semaphore(%arg10 : memref<!tpu.dma_semaphore, #tpu.memory_space<semaphore_mem>>)
      } else {
      }
      %mul3A_100 = arith.constant 2 : i32
      %mul3A_101 = arith.muli %mul3A_100, %scan3A_69 : i32
      %add3A_102 = arith.constant 1 : i32
      %add3A_103 = arith.addi %mul3A_101, %add3A_102 : i32
      %dma_wait3A_104 = arith.constant 0 : i32
      %dma_wait3A_105 = tpu.memref_slice %arg2[%dma_wait3A_104] : memref<6400000xf32, #tpu.memory_space<hbm>> -> memref<2560xf32, #tpu.memory_space<hbm>>
      %dma_wait3A_106 = arith.constant 0 : i32
      %dma_wait3A_107 = tpu.memref_slice %arg2[%dma_wait3A_106] : memref<6400000xf32, #tpu.memory_space<hbm>> -> memref<2560xf32, #tpu.memory_space<hbm>>
      tpu.wait_dma2 semaphore(%arg11 : memref<!tpu.dma_semaphore, #tpu.memory_space<semaphore_mem>>) src(%dma_wait3A_107 : memref<2560xf32, #tpu.memory_space<hbm>>) dst(%arg7 : memref<2560xf32, #tpu.memory_space<vmem>>)
      %dma_wait3A_108 = arith.constant 0 : i32
      %dma_wait3A_109 = arith.constant 0 : i32
      %dma_wait3A_110 = tpu.memref_slice %arg3[%dma_wait3A_108, %dma_wait3A_109] : memref<2x6400000xi32, #tpu.memory_space<hbm>> -> memref<2x2560xi32, #tpu.memory_space<hbm>>
      %dma_wait3A_111 = arith.constant 0 : i32
      %dma_wait3A_112 = arith.constant 0 : i32
      %dma_wait3A_113 = tpu.memref_slice %arg3[%dma_wait3A_111, %dma_wait3A_112] : memref<2x6400000xi32, #tpu.memory_space<hbm>> -> memref<2x2560xi32, #tpu.memory_space<hbm>>
      tpu.wait_dma2 semaphore(%arg11 : memref<!tpu.dma_semaphore, #tpu.memory_space<semaphore_mem>>) src(%dma_wait3A_113 : memref<2x2560xi32, #tpu.memory_space<hbm>>) dst(%arg9 : memref<2x2560xi32, #tpu.memory_space<vmem>>)
      %lt3A_114 = arith.cmpi slt, %add3A_103, %add3A_10 : i32
      %broadcast_in_dim3A_115 = vector.broadcast %lt3A_114 : i1 to vector<16xi1>
      %scan3A_116 = arith.constant 0 : i32
      %scan3A_117 = arith.constant 0 : i32
      %scan3A_118 = arith.constant 8 : i32
      %scan3A_119 = arith.addi %scan3A_117, %scan3A_118 : i32
      %scan3A_120 = arith.constant 1 : i32
      %scan3A_121 = scf.for %scan3A_131 = %scan3A_117 to %scan3A_119 step %scan3A_120 iter_args(%scan3A_132 = %scan3A_116) -> (i32)  : i32 {
        %mul3A_133 = arith.constant 20 : i32
        %mul3A_134 = arith.muli %scan3A_131, %mul3A_133 : i32
        %add3A_135 = arith.constant 0 : i32
        %add3A_136 = arith.addi %mul3A_134, %add3A_135 : i32
        %mul3A_137 = arith.constant 16 : i32
        %mul3A_138 = arith.muli %add3A_136, %mul3A_137 : i32
        %mul3A_139 = arith.constant 20 : i32
        %mul3A_140 = arith.muli %scan3A_131, %mul3A_139 : i32
        %add3A_141 = arith.constant 1 : i32
        %add3A_142 = arith.addi %mul3A_140, %add3A_141 : i32
        %mul3A_143 = arith.constant 16 : i32
        %mul3A_144 = arith.muli %add3A_142, %mul3A_143 : i32
        %mul3A_145 = arith.constant 20 : i32
        %mul3A_146 = arith.muli %scan3A_131, %mul3A_145 : i32
        %add3A_147 = arith.constant 2 : i32
        %add3A_148 = arith.addi %mul3A_146, %add3A_147 : i32
        %mul3A_149 = arith.constant 16 : i32
        %mul3A_150 = arith.muli %add3A_148, %mul3A_149 : i32
        %mul3A_151 = arith.constant 20 : i32
        %mul3A_152 = arith.muli %scan3A_131, %mul3A_151 : i32
        %add3A_153 = arith.constant 3 : i32
        %add3A_154 = arith.addi %mul3A_152, %add3A_153 : i32
        %mul3A_155 = arith.constant 16 : i32
        %mul3A_156 = arith.muli %add3A_154, %mul3A_155 : i32
        %mul3A_157 = arith.constant 20 : i32
        %mul3A_158 = arith.muli %scan3A_131, %mul3A_157 : i32
        %add3A_159 = arith.constant 4 : i32
        %add3A_160 = arith.addi %mul3A_158, %add3A_159 : i32
        %mul3A_161 = arith.constant 16 : i32
        %mul3A_162 = arith.muli %add3A_160, %mul3A_161 : i32
        %mul3A_163 = arith.constant 20 : i32
        %mul3A_164 = arith.muli %scan3A_131, %mul3A_163 : i32
        %add3A_165 = arith.constant 5 : i32
        %add3A_166 = arith.addi %mul3A_164, %add3A_165 : i32
        %mul3A_167 = arith.constant 16 : i32
        %mul3A_168 = arith.muli %add3A_166, %mul3A_167 : i32
        %mul3A_169 = arith.constant 20 : i32
        %mul3A_170 = arith.muli %scan3A_131, %mul3A_169 : i32
        %add3A_171 = arith.constant 6 : i32
        %add3A_172 = arith.addi %mul3A_170, %add3A_171 : i32
        %mul3A_173 = arith.constant 16 : i32
        %mul3A_174 = arith.muli %add3A_172, %mul3A_173 : i32
        %mul3A_175 = arith.constant 20 : i32
        %mul3A_176 = arith.muli %scan3A_131, %mul3A_175 : i32
        %add3A_177 = arith.constant 7 : i32
        %add3A_178 = arith.addi %mul3A_176, %add3A_177 : i32
        %mul3A_179 = arith.constant 16 : i32
        %mul3A_180 = arith.muli %add3A_178, %mul3A_179 : i32
        %mul3A_181 = arith.constant 20 : i32
        %mul3A_182 = arith.muli %scan3A_131, %mul3A_181 : i32
        %add3A_183 = arith.constant 8 : i32
        %add3A_184 = arith.addi %mul3A_182, %add3A_183 : i32
        %mul3A_185 = arith.constant 16 : i32
        %mul3A_186 = arith.muli %add3A_184, %mul3A_185 : i32
        %mul3A_187 = arith.constant 20 : i32
        %mul3A_188 = arith.muli %scan3A_131, %mul3A_187 : i32
        %add3A_189 = arith.constant 9 : i32
        %add3A_190 = arith.addi %mul3A_188, %add3A_189 : i32
        %mul3A_191 = arith.constant 16 : i32
        %mul3A_192 = arith.muli %add3A_190, %mul3A_191 : i32
        %mul3A_193 = arith.constant 20 : i32
        %mul3A_194 = arith.muli %scan3A_131, %mul3A_193 : i32
        %add3A_195 = arith.constant 10 : i32
        %add3A_196 = arith.addi %mul3A_194, %add3A_195 : i32
        %mul3A_197 = arith.constant 16 : i32
        %mul3A_198 = arith.muli %add3A_196, %mul3A_197 : i32
        %mul3A_199 = arith.constant 20 : i32
        %mul3A_200 = arith.muli %scan3A_131, %mul3A_199 : i32
        %add3A_201 = arith.constant 11 : i32
        %add3A_202 = arith.addi %mul3A_200, %add3A_201 : i32
        %mul3A_203 = arith.constant 16 : i32
        %mul3A_204 = arith.muli %add3A_202, %mul3A_203 : i32
        %mul3A_205 = arith.constant 20 : i32
        %mul3A_206 = arith.muli %scan3A_131, %mul3A_205 : i32
        %add3A_207 = arith.constant 12 : i32
        %add3A_208 = arith.addi %mul3A_206, %add3A_207 : i32
        %mul3A_209 = arith.constant 16 : i32
        %mul3A_210 = arith.muli %add3A_208, %mul3A_209 : i32
        %mul3A_211 = arith.constant 20 : i32
        %mul3A_212 = arith.muli %scan3A_131, %mul3A_211 : i32
        %add3A_213 = arith.constant 13 : i32
        %add3A_214 = arith.addi %mul3A_212, %add3A_213 : i32
        %mul3A_215 = arith.constant 16 : i32
        %mul3A_216 = arith.muli %add3A_214, %mul3A_215 : i32
        %mul3A_217 = arith.constant 20 : i32
        %mul3A_218 = arith.muli %scan3A_131, %mul3A_217 : i32
        %add3A_219 = arith.constant 14 : i32
        %add3A_220 = arith.addi %mul3A_218, %add3A_219 : i32
        %mul3A_221 = arith.constant 16 : i32
        %mul3A_222 = arith.muli %add3A_220, %mul3A_221 : i32
        %mul3A_223 = arith.constant 20 : i32
        %mul3A_224 = arith.muli %scan3A_131, %mul3A_223 : i32
        %add3A_225 = arith.constant 15 : i32
        %add3A_226 = arith.addi %mul3A_224, %add3A_225 : i32
        %mul3A_227 = arith.constant 16 : i32
        %mul3A_228 = arith.muli %add3A_226, %mul3A_227 : i32
        %mul3A_229 = arith.constant 20 : i32
        %mul3A_230 = arith.muli %scan3A_131, %mul3A_229 : i32
        %add3A_231 = arith.constant 16 : i32
        %add3A_232 = arith.addi %mul3A_230, %add3A_231 : i32
        %mul3A_233 = arith.constant 16 : i32
        %mul3A_234 = arith.muli %add3A_232, %mul3A_233 : i32
        %mul3A_235 = arith.constant 20 : i32
        %mul3A_236 = arith.muli %scan3A_131, %mul3A_235 : i32
        %add3A_237 = arith.constant 17 : i32
        %add3A_238 = arith.addi %mul3A_236, %add3A_237 : i32
        %mul3A_239 = arith.constant 16 : i32
        %mul3A_240 = arith.muli %add3A_238, %mul3A_239 : i32
        %mul3A_241 = arith.constant 20 : i32
        %mul3A_242 = arith.muli %scan3A_131, %mul3A_241 : i32
        %add3A_243 = arith.constant 18 : i32
        %add3A_244 = arith.addi %mul3A_242, %add3A_243 : i32
        %mul3A_245 = arith.constant 16 : i32
        %mul3A_246 = arith.muli %add3A_244, %mul3A_245 : i32
        %mul3A_247 = arith.constant 20 : i32
        %mul3A_248 = arith.muli %scan3A_131, %mul3A_247 : i32
        %add3A_249 = arith.constant 19 : i32
        %add3A_250 = arith.addi %mul3A_248, %add3A_249 : i32
        %mul3A_251 = arith.constant 16 : i32
        %mul3A_252 = arith.muli %add3A_250, %mul3A_251 : i32
        %get3A = arith.constant 1 : i32
        %get3A_253 = arith.index_cast %get3A : i32 to index
        %get3A_254 = arith.index_cast %mul3A_138 : i32 to index
        %get3A_255 = tpu.vector_load %arg9[%get3A_253, %get3A_254] {strides = array<i32>} : memref<2x2560xi32, #tpu.memory_space<vmem>>, vector<16xi32>,
        %get3A_256 = arith.constant 1 : i32
        %get3A_257 = arith.index_cast %get3A_256 : i32 to index
        %get3A_258 = arith.index_cast %mul3A_144 : i32 to index
        %get3A_259 = tpu.vector_load %arg9[%get3A_257, %get3A_258] {strides = array<i32>} : memref<2x2560xi32, #tpu.memory_space<vmem>>, vector<16xi32>,
        %get3A_260 = arith.constant 1 : i32
        %get3A_261 = arith.index_cast %get3A_260 : i32 to index
        %get3A_262 = arith.index_cast %mul3A_150 : i32 to index
        %get3A_263 = tpu.vector_load %arg9[%get3A_261, %get3A_262] {strides = array<i32>} : memref<2x2560xi32, #tpu.memory_space<vmem>>, vector<16xi32>,
        %get3A_264 = arith.constant 1 : i32
        %get3A_265 = arith.index_cast %get3A_264 : i32 to index
        %get3A_266 = arith.index_cast %mul3A_156 : i32 to index
        %get3A_267 = tpu.vector_load %arg9[%get3A_265, %get3A_266] {strides = array<i32>} : memref<2x2560xi32, #tpu.memory_space<vmem>>, vector<16xi32>,
        %get3A_268 = arith.constant 1 : i32
        %get3A_269 = arith.index_cast %get3A_268 : i32 to index
        %get3A_270 = arith.index_cast %mul3A_162 : i32 to index
        %get3A_271 = tpu.vector_load %arg9[%get3A_269, %get3A_270] {strides = array<i32>} : memref<2x2560xi32, #tpu.memory_space<vmem>>, vector<16xi32>,
        %get3A_272 = arith.constant 1 : i32
        %get3A_273 = arith.index_cast %get3A_272 : i32 to index
        %get3A_274 = arith.index_cast %mul3A_168 : i32 to index
        %get3A_275 = tpu.vector_load %arg9[%get3A_273, %get3A_274] {strides = array<i32>} : memref<2x2560xi32, #tpu.memory_space<vmem>>, vector<16xi32>,
        %get3A_276 = arith.constant 1 : i32
        %get3A_277 = arith.index_cast %get3A_276 : i32 to index
        %get3A_278 = arith.index_cast %mul3A_174 : i32 to index
        %get3A_279 = tpu.vector_load %arg9[%get3A_277, %get3A_278] {strides = array<i32>} : memref<2x2560xi32, #tpu.memory_space<vmem>>, vector<16xi32>,
        %get3A_280 = arith.constant 1 : i32
        %get3A_281 = arith.index_cast %get3A_280 : i32 to index
        %get3A_282 = arith.index_cast %mul3A_180 : i32 to index
        %get3A_283 = tpu.vector_load %arg9[%get3A_281, %get3A_282] {strides = array<i32>} : memref<2x2560xi32, #tpu.memory_space<vmem>>, vector<16xi32>,
        %get3A_284 = arith.constant 1 : i32
        %get3A_285 = arith.index_cast %get3A_284 : i32 to index
        %get3A_286 = arith.index_cast %mul3A_186 : i32 to index
        %get3A_287 = tpu.vector_load %arg9[%get3A_285, %get3A_286] {strides = array<i32>} : memref<2x2560xi32, #tpu.memory_space<vmem>>, vector<16xi32>,
        %get3A_288 = arith.constant 1 : i32
        %get3A_289 = arith.index_cast %get3A_288 : i32 to index
        %get3A_290 = arith.index_cast %mul3A_192 : i32 to index
        %get3A_291 = tpu.vector_load %arg9[%get3A_289, %get3A_290] {strides = array<i32>} : memref<2x2560xi32, #tpu.memory_space<vmem>>, vector<16xi32>,
        %get3A_292 = arith.constant 1 : i32
        %get3A_293 = arith.index_cast %get3A_292 : i32 to index
        %get3A_294 = arith.index_cast %mul3A_198 : i32 to index
        %get3A_295 = tpu.vector_load %arg9[%get3A_293, %get3A_294] {strides = array<i32>} : memref<2x2560xi32, #tpu.memory_space<vmem>>, vector<16xi32>,
        %get3A_296 = arith.constant 1 : i32
        %get3A_297 = arith.index_cast %get3A_296 : i32 to index
        %get3A_298 = arith.index_cast %mul3A_204 : i32 to index
        %get3A_299 = tpu.vector_load %arg9[%get3A_297, %get3A_298] {strides = array<i32>} : memref<2x2560xi32, #tpu.memory_space<vmem>>, vector<16xi32>,
        %get3A_300 = arith.constant 1 : i32
        %get3A_301 = arith.index_cast %get3A_300 : i32 to index
        %get3A_302 = arith.index_cast %mul3A_210 : i32 to index
        %get3A_303 = tpu.vector_load %arg9[%get3A_301, %get3A_302] {strides = array<i32>} : memref<2x2560xi32, #tpu.memory_space<vmem>>, vector<16xi32>,
        %get3A_304 = arith.constant 1 : i32
        %get3A_305 = arith.index_cast %get3A_304 : i32 to index
        %get3A_306 = arith.index_cast %mul3A_216 : i32 to index
        %get3A_307 = tpu.vector_load %arg9[%get3A_305, %get3A_306] {strides = array<i32>} : memref<2x2560xi32, #tpu.memory_space<vmem>>, vector<16xi32>,
        %get3A_308 = arith.constant 1 : i32
        %get3A_309 = arith.index_cast %get3A_308 : i32 to index
        %get3A_310 = arith.index_cast %mul3A_222 : i32 to index
        %get3A_311 = tpu.vector_load %arg9[%get3A_309, %get3A_310] {strides = array<i32>} : memref<2x2560xi32, #tpu.memory_space<vmem>>, vector<16xi32>,
        %get3A_312 = arith.constant 1 : i32
        %get3A_313 = arith.index_cast %get3A_312 : i32 to index
        %get3A_314 = arith.index_cast %mul3A_228 : i32 to index
        %get3A_315 = tpu.vector_load %arg9[%get3A_313, %get3A_314] {strides = array<i32>} : memref<2x2560xi32, #tpu.memory_space<vmem>>, vector<16xi32>,
        %get3A_316 = arith.constant 1 : i32
        %get3A_317 = arith.index_cast %get3A_316 : i32 to index
        %get3A_318 = arith.index_cast %mul3A_234 : i32 to index
        %get3A_319 = tpu.vector_load %arg9[%get3A_317, %get3A_318] {strides = array<i32>} : memref<2x2560xi32, #tpu.memory_space<vmem>>, vector<16xi32>,
        %get3A_320 = arith.constant 1 : i32
        %get3A_321 = arith.index_cast %get3A_320 : i32 to index
        %get3A_322 = arith.index_cast %mul3A_240 : i32 to index
        %get3A_323 = tpu.vector_load %arg9[%get3A_321, %get3A_322] {strides = array<i32>} : memref<2x2560xi32, #tpu.memory_space<vmem>>, vector<16xi32>,
        %get3A_324 = arith.constant 1 : i32
        %get3A_325 = arith.index_cast %get3A_324 : i32 to index
        %get3A_326 = arith.index_cast %mul3A_246 : i32 to index
        %get3A_327 = tpu.vector_load %arg9[%get3A_325, %get3A_326] {strides = array<i32>} : memref<2x2560xi32, #tpu.memory_space<vmem>>, vector<16xi32>,
        %get3A_328 = arith.constant 1 : i32
        %get3A_329 = arith.index_cast %get3A_328 : i32 to index
        %get3A_330 = arith.index_cast %mul3A_252 : i32 to index
        %get3A_331 = tpu.vector_load %arg9[%get3A_329, %get3A_330] {strides = array<i32>} : memref<2x2560xi32, #tpu.memory_space<vmem>>, vector<16xi32>,
        %get3A_332 = arith.index_cast %mul3A_138 : i32 to index
        %get3A_333 = tpu.vector_load %arg7[%get3A_332] {strides = array<i32>} : memref<2560xf32, #tpu.memory_space<vmem>>, vector<16xf32>,
        %get3A_334 = arith.index_cast %mul3A_144 : i32 to index
        %get3A_335 = tpu.vector_load %arg7[%get3A_334] {strides = array<i32>} : memref<2560xf32, #tpu.memory_space<vmem>>, vector<16xf32>,
        %get3A_336 = arith.index_cast %mul3A_150 : i32 to index
        %get3A_337 = tpu.vector_load %arg7[%get3A_336] {strides = array<i32>} : memref<2560xf32, #tpu.memory_space<vmem>>, vector<16xf32>,
        %get3A_338 = arith.index_cast %mul3A_156 : i32 to index
        %get3A_339 = tpu.vector_load %arg7[%get3A_338] {strides = array<i32>} : memref<2560xf32, #tpu.memory_space<vmem>>, vector<16xf32>,
        %get3A_340 = arith.index_cast %mul3A_162 : i32 to index
        %get3A_341 = tpu.vector_load %arg7[%get3A_340] {strides = array<i32>} : memref<2560xf32, #tpu.memory_space<vmem>>, vector<16xf32>,
        %get3A_342 = arith.index_cast %mul3A_168 : i32 to index
        %get3A_343 = tpu.vector_load %arg7[%get3A_342] {strides = array<i32>} : memref<2560xf32, #tpu.memory_space<vmem>>, vector<16xf32>,
        %get3A_344 = arith.index_cast %mul3A_174 : i32 to index
        %get3A_345 = tpu.vector_load %arg7[%get3A_344] {strides = array<i32>} : memref<2560xf32, #tpu.memory_space<vmem>>, vector<16xf32>,
        %get3A_346 = arith.index_cast %mul3A_180 : i32 to index
        %get3A_347 = tpu.vector_load %arg7[%get3A_346] {strides = array<i32>} : memref<2560xf32, #tpu.memory_space<vmem>>, vector<16xf32>,
        %get3A_348 = arith.index_cast %mul3A_186 : i32 to index
        %get3A_349 = tpu.vector_load %arg7[%get3A_348] {strides = array<i32>} : memref<2560xf32, #tpu.memory_space<vmem>>, vector<16xf32>,
        %get3A_350 = arith.index_cast %mul3A_192 : i32 to index
        %get3A_351 = tpu.vector_load %arg7[%get3A_350] {strides = array<i32>} : memref<2560xf32, #tpu.memory_space<vmem>>, vector<16xf32>,
        %get3A_352 = arith.index_cast %mul3A_198 : i32 to index
        %get3A_353 = tpu.vector_load %arg7[%get3A_352] {strides = array<i32>} : memref<2560xf32, #tpu.memory_space<vmem>>, vector<16xf32>,
        %get3A_354 = arith.index_cast %mul3A_204 : i32 to index
        %get3A_355 = tpu.vector_load %arg7[%get3A_354] {strides = array<i32>} : memref<2560xf32, #tpu.memory_space<vmem>>, vector<16xf32>,
        %get3A_356 = arith.index_cast %mul3A_210 : i32 to index
        %get3A_357 = tpu.vector_load %arg7[%get3A_356] {strides = array<i32>} : memref<2560xf32, #tpu.memory_space<vmem>>, vector<16xf32>,
        %get3A_358 = arith.index_cast %mul3A_216 : i32 to index
        %get3A_359 = tpu.vector_load %arg7[%get3A_358] {strides = array<i32>} : memref<2560xf32, #tpu.memory_space<vmem>>, vector<16xf32>,
        %get3A_360 = arith.index_cast %mul3A_222 : i32 to index
        %get3A_361 = tpu.vector_load %arg7[%get3A_360] {strides = array<i32>} : memref<2560xf32, #tpu.memory_space<vmem>>, vector<16xf32>,
        %get3A_362 = arith.index_cast %mul3A_228 : i32 to index
        %get3A_363 = tpu.vector_load %arg7[%get3A_362] {strides = array<i32>} : memref<2560xf32, #tpu.memory_space<vmem>>, vector<16xf32>,
        %get3A_364 = arith.index_cast %mul3A_234 : i32 to index
        %get3A_365 = tpu.vector_load %arg7[%get3A_364] {strides = array<i32>} : memref<2560xf32, #tpu.memory_space<vmem>>, vector<16xf32>,
        %get3A_366 = arith.index_cast %mul3A_240 : i32 to index
        %get3A_367 = tpu.vector_load %arg7[%get3A_366] {strides = array<i32>} : memref<2560xf32, #tpu.memory_space<vmem>>, vector<16xf32>,
        %get3A_368 = arith.index_cast %mul3A_246 : i32 to index
        %get3A_369 = tpu.vector_load %arg7[%get3A_368] {strides = array<i32>} : memref<2560xf32, #tpu.memory_space<vmem>>, vector<16xf32>,
        %get3A_370 = arith.index_cast %mul3A_252 : i32 to index
        %get3A_371 = tpu.vector_load %arg7[%get3A_370] {strides = array<i32>} : memref<2560xf32, #tpu.memory_space<vmem>>, vector<16xf32>,
        %exp3A = math.exp %get3A_333 : vector<16xf32>
        %exp3A_372 = math.exp %get3A_335 : vector<16xf32>
        %exp3A_373 = math.exp %get3A_337 : vector<16xf32>
        %exp3A_374 = math.exp %get3A_339 : vector<16xf32>
        %exp3A_375 = math.exp %get3A_341 : vector<16xf32>
        %exp3A_376 = math.exp %get3A_343 : vector<16xf32>
        %exp3A_377 = math.exp %get3A_345 : vector<16xf32>
        %exp3A_378 = math.exp %get3A_347 : vector<16xf32>
        %exp3A_379 = math.exp %get3A_349 : vector<16xf32>
        %exp3A_380 = math.exp %get3A_351 : vector<16xf32>
        %exp3A_381 = math.exp %get3A_353 : vector<16xf32>
        %exp3A_382 = math.exp %get3A_355 : vector<16xf32>
        %exp3A_383 = math.exp %get3A_357 : vector<16xf32>
        %exp3A_384 = math.exp %get3A_359 : vector<16xf32>
        %exp3A_385 = math.exp %get3A_361 : vector<16xf32>
        %exp3A_386 = math.exp %get3A_363 : vector<16xf32>
        %exp3A_387 = math.exp %get3A_365 : vector<16xf32>
        %exp3A_388 = math.exp %get3A_367 : vector<16xf32>
        %exp3A_389 = math.exp %get3A_369 : vector<16xf32>
        %exp3A_390 = math.exp %get3A_371 : vector<16xf32>
        tpu.vector_store_idx %arg5[%get3A_255], %exp3A masked %broadcast_in_dim3A_115 {add = true} : memref<100352xf32, #tpu.memory_space<vmem>>[vector<16xi32>], vector<16xf32>, vector<16xi1>
        tpu.vector_store_idx %arg5[%get3A_259], %exp3A_372 masked %broadcast_in_dim3A_115 {add = true} : memref<100352xf32, #tpu.memory_space<vmem>>[vector<16xi32>], vector<16xf32>, vector<16xi1>
        tpu.vector_store_idx %arg5[%get3A_263], %exp3A_373 masked %broadcast_in_dim3A_115 {add = true} : memref<100352xf32, #tpu.memory_space<vmem>>[vector<16xi32>], vector<16xf32>, vector<16xi1>
        tpu.vector_store_idx %arg5[%get3A_267], %exp3A_374 masked %broadcast_in_dim3A_115 {add = true} : memref<100352xf32, #tpu.memory_space<vmem>>[vector<16xi32>], vector<16xf32>, vector<16xi1>
        tpu.vector_store_idx %arg5[%get3A_271], %exp3A_375 masked %broadcast_in_dim3A_115 {add = true} : memref<100352xf32, #tpu.memory_space<vmem>>[vector<16xi32>], vector<16xf32>, vector<16xi1>
        tpu.vector_store_idx %arg5[%get3A_275], %exp3A_376 masked %broadcast_in_dim3A_115 {add = true} : memref<100352xf32, #tpu.memory_space<vmem>>[vector<16xi32>], vector<16xf32>, vector<16xi1>
        tpu.vector_store_idx %arg5[%get3A_279], %exp3A_377 masked %broadcast_in_dim3A_115 {add = true} : memref<100352xf32, #tpu.memory_space<vmem>>[vector<16xi32>], vector<16xf32>, vector<16xi1>
        tpu.vector_store_idx %arg5[%get3A_283], %exp3A_378 masked %broadcast_in_dim3A_115 {add = true} : memref<100352xf32, #tpu.memory_space<vmem>>[vector<16xi32>], vector<16xf32>, vector<16xi1>
        tpu.vector_store_idx %arg5[%get3A_287], %exp3A_379 masked %broadcast_in_dim3A_115 {add = true} : memref<100352xf32, #tpu.memory_space<vmem>>[vector<16xi32>], vector<16xf32>, vector<16xi1>
        tpu.vector_store_idx %arg5[%get3A_291], %exp3A_380 masked %broadcast_in_dim3A_115 {add = true} : memref<100352xf32, #tpu.memory_space<vmem>>[vector<16xi32>], vector<16xf32>, vector<16xi1>
        tpu.vector_store_idx %arg5[%get3A_295], %exp3A_381 masked %broadcast_in_dim3A_115 {add = true} : memref<100352xf32, #tpu.memory_space<vmem>>[vector<16xi32>], vector<16xf32>, vector<16xi1>
        tpu.vector_store_idx %arg5[%get3A_299], %exp3A_382 masked %broadcast_in_dim3A_115 {add = true} : memref<100352xf32, #tpu.memory_space<vmem>>[vector<16xi32>], vector<16xf32>, vector<16xi1>
        tpu.vector_store_idx %arg5[%get3A_303], %exp3A_383 masked %broadcast_in_dim3A_115 {add = true} : memref<100352xf32, #tpu.memory_space<vmem>>[vector<16xi32>], vector<16xf32>, vector<16xi1>
        tpu.vector_store_idx %arg5[%get3A_307], %exp3A_384 masked %broadcast_in_dim3A_115 {add = true} : memref<100352xf32, #tpu.memory_space<vmem>>[vector<16xi32>], vector<16xf32>, vector<16xi1>
        tpu.vector_store_idx %arg5[%get3A_311], %exp3A_385 masked %broadcast_in_dim3A_115 {add = true} : memref<100352xf32, #tpu.memory_space<vmem>>[vector<16xi32>], vector<16xf32>, vector<16xi1>
        tpu.vector_store_idx %arg5[%get3A_315], %exp3A_386 masked %broadcast_in_dim3A_115 {add = true} : memref<100352xf32, #tpu.memory_space<vmem>>[vector<16xi32>], vector<16xf32>, vector<16xi1>
        tpu.vector_store_idx %arg5[%get3A_319], %exp3A_387 masked %broadcast_in_dim3A_115 {add = true} : memref<100352xf32, #tpu.memory_space<vmem>>[vector<16xi32>], vector<16xf32>, vector<16xi1>
        tpu.vector_store_idx %arg5[%get3A_323], %exp3A_388 masked %broadcast_in_dim3A_115 {add = true} : memref<100352xf32, #tpu.memory_space<vmem>>[vector<16xi32>], vector<16xf32>, vector<16xi1>
        tpu.vector_store_idx %arg5[%get3A_327], %exp3A_389 masked %broadcast_in_dim3A_115 {add = true} : memref<100352xf32, #tpu.memory_space<vmem>>[vector<16xi32>], vector<16xf32>, vector<16xi1>
        tpu.vector_store_idx %arg5[%get3A_331], %exp3A_390 masked %broadcast_in_dim3A_115 {add = true} : memref<100352xf32, #tpu.memory_space<vmem>>[vector<16xi32>], vector<16xf32>, vector<16xi1>
        %scan3A_391 = arith.constant 0 : i32
        scf.yield %scan3A_391 : i32
      }
      %scan3A_122 = arith.constant 8 : i32
      %add3A_123 = arith.constant 2 : i32
      %add3A_124 = arith.addi %add3A_103, %add3A_123 : i32
      %lt3A_125 = arith.constant 79 : i32
      %lt3A_126 = arith.cmpi slt, %add3A_124, %lt3A_125 : i32
      %convert_element_type3A_127 = arith.extui %lt3A_126 : i1 to i32
      %cond3A_128 = arith.constant 0 : i32
      %cond3A_129 = arith.cmpi ne, %convert_element_type3A_127, %cond3A_128 : i32
      scf.if %cond3A_129 {
        %add3A_131 = arith.constant 2 : i32
        %add3A_132 = arith.addi %add3A_103, %add3A_131 : i32
        %add3A_133 = arith.addi %add3A_4, %add3A_132 : i32
        %mul3A_134 = arith.constant 2560 : i32
        %mul3A_135 = arith.muli %add3A_133, %mul3A_134 : i32
        %min3A_136 = arith.constant 6397440 : i32
        %min3A_137 = arith.minsi %mul3A_135, %min3A_136 : i32
        %dma_start3A_138 = tpu.memref_slice %arg2[%min3A_137] : memref<6400000xf32, #tpu.memory_space<hbm>> -> memref<2560xf32, #tpu.memory_space<hbm>>
        %dma_start3A_139 = tpu.memref_slice %arg2[%min3A_137] : memref<6400000xf32, #tpu.memory_space<hbm>> -> memref<2560xf32, #tpu.memory_space<hbm>>
        tpu.enqueue_dma source(%dma_start3A_139 : memref<2560xf32, #tpu.memory_space<hbm>>) target(%arg7 : memref<2560xf32, #tpu.memory_space<vmem>>) target_semaphore(%arg11 : memref<!tpu.dma_semaphore, #tpu.memory_space<semaphore_mem>>)
        %dma_start3A_140 = arith.constant 0 : i32
        %dma_start3A_141 = tpu.memref_slice %arg3[%dma_start3A_140, %min3A_137] : memref<2x6400000xi32, #tpu.memory_space<hbm>> -> memref<2x2560xi32, #tpu.memory_space<hbm>>
        %dma_start3A_142 = arith.constant 0 : i32
        %dma_start3A_143 = tpu.memref_slice %arg3[%dma_start3A_142, %min3A_137] : memref<2x6400000xi32, #tpu.memory_space<hbm>> -> memref<2x2560xi32, #tpu.memory_space<hbm>>
        tpu.enqueue_dma source(%dma_start3A_143 : memref<2x2560xi32, #tpu.memory_space<hbm>>) target(%arg9 : memref<2x2560xi32, #tpu.memory_space<vmem>>) target_semaphore(%arg11 : memref<!tpu.dma_semaphore, #tpu.memory_space<semaphore_mem>>)
      } else {
      }
      %scan3A_130 = arith.constant 0 : i32
      scf.yield %scan3A_130 : i32
    }
    %scan3A_47 = arith.constant 39 : i32
    %dma_wait3A = arith.constant 0 : i32
    %dma_wait3A_48 = tpu.memref_slice %arg2[%dma_wait3A] : memref<6400000xf32, #tpu.memory_space<hbm>> -> memref<2560xf32, #tpu.memory_space<hbm>>
    %dma_wait3A_49 = arith.constant 0 : i32
    %dma_wait3A_50 = tpu.memref_slice %arg2[%dma_wait3A_49] : memref<6400000xf32, #tpu.memory_space<hbm>> -> memref<2560xf32, #tpu.memory_space<hbm>>
    tpu.wait_dma2 semaphore(%arg10 : memref<!tpu.dma_semaphore, #tpu.memory_space<semaphore_mem>>) src(%dma_wait3A_50 : memref<2560xf32, #tpu.memory_space<hbm>>) dst(%arg6 : memref<2560xf32, #tpu.memory_space<vmem>>)
    %dma_wait3A_51 = arith.constant 0 : i32
    %dma_wait3A_52 = arith.constant 0 : i32
    %dma_wait3A_53 = tpu.memref_slice %arg3[%dma_wait3A_51, %dma_wait3A_52] : memref<2x6400000xi32, #tpu.memory_space<hbm>> -> memref<2x2560xi32, #tpu.memory_space<hbm>>
    %dma_wait3A_54 = arith.constant 0 : i32
    %dma_wait3A_55 = arith.constant 0 : i32
    %dma_wait3A_56 = tpu.memref_slice %arg3[%dma_wait3A_54, %dma_wait3A_55] : memref<2x6400000xi32, #tpu.memory_space<hbm>> -> memref<2x2560xi32, #tpu.memory_space<hbm>>
    tpu.wait_dma2 semaphore(%arg10 : memref<!tpu.dma_semaphore, #tpu.memory_space<semaphore_mem>>) src(%dma_wait3A_56 : memref<2x2560xi32, #tpu.memory_space<hbm>>) dst(%arg8 : memref<2x2560xi32, #tpu.memory_space<vmem>>)
    %gt3A = arith.constant 78 : i32
    %gt3A_57 = arith.cmpi sgt, %add3A_10, %gt3A : i32
    %broadcast_in_dim3A_58 = vector.broadcast %gt3A_57 : i1 to vector<16xi1>
    %scan3A_59 = arith.constant 0 : i32
    %scan3A_60 = arith.constant 0 : i32
    %scan3A_61 = arith.constant 8 : i32
    %scan3A_62 = arith.addi %scan3A_60, %scan3A_61 : i32
    %scan3A_63 = arith.constant 1 : i32
    %scan3A_64 = scf.for %scan3A_69 = %scan3A_60 to %scan3A_62 step %scan3A_63 iter_args(%scan3A_70 = %scan3A_59) -> (i32)  : i32 {
      %mul3A_71 = arith.constant 20 : i32
      %mul3A_72 = arith.muli %scan3A_69, %mul3A_71 : i32
      %add3A_73 = arith.constant 0 : i32
      %add3A_74 = arith.addi %mul3A_72, %add3A_73 : i32
      %mul3A_75 = arith.constant 16 : i32
      %mul3A_76 = arith.muli %add3A_74, %mul3A_75 : i32
      %mul3A_77 = arith.constant 20 : i32
      %mul3A_78 = arith.muli %scan3A_69, %mul3A_77 : i32
      %add3A_79 = arith.constant 1 : i32
      %add3A_80 = arith.addi %mul3A_78, %add3A_79 : i32
      %mul3A_81 = arith.constant 16 : i32
      %mul3A_82 = arith.muli %add3A_80, %mul3A_81 : i32
      %mul3A_83 = arith.constant 20 : i32
      %mul3A_84 = arith.muli %scan3A_69, %mul3A_83 : i32
      %add3A_85 = arith.constant 2 : i32
      %add3A_86 = arith.addi %mul3A_84, %add3A_85 : i32
      %mul3A_87 = arith.constant 16 : i32
      %mul3A_88 = arith.muli %add3A_86, %mul3A_87 : i32
      %mul3A_89 = arith.constant 20 : i32
      %mul3A_90 = arith.muli %scan3A_69, %mul3A_89 : i32
      %add3A_91 = arith.constant 3 : i32
      %add3A_92 = arith.addi %mul3A_90, %add3A_91 : i32
      %mul3A_93 = arith.constant 16 : i32
      %mul3A_94 = arith.muli %add3A_92, %mul3A_93 : i32
      %mul3A_95 = arith.constant 20 : i32
      %mul3A_96 = arith.muli %scan3A_69, %mul3A_95 : i32
      %add3A_97 = arith.constant 4 : i32
      %add3A_98 = arith.addi %mul3A_96, %add3A_97 : i32
      %mul3A_99 = arith.constant 16 : i32
      %mul3A_100 = arith.muli %add3A_98, %mul3A_99 : i32
      %mul3A_101 = arith.constant 20 : i32
      %mul3A_102 = arith.muli %scan3A_69, %mul3A_101 : i32
      %add3A_103 = arith.constant 5 : i32
      %add3A_104 = arith.addi %mul3A_102, %add3A_103 : i32
      %mul3A_105 = arith.constant 16 : i32
      %mul3A_106 = arith.muli %add3A_104, %mul3A_105 : i32
      %mul3A_107 = arith.constant 20 : i32
      %mul3A_108 = arith.muli %scan3A_69, %mul3A_107 : i32
      %add3A_109 = arith.constant 6 : i32
      %add3A_110 = arith.addi %mul3A_108, %add3A_109 : i32
      %mul3A_111 = arith.constant 16 : i32
      %mul3A_112 = arith.muli %add3A_110, %mul3A_111 : i32
      %mul3A_113 = arith.constant 20 : i32
      %mul3A_114 = arith.muli %scan3A_69, %mul3A_113 : i32
      %add3A_115 = arith.constant 7 : i32
      %add3A_116 = arith.addi %mul3A_114, %add3A_115 : i32
      %mul3A_117 = arith.constant 16 : i32
      %mul3A_118 = arith.muli %add3A_116, %mul3A_117 : i32
      %mul3A_119 = arith.constant 20 : i32
      %mul3A_120 = arith.muli %scan3A_69, %mul3A_119 : i32
      %add3A_121 = arith.constant 8 : i32
      %add3A_122 = arith.addi %mul3A_120, %add3A_121 : i32
      %mul3A_123 = arith.constant 16 : i32
      %mul3A_124 = arith.muli %add3A_122, %mul3A_123 : i32
      %mul3A_125 = arith.constant 20 : i32
      %mul3A_126 = arith.muli %scan3A_69, %mul3A_125 : i32
      %add3A_127 = arith.constant 9 : i32
      %add3A_128 = arith.addi %mul3A_126, %add3A_127 : i32
      %mul3A_129 = arith.constant 16 : i32
      %mul3A_130 = arith.muli %add3A_128, %mul3A_129 : i32
      %mul3A_131 = arith.constant 20 : i32
      %mul3A_132 = arith.muli %scan3A_69, %mul3A_131 : i32
      %add3A_133 = arith.constant 10 : i32
      %add3A_134 = arith.addi %mul3A_132, %add3A_133 : i32
      %mul3A_135 = arith.constant 16 : i32
      %mul3A_136 = arith.muli %add3A_134, %mul3A_135 : i32
      %mul3A_137 = arith.constant 20 : i32
      %mul3A_138 = arith.muli %scan3A_69, %mul3A_137 : i32
      %add3A_139 = arith.constant 11 : i32
      %add3A_140 = arith.addi %mul3A_138, %add3A_139 : i32
      %mul3A_141 = arith.constant 16 : i32
      %mul3A_142 = arith.muli %add3A_140, %mul3A_141 : i32
      %mul3A_143 = arith.constant 20 : i32
      %mul3A_144 = arith.muli %scan3A_69, %mul3A_143 : i32
      %add3A_145 = arith.constant 12 : i32
      %add3A_146 = arith.addi %mul3A_144, %add3A_145 : i32
      %mul3A_147 = arith.constant 16 : i32
      %mul3A_148 = arith.muli %add3A_146, %mul3A_147 : i32
      %mul3A_149 = arith.constant 20 : i32
      %mul3A_150 = arith.muli %scan3A_69, %mul3A_149 : i32
      %add3A_151 = arith.constant 13 : i32
      %add3A_152 = arith.addi %mul3A_150, %add3A_151 : i32
      %mul3A_153 = arith.constant 16 : i32
      %mul3A_154 = arith.muli %add3A_152, %mul3A_153 : i32
      %mul3A_155 = arith.constant 20 : i32
      %mul3A_156 = arith.muli %scan3A_69, %mul3A_155 : i32
      %add3A_157 = arith.constant 14 : i32
      %add3A_158 = arith.addi %mul3A_156, %add3A_157 : i32
      %mul3A_159 = arith.constant 16 : i32
      %mul3A_160 = arith.muli %add3A_158, %mul3A_159 : i32
      %mul3A_161 = arith.constant 20 : i32
      %mul3A_162 = arith.muli %scan3A_69, %mul3A_161 : i32
      %add3A_163 = arith.constant 15 : i32
      %add3A_164 = arith.addi %mul3A_162, %add3A_163 : i32
      %mul3A_165 = arith.constant 16 : i32
      %mul3A_166 = arith.muli %add3A_164, %mul3A_165 : i32
      %mul3A_167 = arith.constant 20 : i32
      %mul3A_168 = arith.muli %scan3A_69, %mul3A_167 : i32
      %add3A_169 = arith.constant 16 : i32
      %add3A_170 = arith.addi %mul3A_168, %add3A_169 : i32
      %mul3A_171 = arith.constant 16 : i32
      %mul3A_172 = arith.muli %add3A_170, %mul3A_171 : i32
      %mul3A_173 = arith.constant 20 : i32
      %mul3A_174 = arith.muli %scan3A_69, %mul3A_173 : i32
      %add3A_175 = arith.constant 17 : i32
      %add3A_176 = arith.addi %mul3A_174, %add3A_175 : i32
      %mul3A_177 = arith.constant 16 : i32
      %mul3A_178 = arith.muli %add3A_176, %mul3A_177 : i32
      %mul3A_179 = arith.constant 20 : i32
      %mul3A_180 = arith.muli %scan3A_69, %mul3A_179 : i32
      %add3A_181 = arith.constant 18 : i32
      %add3A_182 = arith.addi %mul3A_180, %add3A_181 : i32
      %mul3A_183 = arith.constant 16 : i32
      %mul3A_184 = arith.muli %add3A_182, %mul3A_183 : i32
      %mul3A_185 = arith.constant 20 : i32
      %mul3A_186 = arith.muli %scan3A_69, %mul3A_185 : i32
      %add3A_187 = arith.constant 19 : i32
      %add3A_188 = arith.addi %mul3A_186, %add3A_187 : i32
      %mul3A_189 = arith.constant 16 : i32
      %mul3A_190 = arith.muli %add3A_188, %mul3A_189 : i32
      %get3A = arith.constant 1 : i32
      %get3A_191 = arith.index_cast %get3A : i32 to index
      %get3A_192 = arith.index_cast %mul3A_76 : i32 to index
      %get3A_193 = tpu.vector_load %arg8[%get3A_191, %get3A_192] {strides = array<i32>} : memref<2x2560xi32, #tpu.memory_space<vmem>>, vector<16xi32>,
      %get3A_194 = arith.constant 1 : i32
      %get3A_195 = arith.index_cast %get3A_194 : i32 to index
      %get3A_196 = arith.index_cast %mul3A_82 : i32 to index
      %get3A_197 = tpu.vector_load %arg8[%get3A_195, %get3A_196] {strides = array<i32>} : memref<2x2560xi32, #tpu.memory_space<vmem>>, vector<16xi32>,
      %get3A_198 = arith.constant 1 : i32
      %get3A_199 = arith.index_cast %get3A_198 : i32 to index
      %get3A_200 = arith.index_cast %mul3A_88 : i32 to index
      %get3A_201 = tpu.vector_load %arg8[%get3A_199, %get3A_200] {strides = array<i32>} : memref<2x2560xi32, #tpu.memory_space<vmem>>, vector<16xi32>,
      %get3A_202 = arith.constant 1 : i32
      %get3A_203 = arith.index_cast %get3A_202 : i32 to index
      %get3A_204 = arith.index_cast %mul3A_94 : i32 to index
      %get3A_205 = tpu.vector_load %arg8[%get3A_203, %get3A_204] {strides = array<i32>} : memref<2x2560xi32, #tpu.memory_space<vmem>>, vector<16xi32>,
      %get3A_206 = arith.constant 1 : i32
      %get3A_207 = arith.index_cast %get3A_206 : i32 to index
      %get3A_208 = arith.index_cast %mul3A_100 : i32 to index
      %get3A_209 = tpu.vector_load %arg8[%get3A_207, %get3A_208] {strides = array<i32>} : memref<2x2560xi32, #tpu.memory_space<vmem>>, vector<16xi32>,
      %get3A_210 = arith.constant 1 : i32
      %get3A_211 = arith.index_cast %get3A_210 : i32 to index
      %get3A_212 = arith.index_cast %mul3A_106 : i32 to index
      %get3A_213 = tpu.vector_load %arg8[%get3A_211, %get3A_212] {strides = array<i32>} : memref<2x2560xi32, #tpu.memory_space<vmem>>, vector<16xi32>,
      %get3A_214 = arith.constant 1 : i32
      %get3A_215 = arith.index_cast %get3A_214 : i32 to index
      %get3A_216 = arith.index_cast %mul3A_112 : i32 to index
      %get3A_217 = tpu.vector_load %arg8[%get3A_215, %get3A_216] {strides = array<i32>} : memref<2x2560xi32, #tpu.memory_space<vmem>>, vector<16xi32>,
      %get3A_218 = arith.constant 1 : i32
      %get3A_219 = arith.index_cast %get3A_218 : i32 to index
      %get3A_220 = arith.index_cast %mul3A_118 : i32 to index
      %get3A_221 = tpu.vector_load %arg8[%get3A_219, %get3A_220] {strides = array<i32>} : memref<2x2560xi32, #tpu.memory_space<vmem>>, vector<16xi32>,
      %get3A_222 = arith.constant 1 : i32
      %get3A_223 = arith.index_cast %get3A_222 : i32 to index
      %get3A_224 = arith.index_cast %mul3A_124 : i32 to index
      %get3A_225 = tpu.vector_load %arg8[%get3A_223, %get3A_224] {strides = array<i32>} : memref<2x2560xi32, #tpu.memory_space<vmem>>, vector<16xi32>,
      %get3A_226 = arith.constant 1 : i32
      %get3A_227 = arith.index_cast %get3A_226 : i32 to index
      %get3A_228 = arith.index_cast %mul3A_130 : i32 to index
      %get3A_229 = tpu.vector_load %arg8[%get3A_227, %get3A_228] {strides = array<i32>} : memref<2x2560xi32, #tpu.memory_space<vmem>>, vector<16xi32>,
      %get3A_230 = arith.constant 1 : i32
      %get3A_231 = arith.index_cast %get3A_230 : i32 to index
      %get3A_232 = arith.index_cast %mul3A_136 : i32 to index
      %get3A_233 = tpu.vector_load %arg8[%get3A_231, %get3A_232] {strides = array<i32>} : memref<2x2560xi32, #tpu.memory_space<vmem>>, vector<16xi32>,
      %get3A_234 = arith.constant 1 : i32
      %get3A_235 = arith.index_cast %get3A_234 : i32 to index
      %get3A_236 = arith.index_cast %mul3A_142 : i32 to index
      %get3A_237 = tpu.vector_load %arg8[%get3A_235, %get3A_236] {strides = array<i32>} : memref<2x2560xi32, #tpu.memory_space<vmem>>, vector<16xi32>,
      %get3A_238 = arith.constant 1 : i32
      %get3A_239 = arith.index_cast %get3A_238 : i32 to index
      %get3A_240 = arith.index_cast %mul3A_148 : i32 to index
      %get3A_241 = tpu.vector_load %arg8[%get3A_239, %get3A_240] {strides = array<i32>} : memref<2x2560xi32, #tpu.memory_space<vmem>>, vector<16xi32>,
      %get3A_242 = arith.constant 1 : i32
      %get3A_243 = arith.index_cast %get3A_242 : i32 to index
      %get3A_244 = arith.index_cast %mul3A_154 : i32 to index
      %get3A_245 = tpu.vector_load %arg8[%get3A_243, %get3A_244] {strides = array<i32>} : memref<2x2560xi32, #tpu.memory_space<vmem>>, vector<16xi32>,
      %get3A_246 = arith.constant 1 : i32
      %get3A_247 = arith.index_cast %get3A_246 : i32 to index
      %get3A_248 = arith.index_cast %mul3A_160 : i32 to index
      %get3A_249 = tpu.vector_load %arg8[%get3A_247, %get3A_248] {strides = array<i32>} : memref<2x2560xi32, #tpu.memory_space<vmem>>, vector<16xi32>,
      %get3A_250 = arith.constant 1 : i32
      %get3A_251 = arith.index_cast %get3A_250 : i32 to index
      %get3A_252 = arith.index_cast %mul3A_166 : i32 to index
      %get3A_253 = tpu.vector_load %arg8[%get3A_251, %get3A_252] {strides = array<i32>} : memref<2x2560xi32, #tpu.memory_space<vmem>>, vector<16xi32>,
      %get3A_254 = arith.constant 1 : i32
      %get3A_255 = arith.index_cast %get3A_254 : i32 to index
      %get3A_256 = arith.index_cast %mul3A_172 : i32 to index
      %get3A_257 = tpu.vector_load %arg8[%get3A_255, %get3A_256] {strides = array<i32>} : memref<2x2560xi32, #tpu.memory_space<vmem>>, vector<16xi32>,
      %get3A_258 = arith.constant 1 : i32
      %get3A_259 = arith.index_cast %get3A_258 : i32 to index
      %get3A_260 = arith.index_cast %mul3A_178 : i32 to index
      %get3A_261 = tpu.vector_load %arg8[%get3A_259, %get3A_260] {strides = array<i32>} : memref<2x2560xi32, #tpu.memory_space<vmem>>, vector<16xi32>,
      %get3A_262 = arith.constant 1 : i32
      %get3A_263 = arith.index_cast %get3A_262 : i32 to index
      %get3A_264 = arith.index_cast %mul3A_184 : i32 to index
      %get3A_265 = tpu.vector_load %arg8[%get3A_263, %get3A_264] {strides = array<i32>} : memref<2x2560xi32, #tpu.memory_space<vmem>>, vector<16xi32>,
      %get3A_266 = arith.constant 1 : i32
      %get3A_267 = arith.index_cast %get3A_266 : i32 to index
      %get3A_268 = arith.index_cast %mul3A_190 : i32 to index
      %get3A_269 = tpu.vector_load %arg8[%get3A_267, %get3A_268] {strides = array<i32>} : memref<2x2560xi32, #tpu.memory_space<vmem>>, vector<16xi32>,
      %get3A_270 = arith.index_cast %mul3A_76 : i32 to index
      %get3A_271 = tpu.vector_load %arg6[%get3A_270] {strides = array<i32>} : memref<2560xf32, #tpu.memory_space<vmem>>, vector<16xf32>,
      %get3A_272 = arith.index_cast %mul3A_82 : i32 to index
      %get3A_273 = tpu.vector_load %arg6[%get3A_272] {strides = array<i32>} : memref<2560xf32, #tpu.memory_space<vmem>>, vector<16xf32>,
      %get3A_274 = arith.index_cast %mul3A_88 : i32 to index
      %get3A_275 = tpu.vector_load %arg6[%get3A_274] {strides = array<i32>} : memref<2560xf32, #tpu.memory_space<vmem>>, vector<16xf32>,
      %get3A_276 = arith.index_cast %mul3A_94 : i32 to index
      %get3A_277 = tpu.vector_load %arg6[%get3A_276] {strides = array<i32>} : memref<2560xf32, #tpu.memory_space<vmem>>, vector<16xf32>,
      %get3A_278 = arith.index_cast %mul3A_100 : i32 to index
      %get3A_279 = tpu.vector_load %arg6[%get3A_278] {strides = array<i32>} : memref<2560xf32, #tpu.memory_space<vmem>>, vector<16xf32>,
      %get3A_280 = arith.index_cast %mul3A_106 : i32 to index
      %get3A_281 = tpu.vector_load %arg6[%get3A_280] {strides = array<i32>} : memref<2560xf32, #tpu.memory_space<vmem>>, vector<16xf32>,
      %get3A_282 = arith.index_cast %mul3A_112 : i32 to index
      %get3A_283 = tpu.vector_load %arg6[%get3A_282] {strides = array<i32>} : memref<2560xf32, #tpu.memory_space<vmem>>, vector<16xf32>,
      %get3A_284 = arith.index_cast %mul3A_118 : i32 to index
      %get3A_285 = tpu.vector_load %arg6[%get3A_284] {strides = array<i32>} : memref<2560xf32, #tpu.memory_space<vmem>>, vector<16xf32>,
      %get3A_286 = arith.index_cast %mul3A_124 : i32 to index
      %get3A_287 = tpu.vector_load %arg6[%get3A_286] {strides = array<i32>} : memref<2560xf32, #tpu.memory_space<vmem>>, vector<16xf32>,
      %get3A_288 = arith.index_cast %mul3A_130 : i32 to index
      %get3A_289 = tpu.vector_load %arg6[%get3A_288] {strides = array<i32>} : memref<2560xf32, #tpu.memory_space<vmem>>, vector<16xf32>,
      %get3A_290 = arith.index_cast %mul3A_136 : i32 to index
      %get3A_291 = tpu.vector_load %arg6[%get3A_290] {strides = array<i32>} : memref<2560xf32, #tpu.memory_space<vmem>>, vector<16xf32>,
      %get3A_292 = arith.index_cast %mul3A_142 : i32 to index
      %get3A_293 = tpu.vector_load %arg6[%get3A_292] {strides = array<i32>} : memref<2560xf32, #tpu.memory_space<vmem>>, vector<16xf32>,
      %get3A_294 = arith.index_cast %mul3A_148 : i32 to index
      %get3A_295 = tpu.vector_load %arg6[%get3A_294] {strides = array<i32>} : memref<2560xf32, #tpu.memory_space<vmem>>, vector<16xf32>,
      %get3A_296 = arith.index_cast %mul3A_154 : i32 to index
      %get3A_297 = tpu.vector_load %arg6[%get3A_296] {strides = array<i32>} : memref<2560xf32, #tpu.memory_space<vmem>>, vector<16xf32>,
      %get3A_298 = arith.index_cast %mul3A_160 : i32 to index
      %get3A_299 = tpu.vector_load %arg6[%get3A_298] {strides = array<i32>} : memref<2560xf32, #tpu.memory_space<vmem>>, vector<16xf32>,
      %get3A_300 = arith.index_cast %mul3A_166 : i32 to index
      %get3A_301 = tpu.vector_load %arg6[%get3A_300] {strides = array<i32>} : memref<2560xf32, #tpu.memory_space<vmem>>, vector<16xf32>,
      %get3A_302 = arith.index_cast %mul3A_172 : i32 to index
      %get3A_303 = tpu.vector_load %arg6[%get3A_302] {strides = array<i32>} : memref<2560xf32, #tpu.memory_space<vmem>>, vector<16xf32>,
      %get3A_304 = arith.index_cast %mul3A_178 : i32 to index
      %get3A_305 = tpu.vector_load %arg6[%get3A_304] {strides = array<i32>} : memref<2560xf32, #tpu.memory_space<vmem>>, vector<16xf32>,
      %get3A_306 = arith.index_cast %mul3A_184 : i32 to index
      %get3A_307 = tpu.vector_load %arg6[%get3A_306] {strides = array<i32>} : memref<2560xf32, #tpu.memory_space<vmem>>, vector<16xf32>,
      %get3A_308 = arith.index_cast %mul3A_190 : i32 to index
      %get3A_309 = tpu.vector_load %arg6[%get3A_308] {strides = array<i32>} : memref<2560xf32, #tpu.memory_space<vmem>>, vector<16xf32>,
      %exp3A = math.exp %get3A_271 : vector<16xf32>
      %exp3A_310 = math.exp %get3A_273 : vector<16xf32>
      %exp3A_311 = math.exp %get3A_275 : vector<16xf32>
      %exp3A_312 = math.exp %get3A_277 : vector<16xf32>
      %exp3A_313 = math.exp %get3A_279 : vector<16xf32>
      %exp3A_314 = math.exp %get3A_281 : vector<16xf32>
      %exp3A_315 = math.exp %get3A_283 : vector<16xf32>
      %exp3A_316 = math.exp %get3A_285 : vector<16xf32>
      %exp3A_317 = math.exp %get3A_287 : vector<16xf32>
      %exp3A_318 = math.exp %get3A_289 : vector<16xf32>
      %exp3A_319 = math.exp %get3A_291 : vector<16xf32>
      %exp3A_320 = math.exp %get3A_293 : vector<16xf32>
      %exp3A_321 = math.exp %get3A_295 : vector<16xf32>
      %exp3A_322 = math.exp %get3A_297 : vector<16xf32>
      %exp3A_323 = math.exp %get3A_299 : vector<16xf32>
      %exp3A_324 = math.exp %get3A_301 : vector<16xf32>
      %exp3A_325 = math.exp %get3A_303 : vector<16xf32>
      %exp3A_326 = math.exp %get3A_305 : vector<16xf32>
      %exp3A_327 = math.exp %get3A_307 : vector<16xf32>
      %exp3A_328 = math.exp %get3A_309 : vector<16xf32>
      tpu.vector_store_idx %arg5[%get3A_193], %exp3A masked %broadcast_in_dim3A_58 {add = true} : memref<100352xf32, #tpu.memory_space<vmem>>[vector<16xi32>], vector<16xf32>, vector<16xi1>
      tpu.vector_store_idx %arg5[%get3A_197], %exp3A_310 masked %broadcast_in_dim3A_58 {add = true} : memref<100352xf32, #tpu.memory_space<vmem>>[vector<16xi32>], vector<16xf32>, vector<16xi1>
      tpu.vector_store_idx %arg5[%get3A_201], %exp3A_311 masked %broadcast_in_dim3A_58 {add = true} : memref<100352xf32, #tpu.memory_space<vmem>>[vector<16xi32>], vector<16xf32>, vector<16xi1>
      tpu.vector_store_idx %arg5[%get3A_205], %exp3A_312 masked %broadcast_in_dim3A_58 {add = true} : memref<100352xf32, #tpu.memory_space<vmem>>[vector<16xi32>], vector<16xf32>, vector<16xi1>
      tpu.vector_store_idx %arg5[%get3A_209], %exp3A_313 masked %broadcast_in_dim3A_58 {add = true} : memref<100352xf32, #tpu.memory_space<vmem>>[vector<16xi32>], vector<16xf32>, vector<16xi1>
      tpu.vector_store_idx %arg5[%get3A_213], %exp3A_314 masked %broadcast_in_dim3A_58 {add = true} : memref<100352xf32, #tpu.memory_space<vmem>>[vector<16xi32>], vector<16xf32>, vector<16xi1>
      tpu.vector_store_idx %arg5[%get3A_217], %exp3A_315 masked %broadcast_in_dim3A_58 {add = true} : memref<100352xf32, #tpu.memory_space<vmem>>[vector<16xi32>], vector<16xf32>, vector<16xi1>
      tpu.vector_store_idx %arg5[%get3A_221], %exp3A_316 masked %broadcast_in_dim3A_58 {add = true} : memref<100352xf32, #tpu.memory_space<vmem>>[vector<16xi32>], vector<16xf32>, vector<16xi1>
      tpu.vector_store_idx %arg5[%get3A_225], %exp3A_317 masked %broadcast_in_dim3A_58 {add = true} : memref<100352xf32, #tpu.memory_space<vmem>>[vector<16xi32>], vector<16xf32>, vector<16xi1>
      tpu.vector_store_idx %arg5[%get3A_229], %exp3A_318 masked %broadcast_in_dim3A_58 {add = true} : memref<100352xf32, #tpu.memory_space<vmem>>[vector<16xi32>], vector<16xf32>, vector<16xi1>
      tpu.vector_store_idx %arg5[%get3A_233], %exp3A_319 masked %broadcast_in_dim3A_58 {add = true} : memref<100352xf32, #tpu.memory_space<vmem>>[vector<16xi32>], vector<16xf32>, vector<16xi1>
      tpu.vector_store_idx %arg5[%get3A_237], %exp3A_320 masked %broadcast_in_dim3A_58 {add = true} : memref<100352xf32, #tpu.memory_space<vmem>>[vector<16xi32>], vector<16xf32>, vector<16xi1>
      tpu.vector_store_idx %arg5[%get3A_241], %exp3A_321 masked %broadcast_in_dim3A_58 {add = true} : memref<100352xf32, #tpu.memory_space<vmem>>[vector<16xi32>], vector<16xf32>, vector<16xi1>
      tpu.vector_store_idx %arg5[%get3A_245], %exp3A_322 masked %broadcast_in_dim3A_58 {add = true} : memref<100352xf32, #tpu.memory_space<vmem>>[vector<16xi32>], vector<16xf32>, vector<16xi1>
      tpu.vector_store_idx %arg5[%get3A_249], %exp3A_323 masked %broadcast_in_dim3A_58 {add = true} : memref<100352xf32, #tpu.memory_space<vmem>>[vector<16xi32>], vector<16xf32>, vector<16xi1>
      tpu.vector_store_idx %arg5[%get3A_253], %exp3A_324 masked %broadcast_in_dim3A_58 {add = true} : memref<100352xf32, #tpu.memory_space<vmem>>[vector<16xi32>], vector<16xf32>, vector<16xi1>
      tpu.vector_store_idx %arg5[%get3A_257], %exp3A_325 masked %broadcast_in_dim3A_58 {add = true} : memref<100352xf32, #tpu.memory_space<vmem>>[vector<16xi32>], vector<16xf32>, vector<16xi1>
      tpu.vector_store_idx %arg5[%get3A_261], %exp3A_326 masked %broadcast_in_dim3A_58 {add = true} : memref<100352xf32, #tpu.memory_space<vmem>>[vector<16xi32>], vector<16xf32>, vector<16xi1>
      tpu.vector_store_idx %arg5[%get3A_265], %exp3A_327 masked %broadcast_in_dim3A_58 {add = true} : memref<100352xf32, #tpu.memory_space<vmem>>[vector<16xi32>], vector<16xf32>, vector<16xi1>
      tpu.vector_store_idx %arg5[%get3A_269], %exp3A_328 masked %broadcast_in_dim3A_58 {add = true} : memref<100352xf32, #tpu.memory_space<vmem>>[vector<16xi32>], vector<16xf32>, vector<16xi1>
      %scan3A_329 = arith.constant 0 : i32
      scf.yield %scan3A_329 : i32
    }
    %scan3A_65 = arith.constant 8 : i32
    %mul3A_66 = arith.constant 2 : i32
    %mul3A_67 = arith.muli %arg1, %mul3A_66 : i32
    %add3A_68 = arith.addi %mul3A_67, %arg0 : i32
    "tpu.region"() ({
      %run_scoped3A = tpu.sem_alloc : memref<!tpu.dma_semaphore, #tpu.memory_space<semaphore_mem>>
      %dma_start3A_69 = arith.constant 0 : i32
      %dma_start3A_70 = tpu.memref_slice %arg4[%add3A_68, %dma_start3A_69] : memref<32x100352xf32, #tpu.memory_space<hbm>> -> memref<1x100352xf32, #tpu.memory_space<hbm>>
      %dma_start3A_71 = tpu.memref_squeeze %dma_start3A_70 : memref<1x100352xf32, #tpu.memory_space<hbm>> -> memref<100352xf32, #tpu.memory_space<hbm>>
      %dma_start3A_72 = arith.constant 0 : i32
      %dma_start3A_73 = tpu.memref_slice %arg4[%add3A_68, %dma_start3A_72] : memref<32x100352xf32, #tpu.memory_space<hbm>> -> memref<1x100352xf32, #tpu.memory_space<hbm>>
      %dma_start3A_74 = tpu.memref_squeeze %dma_start3A_73 : memref<1x100352xf32, #tpu.memory_space<hbm>> -> memref<100352xf32, #tpu.memory_space<hbm>>
      tpu.enqueue_dma source(%arg5 : memref<100352xf32, #tpu.memory_space<vmem>>) target(%dma_start3A_74 : memref<100352xf32, #tpu.memory_space<hbm>>) target_semaphore(%run_scoped3A : memref<!tpu.dma_semaphore, #tpu.memory_space<semaphore_mem>>)
      %dma_wait3A_75 = arith.constant 0 : i32
      %dma_wait3A_76 = tpu.memref_slice %arg4[%add3A_68, %dma_wait3A_75] : memref<32x100352xf32, #tpu.memory_space<hbm>> -> memref<1x100352xf32, #tpu.memory_space<hbm>>
      %dma_wait3A_77 = tpu.memref_squeeze %dma_wait3A_76 : memref<1x100352xf32, #tpu.memory_space<hbm>> -> memref<100352xf32, #tpu.memory_space<hbm>>
      %dma_wait3A_78 = arith.constant 0 : i32
      %dma_wait3A_79 = tpu.memref_slice %arg4[%add3A_68, %dma_wait3A_78] : memref<32x100352xf32, #tpu.memory_space<hbm>> -> memref<1x100352xf32, #tpu.memory_space<hbm>>
      %dma_wait3A_80 = tpu.memref_squeeze %dma_wait3A_79 : memref<1x100352xf32, #tpu.memory_space<hbm>> -> memref<100352xf32, #tpu.memory_space<hbm>>
      tpu.wait_dma2 semaphore(%run_scoped3A : memref<!tpu.dma_semaphore, #tpu.memory_space<semaphore_mem>>) src(%arg5 : memref<100352xf32, #tpu.memory_space<vmem>>) dst(%dma_wait3A_80 : memref<100352xf32, #tpu.memory_space<hbm>>)
      tpu.yield
    }) : () -> ()
    return
  }
}

module attributes {stable_mosaic.version = 14 : i64} {
  func.func @_tc_reduce_kernel(%arg0: i32, %arg1: memref<32x1024xf32, #tpu.memory_space<vmem>>, %arg2: memref<8x128xf32, #tpu.memory_space<vmem>>) attributes {dimension_semantics = [#tpu.dimension_semantics<arbitrary>], iteration_bounds = array<i64: 98>, scalar_prefetch = 0 : i64, scratch_operands = 0 : i64, tpu.core_type = #tpu.core_type<tc>, window_params = [{transform_indices = @transform_0, window_bounds = array<i64: 32, 1024>}, {transform_indices = @transform_1, window_bounds = array<i64: 8, 128>}]} {
    %get3A = arith.constant 0 : index
    %get3A_0 = arith.constant 0 : index
    %get3A_1 = vector.load %arg1[%get3A, %get3A_0] : memref<32x1024xf32, #tpu.memory_space<vmem>>, vector<32x1024xf32>
    %reduce_sum3A = arith.constant dense<0.000000e+00> : vector<1024xf32>
    %reduce_sum3A_2 = vector.multi_reduction <add>, %get3A_1, %reduce_sum3A [0] : vector<32x1024xf32> to vector<1024xf32>
    %reshape3A = vector.shape_cast %reduce_sum3A_2 : vector<1024xf32> to vector<8x128xf32>
    %add3A = arith.constant 1.000000e-16 : f32
    %add3A_3 = vector.broadcast %add3A : f32 to vector<8x128xf32>
    %add3A_4 = arith.addf %reshape3A, %add3A_3 : vector<8x128xf32>
    %div3A = arith.constant 1.000000e+00 : f32
    %div3A_5 = vector.broadcast %div3A : f32 to vector<8x128xf32>
    %div3A_6 = arith.divf %div3A_5, %add3A_4 : vector<8x128xf32>
    %swap3A = arith.constant 0 : index
    %swap3A_7 = arith.constant 0 : index
    %swap3A_8 = vector.load %arg2[%swap3A, %swap3A_7] : memref<8x128xf32, #tpu.memory_space<vmem>>, vector<8x128xf32>
    tpu.vector_store %arg2[%swap3A, %swap3A_7], %div3A_6 {strides = array<i32>} : memref<8x128xf32, #tpu.memory_space<vmem>>, vector<8x128xf32>,
    return
  }
  func.func @transform_0(%arg0: i32) -> (i32, i32) {
    %c0_i32 = arith.constant 0 : i32
    %c0_i32_0 = arith.constant 0 : i32
    return %c0_i32, %arg0 : i32, i32
  }
  func.func @transform_1(%arg0: i32) -> (i32, i32) {
    %c0_i32 = arith.constant 0 : i32
    %c0_i32_0 = arith.constant 0 : i32
    return %arg0, %c0_i32 : i32, i32
  }
}

</mosaic_0001>

<sc_bundles>
// kernel: kernel.5.cloned.1.call-start
scs
__scs_entry_jumppad:
0x0: {  	(pc) =	sbr.rel $0x88, $3  }
0x1: {  	(tag) =	ssettag $0x0;
	lr =	simm.s32 $0x1  }
0x2: {  	[smem:$0x3F9F] =	sst lr;
	_ =	strace $0xD0000000  }
0x3: {  	_ = 	snop  }
0x4: {  	_ = 	snop  }
0x5: {  	_ = 	snop  }
0x6: {  	_ = 	snop  }
0x7: {  	_ = 	snop  }
__scs_overlays_trampoline_lowered:
0x8: {  	[smem:$0x3FAE] =	sst s0  }
0x9: {  	[smem:$0x3FAF] =	sst s1  }
0xa: {  	[smem:$0x3FB0] =	sst s2  }
0xb: {  	[smem:$0x3FB1] =	sst s3  }
0xc: {  	[smem:$0x3FB2] =	sst s4  }
0xd: {  	[smem:$0x3FB3] =	sst s5  }
0xe: {  	[smem:$0x3FB4] =	sst s6  }
0xf: {  	[smem:$0x3FB5] =	sst s7  }
0x10: {  	[smem:$0x3FB6] =	sst s8  }
0x11: {  	[smem:$0x3FB7] =	sst s9;
	s0 =	simm.s32 @!p0 $0x0  }
0x12: {  	s1 =	sld [smem:$0x3F9D];
	s0 =	simm.s32 @p0 $0x1  }
0x13: {  	[smem:$0x3FB8] =	sst s0;
	s0 =	simm.s32 @!p1 $0x0  }
0x14: {  	s2 =	sld [smem:$0x3F9C];
	s0 =	simm.s32 @p1 $0x1  }
0x15: {  	[smem:$0x3FB9] =	sst s0;
	s0 =	simm.s32 @!p2 $0x0  }
0x16: {  	s3 =	sld [smem:$0x3FDB];
	s0 =	simm.s32 @p2 $0x1  }
0x17: {  	s4 =	simm.s32 $0x1BF5;
	[smem:$0x3FBB] =	sst s0  }
0x18: {  	s0 =	sld [smem:$0x3F9E];
	_ =	swait.ge [sflag:s4], $0x0  }
0x19: {  	s7 =	sld [smem:$0x3F9F]  }
0x1a: {  	s8 =	sadd.s32 $0xFFFFE003, lr  }
0x1b: {  	s9 =	sadd.s32 $0xFFFFFEF7, lr;
	s5 =	simm.s32 $0xFFFFFFFF;
	p2 =	slt.u32 s8, $0xFFFFF086  }
0x1c: {  	p1 =	slt.u32 s9, $0xF7A;
	s5 =	simm.s32 @!p2 $0x0  }
0x1d: {  	s5 =	simm.s32 @p1 $0x1;
	p0 =	seq.s32 s7, s2  }
0x1e: {  	s7 =	smul.u32 @!p0 $0xF7A, s2;
	p2 =	seq.s32 @!p0 s5, $0x0  }
0x1f: {  	s9 =	smul.u32 $0xF7A, s1;
	s8 =	simm.s32 @!p0 $0x1BF5;
	p2 =	por !p2, p0  }
0x20: {  	[sflag:s8] =	ssyncset.s32 @!p0 $0xFFFFF086;
	s6 =	sadd.s32 @!p0 s3, s7;
	s7 =	simm.s32 @!p0 $0x108  }
0x21: {  	s3 =	sadd.s32 s3, s9;
	s6 =	sadd.s32 @!p0 $0x88, s6;
	s7 =	simm.s32 @p2 $0x1082  }
0x22: {  	[simem:s7], [sflag:s8] =	dma.local @!p0 [hbm:s6], $0xF7A  }
0x23: {  	s9 =	sor.u32 $0xD0000000, s2;
	s6 =	simm.s32 $0x108;
	_ =	swait.ge @!p0 [sflag:s8], $0x0  }
0x24: {  	s3 =	sadd.s32 $0x88, s3;
	s6 =	simm.s32 @!p1 $0x1082;
	[sflag:s4] =	ssyncset.s32 $0xFFFFF086  }
0x25: {  	[simem:s6], [sflag:s4] =	dma.local [hbm:s3], $0xF7A  }
0x26: {  	[smem:$0x3F9F] =	sst s1;
	(tag) =	ssettag s2;
	_ =	strace s9  }
0x27: {  	s1 =	sld [smem:$0x3FAF]  }
0x28: {  	s2 =	sld [smem:$0x3FB0]  }
0x29: {  	s4 =	sld [smem:$0x3FB2]  }
0x2a: {  	p0 =	seq.s32 s5, $0x0;
	s5 =	sld [smem:$0x3FB3]  }
0x2b: {  	s6 =	sld [smem:$0x3FB4]  }
0x2c: {  	s7 =	sld [smem:$0x3FB5]  }
0x2d: {  	s3 =	simm.s32 $0x108;
	s8 =	sld [smem:$0x3FB6]  }
0x2e: {  	s3 =	simm.s32 @!p0 $0x1082;
	s9 =	sld [smem:$0x3FB7]  }
0x2f: {  	lr =	sadd.s32 s0, s3;
	s0 =	sld [smem:$0x3FAE]  }
0x30: {  	s3 =	sld [smem:$0x3FB1]  }
0x31: {  	[smem:$0x3FBA] =	sst s10  }
0x32: {  	s10 =	sld [smem:$0x3FB8];
	_ =	sdelay $0x3  }
0x33: {  	p0 =	seq.s32 s10, $0x1;
	s10 =	sld [smem:$0x3FBA];
	_ =	sdelay $0x3  }
0x34: {  	[smem:$0x3FBA] =	sst s10  }
0x35: {  	s10 =	sld [smem:$0x3FB9];
	_ =	sdelay $0x3  }
0x36: {  	p1 =	seq.s32 s10, $0x1;
	s10 =	sld [smem:$0x3FBA];
	_ =	sdelay $0x3  }
0x37: {  	[smem:$0x3FBA] =	sst s10  }
0x38: {  	s10 =	sld [smem:$0x3FBB]  }
0x39: {  	_ = 	snop;
	(pc) =	sbr.ind lr, $3  }
0x3a: {  	_ = 	snop  }
0x3b: {  	_ = 	snop  }
0x3c: {  	p2 =	seq.s32 s10, $0x1;
	s10 =	sld [smem:$0x3FBA]  }
0x3d: {  	_ =	shalt  }
0x3e: {  	_ =	shalt  }
0x3f: {  	_ =	shalt  }
0x40: {  	_ =	shalt  }
0x41: {  	_ =	shalt  }
0x42: {  	_ =	shalt  }
0x43: {  	_ =	shalt  }
0x44: {  	_ =	shalt  }
0x45: {  	_ =	shalt  }
0x46: {  	_ =	shalt  }
0x47: {  	_ =	shalt  }
0x48: {  	_ =	shalt  }
0x49: {  	_ =	shalt  }
0x4a: {  	_ =	shalt  }
0x4b: {  	_ =	shalt  }
0x4c: {  	_ =	shalt  }
0x4d: {  	_ =	shalt  }
0x4e: {  	_ =	shalt  }
0x4f: {  	_ =	shalt  }
0x50: {  	_ =	shalt  }
0x51: {  	_ =	shalt  }
0x52: {  	_ =	shalt  }
0x53: {  	_ =	shalt  }
0x54: {  	_ =	shalt  }
0x55: {  	_ =	shalt  }
0x56: {  	_ =	shalt  }
0x57: {  	_ =	shalt  }
0x58: {  	_ =	shalt  }
0x59: {  	_ =	shalt  }
0x5a: {  	_ =	shalt  }
0x5b: {  	_ =	shalt  }
0x5c: {  	_ =	shalt  }
0x5d: {  	_ =	shalt  }
0x5e: {  	_ =	shalt  }
0x5f: {  	_ =	shalt  }
0x60: {  	_ =	shalt  }
0x61: {  	_ =	shalt  }
0x62: {  	_ =	shalt  }
0x63: {  	_ =	shalt  }
0x64: {  	_ =	shalt  }
0x65: {  	_ =	shalt  }
0x66: {  	_ =	shalt  }
0x67: {  	_ =	shalt  }
0x68: {  	_ =	shalt  }
0x69: {  	_ =	shalt  }
0x6a: {  	_ =	shalt  }
0x6b: {  	_ =	shalt  }
0x6c: {  	_ =	shalt  }
0x6d: {  	_ =	shalt  }
0x6e: {  	_ =	shalt  }
0x6f: {  	_ =	shalt  }
0x70: {  	_ =	shalt  }
0x71: {  	_ =	shalt  }
0x72: {  	_ =	shalt  }
0x73: {  	_ =	shalt  }
0x74: {  	_ =	shalt  }
0x75: {  	_ =	shalt  }
0x76: {  	_ =	shalt  }
0x77: {  	_ =	shalt  }
0x78: {  	_ =	shalt  }
0x79: {  	_ =	shalt  }
0x7a: {  	_ =	shalt  }
0x7b: {  	_ =	shalt  }
0x7c: {  	_ =	shalt  }
0x7d: {  	_ =	shalt  }
0x7e: {  	_ =	shalt  }
0x7f: {  	_ =	shalt  }
0x80: {  	_ =	shalt  }
0x81: {  	_ =	shalt  }
0x82: {  	_ =	shalt  }
0x83: {  	_ =	shalt  }
0x84: {  	_ =	shalt  }
0x85: {  	_ =	shalt  }
0x86: {  	_ =	shalt  }
0x87: {  	_ =	shalt  }
.Lfunc_end0:
.L_simem_size_0:
called_computation_lowered:
.L_overlay_start_0:
0x88: {  	s2 =	sld [smem:$0x3FD9]  }
0x89: {  	s3 =	sld [smem:$0x3FFE];
	_ =	sdelay $0x1  }
0x8a: {  	s1 =	srdreg.scid  }
0x8b: {  	s0 =	sand.u32 $0x1, s1  }
0x8c: {  	s18 =	sshll.u32 s0, $0xA;
	s2 =	sadd.s32 s3, s2  }
0x8d: {  	s2 =	sadd.s32 s2, s18  }
0x8e: {  	[smem:$0x3FC6] =	sst s2  }
0x8f: {  	_ = 	snop  }
0x90: {  	s2 =	sld [smem:$0x3FC9]  }
0x91: {  	s19 =	sld [smem:$0x3FC8]  }
0x92: {  	s4 =	sld [smem:$0x3FD0];
	(tm) =	ssettm $0x1  }
0x93: {  	s5 =	sld [smem:$0x3FFB];
	_ =	sdelay $0x3  }
0x94: {  	_ =	strace s5  }
0x95: {  	s5 =	sld [smem:$0x3FFC];
	_ =	sdelay $0x3  }
0x96: {  	_ =	strace s5  }
0x97: {  	s5 =	sld [smem:$0x3FFD];
	_ =	sdelay $0x3  }
0x98: {  	_ =	strace s5  }
0x99: {  	_ =	strace $0x8FFFFFFF  }
0x9a: {  	s20 =	sld [smem:$0x3FDB];
	_ =	sdelay $0x1  }
0x9b: {  	s6 =	simm.s32 $_scs_section_size  }
0x9c: {  	s7 =	simm.s32 $_size__tile_overlayer_lowered;
	s8 =	simm.s32 $_tile_overlayer_lowered  }
0x9d: {  	s23 =	simm.s32 $0x1BFF;
	s22 =	sshll.u32 s8, $0x1;
	s5 =	sadd.s32 s6, s20  }
0x9e: {  	s9 =	simm.s32 $0x0;
	s21 =	sshll.u32 s7, $0x1;
	s7 =	sadd.s32 s22, s5  }
0x9f: {  	[timem:s9], [sflag:s23] =	dma.local [hbm:s7], s21  }
0xa0: {  	_ =	swait.ge [sflag:s23], s21  }
0xa1: {  	s6 =	ssub.s32 $0x0, s21;
	[sflag:s23] =	ssyncset.done $0x0  }
0xa2: {  	[sflag:s23] =	ssyncadd.s32 s6;
	_ =	sdelay $0x1  }
0xa3: {  	s24 =	simm.s32 $0x1B8B  }
0xa4: {  	_ =	swait.ge [sflag:s24], $0x1  }
0xa5: {  	[sflag:s24] =	ssyncset.done $0x0  }
0xa6: {  	s25 =	simm.s32 $0x1B8E;
	[sflag:s24] =	ssyncadd.s32 $0xFFFFFFFF  }
0xa7: {  	s26 =	simm.s32 $execute0_lowered;
	[smem:$0x3FD2] =	sst s25  }
0xa8: {  	s6 =	sshll.u32 s26, $0x1;
	_ =	strace $0x80000046;
	[dreg:$0x1] =	wrdreg $0xFFFFFFFF  }
0xa9: {  	s28 =	simm.s32 $_size_execute0_lowered;
	s5 =	sadd.s32 s5, s6;
	[dreg:$0x0] =	wrdreg $0x0  }
0xaa: {  	s6 =	sshll.u32 s28, $0x1;
	[dreg:$0x2] =	wrdreg s5  }
0xab: {  	[dreg:$0x3] =	wrdreg s6  }
0xac: {  	[dreg:$0x4] =	wrdreg $0xC0  }
0xad: {  	_ =	task [dreg:s9], $0x5FFFF  }
0xae: {  	[dreg:$0x1] =	wrdreg $0xFFFFFFFF  }
0xaf: {  	[dreg:$0x0] =	wrdreg $0x60  }
0xb0: {  	[dreg:$0x2] =	wrdreg s2  }
0xb1: {  	[dreg:$0x3] =	wrdreg s19  }
0xb2: {  	[dreg:$0x4] =	wrdreg s4  }
0xb3: {  	[dreg:$0x5] =	wrdreg $0x9  }
0xb4: {  	_ =	task.clear_ibuf [dreg:s9], $0x6FFFF;
	_ =	strace $0x90000046  }
0xb5: {  	s29 =	simm.s32 $0x9;
	_ =	strace $0x80000048  }
0xb6: {  	_ =	swait.ge [sflag:s29], $0x1  }
0xb7: {  	[sflag:s29] =	ssyncadd.s32 $0xFFFFFFFF  }
0xb8: {  	_ =	strace $0x90000048  }
0xb9: {  	_ =	sfence  }
0xba: {  	s30 =	sld [smem:$0x0];
	_ =	sdelay $0x2  }
0xbb: {  	s31 =	sshll.u32 s1, $0xD;
	s1 =	sshrl.u32 s1, $0x2  }
0xbc: {  	s3 =	sand.u32 $0x4000, s31;
	s1 =	sadd.s32 s1, s30  }
0xbd: {  	s0 =	sor.u32 s3, s0;
	s1 =	sshll.u32 s1, $0x11  }
0xbe: {  	s0 =	sor.u32 s1, s0  }
0xbf: {  	s0 =	sadd.s32 $0x8F2B, s0  }
0xc0: {  	[sflag:s0] =	ssyncadd.remote.s32 $0x1  }
0xc1: {  	_ =	sfence.sel $0xFFFF  }
0xc2: {  	[dreg:$0x0] =	wrdreg $0xFFFFFFFF;
	(pc) =	sbr.abs _section_cstart, $3  }
0xc3: {  	[dreg:$0x1] =	wrdreg $0xFFFFFFFF  }
0xc4: {  	_ =	task.clear_ibuf [dreg:s9], $0x2FFFF;
	_ =	strace $0x9FFFFFFF  }
0xc5: {  	(tm) =	ssettm $0x7FFFFFFF  }
tec
execute0_lowered:
.L_overlay_start_1:
0x0: {  	(tag) =	ssettag $0x1  }
0x1: {  	s0 =	srdreg.scid  }
0x2: {  	s1 =	stileid.u32;
	s3 =	rddreg [dreg:$0x0]  }
0x3: {  	s10 =	rddreg [dreg:$0x1];
	s0 =	sand.u32 $0x1, s0;
	s2 =	sshll.u32 s1, $0x1  }
0x4: {  	s5 =	rddreg [dreg:$0x2];
	s4 =	simm.s32 $0x0;
	s2 =	sor.u32 s0, s2  }
0x5: {  	[smem:$0x7FF] =	sst s4;
	s0 =	ssub.s32 $0x2, s0;
	s6 =	smul.u32 $0x4E, s2  }
0x6: {  	s24 =	sshrl.u32 s1, $0x2;
	s7 =	smin.u32 s2, $0x4;
	s21 =	sshrl.u32 s0, $0x1  }
0x7: {  	_ =	strace $0x80000047;
	s0 =	ssub.s32 s0, s21;
	s6 =	sadd.s32 s7, s6  }
0x8: {  	s2 =	sshll.u32 s2, $0x7;
	s0 =	smax.u32 s0, $0x1;
	s8 =	smul.u32 $0xA00, s6  }
0x9: {  	s2 =	sand.u32 $0x380, s2;
	s29 =	sadd.s32 $0x2, s6;
	[dreg:$0xb] =	wrdreg s0  }
0xa: {  	s30 =	sadd.s32 $0x3, s6;
	[dreg:$0x8] =	wrdreg s29;
	s22 =	sshrl.u32 s8, $0x3  }
0xb: {  	[dreg:$0x9] =	wrdreg s30;
	s9 =	sshrl.u32 s8, $0x2;
	s7 =	sadd.s32 s3, s22  }
0xc: {  	s8 =	sadd.s32 $0xA00, s8;
	[dreg:$0x4] =	wrdreg s7;
	s7 =	smul.u32 $0xC4000, s24  }
0xd: {  	s23 =	sadd.s32 s10, s9;
	s25 =	sshrl.u32 s8, $0x3;
	s8 =	sshrl.u32 s8, $0x2  }
0xe: {  	[dreg:$0x5] =	wrdreg s23;
	s26 =	sadd.s32 s3, s25;
	s2 =	sor.u32 s7, s2  }
0xf: {  	s28 =	sadd.s32 s10, s8;
	[dreg:$0x6] =	wrdreg s26;
	s2 =	sshrl.u32 s2, $0x3  }
0x10: {  	vm0 =	vmxor vm0, vm0;
	p0 =	slt.u32 s1, $0x2;
	[dreg:$0x7] =	wrdreg s28;
	s31 =	sadd.s32 s5, s2  }
0x11: {  	s17 =	simm.s32 $0x1;
	v0 =	vimm.f32 $0.0e+00;
	vm0 =	vmneg @p0 vm0;
	s2 =	simm.s32 $0x0;
	[dreg:$0xa] =	wrdreg s31  }
.LBB2_1:
0x12: {  	[dreg:$0xc] =	wrdreg s2  }
0x13: {  	s0 =	rddreg [dreg:$0x4]  }
0x14: {  	s1 =	simm.s32 $0x18800;
	s25 =	rddreg [dreg:$0x5]  }
0x15: {  	[tilespmem:s1], [sflag:$0x1] =	stream.linear.gather [hbm4b:s0+s4], $0xA00, $0x38;
	[tilespmem:$0x1C400] =	vst v63  }
0x16: {  	s26 =	simm.s32 $0x19C00;
	s28 =	rddreg [dreg:$0x6]  }
0x17: {  	[tilespmem:s26], [sflag:$0x1] =	stream.linear.gather [hbm4b:s25+s4], $0x1400, $0x38;
	[tilespmem:$0x1C400] =	vst v63  }
0x18: {  	s29 =	simm.s32 $0x19200;
	s30 =	rddreg [dreg:$0x7]  }
0x19: {  	[tilespmem:s29], [sflag:$0x2] =	stream.linear.gather [hbm4b:s28+s4], $0xA00, $0x38;
	[tilespmem:$0x1C400] =	vst v63  }
0x1a: {  	s31 =	simm.s32 $0x1B000;
	s2 =	simm.s32 $0x400;
	s0 =	simm.s32 $0x0  }
0x1b: {  	[tilespmem:s31], [sflag:$0x2] =	stream.linear.gather [hbm4b:s30+s4], $0x1400, $0x38;
	[tilespmem:$0x1C400] =	vst v63  }
.LBB2_2:
0x1c: {  	p0 =	sne.s32 s2, $0x61C00;
	[tilespmem:s0+$0xF0] =	vst v0  }
0x1d: {  	[tilespmem:s0+$0x0] =	vst v0  }
0x1e: {  	[tilespmem:s0+$0x10] =	vst v0  }
0x1f: {  	[tilespmem:s0+$0x20] =	vst v0  }
0x20: {  	[tilespmem:s0+$0x30] =	vst v0  }
0x21: {  	[tilespmem:s0+$0x40] =	vst v0  }
0x22: {  	[tilespmem:s0+$0x50] =	vst v0  }
0x23: {  	[tilespmem:s0+$0x60] =	vst v0  }
0x24: {  	[tilespmem:s0+$0x70] =	vst v0  }
0x25: {  	[tilespmem:s0+$0x80] =	vst v0  }
0x26: {  	[tilespmem:s0+$0x90] =	vst v0  }
.Ltmp0:
0x27: {  	[tilespmem:s0+$0xA0] =	vst v0;
	(pc) =	sbr.rel @p0 .LBB2_2-.Ltmp0, $4  }
0x28: {  	[tilespmem:s0+$0xB0] =	vst v0  }
0x29: {  	[tilespmem:s0+$0xC0] =	vst v0  }
0x2a: {  	[tilespmem:s0+$0xD0] =	vst v0  }
0x2b: {  	[tilespmem:s0+$0xE0] =	vst v0;
	s0 =	sshra.s32 s2, $0x2;
	s2 =	sadd.s32 $0x400, s2  }
0x2c: {  	[tilespmem:s0+$0xF0] =	vst v0  }
0x2d: {  	[tilespmem:s0+$0x0] =	vst v0  }
0x2e: {  	[tilespmem:s0+$0x10] =	vst v0  }
0x2f: {  	[tilespmem:s0+$0x20] =	vst v0  }
0x30: {  	[tilespmem:s0+$0x30] =	vst v0  }
0x31: {  	[tilespmem:s0+$0x40] =	vst v0  }
0x32: {  	[tilespmem:s0+$0x50] =	vst v0  }
0x33: {  	[tilespmem:s0+$0x60] =	vst v0  }
0x34: {  	[tilespmem:s0+$0x70] =	vst v0  }
0x35: {  	[tilespmem:s0+$0x80] =	vst v0  }
0x36: {  	[tilespmem:s0+$0x90] =	vst v0  }
0x37: {  	[tilespmem:s0+$0xA0] =	vst v0  }
0x38: {  	[tilespmem:s0+$0xB0] =	vst v0  }
0x39: {  	[tilespmem:s0+$0xC0] =	vst v0  }
0x3a: {  	[tilespmem:s0+$0xD0] =	vst v0  }
0x3b: {  	s23 =	simm.s32 $0x0;
	[tilespmem:s0+$0xE0] =	vst v0  }
.LBB2_4:
0x3c: {  	_ =	swait.ge [sflag:s17], $0xA00  }
0x3d: {  	[sflag:s17] =	ssyncset.done $0x0  }
0x3e: {  	[sflag:s17] =	ssyncadd.s32 $0xFFFFF600  }
0x3f: {  	_ =	swait.ge [sflag:s17], $0x1400  }
0x40: {  	s24 =	sshll.u32 s23, $0x1;
	s25 =	simm.s32 $0x130;
	[sflag:s17] =	ssyncset.done $0x0  }
0x41: {  	s26 =	simm.s32 $0x188A0;
	s28 =	simm.s32 $0x0;
	[sflag:s17] =	ssyncadd.s32 $0xFFFFEC00  }
.LBB2_5:
0x42: {  	s30 =	sadd.s32 $0xFFFFFED0, s25;
	s19 =	sadd.s32 $0xFFFFFF10, s25  }
0x43: {  	s11 =	sadd.s32 $0xFFFFFF20, s25;
	s12 =	sadd.s32 $0xFFFFFF30, s25;
	s21 =	sadd.s32 $0xFFFFFF40, s25  }
0x44: {  	s22 =	sadd.s32 $0xFFFFFF60, s25;
	s15 =	sadd.s32 $0xFFFFFF70, s25;
	s16 =	sadd.s32 $0xFFFFFF80, s25  }
0x45: {  	s8 =	sadd.s32 $0xFFFFFF90, s25;
	s7 =	sadd.s32 $0xFFFFFFA0, s25;
	s0 =	sand.u32 $0x7C00, s28  }
0x46: {  	s5 =	sadd.s32 $0xFFFFFFC0, s25;
	s20 =	sadd.s32 $0xFFFFFFE0, s25;
	s1 =	sadd.s32 $0x200, s28  }
0x47: {  	s10 =	sadd.s32 $0x280, s28;
	s18 =	sadd.s32 $0x300, s28;
	s2 =	sshrl.u32 s0, $0x2  }
0x48: {  	s0 =	sadd.s32 $0xFFFFFFF0, s25;
	s29 =	sand.u32 $0x40, s30;
	s1 =	sand.u32 $0xFC00, s1  }
0x49: {  	s19 =	sand.u32 $0x40, s19;
	s10 =	sand.u32 $0xFC00, s10;
	s11 =	sand.u32 $0x50, s11  }
0x4a: {  	s18 =	sand.u32 $0xFC00, s18;
	s12 =	sand.u32 $0x60, s12;
	s21 =	sand.u32 $0x70, s21  }
0x4b: {  	v21 =	vld [tilespmem:s26+$0xFFFFFF60];
	s8 =	sand.u32 $0x40, s8;
	s7 =	sand.u32 $0x50, s7;
	s13 =	sadd.s32 $0x19C00, s2  }
0x4c: {  	v25 =	vld [tilespmem:s26+$0xFFFFFFA0];
	s31 =	sor.u32 $0x10, s29;
	s2 =	sor.u32 $0x20, s29;
	s1 =	sshrl.u32 s1, $0x2  }
0x4d: {  	v26 =	vld [tilespmem:s26+$0xFFFFFFB0];
	s10 =	sshrl.u32 s10, $0x2;
	s0 =	sand.u32 $0x60, s0;
	s14 =	sor.u32 s29, s13  }
0x4e: {  	v27 =	vld [tilespmem:s26+$0xFFFFFFC0];
	s3 =	sor.u32 s31, s13;
	s9 =	sor.u32 s2, s13;
	s1 =	sor.u32 s19, s1  }
0x4f: {  	v28 =	vld [tilespmem:s26+$0xFFFFFFD0];
	s10 =	sor.u32 s11, s10;
	s11 =	sshrl.u32 s18, $0x2;
	s18 =	sadd.s32 $0x380, s28  }
0x50: {  	v30 =	vld [tilespmem:s26+$0xFFFFFFF0];
	s11 =	sor.u32 s12, s11;
	s12 =	sand.u32 $0xFC00, s18;
	s18 =	sadd.s32 $0x400, s28  }
0x51: {  	v31 =	vld [tilespmem:s26+$0x0];
	s19 =	sor.u32 $0x30, s29;
	s12 =	sshrl.u32 s12, $0x2;
	s18 =	sand.u32 $0xFC00, s18  }
0x52: {  	v1 =	vld [tilespmem:s14+$0x80];
	s12 =	sor.u32 s21, s12;
	s18 =	sshrl.u32 s18, $0x2;
	s21 =	sadd.s32 $0x480, s28  }
0x53: {  	s13 =	sor.u32 s19, s13;
	v2 =	vld [tilespmem:s3+$0x80];
	s14 =	sor.u32 s29, s18;
	s18 =	sand.u32 $0xFC00, s21  }
0x54: {  	v3 =	vld [tilespmem:s9+$0x80];
	s21 =	sand.u32 $0x50, s22;
	s22 =	sadd.s32 $0x500, s28;
	s18 =	sshrl.u32 s18, $0x2  }
0x55: {  	v4 =	vld [tilespmem:s13+$0x80];
	s13 =	sand.u32 $0x60, s15;
	s3 =	sor.u32 s21, s18;
	s21 =	sand.u32 $0xFC00, s22  }
0x56: {  	v9 =	vld [tilespmem:s14+$0x19C80];
	s14 =	sadd.s32 $0x800, s28;
	s22 =	sadd.s32 $0x580, s28;
	s9 =	sshrl.u32 s21, $0x2  }
0x57: {  	v40 =	vld [tilespmem:s26+$0x10];
	s18 =	sand.u32 $0xFC00, s22;
	s21 =	sand.u32 $0x70, s16;
	s22 =	sadd.s32 $0x600, s28  }
0x58: {  	v42 =	vld [tilespmem:s26+$0x20];
	s15 =	sshrl.u32 s18, $0x2;
	s9 =	sor.u32 s13, s9;
	s16 =	sand.u32 $0xFC00, s22  }
0x59: {  	v5 =	vld [tilespmem:s1+$0x19C80];
	s18 =	sadd.s32 $0x680, s28;
	s22 =	sadd.s32 $0x700, s28;
	s13 =	sadd.s32 $0x780, s28  }
0x5a: {  	v6 =	vld [tilespmem:s10+$0x19C80];
	s1 =	sor.u32 s21, s15;
	s10 =	sshrl.u32 s16, $0x2;
	s21 =	sand.u32 $0xFC00, s18  }
0x5b: {  	v7 =	vld [tilespmem:s11+$0x19C80];
	s11 =	sand.u32 $0xFC00, s22;
	s15 =	sand.u32 $0x70, s5;
	s16 =	sand.u32 $0xFC00, s13  }
0x5c: {  	v11 =	vld [tilespmem:s9+$0x19C80];
	s18 =	sand.u32 $0xFC00, s14;
	s9 =	sadd.s32 $0x900, s28;
	s8 =	sor.u32 s8, s10  }
0x5d: {  	v8 =	vld [tilespmem:s12+$0x19C80];
	s10 =	sshrl.u32 s21, $0x2;
	s12 =	sshrl.u32 s11, $0x2;
	s5 =	sshrl.u32 s16, $0x2  }
0x5e: {  	v12 =	vld [tilespmem:s1+$0x19C80];
	s21 =	sadd.s32 $0x880, s28;
	s11 =	sand.u32 $0xFC00, s9;
	s10 =	sor.u32 s7, s10  }
0x5f: {  	v13 =	vld [tilespmem:s8+$0x19C80];
	s7 =	sshrl.u32 s18, $0x2;
	s1 =	sor.u32 s15, s5;
	s8 =	sand.u32 $0x50, s20  }
0x60: {  	s13 =	sshrl.u32 s11, $0x2;
	s20 =	sand.u32 $0xF80, s30;
	s22 =	sor.u32 s29, s7;
	v16 =	vld [tilespmem:s1+$0x19C80]  }
0x61: {  	s7 =	sand.u32 $0xFC00, s21;
	s0 =	sor.u32 s0, s13;
	s21 =	sadd.s32 $0x18800, s20;
	v17 =	vld [tilespmem:s22+$0x19C80]  }
0x62: {  	v19 =	vld [tilespmem:s0+$0x19C80];
	s1 =	sor.u32 s31, s21  }
0x63: {  	s22 =	sor.u32 s2, s21;
	v22 =	vld [tilespmem:s1+$0x0]  }
0x64: {  	s0 =	sor.u32 s19, s21;
	v23 =	vld [tilespmem:s22+$0x0]  }
0x65: {  	v24 =	vld [tilespmem:s0+$0x0]  }
0x66: {  	v44 =	vld [tilespmem:s26+$0x30]  }
0x67: {  	v46 =	vld [tilespmem:s26+$0x40];
	v21 =	vmul.f32 $1.442695020e+00, v21;
	s30 =	sadd.s32 $0xFFFFFF50, s25  }
0x68: {  	v48 =	vld [tilespmem:s26+$0x50];
	s0 =	sand.u32 $0x1F80, s30;
	v22 =	vmul.f32 $1.442695020e+00, v22  }
0x69: {  	v52 =	vld [tilespmem:s26+$0x70];
	(erf) = vpow2.f32 v21;
	s0 =	sor.u32 s29, s0;
	v39 =	vmul.f32 $1.442695020e+00, v23  }
0x6a: {  	v29 =	vld [tilespmem:s0+$0x18800];
	v41 =	vmul.f32 $1.442695020e+00, v24;
	(erf) = vpow2.f32 v22  }
0x6b: {  	s6 =	sadd.s32 $0xFFFFFFB0, s25;
	v54 =	vld [tilespmem:s26+$0x80];
	v43 =	vmul.f32 $1.442695020e+00, v25;
	(erf) = vpow2.f32 v39  }
0x6c: {  	v56 =	vld [tilespmem:s26+$0x90];
	s6 =	sand.u32 $0x60, s6;
	v45 =	vmul.f32 $1.442695020e+00, v26;
	(erf) = vpow2.f32 v41  }
0x6d: {  	v47 =	vmul.f32 $1.442695020e+00, v27;
	v10 =	vld [tilespmem:s3+$0x19C80];
	s6 =	sor.u32 s6, s12;
	s12 =	sadd.s32 $0x980, s28;
	(erf) = vpow2.f32 v43  }
0x6e: {  	v49 =	vmul.f32 $1.442695020e+00, v28;
	s15 =	sand.u32 $0x70, s25;
	v14 =	vld [tilespmem:s10+$0x19C80];
	s14 =	sand.u32 $0xFC00, s12;
	s5 =	sshrl.u32 s7, $0x2;
	(erf) = vpow2.f32 v45  }
0x6f: {  	v15 =	vld [tilespmem:s6+$0x19C80];
	s16 =	sshrl.u32 s14, $0x2;
	s31 =	sadd.s32 $0xFFFFFFD0, s25;
	s10 =	sor.u32 s8, s5;
	v51 =	vmul.f32 $1.442695020e+00, v29;
	(erf) = vpow2.f32 v47  }
0x70: {  	v53 =	vmul.f32 $1.442695020e+00, v30;
	s18 =	sor.u32 s15, s16;
	v18 =	vld [tilespmem:s10+$0x19C80];
	s0 =	sand.u32 $0x1F80, s31;
	(erf) = vpow2.f32 v49  }
0x71: {  	v55 =	vmul.f32 $1.442695020e+00, v31;
	v20 =	vld [tilespmem:s18+$0x19C80];
	s0 =	sor.u32 s29, s0;
	(erf) = vpow2.f32 v51  }
0x72: {  	v57 =	vmul.f32 $1.442695020e+00, v40;
	v32 =	vpop (erf);
	v50 =	vld [tilespmem:s0+$0x18800];
	(erf) = vpow2.f32 v53  }
0x73: {  	v59 =	vmul.f32 $1.442695020e+00, v42;
	[tilespmem:v1+s4+$0x0] =	vst.idx.add.f32.msk $0xffff, v32;
	v58 =	vpop (erf);
	(erf) = vpow2.f32 v55  }
0x74: {  	v60 =	vmul.f32 $1.442695020e+00, v44;
	v1 =	vpop (erf);
	(erf) = vpow2.f32 v57;
	[tilespmem:v2+s4+$0x0] =	vst.idx.add.f32.msk $0xffff, v58  }
0x75: {  	v61 =	vmul.f32 $1.442695020e+00, v46;
	v2 =	vpop (erf);
	(erf) = vpow2.f32 v59;
	[tilespmem:v3+s4+$0x0] =	vst.idx.add.f32.msk $0xffff, v1  }
0x76: {  	v3 =	vmul.f32 $1.442695020e+00, v48;
	v1 =	vpop (erf);
	(erf) = vpow2.f32 v60;
	[tilespmem:v4+s4+$0x0] =	vst.idx.add.f32.msk $0xffff, v2  }
0x77: {  	v62 =	vmul.f32 $1.442695020e+00, v50;
	v2 =	vpop (erf);
	(erf) = vpow2.f32 v61;
	[tilespmem:v5+s4+$0x0] =	vst.idx.add.f32.msk $0xffff, v1  }
0x78: {  	v1 =	vpop (erf);
	(erf) = vpow2.f32 v3;
	v3 =	vmul.f32 $1.442695020e+00, v52;
	[tilespmem:v6+s4+$0x0] =	vst.idx.add.f32.msk $0xffff, v2  }
0x79: {  	v63 =	vmul.f32 $1.442695020e+00, v54;
	v2 =	vpop (erf);
	(erf) = vpow2.f32 v62;
	[tilespmem:v7+s4+$0x0] =	vst.idx.add.f32.msk $0xffff, v1  }
0x7a: {  	v1 =	vpop (erf);
	(erf) = vpow2.f32 v3;
	v3 =	vmul.f32 $1.442695020e+00, v56;
	[tilespmem:v8+s4+$0x0] =	vst.idx.add.f32.msk $0xffff, v2  }
0x7b: {  	v2 =	vpop (erf);
	(erf) = vpow2.f32 v63;
	[tilespmem:v9+s4+$0x0] =	vst.idx.add.f32.msk $0xffff, v1  }
0x7c: {  	v1 =	vpop (erf);
	(erf) = vpow2.f32 v3;
	[tilespmem:v10+s4+$0x0] =	vst.idx.add.f32.msk $0xffff, v2  }
0x7d: {  	v2 =	vpop (erf);
	[tilespmem:v11+s4+$0x0] =	vst.idx.add.f32.msk $0xffff, v1  }
0x7e: {  	v1 =	vpop (erf);
	[tilespmem:v12+s4+$0x0] =	vst.idx.add.f32.msk $0xffff, v2  }
0x7f: {  	v2 =	vpop (erf);
	[tilespmem:v13+s4+$0x0] =	vst.idx.add.f32.msk $0xffff, v1  }
0x80: {  	v1 =	vpop (erf);
	[tilespmem:v14+s4+$0x0] =	vst.idx.add.f32.msk $0xffff, v2  }
0x81: {  	p0 =	sne.s32 s28, $0x4600;
	v2 =	vpop (erf);
	[tilespmem:v15+s4+$0x0] =	vst.idx.add.f32.msk $0xffff, v1  }
.Ltmp1:
0x82: {  	v1 =	vpop (erf);
	[tilespmem:v16+s4+$0x0] =	vst.idx.add.f32.msk $0xffff, v2;
	(pc) =	sbr.rel @p0 .LBB2_5-.Ltmp1, $4  }
0x83: {  	v2 =	vpop (erf);
	[tilespmem:v17+s4+$0x0] =	vst.idx.add.f32.msk $0xffff, v1  }
0x84: {  	v1 =	vpop (erf);
	[tilespmem:v18+s4+$0x0] =	vst.idx.add.f32.msk $0xffff, v2  }
0x85: {  	v2 =	vpop (erf);
	[tilespmem:v19+s4+$0x0] =	vst.idx.add.f32.msk $0xffff, v1  }
0x86: {  	s26 =	sadd.s32 $0x140, s26;
	s28 =	sadd.s32 $0xA00, s28;
	s25 =	sadd.s32 $0x140, s25;
	[tilespmem:v20+s4+$0x0] =	vst.idx.add.f32.msk $0xffff, v2  }
0x87: {  	s0 =	rddreg [dreg:$0x8]  }
0x88: {  	s0 =	sadd.s32 s24, s0  }
0x89: {  	s0 =	smul.u32 $0xA00, s0;
	_ =	sdelay $0x1  }
0x8a: {  	s2 =	rddreg [dreg:$0x0];
	s0 =	smin.u32 s0, $0x619E00  }
0x8b: {  	s25 =	simm.s32 $0x0;
	s26 =	simm.s32 $0x18800;
	s1 =	sshrl.u32 s0, $0x3  }
0x8c: {  	s29 =	rddreg [dreg:$0x1];
	s0 =	sshrl.u32 s0, $0x2;
	s1 =	sadd.s32 s2, s1  }
0x8d: {  	[tilespmem:s26], [sflag:$0x1] =	stream.linear.gather [hbm4b:s1+s25], $0xA00, $0x38;
	[tilespmem:$0x1C400] =	vst v63  }
0x8e: {  	s30 =	simm.s32 $0x19C00;
	s31 =	simm.s32 $0x2;
	s0 =	sadd.s32 s29, s0  }
0x8f: {  	[tilespmem:s30], [sflag:$0x1] =	stream.linear.gather [hbm4b:s0+s25], $0x1400, $0x38;
	[tilespmem:$0x1C400] =	vst v63  }
0x90: {  	_ =	swait.ge [sflag:s31], $0xA00  }
0x91: {  	[sflag:s31] =	ssyncset.done $0x0  }
0x92: {  	[sflag:s31] =	ssyncadd.s32 $0xFFFFF600  }
0x93: {  	_ =	swait.ge [sflag:s31], $0x1400  }
0x94: {  	[sflag:s31] =	ssyncset.done $0x0  }
0x95: {  	s28 =	simm.s32 $0x192A0;
	s26 =	simm.s32 $0x130;
	[sflag:s31] =	ssyncadd.s32 $0xFFFFEC00  }
.LBB2_7:
0x96: {  	s30 =	sadd.s32 $0xFFFFFED0, s26;
	s1 =	sadd.s32 $0xFFFFFF10, s26;
	s3 =	sadd.s32 $0xFFFFFF20, s26  }
0x97: {  	s9 =	sadd.s32 $0xFFFFFF30, s26;
	s10 =	sadd.s32 $0xFFFFFF40, s26;
	s11 =	sadd.s32 $0xFFFFFF60, s26  }
0x98: {  	s12 =	sadd.s32 $0xFFFFFF70, s26;
	s13 =	sadd.s32 $0xFFFFFF80, s26;
	s8 =	sadd.s32 $0xFFFFFF90, s26  }
0x99: {  	s7 =	sadd.s32 $0xFFFFFFA0, s26;
	s6 =	sadd.s32 $0xFFFFFFB0, s26;
	s0 =	sand.u32 $0x7C00, s25  }
0x9a: {  	s5 =	sadd.s32 $0xFFFFFFC0, s26;
	s20 =	sadd.s32 $0xFFFFFFE0, s26;
	s16 =	sadd.s32 $0x200, s25  }
0x9b: {  	s19 =	sadd.s32 $0x280, s25;
	s22 =	sadd.s32 $0x300, s25;
	s2 =	sshrl.u32 s0, $0x2  }
0x9c: {  	s29 =	sand.u32 $0x40, s30;
	s16 =	sand.u32 $0xFC00, s16;
	s1 =	sand.u32 $0x40, s1  }
0x9d: {  	s19 =	sand.u32 $0xFC00, s19;
	s3 =	sand.u32 $0x50, s3;
	s22 =	sand.u32 $0xFC00, s22  }
0x9e: {  	s9 =	sand.u32 $0x60, s9;
	s10 =	sand.u32 $0x70, s10;
	s11 =	sand.u32 $0x50, s11  }
0x9f: {  	v21 =	vld [tilespmem:s28+$0xFFFFFF60];
	s12 =	sand.u32 $0x60, s12;
	s8 =	sand.u32 $0x40, s8;
	s7 =	sand.u32 $0x50, s7  }
0xa0: {  	v25 =	vld [tilespmem:s28+$0xFFFFFFA0];
	s6 =	sand.u32 $0x60, s6;
	s14 =	sadd.s32 $0x1B000, s2;
	s31 =	sor.u32 $0x10, s29  }
0xa1: {  	v26 =	vld [tilespmem:s28+$0xFFFFFFB0];
	s2 =	sor.u32 $0x20, s29;
	s16 =	sshrl.u32 s16, $0x2;
	s15 =	sor.u32 s29, s14  }
0xa2: {  	v27 =	vld [tilespmem:s28+$0xFFFFFFC0];
	s18 =	sor.u32 s31, s14;
	s1 =	sor.u32 s1, s16;
	s16 =	sshrl.u32 s19, $0x2  }
0xa3: {  	v28 =	vld [tilespmem:s28+$0xFFFFFFD0];
	s3 =	sor.u32 s3, s16;
	s16 =	sshrl.u32 s22, $0x2;
	s22 =	sadd.s32 $0x380, s25  }
0xa4: {  	v30 =	vld [tilespmem:s28+$0xFFFFFFF0];
	s9 =	sor.u32 s9, s16;
	s16 =	sand.u32 $0xFC00, s22;
	s22 =	sadd.s32 $0x400, s25  }
0xa5: {  	v31 =	vld [tilespmem:s28+$0x0];
	s19 =	sor.u32 $0x30, s29;
	s16 =	sshrl.u32 s16, $0x2;
	s22 =	sand.u32 $0xFC00, s22  }
0xa6: {  	v1 =	vld [tilespmem:s15+$0x80];
	s10 =	sor.u32 s10, s16;
	s16 =	sshrl.u32 s22, $0x2;
	s22 =	sadd.s32 $0x480, s25  }
0xa7: {  	s21 =	sor.u32 s2, s14;
	s14 =	sor.u32 s19, s14;
	v2 =	vld [tilespmem:s18+$0x80];
	s22 =	sand.u32 $0xFC00, s22  }
0xa8: {  	v3 =	vld [tilespmem:s21+$0x80];
	s15 =	sor.u32 s29, s16;
	s16 =	sshrl.u32 s22, $0x2;
	s22 =	sadd.s32 $0x500, s25  }
0xa9: {  	s21 =	sadd.s32 $0x580, s25;
	v9 =	vld [tilespmem:s15+$0x1B080];
	s15 =	sand.u32 $0x70, s5;
	s18 =	sand.u32 $0xFC00, s22  }
0xaa: {  	v4 =	vld [tilespmem:s14+$0x80];
	s11 =	sor.u32 s11, s16;
	s22 =	sand.u32 $0xFC00, s21;
	s14 =	sshrl.u32 s18, $0x2  }
0xab: {  	v5 =	vld [tilespmem:s1+$0x1B080];
	s18 =	sand.u32 $0x70, s13;
	s21 =	sshrl.u32 s22, $0x2;
	s22 =	sadd.s32 $0x600, s25  }
0xac: {  	v6 =	vld [tilespmem:s3+$0x1B080];
	s13 =	sadd.s32 $0x780, s25;
	s3 =	sor.u32 s12, s14;
	s1 =	sor.u32 s18, s21  }
0xad: {  	v7 =	vld [tilespmem:s9+$0x1B080];
	s14 =	sand.u32 $0xFC00, s22;
	s18 =	sadd.s32 $0x680, s25;
	s22 =	sadd.s32 $0x700, s25  }
0xae: {  	v8 =	vld [tilespmem:s10+$0x1B080];
	s16 =	sshrl.u32 s14, $0x2;
	s21 =	sand.u32 $0xFC00, s18;
	s10 =	sand.u32 $0xFC00, s22  }
0xaf: {  	v10 =	vld [tilespmem:s11+$0x1B080];
	s14 =	sadd.s32 $0x800, s25;
	s8 =	sor.u32 s8, s16;
	s9 =	sshrl.u32 s21, $0x2  }
0xb0: {  	v11 =	vld [tilespmem:s3+$0x1B080];
	s11 =	sshrl.u32 s10, $0x2;
	s16 =	sand.u32 $0xFC00, s13;
	s18 =	sand.u32 $0xFC00, s14  }
0xb1: {  	v12 =	vld [tilespmem:s1+$0x1B080];
	s21 =	sadd.s32 $0x880, s25;
	s10 =	sadd.s32 $0x900, s25;
	s7 =	sor.u32 s7, s9  }
0xb2: {  	s12 =	sor.u32 s6, s11;
	v13 =	vld [tilespmem:s8+$0x1B080];
	s5 =	sshrl.u32 s16, $0x2;
	s6 =	sshrl.u32 s18, $0x2  }
0xb3: {  	s9 =	sand.u32 $0x50, s20;
	s20 =	sand.u32 $0xF80, s30;
	s1 =	sor.u32 s15, s5;
	v15 =	vld [tilespmem:s12+$0x1B080]  }
0xb4: {  	s8 =	sand.u32 $0xFC00, s21;
	s22 =	sor.u32 s29, s6;
	s21 =	sadd.s32 $0x19200, s20;
	v16 =	vld [tilespmem:s1+$0x1B080]  }
0xb5: {  	s0 =	sadd.s32 $0xFFFFFFF0, s26;
	s12 =	sand.u32 $0xFC00, s10;
	v17 =	vld [tilespmem:s22+$0x1B080];
	s1 =	sor.u32 s31, s21  }
0xb6: {  	s0 =	sand.u32 $0x60, s0;
	s3 =	sshrl.u32 s12, $0x2;
	s22 =	sor.u32 s2, s21;
	v22 =	vld [tilespmem:s1+$0x0]  }
0xb7: {  	s0 =	sor.u32 s0, s3;
	v23 =	vld [tilespmem:s22+$0x0]  }
0xb8: {  	v19 =	vld [tilespmem:s0+$0x1B080];
	s0 =	sor.u32 s19, s21  }
0xb9: {  	v24 =	vld [tilespmem:s0+$0x0]  }
0xba: {  	v40 =	vld [tilespmem:s28+$0x10]  }
0xbb: {  	v42 =	vld [tilespmem:s28+$0x20];
	v21 =	vmul.f32 $1.442695020e+00, v21;
	s30 =	sadd.s32 $0xFFFFFF50, s26  }
0xbc: {  	v44 =	vld [tilespmem:s28+$0x30];
	s0 =	sand.u32 $0x1F80, s30;
	v22 =	vmul.f32 $1.442695020e+00, v22  }
0xbd: {  	v46 =	vld [tilespmem:s28+$0x40];
	(erf) = vpow2.f32 v21;
	s0 =	sor.u32 s29, s0;
	v39 =	vmul.f32 $1.442695020e+00, v23  }
0xbe: {  	v29 =	vld [tilespmem:s0+$0x19200];
	(erf) = vpow2.f32 v22;
	v41 =	vmul.f32 $1.442695020e+00, v24  }
0xbf: {  	v48 =	vld [tilespmem:s28+$0x50];
	v43 =	vmul.f32 $1.442695020e+00, v25;
	(erf) = vpow2.f32 v39  }
0xc0: {  	v52 =	vld [tilespmem:s28+$0x70];
	v45 =	vmul.f32 $1.442695020e+00, v26;
	(erf) = vpow2.f32 v41  }
0xc1: {  	v54 =	vld [tilespmem:s28+$0x80];
	v47 =	vmul.f32 $1.442695020e+00, v27;
	s13 =	sadd.s32 $0x980, s25;
	(erf) = vpow2.f32 v43  }
0xc2: {  	v56 =	vld [tilespmem:s28+$0x90];
	v49 =	vmul.f32 $1.442695020e+00, v28;
	s14 =	sand.u32 $0xFC00, s13;
	s6 =	sshrl.u32 s8, $0x2;
	s15 =	sand.u32 $0x70, s26;
	(erf) = vpow2.f32 v45  }
0xc3: {  	v14 =	vld [tilespmem:s7+$0x1B080];
	s16 =	sshrl.u32 s14, $0x2;
	s11 =	sor.u32 s9, s6;
	s31 =	sadd.s32 $0xFFFFFFD0, s26;
	v51 =	vmul.f32 $1.442695020e+00, v29;
	(erf) = vpow2.f32 v47  }
0xc4: {  	v53 =	vmul.f32 $1.442695020e+00, v30;
	s18 =	sor.u32 s15, s16;
	v18 =	vld [tilespmem:s11+$0x1B080];
	s0 =	sand.u32 $0x1F80, s31;
	(erf) = vpow2.f32 v49  }
0xc5: {  	v55 =	vmul.f32 $1.442695020e+00, v31;
	v20 =	vld [tilespmem:s18+$0x1B080];
	s0 =	sor.u32 s29, s0;
	(erf) = vpow2.f32 v51  }
0xc6: {  	v57 =	vmul.f32 $1.442695020e+00, v40;
	v32 =	vpop (erf);
	v50 =	vld [tilespmem:s0+$0x19200];
	(erf) = vpow2.f32 v53  }
0xc7: {  	v59 =	vmul.f32 $1.442695020e+00, v42;
	[tilespmem:v1+s4+$0x0] =	vst.idx.add.f32.msk $0xffff, v32;
	v58 =	vpop (erf);
	(erf) = vpow2.f32 v55  }
0xc8: {  	v60 =	vmul.f32 $1.442695020e+00, v44;
	v1 =	vpop (erf);
	(erf) = vpow2.f32 v57;
	[tilespmem:v2+s4+$0x0] =	vst.idx.add.f32.msk $0xffff, v58  }
0xc9: {  	v61 =	vmul.f32 $1.442695020e+00, v46;
	v2 =	vpop (erf);
	(erf) = vpow2.f32 v59;
	[tilespmem:v3+s4+$0x0] =	vst.idx.add.f32.msk $0xffff, v1  }
0xca: {  	v3 =	vmul.f32 $1.442695020e+00, v48;
	v1 =	vpop (erf);
	(erf) = vpow2.f32 v60;
	[tilespmem:v4+s4+$0x0] =	vst.idx.add.f32.msk $0xffff, v2  }
0xcb: {  	v62 =	vmul.f32 $1.442695020e+00, v50;
	v2 =	vpop (erf);
	(erf) = vpow2.f32 v61;
	[tilespmem:v5+s4+$0x0] =	vst.idx.add.f32.msk $0xffff, v1  }
0xcc: {  	v1 =	vpop (erf);
	(erf) = vpow2.f32 v3;
	v3 =	vmul.f32 $1.442695020e+00, v52;
	[tilespmem:v6+s4+$0x0] =	vst.idx.add.f32.msk $0xffff, v2  }
0xcd: {  	v63 =	vmul.f32 $1.442695020e+00, v54;
	v2 =	vpop (erf);
	(erf) = vpow2.f32 v62;
	[tilespmem:v7+s4+$0x0] =	vst.idx.add.f32.msk $0xffff, v1  }
0xce: {  	v1 =	vpop (erf);
	(erf) = vpow2.f32 v3;
	v3 =	vmul.f32 $1.442695020e+00, v56;
	[tilespmem:v8+s4+$0x0] =	vst.idx.add.f32.msk $0xffff, v2  }
0xcf: {  	v2 =	vpop (erf);
	(erf) = vpow2.f32 v63;
	[tilespmem:v9+s4+$0x0] =	vst.idx.add.f32.msk $0xffff, v1  }
0xd0: {  	v1 =	vpop (erf);
	(erf) = vpow2.f32 v3;
	[tilespmem:v10+s4+$0x0] =	vst.idx.add.f32.msk $0xffff, v2  }
0xd1: {  	v2 =	vpop (erf);
	[tilespmem:v11+s4+$0x0] =	vst.idx.add.f32.msk $0xffff, v1  }
0xd2: {  	v1 =	vpop (erf);
	[tilespmem:v12+s4+$0x0] =	vst.idx.add.f32.msk $0xffff, v2  }
0xd3: {  	v2 =	vpop (erf);
	[tilespmem:v13+s4+$0x0] =	vst.idx.add.f32.msk $0xffff, v1  }
0xd4: {  	v1 =	vpop (erf);
	[tilespmem:v14+s4+$0x0] =	vst.idx.add.f32.msk $0xffff, v2  }
0xd5: {  	p0 =	sne.s32 s25, $0x4600;
	v2 =	vpop (erf);
	[tilespmem:v15+s4+$0x0] =	vst.idx.add.f32.msk $0xffff, v1  }
.Ltmp2:
0xd6: {  	v1 =	vpop (erf);
	[tilespmem:v16+s4+$0x0] =	vst.idx.add.f32.msk $0xffff, v2;
	(pc) =	sbr.rel @p0 .LBB2_7-.Ltmp2, $4  }
0xd7: {  	v2 =	vpop (erf);
	[tilespmem:v17+s4+$0x0] =	vst.idx.add.f32.msk $0xffff, v1  }
0xd8: {  	v1 =	vpop (erf);
	[tilespmem:v18+s4+$0x0] =	vst.idx.add.f32.msk $0xffff, v2  }
0xd9: {  	v2 =	vpop (erf);
	[tilespmem:v19+s4+$0x0] =	vst.idx.add.f32.msk $0xffff, v1  }
0xda: {  	s28 =	sadd.s32 $0x140, s28;
	s25 =	sadd.s32 $0xA00, s25;
	s26 =	sadd.s32 $0x140, s26;
	[tilespmem:v20+s4+$0x0] =	vst.idx.add.f32.msk $0xffff, v2  }
0xdb: {  	p0 =	seq.s32 s23, $0x26  }
.Ltmp3:
0xdc: {  	_ = 	snop;
	(pc) =	sbr.rel @p0 .LBB2_10-.Ltmp3, $1  }
0xdd: {  	_ =	sdelay $0x3  }
0xde: {  	s0 =	rddreg [dreg:$0x9]  }
0xdf: {  	s0 =	sadd.s32 s24, s0  }
0xe0: {  	s0 =	smul.u32 $0xA00, s0;
	_ =	sdelay $0x1  }
0xe1: {  	s2 =	rddreg [dreg:$0x0];
	s0 =	smin.u32 s0, $0x619E00  }
.Ltmp4:
0xe2: {  	s29 =	simm.s32 $0x19200;
	s1 =	sshrl.u32 s0, $0x3;
	(pc) =	sbr.rel .LBB2_4-.Ltmp4, $4  }
0xe3: {  	s30 =	rddreg [dreg:$0x1];
	s0 =	sshrl.u32 s0, $0x2;
	s1 =	sadd.s32 s2, s1  }
0xe4: {  	[tilespmem:s29], [sflag:$0x2] =	stream.linear.gather [hbm4b:s1+s4], $0xA00, $0x38;
	[tilespmem:$0x1C400] =	vst v63  }
0xe5: {  	s31 =	simm.s32 $0x1B000;
	s23 =	sadd.s32 $0x1, s23;
	s0 =	sadd.s32 s30, s0  }
0xe6: {  	[tilespmem:s31], [sflag:$0x2] =	stream.linear.gather [hbm4b:s0+s4], $0x1400, $0x38;
	[tilespmem:$0x1C400] =	vst v63  }
.LBB2_10:
0xe7: {  	_ =	swait.ge [sflag:s17], $0xA00  }
0xe8: {  	[sflag:s17] =	ssyncset.done $0x0  }
0xe9: {  	[sflag:s17] =	ssyncadd.s32 $0xFFFFF600  }
0xea: {  	_ =	swait.ge [sflag:s17], $0x1400  }
0xeb: {  	s23 =	simm.s32 $0x0;
	[sflag:s17] =	ssyncset.done $0x0  }
0xec: {  	s24 =	simm.s32 $0x130;
	s25 =	simm.s32 $0x188A0;
	[sflag:s17] =	ssyncadd.s32 $0xFFFFEC00  }
.LBB2_11:
0xed: {  	s28 =	sadd.s32 $0xFFFFFED0, s24  }
0xee: {  	s1 =	sadd.s32 $0xFFFFFF10, s24;
	s3 =	sadd.s32 $0xFFFFFF20, s24;
	s9 =	sadd.s32 $0xFFFFFF30, s24  }
0xef: {  	s10 =	sadd.s32 $0xFFFFFF40, s24;
	s11 =	sadd.s32 $0xFFFFFF60, s24;
	s12 =	sadd.s32 $0xFFFFFF70, s24  }
0xf0: {  	s13 =	sadd.s32 $0xFFFFFF80, s24;
	s6 =	sadd.s32 $0xFFFFFFB0, s24;
	s0 =	sand.u32 $0x7C00, s23  }
0xf1: {  	s5 =	sadd.s32 $0xFFFFFFC0, s24;
	s16 =	sadd.s32 $0x200, s23;
	s19 =	sadd.s32 $0x280, s23  }
0xf2: {  	s31 =	sadd.s32 $0x380, s23;
	v21 =	vld [tilespmem:s25+$0xFFFFFF60];
	s2 =	sshrl.u32 s0, $0x2;
	s0 =	sadd.s32 $0xFFFFFFF0, s24  }
0xf3: {  	v25 =	vld [tilespmem:s25+$0xFFFFFFA0];
	s26 =	sand.u32 $0x40, s28;
	s16 =	sand.u32 $0xFC00, s16;
	s1 =	sand.u32 $0x40, s1  }
0xf4: {  	v26 =	vld [tilespmem:s25+$0xFFFFFFB0];
	s22 =	sand.u32 $0xFC00, s19;
	s3 =	sand.u32 $0x50, s3;
	s9 =	sand.u32 $0x60, s9  }
0xf5: {  	v27 =	vld [tilespmem:s25+$0xFFFFFFC0];
	s10 =	sand.u32 $0x70, s10;
	s11 =	sand.u32 $0x50, s11;
	s12 =	sand.u32 $0x60, s12  }
0xf6: {  	v28 =	vld [tilespmem:s25+$0xFFFFFFD0];
	s13 =	sand.u32 $0x70, s13;
	s6 =	sand.u32 $0x60, s6;
	s14 =	sadd.s32 $0x19C00, s2  }
0xf7: {  	v30 =	vld [tilespmem:s25+$0xFFFFFFF0];
	s29 =	sor.u32 $0x10, s26;
	s2 =	sor.u32 $0x20, s26;
	s16 =	sshrl.u32 s16, $0x2  }
0xf8: {  	v31 =	vld [tilespmem:s25+$0x0];
	s19 =	sor.u32 $0x30, s26;
	s15 =	sor.u32 s26, s14;
	s18 =	sor.u32 s29, s14  }
0xf9: {  	v40 =	vld [tilespmem:s25+$0x10];
	s1 =	sor.u32 s1, s16;
	s16 =	sshrl.u32 s22, $0x2;
	s22 =	sadd.s32 $0x300, s23  }
0xfa: {  	v42 =	vld [tilespmem:s25+$0x20];
	s21 =	sor.u32 s2, s14;
	s14 =	sor.u32 s19, s14;
	s30 =	sand.u32 $0xFC00, s22  }
0xfb: {  	s3 =	sor.u32 s3, s16;
	v2 =	vld [tilespmem:s18+$0x80];
	s18 =	sadd.s32 $0x600, s23;
	s16 =	sshrl.u32 s30, $0x2  }
0xfc: {  	v44 =	vld [tilespmem:s25+$0x30];
	s30 =	sand.u32 $0xFC00, s31;
	s31 =	sadd.s32 $0x400, s23;
	s9 =	sor.u32 s9, s16  }
0xfd: {  	v46 =	vld [tilespmem:s25+$0x40];
	s16 =	sshrl.u32 s30, $0x2;
	s22 =	sand.u32 $0xFC00, s31;
	s31 =	sadd.s32 $0x480, s23  }
0xfe: {  	v1 =	vld [tilespmem:s15+$0x80];
	s10 =	sor.u32 s10, s16;
	s30 =	sshrl.u32 s22, $0x2;
	s22 =	sadd.s32 $0x580, s23  }
0xff: {  	v3 =	vld [tilespmem:s21+$0x80];
	s15 =	sor.u32 s26, s30;
	s30 =	sand.u32 $0xFC00, s31;
	s31 =	sadd.s32 $0x500, s23  }
0x100: {  	v4 =	vld [tilespmem:s14+$0x80];
	s16 =	sshrl.u32 s30, $0x2;
	s21 =	sand.u32 $0xFC00, s31;
	s31 =	sand.u32 $0xFC00, s22  }
0x101: {  	v5 =	vld [tilespmem:s1+$0x19C80];
	s22 =	sand.u32 $0xFC00, s18;
	s11 =	sor.u32 s11, s16;
	s30 =	sshrl.u32 s21, $0x2  }
0x102: {  	v6 =	vld [tilespmem:s3+$0x19C80];
	s16 =	sshrl.u32 s31, $0x2;
	s31 =	sadd.s32 $0x680, s23;
	s21 =	sor.u32 s12, s30  }
0x103: {  	v7 =	vld [tilespmem:s9+$0x19C80];
	s1 =	sor.u32 s13, s16;
	s30 =	sshrl.u32 s22, $0x2;
	s12 =	sand.u32 $0xFC00, s31  }
0x104: {  	v8 =	vld [tilespmem:s10+$0x19C80];
	s13 =	sadd.s32 $0x700, s23;
	s16 =	sadd.s32 $0x780, s23;
	s9 =	sshrl.u32 s12, $0x2  }
0x105: {  	s10 =	sand.u32 $0xFC00, s13;
	v11 =	vld [tilespmem:s21+$0x19C80];
	s21 =	sand.u32 $0x70, s5;
	s22 =	sand.u32 $0xFC00, s16  }
0x106: {  	v9 =	vld [tilespmem:s15+$0x19C80];
	s12 =	sadd.s32 $0x900, s23;
	s5 =	sshrl.u32 s22, $0x2;
	s22 =	sand.u32 $0xF80, s28  }
0x107: {  	v12 =	vld [tilespmem:s1+$0x19C80];
	s14 =	sshrl.u32 s10, $0x2;
	s1 =	sor.u32 s21, s5;
	s28 =	sadd.s32 $0x18800, s22  }
0x108: {  	s15 =	sor.u32 s6, s14;
	s14 =	sand.u32 $0xFC00, s12;
	v16 =	vld [tilespmem:s1+$0x19C80];
	s1 =	sor.u32 s29, s28  }
0x109: {  	s0 =	sand.u32 $0x60, s0;
	s3 =	sshrl.u32 s14, $0x2;
	s29 =	sor.u32 s2, s28;
	v22 =	vld [tilespmem:s1+$0x0]  }
0x10a: {  	s0 =	sor.u32 s0, s3;
	v23 =	vld [tilespmem:s29+$0x0]  }
0x10b: {  	s8 =	sadd.s32 $0xFFFFFF90, s24;
	v19 =	vld [tilespmem:s0+$0x19C80];
	s0 =	sor.u32 s19, s28  }
0x10c: {  	s8 =	sand.u32 $0x40, s8;
	s18 =	sadd.s32 $0x800, s23;
	v24 =	vld [tilespmem:s0+$0x0]  }
0x10d: {  	v48 =	vld [tilespmem:s25+$0x50];
	s8 =	sor.u32 s8, s30;
	s30 =	sand.u32 $0xFC00, s18  }
0x10e: {  	v52 =	vld [tilespmem:s25+$0x70];
	v21 =	vmul.f32 $1.442695020e+00, v21;
	s6 =	sshrl.u32 s30, $0x2;
	s30 =	sadd.s32 $0xFFFFFF50, s24  }
0x10f: {  	v54 =	vld [tilespmem:s25+$0x80];
	v43 =	vmul.f32 $1.442695020e+00, v25;
	s0 =	sand.u32 $0x1F80, s30;
	v22 =	vmul.f32 $1.442695020e+00, v22  }
0x110: {  	v56 =	vld [tilespmem:s25+$0x90];
	(erf) = vpow2.f32 v21;
	s0 =	sor.u32 s26, s0;
	v39 =	vmul.f32 $1.442695020e+00, v23  }
0x111: {  	s7 =	sadd.s32 $0xFFFFFFA0, s24;
	v29 =	vld [tilespmem:s0+$0x18800];
	(erf) = vpow2.f32 v22;
	v41 =	vmul.f32 $1.442695020e+00, v24  }
0x112: {  	s20 =	sadd.s32 $0xFFFFFFE0, s24;
	s7 =	sand.u32 $0x50, s7;
	v45 =	vmul.f32 $1.442695020e+00, v26;
	v10 =	vld [tilespmem:s11+$0x19C80];
	(erf) = vpow2.f32 v39  }
0x113: {  	s31 =	sadd.s32 $0x880, s23;
	s11 =	sand.u32 $0x50, s20;
	s18 =	sand.u32 $0x70, s24;
	v13 =	vld [tilespmem:s8+$0x19C80];
	(erf) = vpow2.f32 v41  }
0x114: {  	v47 =	vmul.f32 $1.442695020e+00, v27;
	s7 =	sor.u32 s7, s9;
	s10 =	sand.u32 $0xFC00, s31;
	v15 =	vld [tilespmem:s15+$0x19C80];
	s15 =	sadd.s32 $0x980, s23;
	(erf) = vpow2.f32 v43  }
0x115: {  	v49 =	vmul.f32 $1.442695020e+00, v28;
	v14 =	vld [tilespmem:s7+$0x19C80];
	s9 =	sor.u32 s26, s6;
	s6 =	sshrl.u32 s10, $0x2;
	s16 =	sand.u32 $0xFC00, s15;
	(erf) = vpow2.f32 v45  }
0x116: {  	s31 =	sadd.s32 $0xFFFFFFD0, s24;
	s13 =	sor.u32 s11, s6;
	v17 =	vld [tilespmem:s9+$0x19C80];
	s20 =	sshrl.u32 s16, $0x2;
	v51 =	vmul.f32 $1.442695020e+00, v29;
	(erf) = vpow2.f32 v47  }
0x117: {  	v53 =	vmul.f32 $1.442695020e+00, v30;
	v18 =	vld [tilespmem:s13+$0x19C80];
	s21 =	sor.u32 s18, s20;
	s0 =	sand.u32 $0x1F80, s31;
	(erf) = vpow2.f32 v49  }
0x118: {  	v55 =	vmul.f32 $1.442695020e+00, v31;
	v20 =	vld [tilespmem:s21+$0x19C80];
	s0 =	sor.u32 s26, s0;
	(erf) = vpow2.f32 v51  }
0x119: {  	v57 =	vmul.f32 $1.442695020e+00, v40;
	v32 =	vpop (erf);
	v50 =	vld [tilespmem:s0+$0x18800];
	(erf) = vpow2.f32 v53  }
0x11a: {  	v59 =	vmul.f32 $1.442695020e+00, v42;
	[tilespmem:v1+s4+$0x0] =	vst.idx.add.f32.msk vm0, v32;
	v58 =	vpop (erf);
	(erf) = vpow2.f32 v55  }
0x11b: {  	v60 =	vmul.f32 $1.442695020e+00, v44;
	v1 =	vpop (erf);
	(erf) = vpow2.f32 v57;
	[tilespmem:v2+s4+$0x0] =	vst.idx.add.f32.msk vm0, v58  }
0x11c: {  	v61 =	vmul.f32 $1.442695020e+00, v46;
	v2 =	vpop (erf);
	(erf) = vpow2.f32 v59;
	[tilespmem:v3+s4+$0x0] =	vst.idx.add.f32.msk vm0, v1  }
0x11d: {  	v3 =	vmul.f32 $1.442695020e+00, v48;
	v1 =	vpop (erf);
	(erf) = vpow2.f32 v60;
	[tilespmem:v4+s4+$0x0] =	vst.idx.add.f32.msk vm0, v2  }
0x11e: {  	v62 =	vmul.f32 $1.442695020e+00, v50;
	v2 =	vpop (erf);
	(erf) = vpow2.f32 v61;
	[tilespmem:v5+s4+$0x0] =	vst.idx.add.f32.msk vm0, v1  }
0x11f: {  	v1 =	vpop (erf);
	(erf) = vpow2.f32 v3;
	v3 =	vmul.f32 $1.442695020e+00, v52;
	[tilespmem:v6+s4+$0x0] =	vst.idx.add.f32.msk vm0, v2  }
0x120: {  	v63 =	vmul.f32 $1.442695020e+00, v54;
	v2 =	vpop (erf);
	(erf) = vpow2.f32 v62;
	[tilespmem:v7+s4+$0x0] =	vst.idx.add.f32.msk vm0, v1  }
0x121: {  	v1 =	vpop (erf);
	(erf) = vpow2.f32 v3;
	v3 =	vmul.f32 $1.442695020e+00, v56;
	[tilespmem:v8+s4+$0x0] =	vst.idx.add.f32.msk vm0, v2  }
0x122: {  	v2 =	vpop (erf);
	(erf) = vpow2.f32 v63;
	[tilespmem:v9+s4+$0x0] =	vst.idx.add.f32.msk vm0, v1  }
0x123: {  	v1 =	vpop (erf);
	(erf) = vpow2.f32 v3;
	[tilespmem:v10+s4+$0x0] =	vst.idx.add.f32.msk vm0, v2  }
0x124: {  	v2 =	vpop (erf);
	[tilespmem:v11+s4+$0x0] =	vst.idx.add.f32.msk vm0, v1  }
0x125: {  	v1 =	vpop (erf);
	[tilespmem:v12+s4+$0x0] =	vst.idx.add.f32.msk vm0, v2  }
0x126: {  	v2 =	vpop (erf);
	[tilespmem:v13+s4+$0x0] =	vst.idx.add.f32.msk vm0, v1  }
0x127: {  	v1 =	vpop (erf);
	[tilespmem:v14+s4+$0x0] =	vst.idx.add.f32.msk vm0, v2  }
0x128: {  	p0 =	sne.s32 s23, $0x4600;
	v2 =	vpop (erf);
	[tilespmem:v15+s4+$0x0] =	vst.idx.add.f32.msk vm0, v1  }
.Ltmp5:
0x129: {  	v1 =	vpop (erf);
	[tilespmem:v16+s4+$0x0] =	vst.idx.add.f32.msk vm0, v2;
	(pc) =	sbr.rel @p0 .LBB2_11-.Ltmp5, $4  }
0x12a: {  	v2 =	vpop (erf);
	[tilespmem:v17+s4+$0x0] =	vst.idx.add.f32.msk vm0, v1  }
0x12b: {  	v1 =	vpop (erf);
	[tilespmem:v18+s4+$0x0] =	vst.idx.add.f32.msk vm0, v2  }
0x12c: {  	v2 =	vpop (erf);
	[tilespmem:v19+s4+$0x0] =	vst.idx.add.f32.msk vm0, v1  }
0x12d: {  	s25 =	sadd.s32 $0x140, s25;
	s24 =	sadd.s32 $0x140, s24;
	s23 =	sadd.s32 $0xA00, s23;
	[tilespmem:v20+s4+$0x0] =	vst.idx.add.f32.msk vm0, v2  }
0x12e: {  	s0 =	rddreg [dreg:$0xa]  }
0x12f: {  	s1 =	simm.s32 $0x80;
	s2 =	simm.s32 $0x400;
	s29 =	simm.s32 $0x3  }
0x130: {  	[hbm4b:s0+s1] =	stream.strided.scatter [tilespmem:s4], [sflag:$0x3], $0x18800, s2, s1, $0x38;
	[tilespmem:$0x1C400] =	vst v63  }
0x131: {  	_ =	swait.ge [sflag:s29], $0x18800  }
0x132: {  	s30 =	rddreg [dreg:$0xc]  }
0x133: {  	s31 =	rddreg [dreg:$0xb];
	s2 =	sadd.s32 $0x1, s30  }
0x134: {  	p0 =	sne.s32 s2, s31  }
.Ltmp6:
0x135: {  	_ = 	snop;
	(pc) =	sbr.rel @p0 .LBB2_1-.Ltmp6, $3  }
0x136: {  	_ =	sdelay $0x1  }
0x137: {  	[sflag:s29] =	ssyncset.done $0x0  }
0x138: {  	[sflag:s29] =	ssyncadd.s32 $0xFFFE7800  }
0x139: {  	_ =	sfence.sel $0x180000  }
0x13a: {  	[bflag:$0x0] =	sbarrier.arrive $0xFFFF  }
0x13b: {  	_ =	strace $0x90000047  }
0x13c: {  	s0 =	stileid.u32;
	[bflag:$0x2] =	sbarrier.arrive $0xFFFF  }
0x13d: {  	p0 =	sne.s32 s0, $0x0;
	s0 =	rddreg [dreg:$0x3]  }
0x13e: {  	s0 =	sadd.s32 @!p0 $0x100000, s0  }
0x13f: {  	[sflag:s0] =	ssyncadd.tile.s32 @!p0 $0x1;
	_ =	shalt  }
.Lfunc_end2:
_tile_overlayer_lowered:
.L_overlay_start_2:
0x140: {  	(tag) =	ssettag $0x2  }
0x141: {  	s0 =	rddreg [dreg:$0x0];
	s2 =	stileid.u32  }
0x142: {  	s1 =	rddreg [dreg:$0x1];
	p0 =	sne.s32 s2, $0x0  }
0x143: {  	s3 =	rddreg [dreg:$0x2];
	[bflag:$0x3] =	sbarrier.arrive $0xFFFF;
	s2 =	simm.s32 @!p0 $0x1C03  }
0x144: {  	[timem:s3], [sflag:s2] =	dma.local @!p0 [hbm:s0], s1  }
0x145: {  	s0 =	simm.s32 @!p0 $0x3  }
0x146: {  	_ =	swait.ge @!p0 [sflag:s0], s1  }
0x147: {  	s1 =	ssub.s32 @!p0 $0x0, s1;
	[sflag:s0] =	ssyncset.done @!p0 $0x0  }
0x148: {  	[sflag:s0] =	ssyncadd.s32 @!p0 s1  }
0x149: {  	[bflag:$0x3] =	sbarrier.arrive $0xFFFF  }
0x14a: {  	_ =	shalt  }

// kernel: kernel.8.cloned.1.call-start
scs
__scs_entry_jumppad:
0x0: {  	(pc) =	sbr.rel $0x88, $3  }
0x1: {  	(tag) =	ssettag $0x0;
	lr =	simm.s32 $0x1  }
0x2: {  	[smem:$0x3F9F] =	sst lr;
	_ =	strace $0xD0000000  }
0x3: {  	_ = 	snop  }
0x4: {  	_ = 	snop  }
0x5: {  	_ = 	snop  }
0x6: {  	_ = 	snop  }
0x7: {  	_ = 	snop  }
__scs_overlays_trampoline_lowered:
0x8: {  	[smem:$0x3FAE] =	sst s0  }
0x9: {  	[smem:$0x3FAF] =	sst s1  }
0xa: {  	[smem:$0x3FB0] =	sst s2  }
0xb: {  	[smem:$0x3FB1] =	sst s3  }
0xc: {  	[smem:$0x3FB2] =	sst s4  }
0xd: {  	[smem:$0x3FB3] =	sst s5  }
0xe: {  	[smem:$0x3FB4] =	sst s6  }
0xf: {  	[smem:$0x3FB5] =	sst s7  }
0x10: {  	[smem:$0x3FB6] =	sst s8  }
0x11: {  	[smem:$0x3FB7] =	sst s9;
	s0 =	simm.s32 @!p0 $0x0  }
0x12: {  	s1 =	sld [smem:$0x3F9D];
	s0 =	simm.s32 @p0 $0x1  }
0x13: {  	[smem:$0x3FB8] =	sst s0;
	s0 =	simm.s32 @!p1 $0x0  }
0x14: {  	s2 =	sld [smem:$0x3F9C];
	s0 =	simm.s32 @p1 $0x1  }
0x15: {  	[smem:$0x3FB9] =	sst s0;
	s0 =	simm.s32 @!p2 $0x0  }
0x16: {  	s3 =	sld [smem:$0x3FDB];
	s0 =	simm.s32 @p2 $0x1  }
0x17: {  	s4 =	simm.s32 $0x1BF5;
	[smem:$0x3FBB] =	sst s0  }
0x18: {  	s0 =	sld [smem:$0x3F9E];
	_ =	swait.ge [sflag:s4], $0x0  }
0x19: {  	s7 =	sld [smem:$0x3F9F]  }
0x1a: {  	s8 =	sadd.s32 $0xFFFFE003, lr  }
0x1b: {  	s9 =	sadd.s32 $0xFFFFFEF7, lr;
	s5 =	simm.s32 $0xFFFFFFFF;
	p2 =	slt.u32 s8, $0xFFFFF086  }
0x1c: {  	p1 =	slt.u32 s9, $0xF7A;
	s5 =	simm.s32 @!p2 $0x0  }
0x1d: {  	s5 =	simm.s32 @p1 $0x1;
	p0 =	seq.s32 s7, s2  }
0x1e: {  	s7 =	smul.u32 @!p0 $0xF7A, s2;
	p2 =	seq.s32 @!p0 s5, $0x0  }
0x1f: {  	s9 =	smul.u32 $0xF7A, s1;
	s8 =	simm.s32 @!p0 $0x1BF5;
	p2 =	por !p2, p0  }
0x20: {  	[sflag:s8] =	ssyncset.s32 @!p0 $0xFFFFF086;
	s6 =	sadd.s32 @!p0 s3, s7;
	s7 =	simm.s32 @!p0 $0x108  }
0x21: {  	s3 =	sadd.s32 s3, s9;
	s6 =	sadd.s32 @!p0 $0x88, s6;
	s7 =	simm.s32 @p2 $0x1082  }
0x22: {  	[simem:s7], [sflag:s8] =	dma.local @!p0 [hbm:s6], $0xF7A  }
0x23: {  	s9 =	sor.u32 $0xD0000000, s2;
	s6 =	simm.s32 $0x108;
	_ =	swait.ge @!p0 [sflag:s8], $0x0  }
0x24: {  	s3 =	sadd.s32 $0x88, s3;
	s6 =	simm.s32 @!p1 $0x1082;
	[sflag:s4] =	ssyncset.s32 $0xFFFFF086  }
0x25: {  	[simem:s6], [sflag:s4] =	dma.local [hbm:s3], $0xF7A  }
0x26: {  	[smem:$0x3F9F] =	sst s1;
	(tag) =	ssettag s2;
	_ =	strace s9  }
0x27: {  	s1 =	sld [smem:$0x3FAF]  }
0x28: {  	s2 =	sld [smem:$0x3FB0]  }
0x29: {  	s4 =	sld [smem:$0x3FB2]  }
0x2a: {  	p0 =	seq.s32 s5, $0x0;
	s5 =	sld [smem:$0x3FB3]  }
0x2b: {  	s6 =	sld [smem:$0x3FB4]  }
0x2c: {  	s7 =	sld [smem:$0x3FB5]  }
0x2d: {  	s3 =	simm.s32 $0x108;
	s8 =	sld [smem:$0x3FB6]  }
0x2e: {  	s3 =	simm.s32 @!p0 $0x1082;
	s9 =	sld [smem:$0x3FB7]  }
0x2f: {  	lr =	sadd.s32 s0, s3;
	s0 =	sld [smem:$0x3FAE]  }
0x30: {  	s3 =	sld [smem:$0x3FB1]  }
0x31: {  	[smem:$0x3FBA] =	sst s10  }
0x32: {  	s10 =	sld [smem:$0x3FB8];
	_ =	sdelay $0x3  }
0x33: {  	p0 =	seq.s32 s10, $0x1;
	s10 =	sld [smem:$0x3FBA];
	_ =	sdelay $0x3  }
0x34: {  	[smem:$0x3FBA] =	sst s10  }
0x35: {  	s10 =	sld [smem:$0x3FB9];
	_ =	sdelay $0x3  }
0x36: {  	p1 =	seq.s32 s10, $0x1;
	s10 =	sld [smem:$0x3FBA];
	_ =	sdelay $0x3  }
0x37: {  	[smem:$0x3FBA] =	sst s10  }
0x38: {  	s10 =	sld [smem:$0x3FBB]  }
0x39: {  	_ = 	snop;
	(pc) =	sbr.ind lr, $3  }
0x3a: {  	_ = 	snop  }
0x3b: {  	_ = 	snop  }
0x3c: {  	p2 =	seq.s32 s10, $0x1;
	s10 =	sld [smem:$0x3FBA]  }
0x3d: {  	_ =	shalt  }
0x3e: {  	_ =	shalt  }
0x3f: {  	_ =	shalt  }
0x40: {  	_ =	shalt  }
0x41: {  	_ =	shalt  }
0x42: {  	_ =	shalt  }
0x43: {  	_ =	shalt  }
0x44: {  	_ =	shalt  }
0x45: {  	_ =	shalt  }
0x46: {  	_ =	shalt  }
0x47: {  	_ =	shalt  }
0x48: {  	_ =	shalt  }
0x49: {  	_ =	shalt  }
0x4a: {  	_ =	shalt  }
0x4b: {  	_ =	shalt  }
0x4c: {  	_ =	shalt  }
0x4d: {  	_ =	shalt  }
0x4e: {  	_ =	shalt  }
0x4f: {  	_ =	shalt  }
0x50: {  	_ =	shalt  }
0x51: {  	_ =	shalt  }
0x52: {  	_ =	shalt  }
0x53: {  	_ =	shalt  }
0x54: {  	_ =	shalt  }
0x55: {  	_ =	shalt  }
0x56: {  	_ =	shalt  }
0x57: {  	_ =	shalt  }
0x58: {  	_ =	shalt  }
0x59: {  	_ =	shalt  }
0x5a: {  	_ =	shalt  }
0x5b: {  	_ =	shalt  }
0x5c: {  	_ =	shalt  }
0x5d: {  	_ =	shalt  }
0x5e: {  	_ =	shalt  }
0x5f: {  	_ =	shalt  }
0x60: {  	_ =	shalt  }
0x61: {  	_ =	shalt  }
0x62: {  	_ =	shalt  }
0x63: {  	_ =	shalt  }
0x64: {  	_ =	shalt  }
0x65: {  	_ =	shalt  }
0x66: {  	_ =	shalt  }
0x67: {  	_ =	shalt  }
0x68: {  	_ =	shalt  }
0x69: {  	_ =	shalt  }
0x6a: {  	_ =	shalt  }
0x6b: {  	_ =	shalt  }
0x6c: {  	_ =	shalt  }
0x6d: {  	_ =	shalt  }
0x6e: {  	_ =	shalt  }
0x6f: {  	_ =	shalt  }
0x70: {  	_ =	shalt  }
0x71: {  	_ =	shalt  }
0x72: {  	_ =	shalt  }
0x73: {  	_ =	shalt  }
0x74: {  	_ =	shalt  }
0x75: {  	_ =	shalt  }
0x76: {  	_ =	shalt  }
0x77: {  	_ =	shalt  }
0x78: {  	_ =	shalt  }
0x79: {  	_ =	shalt  }
0x7a: {  	_ =	shalt  }
0x7b: {  	_ =	shalt  }
0x7c: {  	_ =	shalt  }
0x7d: {  	_ =	shalt  }
0x7e: {  	_ =	shalt  }
0x7f: {  	_ =	shalt  }
0x80: {  	_ =	shalt  }
0x81: {  	_ =	shalt  }
0x82: {  	_ =	shalt  }
0x83: {  	_ =	shalt  }
0x84: {  	_ =	shalt  }
0x85: {  	_ =	shalt  }
0x86: {  	_ =	shalt  }
0x87: {  	_ =	shalt  }
.Lfunc_end0:
.L_simem_size_0:
called_computation.1_lowered:
.L_overlay_start_0:
0x88: {  	s2 =	sld [smem:$0x3FD9]  }
0x89: {  	s3 =	sld [smem:$0x3FFE];
	_ =	sdelay $0x1  }
0x8a: {  	s1 =	srdreg.scid  }
0x8b: {  	s0 =	sand.u32 $0x1, s1  }
0x8c: {  	s17 =	sshll.u32 s0, $0xA;
	s2 =	sadd.s32 s3, s2  }
0x8d: {  	s2 =	sadd.s32 s2, s17  }
0x8e: {  	[smem:$0x3FC6] =	sst s2  }
0x8f: {  	_ = 	snop  }
0x90: {  	s2 =	sld [smem:$0x3FC9]  }
0x91: {  	s18 =	sld [smem:$0x3FC8]  }
0x92: {  	s4 =	sld [smem:$0x3FD0];
	(tm) =	ssettm $0x1  }
0x93: {  	s5 =	sld [smem:$0x3FFB];
	_ =	sdelay $0x3  }
0x94: {  	_ =	strace s5  }
0x95: {  	s5 =	sld [smem:$0x3FFC];
	_ =	sdelay $0x3  }
0x96: {  	_ =	strace s5  }
0x97: {  	s5 =	sld [smem:$0x3FFD];
	_ =	sdelay $0x3  }
0x98: {  	_ =	strace s5  }
0x99: {  	_ =	strace $0x8FFFFFFF  }
0x9a: {  	s19 =	sld [smem:$0x3FDB];
	_ =	sdelay $0x1  }
0x9b: {  	s6 =	simm.s32 $_scs_section_size  }
0x9c: {  	s7 =	simm.s32 $_size__tile_overlayer_lowered;
	s8 =	simm.s32 $_tile_overlayer_lowered  }
0x9d: {  	s22 =	simm.s32 $0x1BFF;
	s21 =	sshll.u32 s8, $0x1;
	s5 =	sadd.s32 s6, s19  }
0x9e: {  	s9 =	simm.s32 $0x0;
	s20 =	sshll.u32 s7, $0x1;
	s7 =	sadd.s32 s21, s5  }
0x9f: {  	[timem:s9], [sflag:s22] =	dma.local [hbm:s7], s20  }
0xa0: {  	_ =	swait.ge [sflag:s22], s20  }
0xa1: {  	s6 =	ssub.s32 $0x0, s20;
	[sflag:s22] =	ssyncset.done $0x0  }
0xa2: {  	[sflag:s22] =	ssyncadd.s32 s6;
	_ =	sdelay $0x1  }
0xa3: {  	s23 =	simm.s32 $0x1B8B  }
0xa4: {  	_ =	swait.ge [sflag:s23], $0x1  }
0xa5: {  	[sflag:s23] =	ssyncset.done $0x0  }
0xa6: {  	s25 =	simm.s32 $0x1B8E;
	s24 =	sld [smem:$0x3FFE];
	[sflag:s23] =	ssyncadd.s32 $0xFFFFFFFF  }
0xa7: {  	s26 =	simm.s32 $execute0_lowered;
	[smem:$0x3FD2] =	sst s25  }
0xa8: {  	s7 =	sshll.u32 s26, $0x1;
	_ =	strace $0x80000049;
	[dreg:$0x1] =	wrdreg $0xFFFFFFFF  }
0xa9: {  	s28 =	simm.s32 $_size_execute0_lowered;
	s5 =	sadd.s32 s5, s7;
	[dreg:$0x0] =	wrdreg $0x0  }
0xaa: {  	s7 =	sshll.u32 s28, $0x1;
	[dreg:$0x2] =	wrdreg s5  }
0xab: {  	[dreg:$0x3] =	wrdreg s7  }
0xac: {  	[dreg:$0x4] =	wrdreg $0xC0  }
0xad: {  	_ =	task [dreg:s9], $0x5FFFF  }
0xae: {  	[dreg:$0x1] =	wrdreg $0xFFFFFFFF  }
0xaf: {  	[dreg:$0x0] =	wrdreg $0x60  }
0xb0: {  	[dreg:$0x2] =	wrdreg s2  }
0xb1: {  	[dreg:$0x3] =	wrdreg s18  }
0xb2: {  	[dreg:$0x4] =	wrdreg s24  }
0xb3: {  	[dreg:$0x5] =	wrdreg s4  }
0xb4: {  	[dreg:$0x6] =	wrdreg $0x9  }
0xb5: {  	_ =	task.clear_ibuf [dreg:s9], $0x7FFFF;
	_ =	strace $0x90000049  }
0xb6: {  	s29 =	simm.s32 $0x9;
	_ =	strace $0x8000004B  }
0xb7: {  	_ =	swait.ge [sflag:s29], $0x1  }
0xb8: {  	[sflag:s29] =	ssyncadd.s32 $0xFFFFFFFF  }
0xb9: {  	_ =	strace $0x9000004B  }
0xba: {  	_ =	sfence  }
0xbb: {  	s30 =	sld [smem:$0x0];
	_ =	sdelay $0x2  }
0xbc: {  	s31 =	sshll.u32 s1, $0xD;
	s1 =	sshrl.u32 s1, $0x2  }
0xbd: {  	s3 =	sand.u32 $0x4000, s31;
	s1 =	sadd.s32 s1, s30  }
0xbe: {  	s0 =	sor.u32 s3, s0;
	s1 =	sshll.u32 s1, $0x11  }
0xbf: {  	s0 =	sor.u32 s1, s0  }
0xc0: {  	s0 =	sadd.s32 $0x8F2B, s0  }
0xc1: {  	[sflag:s0] =	ssyncadd.remote.s32 $0x1  }
0xc2: {  	_ =	sfence.sel $0xFFFF  }
0xc3: {  	[dreg:$0x0] =	wrdreg $0xFFFFFFFF;
	(pc) =	sbr.abs _section_cstart, $3  }
0xc4: {  	[dreg:$0x1] =	wrdreg $0xFFFFFFFF  }
0xc5: {  	_ =	task.clear_ibuf [dreg:s9], $0x2FFFF;
	_ =	strace $0x9FFFFFFF  }
0xc6: {  	(tm) =	ssettm $0x7FFFFFFF  }
0xc7: {  	_ =	shalt  }
tec
execute0_lowered:
.L_overlay_start_1:
0x0: {  	(tag) =	ssettag $0x1  }
0x1: {  	s3 =	rddreg [dreg:$0x0]  }
0x2: {  	s21 =	rddreg [dreg:$0x1]  }
0x3: {  	s0 =	srdreg.scid;
	s7 =	rddreg [dreg:$0x2]  }
0x4: {  	s1 =	stileid.u32;
	s4 =	rddreg [dreg:$0x3]  }
0x5: {  	s5 =	simm.s32 $0x0;
	s0 =	sand.u32 $0x1, s0;
	s2 =	sshll.u32 s1, $0x1  }
0x6: {  	[smem:$0x7FF] =	sst s5;
	s2 =	sor.u32 s0, s2  }
0x7: {  	s7 =	sadd.s32 $0xC00, s7;
	s0 =	ssub.s32 $0x2, s0;
	s6 =	smul.u32 $0x4E, s2  }
0x8: {  	_ =	strace $0x8000004A;
	s2 =	smin.u32 s2, $0x4;
	s22 =	sshrl.u32 s0, $0x1  }
0x9: {  	[dreg:$0x6] =	wrdreg s7;
	s0 =	ssub.s32 s0, s22;
	s6 =	sadd.s32 s2, s6  }
0xa: {  	s0 =	smax.u32 s0, $0x1;
	[dreg:$0x5] =	wrdreg s6  }
0xb: {  	s28 =	sadd.s32 $0x2, s6;
	[dreg:$0xf] =	wrdreg s0  }
0xc: {  	s29 =	sadd.s32 $0x1, s6;
	[dreg:$0xb] =	wrdreg s28  }
0xd: {  	s2 =	smul.u32 $0xA00, s6;
	s30 =	sadd.s32 $0x3, s6;
	[dreg:$0xc] =	wrdreg s29  }
0xe: {  	[dreg:$0xd] =	wrdreg s30  }
0xf: {  	s23 =	sshrl.u32 s2, $0x3;
	s8 =	sshrl.u32 s2, $0x2;
	s25 =	sadd.s32 $0xA00, s2  }
0x10: {  	s2 =	smin.u32 s2, $0x5E9200;
	s7 =	sadd.s32 s3, s23;
	s24 =	sadd.s32 s21, s8  }
0x11: {  	s26 =	sshrl.u32 s25, $0x3;
	s2 =	sshrl.u32 s2, $0x3;
	[dreg:$0x7] =	wrdreg s7  }
0x12: {  	[dreg:$0x8] =	wrdreg s24;
	s7 =	sshrl.u32 s25, $0x2;
	s3 =	sadd.s32 s3, s26  }
0x13: {  	s2 =	sadd.s32 s4, s2;
	[dreg:$0x9] =	wrdreg s3;
	s1 =	sadd.s32 s21, s7  }
0x14: {  	s31 =	sadd.s32 $0x6180, s2;
	[dreg:$0xa] =	wrdreg s1  }
0x15: {  	s22 =	simm.s32 $0x1;
	[dreg:$0xe] =	wrdreg s31;
	s1 =	simm.s32 $0x0  }
.LBB2_1:
0x16: {  	[dreg:$0x10] =	wrdreg s1  }
0x17: {  	s0 =	rddreg [dreg:$0x7];
	s20 =	simm.s32 $0x18800  }
0x18: {  	[tilespmem:s20], [sflag:$0x1] =	stream.linear.gather [hbm4b:s0+s5], $0xA00, $0x38;
	[tilespmem:$0x1D800] =	vst v63  }
0x19: {  	s21 =	rddreg [dreg:$0x8];
	s23 =	simm.s32 $0x19C00  }
0x1a: {  	[tilespmem:s23], [sflag:$0x1] =	stream.linear.gather [hbm4b:s21+s5], $0x1400, $0x38;
	[tilespmem:$0x1D800] =	vst v63  }
0x1b: {  	s24 =	rddreg [dreg:$0x9];
	s25 =	simm.s32 $0x19200  }
0x1c: {  	[tilespmem:s25], [sflag:$0x2] =	stream.linear.gather [hbm4b:s24+s5], $0xA00, $0x38;
	[tilespmem:$0x1D800] =	vst v63  }
0x1d: {  	s26 =	rddreg [dreg:$0xa];
	s28 =	simm.s32 $0x1B000  }
0x1e: {  	[tilespmem:s28], [sflag:$0x2] =	stream.linear.gather [hbm4b:s26+s5], $0x1400, $0x38;
	[tilespmem:$0x1D800] =	vst v63  }
0x1f: {  	s29 =	rddreg [dreg:$0x6];
	s31 =	simm.s32 $0x5  }
0x20: {  	[tilespmem:s5], [sflag:$0x5] =	stream.linear.gather [hbm4b:s29+s5], $0x18800, $0x38;
	[tilespmem:$0x1D800] =	vst v63  }
0x21: {  	_ =	swait.ge [sflag:s31], $0x18800  }
0x22: {  	[sflag:s31] =	ssyncset.done $0x0  }
0x23: {  	s30 =	simm.s32 $0x0;
	[sflag:s31] =	ssyncadd.s32 $0xFFFE7800  }
.LBB2_2:
0x24: {  	_ =	swait.ge [sflag:s22], $0xA00  }
0x25: {  	[sflag:s22] =	ssyncset.done $0x0  }
0x26: {  	[sflag:s22] =	ssyncadd.s32 $0xFFFFF600  }
0x27: {  	_ =	swait.ge [sflag:s22], $0x1400  }
0x28: {  	p0 =	seq.s32 s30, $0x0;
	[sflag:s22] =	ssyncset.done $0x0  }
0x29: {  	s0 =	simm.s32 @!p0 $0x3;
	[sflag:s22] =	ssyncadd.s32 $0xFFFFEC00  }
0x2a: {  	s2 =	simm.s32 $0x188A0;
	_ =	swait.ge @!p0 [sflag:s0], $0xA00  }
0x2b: {  	s7 =	simm.s32 $0x700;
	s8 =	simm.s32 $0x110;
	[sflag:s0] =	ssyncset.done @!p0 $0x0  }
0x2c: {  	s13 =	simm.s32 $0x900;
	s10 =	simm.s32 $0x880;
	[sflag:s0] =	ssyncadd.s32 @!p0 $0xFFFFF600  }
0x2d: {  	s15 =	simm.s32 $0x120;
	s16 =	simm.s32 $0x980;
	s19 =	simm.s32 $0x280;
	v4 =	vld [tilespmem:s2+$0x20]  }
0x2e: {  	s14 =	simm.s32 $0x680;
	s17 =	simm.s32 $0x50;
	s26 =	simm.s32 $0xD0;
	v5 =	vld [tilespmem:s2+$0xFFFFFFB0]  }
0x2f: {  	s18 =	simm.s32 $0x500;
	s20 =	simm.s32 $0xA0;
	s23 =	simm.s32 $0x480;
	v11 =	vld [tilespmem:s2+$0x0]  }
0x30: {  	s24 =	simm.s32 $0x90;
	s25 =	simm.s32 $0x580;
	s29 =	simm.s32 $0xB0;
	v10 =	vld [tilespmem:s2+$0xFFFFFFC0]  }
0x31: {  	s1 =	simm.s32 $0x600;
	s3 =	simm.s32 $0xC0;
	s12 =	simm.s32 $0x200;
	v12 =	vld [tilespmem:s2+$0xFFFFFFD0]  }
0x32: {  	s11 =	sand.u32 $0x50, s8;
	s8 =	sand.u32 $0xFC00, s13;
	s15 =	sand.u32 $0x60, s15;
	v15 =	vld [tilespmem:s2+$0xFFFFFFF0]  }
0x33: {  	s16 =	sand.u32 $0xFC00, s16;
	s10 =	sand.u32 $0xFC00, s10;
	s8 =	sshrl.u32 s8, $0x2;
	v8 =	vld [tilespmem:s2+$0x80]  }
0x34: {  	s26 =	sand.u32 $0x50, s26;
	s21 =	sshrl.u32 s10, $0x2;
	s15 =	sor.u32 s15, s8;
	v16 =	vld [tilespmem:s2+$0xFFFFFF60]  }
0x35: {  	s19 =	sand.u32 $0xFC00, s19;
	s11 =	sor.u32 s11, s21;
	s21 =	sand.u32 $0xFC00, s14;
	v1 =	vld [tilespmem:s15+$0x19C80]  }
0x36: {  	s4 =	sand.u32 $0x70, s29;
	s13 =	simm.s32 $0x40;
	s21 =	sshrl.u32 s21, $0x2;
	v17 =	vld [tilespmem:s2+$0xFFFFFFA0]  }
0x37: {  	s7 =	sand.u32 $0xFC00, s7;
	s16 =	sshrl.u32 s16, $0x2;
	s21 =	sor.u32 s26, s21;
	v0 =	vld [tilespmem:s11+$0x19C80]  }
0x38: {  	s10 =	simm.s32 $0x780;
	s19 =	sshrl.u32 s19, $0x2;
	s7 =	sshrl.u32 s7, $0x2;
	v2 =	vld [tilespmem:s21+$0x19C80]  }
0x39: {  	s8 =	simm.s32 $0x300;
	s14 =	sand.u32 $0xFC00, s12;
	s10 =	sand.u32 $0xFC00, s10;
	v18 =	vld [tilespmem:s2+$0x40]  }
0x3a: {  	s8 =	sand.u32 $0xFC00, s8;
	s26 =	sand.u32 $0x60, s20;
	s0 =	simm.s32 $0x130;
	v19 =	vld [tilespmem:s2+$0x10]  }
0x3b: {  	s29 =	sshrl.u32 s8, $0x2;
	s9 =	sand.u32 $0x70, s0;
	s11 =	sand.u32 $0xFC00, s23;
	v7 =	vld [tilespmem:s2+$0x30]  }
0x3c: {  	s21 =	sand.u32 $0x50, s24;
	s15 =	sand.u32 $0x50, s17;
	v13 =	vld [tilespmem:s2+$0x50];
	s16 =	sor.u32 s9, s16  }
0x3d: {  	s9 =	simm.s32 $0xE0;
	s11 =	sshrl.u32 s11, $0x2;
	s15 =	sor.u32 s15, s19;
	v14 =	vld [tilespmem:s16+$0x19C80]  }
0x3e: {  	s11 =	sor.u32 s21, s11;
	v20 =	vld [tilespmem:s15+$0x19C80];
	s15 =	sand.u32 $0x40, s13;
	s21 =	sshrl.u32 s14, $0x2  }
0x3f: {  	s16 =	sand.u32 $0xFC00, s18;
	s9 =	sand.u32 $0x60, s9;
	v3 =	vld [tilespmem:s11+$0x19C80];
	s15 =	sor.u32 s15, s21  }
0x40: {  	s24 =	simm.s32 $0x60;
	s16 =	sshrl.u32 s16, $0x2;
	s7 =	sor.u32 s9, s7;
	v22 =	vld [tilespmem:s15+$0x19C80]  }
0x41: {  	s16 =	sor.u32 s26, s16;
	s26 =	sand.u32 $0xFC00, s25;
	s25 =	sand.u32 $0x60, s24;
	v9 =	vld [tilespmem:s7+$0x19C80]  }
0x42: {  	s20 =	simm.s32 $0x70;
	v6 =	vld [tilespmem:s16+$0x19C80];
	s6 =	sshrl.u32 s26, $0x2;
	s9 =	sor.u32 s25, s29  }
0x43: {  	s19 =	sand.u32 $0x40, s3;
	s18 =	simm.s32 $0x380;
	s11 =	sor.u32 s4, s6;
	v26 =	vld [tilespmem:s9+$0x19C80]  }
0x44: {  	s21 =	sand.u32 $0x70, s20;
	s16 =	sand.u32 $0xFC00, s1;
	s1 =	simm.s32 $0x0;
	v21 =	vld [tilespmem:s11+$0x19C80]  }
0x45: {  	s17 =	sshrl.u32 s16, $0x2;
	s16 =	sand.u32 $0xFC00, s18;
	s3 =	sand.u32 $0x40, s1;
	v0 =	vld.idx.msk [tilespmem:v0+s5+$0x0], $0xffff  }
0x46: {  	s8 =	sand.u32 $0xF80, s1;
	s16 =	sshrl.u32 s16, $0x2;
	s11 =	sor.u32 s19, s17;
	v23 =	vld.idx.msk [tilespmem:v2+s5+$0x0], $0xffff  }
0x47: {  	s6 =	simm.s32 $0x0;
	s4 =	sor.u32 $0x10, s3;
	s15 =	sor.u32 s21, s16;
	v24 =	vld [tilespmem:s11+$0x19C80]  }
0x48: {  	s23 =	simm.s32 $0xF0;
	s9 =	sand.u32 $0x7C00, s6;
	s11 =	sor.u32 s8, s4;
	v25 =	vld [tilespmem:s15+$0x19C80]  }
0x49: {  	s10 =	sshrl.u32 s10, $0x2;
	s26 =	sand.u32 $0x70, s23;
	s9 =	sshrl.u32 s9, $0x2;
	v27 =	vld [tilespmem:s11+$0x18800]  }
0x4a: {  	s10 =	sor.u32 s26, s10;
	s12 =	sor.u32 $0x20, s3;
	s9 =	sadd.s32 $0x19C00, s9;
	v14 =	vld.idx.msk [tilespmem:v14+s5+$0x0], $0xffff  }
0x4b: {  	s14 =	sor.u32 $0x30, s3;
	s21 =	simm.s32 $0x100;
	s13 =	sor.u32 s12, s9;
	v3 =	vld.idx.msk [tilespmem:v3+s5+$0x0], $0xffff  }
0x4c: {  	s26 =	sor.u32 s8, s12;
	s15 =	sor.u32 s8, s14;
	s8 =	sand.u32 $0x1F80, s21;
	v31 =	vld [tilespmem:s13+$0x80]  }
0x4d: {  	s21 =	sor.u32 s3, s8;
	v30 =	vld.idx.msk [tilespmem:v22+s5+$0x0], $0xffff;
	v22 =	vmul.f32 $1.442695020e+00, v7  }
0x4e: {  	s17 =	sor.u32 s14, s9;
	v33 =	vld [tilespmem:s21+$0x18800]  }
0x4f: {  	(erf) = vpow2.f32 v22;
	v22 =	vld [tilespmem:s17+$0x80]  }
0x50: {  	v2 =	vld.idx.msk [tilespmem:v21+s5+$0x0], $0xffff  }
0x51: {  	v7 =	vld.idx.msk [tilespmem:v24+s5+$0x0], $0xffff;
	v24 =	vmul.f32 $1.442695020e+00, v13  }
0x52: {  	v5 =	vmul.f32 $1.442695020e+00, v5;
	s18 =	simm.s32 $0x80;
	v21 =	vld [tilespmem:s10+$0x19C80];
	s10 =	sor.u32 s4, s9;
	s9 =	sor.u32 s3, s9  }
0x53: {  	v12 =	vmul.f32 $1.442695020e+00, v12;
	s20 =	sand.u32 $0x1F80, s18;
	v32 =	vld [tilespmem:s9+$0x80];
	(erf) = vpow2.f32 v24  }
0x54: {  	s28 =	sor.u32 s3, s20;
	v29 =	vld.idx.msk [tilespmem:v25+s5+$0x0], $0xffff;
	(erf) = vpow2.f32 v5;
	v5 =	vmul.f32 $1.442695020e+00, v10  }
0x55: {  	v25 =	vld [tilespmem:s28+$0x18800];
	v10 =	vmul.f32 $1.442695020e+00, v16;
	(erf) = vpow2.f32 v12  }
0x56: {  	v24 =	vld [tilespmem:s26+$0x18800];
	(erf) = vpow2.f32 v5;
	v5 =	vmul.f32 $1.442695020e+00, v17  }
0x57: {  	v34 =	vmul.f32 $1.442695020e+00, v15;
	v17 =	vld [tilespmem:s10+$0x80];
	(erf) = vpow2.f32 v10  }
0x58: {  	s23 =	simm.s32 $0x400;
	v16 =	vld [tilespmem:s15+$0x18800];
	v12 =	vmul.f32 $1.442695020e+00, v11;
	(erf) = vpow2.f32 v5  }
0x59: {  	s24 =	simm.s32 $0x800;
	s10 =	sand.u32 $0xFC00, s23;
	v10 =	vmul.f32 $1.442695020e+00, v19;
	v19 =	vld.idx.msk [tilespmem:v20+s5+$0x0], $0xffff;
	v20 =	vmul.f32 $1.442695020e+00, v27  }
0x5a: {  	s25 =	sand.u32 $0xFC00, s24;
	s29 =	sshrl.u32 s10, $0x2;
	v13 =	vld.idx.msk [tilespmem:v21+s5+$0x0], $0xffff;
	v5 =	vmul.f32 $1.442695020e+00, v4;
	v4 =	vmul.f32 $1.442695020e+00, v8  }
0x5b: {  	s8 =	sshrl.u32 s25, $0x2;
	v21 =	vld.idx.msk [tilespmem:v26+s5+$0x0], $0xffff;
	v8 =	vmul.f32 $1.442695020e+00, v18;
	v18 =	vpop (erf);
	s9 =	sor.u32 s3, s29;
	(erf) = vpow2.f32 v20  }
0x5c: {  	s7 =	sor.u32 s3, s8;
	v11 =	vmul.f32 v23, v18;
	v27 =	vld [tilespmem:s9+$0x19C80];
	v23 =	vmul.f32 $1.442695020e+00, v24;
	v15 =	vpop (erf)  }
0x5d: {  	v26 =	vld [tilespmem:s7+$0x19C80];
	v16 =	vmul.f32 $1.442695020e+00, v16;
	v18 =	vpop (erf)  }
0x5e: {  	v6 =	vld.idx.msk [tilespmem:v6+s5+$0x0], $0xffff;
	v33 =	vmul.f32 $1.442695020e+00, v33;
	(erf) = vpow2.f32 v23;
	v35 =	vpop (erf)  }
0x5f: {  	v28 =	vmul.f32 $1.442695020e+00, v25;
	v25 =	vld.idx.msk [tilespmem:v17+s5+$0x0], $0xffff;
	(erf) = vpow2.f32 v16;
	v17 =	vpop (erf)  }
0x60: {  	v22 =	vld.idx.msk [tilespmem:v22+s5+$0x0], $0xffff;
	v16 =	vmul.f32 v29, v35;
	v23 =	vpop (erf)  }
0x61: {  	s31 =	sshll.u32 s30, $0x1;
	s8 =	simm.s32 $0x188A0;
	v24 =	vld.idx.msk [tilespmem:v31+s5+$0x0], $0xffff;
	(erf) = vpow2.f32 v33;
	v20 =	vmul.f32 v21, v17;
	v17 =	vpop (erf)  }
0x62: {  	s10 =	simm.s32 $0x1C4A0;
	s7 =	simm.s32 $0x1C4A0;
	s9 =	simm.s32 $0xA00;
	v29 =	vld.idx.msk [tilespmem:v32+s5+$0x0], $0xffff;
	(erf) = vpow2.f32 v34;
	v21 =	vmul.f32 v30, v17  }
.LBB2_3:
0x63: {  	v1 =	vld.idx.msk [tilespmem:v1+s5+$0x0], $0xffff;
	s0 =	sadd.s32 $0x140, s0;
	s7 =	sadd.s32 $0x140, s7;
	s2 =	sadd.s32 $0x140, s2  }
0x64: {  	p1 =	sne.s32 s9, $0x4600;
	s16 =	smov.u32 s9;
	s9 =	sadd.s32 $0xA00, s9;
	v17 =	vld.idx.msk [tilespmem:v27+s5+$0x0], $0xffff;
	v27 =	vpop (erf);
	(erf) = vpow2.f32 v5  }
0x65: {  	v5 =	vld.idx.msk [tilespmem:v26+s5+$0x0], $0xffff;
	v25 =	vmul.f32 v25, v27;
	(erf) = vpow2.f32 v28  }
0x66: {  	v26 =	vld [tilespmem:s8+$0x90];
	(erf) = vpow2.f32 v12  }
0x67: {  	v23 =	vmul.f32 v29, v23;
	v12 =	vld [tilespmem:s8+$0x70];
	v27 =	vpop (erf);
	(erf) = vpow2.f32 v10;
	s8 =	smov.u32 s2  }
0x68: {  	v9 =	vld.idx.msk [tilespmem:v9+s5+$0x0], $0xffff;
	v27 =	vmul.f32 v24, v27;
	v24 =	vpop (erf);
	(erf) = vpow2.f32 v8  }
0x69: {  	v18 =	vmul.f32 v19, v18;
	[tilespmem:s10+$0xFFFFFF60] =	vst v23;
	v8 =	vmul.f32 v22, v24  }
0x6a: {  	v13 =	vmul.f32 v13, v15;
	[tilespmem:s11+$0x1C400] =	vst v25;
	v15 =	vpop (erf);
	(erf) = vpow2.f32 v4  }
0x6b: {  	v19 =	vmul.f32 $1.442695020e+00, v26;
	[tilespmem:s26+$0x1C400] =	vst v27;
	v5 =	vmul.f32 v5, v15;
	v10 =	vpop (erf)  }
0x6c: {  	v12 =	vmul.f32 $1.442695020e+00, v12;
	[tilespmem:s15+$0x1C400] =	vst v8;
	v3 =	vmul.f32 v3, v10  }
0x6d: {  	[tilespmem:s10+$0xFFFFFFA0] =	vst v21;
	v8 =	vpop (erf);
	(erf) = vpow2.f32 v19  }
0x6e: {  	[tilespmem:s10+$0xFFFFFFB0] =	vst v18;
	v4 =	vpop (erf);
	(erf) = vpow2.f32 v12  }
0x6f: {  	[tilespmem:s10+$0xFFFFFFC0] =	vst v20;
	v12 =	vmul.f32 v17, v4;
	v10 =	vpop (erf)  }
0x70: {  	[tilespmem:s10+$0xFFFFFFD0] =	vst v16;
	v6 =	vmul.f32 v6, v10;
	v10 =	vpop (erf)  }
0x71: {  	[tilespmem:s28+$0x1C400] =	vst v12;
	v4 =	vpop (erf)  }
0x72: {  	[tilespmem:s10+$0x0] =	vst v6;
	v4 =	vmul.f32 v9, v4  }
0x73: {  	[tilespmem:s10+$0xFFFFFFF0] =	vst v3;
	v3 =	vpop (erf)  }
0x74: {  	[tilespmem:s10+$0x40] =	vst v4  }
0x75: {  	v6 =	vmul.f32 v7, v8;
	[tilespmem:s10+$0x30] =	vst v11  }
0x76: {  	v2 =	vmul.f32 v2, v10;
	v1 =	vmul.f32 v1, v3;
	[tilespmem:s10+$0x50] =	vst v13;
	v3 =	vpop (erf)  }
0x77: {  	[tilespmem:s10+$0x20] =	vst v6;
	v3 =	vmul.f32 v14, v3;
	v4 =	vpop (erf)  }
0x78: {  	[tilespmem:s10+$0x10] =	vst v2;
	v0 =	vmul.f32 v0, v4  }
0x79: {  	s19 =	sadd.s32 $0x700, s16;
	s11 =	sadd.s32 $0x800, s16;
	[tilespmem:s21+$0x1C400] =	vst v5  }
0x7a: {  	s15 =	sadd.s32 $0xFFFFFFE0, s0;
	s21 =	sand.u32 $0xFC00, s11;
	s11 =	sand.u32 $0x70, s0;
	[tilespmem:s10+$0x70] =	vst v0  }
0x7b: {  	s26 =	sadd.s32 $0x900, s16;
	s28 =	sand.u32 $0x50, s15;
	s15 =	sadd.s32 $0x880, s16;
	[tilespmem:s10+$0x80] =	vst v1  }
0x7c: {  	s29 =	sadd.s32 $0xFFFFFFF0, s0;
	s20 =	sadd.s32 $0x980, s16;
	s26 =	sand.u32 $0xFC00, s26;
	[tilespmem:s10+$0x90] =	vst v3  }
0x7d: {  	s20 =	sand.u32 $0xFC00, s20;
	s26 =	sshrl.u32 s26, $0x2;
	s10 =	sand.u32 $0x60, s29;
	v0 =	vld [tilespmem:s2+$0x20]  }
0x7e: {  	s29 =	sand.u32 $0xFC00, s15;
	s25 =	sor.u32 s10, s26;
	s10 =	sshrl.u32 s20, $0x2;
	v6 =	vld [tilespmem:s2+$0xFFFFFFB0]  }
0x7f: {  	s15 =	sadd.s32 $0x300, s16;
	s20 =	sadd.s32 $0x280, s16;
	s17 =	sor.u32 s11, s10;
	v2 =	vld [tilespmem:s2+$0x0]  }
0x80: {  	s29 =	sshrl.u32 s29, $0x2;
	s11 =	sadd.s32 $0xFFFFFFB0, s0;
	s10 =	sadd.s32 $0x780, s16;
	v7 =	vld [tilespmem:s2+$0xFFFFFFC0]  }
0x81: {  	s26 =	sadd.s32 $0xFFFFFFC0, s0;
	s29 =	sor.u32 s28, s29;
	s10 =	sand.u32 $0xFC00, s10;
	v11 =	vld [tilespmem:s2+$0xFFFFFFD0]  }
0x82: {  	s18 =	sadd.s32 $0xFFFFFF20, s0;
	s23 =	sadd.s32 $0x480, s16;
	s11 =	sand.u32 $0x60, s11;
	v3 =	vld [tilespmem:s2+$0xFFFFFFF0];
	v5 =	vmul.f32 $1.442695020e+00, v0  }
0x83: {  	s14 =	sadd.s32 $0xFFFFFF60, s0;
	s1 =	sadd.s32 $0x500, s16;
	s19 =	sand.u32 $0xFC00, s19;
	v0 =	vld [tilespmem:s2+$0x80]  }
0x84: {  	s3 =	sadd.s32 $0xFFFFFF70, s0;
	s4 =	sadd.s32 $0x580, s16;
	s28 =	sshrl.u32 s19, $0x2;
	v13 =	vld [tilespmem:s2+$0xFFFFFF60]  }
0x85: {  	s6 =	sadd.s32 $0x600, s16;
	s4 =	sand.u32 $0xFC00, s4;
	s19 =	sadd.s32 $0xFFFFFF80, s0;
	v16 =	vld [tilespmem:s2+$0xFFFFFFA0]  }
0x86: {  	s12 =	sadd.s32 $0xFFFFFF90, s0;
	s13 =	sadd.s32 $0x680, s16;
	s20 =	sand.u32 $0xFC00, s20;
	v8 =	vld [tilespmem:s2+$0x40]  }
0x87: {  	s24 =	sadd.s32 $0xFFFFFFA0, s0;
	s6 =	sand.u32 $0xFC00, s6;
	s13 =	sand.u32 $0xFC00, s13;
	v9 =	vld [tilespmem:s2+$0x10]  }
0x88: {  	s3 =	sand.u32 $0x60, s3;
	s24 =	sand.u32 $0x50, s24;
	s13 =	sshrl.u32 s13, $0x2;
	v1 =	vld [tilespmem:s25+$0x19C80];
	v4 =	vmul.f32 $1.442695020e+00, v0  }
0x89: {  	s1 =	sand.u32 $0xFC00, s1;
	s6 =	sshrl.u32 s6, $0x2;
	s13 =	sor.u32 s24, s13;
	v14 =	vld [tilespmem:s17+$0x19C80]  }
0x8a: {  	s12 =	sand.u32 $0x40, s12;
	s4 =	sshrl.u32 s4, $0x2;
	s17 =	sand.u32 $0x70, s19;
	v0 =	vld [tilespmem:s29+$0x19C80]  }
0x8b: {  	s1 =	sshrl.u32 s1, $0x2;
	s19 =	sand.u32 $0xFC00, s23;
	s4 =	sor.u32 s17, s4;
	v15 =	vld [tilespmem:s13+$0x19C80];
	v8 =	vmul.f32 $1.442695020e+00, v8  }
0x8c: {  	s1 =	sor.u32 s3, s1;
	s13 =	sand.u32 $0x50, s14;
	s14 =	sshrl.u32 s19, $0x2;
	v18 =	vld [tilespmem:s2+$0x30];
	v10 =	vmul.f32 $1.442695020e+00, v9  }
0x8d: {  	s3 =	sand.u32 $0x50, s18;
	v12 =	vmul.f32 $1.442695020e+00, v2;
	s17 =	sshrl.u32 s20, $0x2;
	s13 =	sor.u32 s13, s14;
	v19 =	vld [tilespmem:s1+$0x19C80]  }
0x8e: {  	s3 =	sor.u32 s3, s17;
	s14 =	sadd.s32 $0x200, s16;
	s1 =	sadd.s32 $0xFFFFFF40, s0;
	v2 =	vld [tilespmem:s13+$0x19C80]  }
0x8f: {  	s14 =	sand.u32 $0xFC00, s14;
	s13 =	sadd.s32 $0xFFFFFF10, s0;
	v20 =	vld [tilespmem:s3+$0x19C80];
	s3 =	sadd.s32 $0x380, s16  }
0x90: {  	v17 =	vmul.f32 $1.442695020e+00, v3;
	s14 =	sshrl.u32 s14, $0x2;
	s13 =	sand.u32 $0x40, s13;
	s3 =	sand.u32 $0xFC00, s3;
	v9 =	vld [tilespmem:s2+$0x50]  }
0x91: {  	s1 =	sand.u32 $0x70, s1;
	s13 =	sor.u32 s13, s14;
	s3 =	sshrl.u32 s3, $0x2;
	v21 =	vld [tilespmem:s4+$0x19C80];
	v3 =	vmul.f32 $1.442695020e+00, v18  }
0x92: {  	s14 =	sand.u32 $0xFC00, s15;
	s4 =	sadd.s32 $0xFFFFFF30, s0;
	s1 =	sor.u32 s1, s3;
	v0 =	vld.idx.msk [tilespmem:v0+s5+$0x0], $0xffff  }
0x93: {  	s3 =	sand.u32 $0x60, s4;
	s4 =	sshrl.u32 s14, $0x2;
	v18 =	vld [tilespmem:s13+$0x19C80];
	s13 =	sand.u32 $0x70, s26;
	(erf) = vpow2.f32 v3  }
0x94: {  	s3 =	sor.u32 s3, s4;
	s4 =	sor.u32 s12, s6;
	s6 =	sshrl.u32 s10, $0x2;
	v15 =	vld.idx.msk [tilespmem:v15+s5+$0x0], $0xffff  }
0x95: {  	s10 =	sadd.s32 $0xFFFFFED0, s0;
	s6 =	sor.u32 s13, s6;
	v22 =	vld [tilespmem:s4+$0x19C80];
	s4 =	sor.u32 s11, s28  }
0x96: {  	s12 =	sand.u32 $0x7C00, s16;
	s29 =	sand.u32 $0x40, s10;
	v24 =	vmul.f32 $1.442695020e+00, v9;
	v23 =	vld [tilespmem:s1+$0x19C80];
	s1 =	sadd.s32 $0x400, s16  }
0x97: {  	s17 =	sand.u32 $0xF80, s10;
	s13 =	sor.u32 $0x10, s29;
	s14 =	sor.u32 $0x30, s29;
	v3 =	vld.idx.msk [tilespmem:v2+s5+$0x0], $0xffff  }
0x98: {  	s18 =	sor.u32 $0x20, s29;
	s11 =	sor.u32 s17, s13;
	s1 =	sand.u32 $0xFC00, s1;
	v9 =	vld [tilespmem:s4+$0x19C80];
	(erf) = vpow2.f32 v24  }
0x99: {  	v6 =	vmul.f32 $1.442695020e+00, v6;
	s15 =	sor.u32 s17, s14;
	s4 =	sshrl.u32 s12, $0x2;
	s1 =	sshrl.u32 s1, $0x2;
	v2 =	vld.idx.msk [tilespmem:v21+s5+$0x0], $0xffff  }
0x9a: {  	s4 =	sadd.s32 $0x19C00, s4;
	s16 =	sor.u32 s29, s1;
	s1 =	sshrl.u32 s21, $0x2;
	v21 =	vld [tilespmem:s6+$0x19C80]  }
0x9b: {  	v11 =	vmul.f32 $1.442695020e+00, v11;
	s6 =	sor.u32 s29, s4;
	s12 =	sor.u32 s13, s4;
	s19 =	sor.u32 s29, s1;
	v24 =	vld [tilespmem:s3+$0x19C80];
	(erf) = vpow2.f32 v6  }
0x9c: {  	v7 =	vmul.f32 $1.442695020e+00, v7;
	s10 =	smov.u32 s7;
	s1 =	sor.u32 s18, s4;
	s3 =	sor.u32 s14, s4;
	v6 =	vld.idx.msk [tilespmem:v19+s5+$0x0], $0xffff;
	v19 =	vpop (erf)  }
0x9d: {  	v13 =	vmul.f32 $1.442695020e+00, v13;
	v25 =	vld [tilespmem:s11+$0x18800];
	(erf) = vpow2.f32 v11  }
0x9e: {  	v11 =	vmul.f32 v15, v19;
	v29 =	vld.idx.msk [tilespmem:v23+s5+$0x0], $0xffff;
	(erf) = vpow2.f32 v7  }
0x9f: {  	s4 =	sadd.s32 $0xFFFFFF50, s0;
	v30 =	vld.idx.msk [tilespmem:v18+s5+$0x0], $0xffff  }
0xa0: {  	s26 =	sor.u32 s17, s18;
	s4 =	sand.u32 $0x1F80, s4;
	v7 =	vld.idx.msk [tilespmem:v22+s5+$0x0], $0xffff  }
0xa1: {  	s28 =	sor.u32 s29, s4;
	v31 =	vld [tilespmem:s1+$0x80];
	(erf) = vpow2.f32 v13;
	v15 =	vpop (erf)  }
0xa2: {  	v13 =	vld.idx.msk [tilespmem:v21+s5+$0x0], $0xffff;
	v21 =	vmul.f32 $1.442695020e+00, v25  }
0xa3: {  	v32 =	vld.idx.msk [tilespmem:v24+s5+$0x0], $0xffff  }
0xa4: {  	v22 =	vld [tilespmem:s3+$0x80];
	v18 =	vpop (erf)  }
0xa5: {  	v23 =	vmul.f32 $1.442695020e+00, v16;
	v19 =	vld [tilespmem:s15+$0x18800]  }
0xa6: {  	v24 =	vld [tilespmem:s12+$0x80];
	v33 =	vpop (erf)  }
0xa7: {  	s1 =	sadd.s32 $0xFFFFFFD0, s0;
	v25 =	vld [tilespmem:s26+$0x18800];
	(erf) = vpow2.f32 v23;
	v16 =	vpop (erf)  }
0xa8: {  	s1 =	sand.u32 $0x1F80, s1;
	v28 =	vld [tilespmem:s28+$0x18800]  }
0xa9: {  	s21 =	sor.u32 s29, s1;
	v34 =	vld [tilespmem:s6+$0x80]  }
0xaa: {  	v35 =	vld [tilespmem:s21+$0x18800];
	v36 =	vmul.f32 $1.442695020e+00, v19;
	v23 =	vpop (erf)  }
0xab: {  	v19 =	vld.idx.msk [tilespmem:v20+s5+$0x0], $0xffff;
	(erf) = vpow2.f32 v21  }
0xac: {  	v27 =	vld [tilespmem:s16+$0x19C80];
	v20 =	vmul.f32 $1.442695020e+00, v25  }
0xad: {  	v26 =	vld [tilespmem:s19+$0x19C80];
	v28 =	vmul.f32 $1.442695020e+00, v28  }
.Ltmp0:
0xae: {  	v25 =	vld.idx.msk [tilespmem:v24+s5+$0x0], $0xffff;
	(erf) = vpow2.f32 v20;
	(pc) =	sbr.rel @p1 .LBB2_3-.Ltmp0, $4  }
0xaf: {  	v22 =	vld.idx.msk [tilespmem:v22+s5+$0x0], $0xffff;
	v35 =	vmul.f32 $1.442695020e+00, v35;
	(erf) = vpow2.f32 v36  }
0xb0: {  	v20 =	vmul.f32 v32, v16;
	v16 =	vmul.f32 v29, v33;
	v24 =	vld.idx.msk [tilespmem:v31+s5+$0x0], $0xffff;
	v21 =	vpop (erf)  }
0xb1: {  	v29 =	vld.idx.msk [tilespmem:v34+s5+$0x0], $0xffff;
	v21 =	vmul.f32 v30, v21;
	(erf) = vpow2.f32 v35  }
0xb2: {  	v14 =	vld.idx.msk [tilespmem:v14+s5+$0x0], $0xffff;
	(erf) = vpow2.f32 v17  }
0xb3: {  	_ =	sdelay $0x3  }
0xb4: {  	v17 =	vld.idx.msk [tilespmem:v27+s5+$0x0], $0xffff;
	(erf) = vpow2.f32 v5  }
0xb5: {  	v5 =	vld.idx.msk [tilespmem:v26+s5+$0x0], $0xffff;
	(erf) = vpow2.f32 v28  }
0xb6: {  	v27 =	vld [tilespmem:s8+$0x70];
	(erf) = vpow2.f32 v12;
	v12 =	vpop (erf);
	v23 =	vmul.f32 v29, v23  }
0xb7: {  	v26 =	vld [tilespmem:s8+$0x90];
	(erf) = vpow2.f32 v10;
	v10 =	vmul.f32 v25, v12;
	v12 =	vpop (erf)  }
0xb8: {  	v1 =	vld.idx.msk [tilespmem:v1+s5+$0x0], $0xffff;
	(erf) = vpow2.f32 v8;
	v8 =	vpop (erf)  }
0xb9: {  	v9 =	vld.idx.msk [tilespmem:v9+s5+$0x0], $0xffff;
	v12 =	vmul.f32 v24, v12;
	[tilespmem:s10+$0xFFFFFF60] =	vst v23;
	v8 =	vmul.f32 v22, v8  }
0xba: {  	[tilespmem:s11+$0x1C400] =	vst v10;
	v10 =	vmul.f32 v19, v18  }
0xbb: {  	v18 =	vpop (erf);
	[tilespmem:s26+$0x1C400] =	vst v12;
	v12 =	vmul.f32 $1.442695020e+00, v27  }
0xbc: {  	v19 =	vmul.f32 $1.442695020e+00, v26;
	(erf) = vpow2.f32 v4;
	v4 =	vpop (erf);
	[tilespmem:s15+$0x1C400] =	vst v8  }
0xbd: {  	[tilespmem:s10+$0xFFFFFFA0] =	vst v21;
	v8 =	vpop (erf)  }
0xbe: {  	[tilespmem:s10+$0xFFFFFFB0] =	vst v10;
	(erf) = vpow2.f32 v19;
	v10 =	vpop (erf)  }
0xbf: {  	[tilespmem:s10+$0xFFFFFFC0] =	vst v20;
	(erf) = vpow2.f32 v12;
	v10 =	vmul.f32 v17, v10;
	v12 =	vpop (erf)  }
0xc0: {  	[tilespmem:s10+$0xFFFFFFD0] =	vst v16;
	v6 =	vmul.f32 v6, v12  }
0xc1: {  	v3 =	vmul.f32 v3, v4;
	v12 =	vpop (erf);
	[tilespmem:s28+$0x1C400] =	vst v10  }
0xc2: {  	v4 =	vpop (erf);
	[tilespmem:s10+$0x0] =	vst v6  }
0xc3: {  	v2 =	vmul.f32 v2, v12;
	v4 =	vmul.f32 v9, v4;
	[tilespmem:s10+$0xFFFFFFF0] =	vst v3  }
0xc4: {  	v3 =	vmul.f32 v13, v15;
	[tilespmem:s10+$0x30] =	vst v11  }
0xc5: {  	v6 =	vmul.f32 v7, v8;
	[tilespmem:s10+$0x10] =	vst v2  }
0xc6: {  	[tilespmem:s10+$0x40] =	vst v4  }
0xc7: {  	s1 =	rddreg [dreg:$0xb];
	v5 =	vmul.f32 v5, v18;
	[tilespmem:s10+$0x50] =	vst v3;
	v4 =	vpop (erf)  }
0xc8: {  	s0 =	rddreg [dreg:$0x5];
	s1 =	sadd.s32 s31, s1;
	[tilespmem:s10+$0x20] =	vst v6;
	v3 =	vpop (erf);
	v1 =	vmul.f32 v1, v4  }
0xc9: {  	s0 =	sadd.s32 s0, s31;
	s1 =	smul.u32 $0xA00, s1;
	[tilespmem:s21+$0x1C400] =	vst v5;
	v6 =	vpop (erf);
	v2 =	vmul.f32 v14, v3  }
0xca: {  	s2 =	rddreg [dreg:$0x3];
	s0 =	smul.u32 $0x140, s0;
	v0 =	vmul.f32 v0, v6;
	[tilespmem:s10+$0x80] =	vst v1  }
0xcb: {  	s6 =	simm.s32 $0x1C400;
	s8 =	rddreg [dreg:$0x0];
	s7 =	smin.u32 s1, $0x619E00;
	[tilespmem:s10+$0x90] =	vst v2  }
0xcc: {  	s9 =	simm.s32 $0x18800;
	s0 =	sadd.s32 s2, s0;
	s1 =	sshrl.u32 s7, $0x3;
	[tilespmem:s10+$0x70] =	vst v0  }
0xcd: {  	[hbm4b:s0+s5] =	stream.linear.scatter [tilespmem:s6], [sflag:$0x3], $0xA00, $0x38;
	[tilespmem:$0x1D800] =	vst v63  }
0xce: {  	s1 =	sadd.s32 s8, s1;
	s10 =	rddreg [dreg:$0x1];
	s0 =	sshrl.u32 s7, $0x2  }
0xcf: {  	[tilespmem:s9], [sflag:$0x1] =	stream.linear.gather [hbm4b:s1+s5], $0xA00, $0x38;
	[tilespmem:$0x1D800] =	vst v63  }
0xd0: {  	s12 =	simm.s32 $0x2;
	s11 =	simm.s32 $0x19C00;
	s0 =	sadd.s32 s10, s0  }
0xd1: {  	[tilespmem:s11], [sflag:$0x1] =	stream.linear.gather [hbm4b:s0+s5], $0x1400, $0x38;
	[tilespmem:$0x1D800] =	vst v63  }
0xd2: {  	_ =	swait.ge [sflag:s12], $0xA00  }
0xd3: {  	[sflag:s12] =	ssyncset.done $0x0  }
0xd4: {  	[sflag:s12] =	ssyncadd.s32 $0xFFFFF600  }
0xd5: {  	_ =	swait.ge [sflag:s12], $0x1400  }
0xd6: {  	[sflag:s12] =	ssyncset.done $0x0  }
0xd7: {  	s0 =	simm.s32 @!p0 $0x4;
	[sflag:s12] =	ssyncadd.s32 $0xFFFFEC00  }
0xd8: {  	_ =	swait.ge @!p0 [sflag:s0], $0xA00  }
0xd9: {  	[sflag:s0] =	ssyncset.done @!p0 $0x0  }
0xda: {  	s2 =	simm.s32 $0x192A0;
	[sflag:s0] =	ssyncadd.s32 @!p0 $0xFFFFF600  }
0xdb: {  	s13 =	simm.s32 $0x110;
	s4 =	simm.s32 $0x900;
	s14 =	simm.s32 $0x120;
	v4 =	vld [tilespmem:s2+$0x20]  }
0xdc: {  	s16 =	simm.s32 $0x500;
	s17 =	simm.s32 $0x680;
	s18 =	simm.s32 $0xA0;
	v5 =	vld [tilespmem:s2+$0xFFFFFFB0]  }
0xdd: {  	s19 =	simm.s32 $0xD0;
	s23 =	simm.s32 $0x480;
	s24 =	simm.s32 $0x50;
	v11 =	vld [tilespmem:s2+$0x0]  }
0xde: {  	s25 =	simm.s32 $0x90;
	s29 =	simm.s32 $0xB0;
	s4 =	sand.u32 $0xFC00, s4;
	v10 =	vld [tilespmem:s2+$0xFFFFFFC0]  }
0xdf: {  	s4 =	sshrl.u32 s4, $0x2;
	s8 =	sand.u32 $0x60, s14;
	s14 =	simm.s32 $0x200;
	v12 =	vld [tilespmem:s2+$0xFFFFFFD0]  }
0xe0: {  	s4 =	sor.u32 s8, s4;
	s26 =	simm.s32 $0x580;
	s6 =	simm.s32 $0x880;
	v15 =	vld [tilespmem:s2+$0xFFFFFFF0]  }
0xe1: {  	s15 =	simm.s32 $0x280;
	s7 =	simm.s32 $0x700;
	s6 =	sand.u32 $0xFC00, s6;
	v8 =	vld [tilespmem:s2+$0x80]  }
0xe2: {  	s10 =	sand.u32 $0xFC00, s15;
	s15 =	simm.s32 $0x40;
	s7 =	sand.u32 $0xFC00, s7;
	v16 =	vld [tilespmem:s2+$0xFFFFFF60]  }
0xe3: {  	s1 =	sand.u32 $0x50, s13;
	s9 =	simm.s32 $0x980;
	s6 =	sshrl.u32 s6, $0x2;
	v1 =	vld [tilespmem:s4+$0x1B080]  }
0xe4: {  	s10 =	sshrl.u32 s10, $0x2;
	s9 =	sand.u32 $0xFC00, s9;
	s1 =	sor.u32 s1, s6;
	v17 =	vld [tilespmem:s2+$0xFFFFFFA0]  }
0xe5: {  	s13 =	simm.s32 $0xC0;
	s6 =	sand.u32 $0xFC00, s16;
	s9 =	sshrl.u32 s9, $0x2;
	v0 =	vld [tilespmem:s1+$0x1B080]  }
0xe6: {  	s11 =	sand.u32 $0xFC00, s17;
	s20 =	sshrl.u32 s6, $0x2;
	s0 =	simm.s32 $0x130;
	v18 =	vld [tilespmem:s2+$0x40]  }
0xe7: {  	s17 =	simm.s32 $0x380;
	s11 =	sshrl.u32 s11, $0x2;
	s3 =	sand.u32 $0x70, s0;
	v19 =	vld [tilespmem:s2+$0x10]  }
0xe8: {  	s12 =	simm.s32 $0x600;
	s4 =	sand.u32 $0x60, s18;
	v7 =	vld [tilespmem:s2+$0x30];
	s3 =	sor.u32 s3, s9  }
0xe9: {  	s18 =	simm.s32 $0x70;
	s9 =	simm.s32 $0xE0;
	v14 =	vld [tilespmem:s3+$0x1B080];
	s3 =	sand.u32 $0x50, s19  }
0xea: {  	v13 =	vld [tilespmem:s2+$0x50];
	s1 =	sor.u32 s4, s20;
	s3 =	sor.u32 s3, s11;
	s11 =	sand.u32 $0xFC00, s23  }
0xeb: {  	s4 =	sand.u32 $0x50, s25;
	v6 =	vld [tilespmem:s1+$0x1B080];
	s1 =	sand.u32 $0xFC00, s26;
	s11 =	sshrl.u32 s11, $0x2  }
0xec: {  	s19 =	sand.u32 $0x70, s18;
	v2 =	vld [tilespmem:s3+$0x1B080];
	s3 =	sand.u32 $0x50, s24;
	s4 =	sor.u32 s4, s11  }
0xed: {  	s1 =	sshrl.u32 s1, $0x2;
	s3 =	sor.u32 s3, s10;
	s11 =	sand.u32 $0x70, s29;
	v3 =	vld [tilespmem:s4+$0x1B080]  }
0xee: {  	s10 =	sand.u32 $0x40, s13;
	v20 =	vld [tilespmem:s3+$0x1B080];
	s1 =	sor.u32 s11, s1;
	s3 =	sand.u32 $0xFC00, s14  }
0xef: {  	s4 =	sand.u32 $0xFC00, s12;
	s11 =	sand.u32 $0x40, s15;
	s3 =	sshrl.u32 s3, $0x2;
	v21 =	vld [tilespmem:s1+$0x1B080]  }
0xf0: {  	s16 =	sshrl.u32 s4, $0x2;
	s4 =	sand.u32 $0xFC00, s17;
	s3 =	sor.u32 s11, s3;
	v0 =	vld.idx.msk [tilespmem:v0+s5+$0x0], $0xffff  }
0xf1: {  	s23 =	sand.u32 $0x60, s9;
	s4 =	sshrl.u32 s4, $0x2;
	s1 =	sor.u32 s10, s16;
	v22 =	vld [tilespmem:s3+$0x1B080]  }
0xf2: {  	s9 =	simm.s32 $0x0;
	s24 =	sshrl.u32 s7, $0x2;
	s3 =	sor.u32 s19, s4;
	v24 =	vld [tilespmem:s1+$0x1B080]  }
0xf3: {  	s7 =	sand.u32 $0x40, s9;
	s4 =	sor.u32 s23, s24;
	v25 =	vld [tilespmem:s3+$0x1B080]  }
0xf4: {  	s12 =	sand.u32 $0xF80, s9;
	s10 =	sor.u32 $0x10, s7;
	v9 =	vld [tilespmem:s4+$0x1B080]  }
0xf5: {  	s8 =	simm.s32 $0x300;
	s11 =	sor.u32 s12, s10;
	v6 =	vld.idx.msk [tilespmem:v6+s5+$0x0], $0xffff  }
0xf6: {  	s25 =	simm.s32 $0x60;
	s26 =	sand.u32 $0xFC00, s8;
	v27 =	vld [tilespmem:s11+$0x19200]  }
0xf7: {  	s8 =	sshrl.u32 s26, $0x2;
	s3 =	sand.u32 $0x60, s25;
	v14 =	vld.idx.msk [tilespmem:v14+s5+$0x0], $0xffff  }
0xf8: {  	s3 =	sor.u32 s3, s8;
	v23 =	vld.idx.msk [tilespmem:v2+s5+$0x0], $0xffff  }
0xf9: {  	s21 =	simm.s32 $0x780;
	s13 =	simm.s32 $0x0;
	v26 =	vld [tilespmem:s3+$0x1B080]  }
0xfa: {  	s21 =	sand.u32 $0xFC00, s21;
	s20 =	simm.s32 $0xF0;
	s3 =	sand.u32 $0x7C00, s13;
	v2 =	vld.idx.msk [tilespmem:v21+s5+$0x0], $0xffff  }
0xfb: {  	s29 =	sand.u32 $0x70, s20;
	s1 =	sshrl.u32 s21, $0x2;
	s3 =	sshrl.u32 s3, $0x2;
	v30 =	vld.idx.msk [tilespmem:v22+s5+$0x0], $0xffff;
	v22 =	vmul.f32 $1.442695020e+00, v7  }
0xfc: {  	s14 =	sor.u32 $0x20, s7;
	s1 =	sor.u32 s29, s1;
	s3 =	sadd.s32 $0x1B000, s3;
	v7 =	vld.idx.msk [tilespmem:v24+s5+$0x0], $0xffff;
	v24 =	vmul.f32 $1.442695020e+00, v13  }
0xfd: {  	v5 =	vmul.f32 $1.442695020e+00, v5;
	s17 =	sor.u32 $0x30, s7;
	s19 =	simm.s32 $0x80;
	v21 =	vld [tilespmem:s1+$0x1B080];
	s16 =	sor.u32 s14, s3;
	(erf) = vpow2.f32 v22  }
0xfe: {  	v12 =	vmul.f32 $1.442695020e+00, v12;
	s18 =	sor.u32 s17, s3;
	s1 =	sor.u32 s10, s3;
	s3 =	sor.u32 s7, s3;
	v31 =	vld [tilespmem:s16+$0x80];
	(erf) = vpow2.f32 v24  }
0xff: {  	s20 =	sand.u32 $0x1F80, s19;
	v32 =	vld [tilespmem:s3+$0x80];
	(erf) = vpow2.f32 v5  }
0x100: {  	s28 =	sor.u32 s7, s20;
	v29 =	vld.idx.msk [tilespmem:v25+s5+$0x0], $0xffff;
	(erf) = vpow2.f32 v12  }
0x101: {  	v25 =	vld [tilespmem:s28+$0x19200]  }
0x102: {  	s26 =	sor.u32 s12, s14;
	v22 =	vld [tilespmem:s18+$0x80];
	v5 =	vmul.f32 $1.442695020e+00, v10  }
0x103: {  	v34 =	vmul.f32 $1.442695020e+00, v15;
	s15 =	sor.u32 s12, s17;
	v24 =	vld [tilespmem:s26+$0x19200];
	v10 =	vmul.f32 $1.442695020e+00, v16  }
0x104: {  	v16 =	vld [tilespmem:s15+$0x19200];
	(erf) = vpow2.f32 v5;
	v5 =	vmul.f32 $1.442695020e+00, v17  }
0x105: {  	s21 =	simm.s32 $0x100;
	v12 =	vmul.f32 $1.442695020e+00, v11;
	v17 =	vld [tilespmem:s1+$0x80];
	(erf) = vpow2.f32 v10  }
0x106: {  	s23 =	simm.s32 $0x400;
	v13 =	vld.idx.msk [tilespmem:v21+s5+$0x0], $0xffff;
	s1 =	sand.u32 $0x1F80, s21;
	v10 =	vmul.f32 $1.442695020e+00, v19;
	(erf) = vpow2.f32 v5;
	v11 =	vpop (erf)  }
0x107: {  	s24 =	simm.s32 $0x800;
	s4 =	sand.u32 $0xFC00, s23;
	s21 =	sor.u32 s7, s1;
	v19 =	vld.idx.msk [tilespmem:v20+s5+$0x0], $0xffff;
	v20 =	vmul.f32 $1.442695020e+00, v27;
	v5 =	vmul.f32 $1.442695020e+00, v4;
	v15 =	vpop (erf)  }
0x108: {  	s25 =	sand.u32 $0xFC00, s24;
	s29 =	sshrl.u32 s4, $0x2;
	v4 =	vmul.f32 $1.442695020e+00, v8;
	v8 =	vmul.f32 $1.442695020e+00, v18;
	v33 =	vld [tilespmem:s21+$0x19200];
	v18 =	vpop (erf)  }
0x109: {  	s3 =	sor.u32 s7, s29;
	v21 =	vld.idx.msk [tilespmem:v26+s5+$0x0], $0xffff;
	s1 =	sshrl.u32 s25, $0x2;
	v35 =	vpop (erf);
	(erf) = vpow2.f32 v20  }
0x10a: {  	v27 =	vld [tilespmem:s3+$0x1B080];
	s1 =	sor.u32 s7, s1;
	v11 =	vmul.f32 v23, v11;
	v23 =	vmul.f32 $1.442695020e+00, v24  }
0x10b: {  	v16 =	vmul.f32 $1.442695020e+00, v16;
	v26 =	vld [tilespmem:s1+$0x1B080]  }
0x10c: {  	v3 =	vld.idx.msk [tilespmem:v3+s5+$0x0], $0xffff;
	v28 =	vmul.f32 $1.442695020e+00, v25;
	(erf) = vpow2.f32 v23  }
0x10d: {  	v33 =	vmul.f32 $1.442695020e+00, v33;
	v25 =	vld.idx.msk [tilespmem:v17+s5+$0x0], $0xffff;
	v17 =	vpop (erf);
	(erf) = vpow2.f32 v16  }
0x10e: {  	v22 =	vld.idx.msk [tilespmem:v22+s5+$0x0], $0xffff;
	v23 =	vpop (erf);
	v20 =	vmul.f32 v21, v17  }
0x10f: {  	s9 =	simm.s32 $0xA00;
	v24 =	vld.idx.msk [tilespmem:v31+s5+$0x0], $0xffff;
	v16 =	vmul.f32 v29, v35;
	v17 =	vpop (erf);
	(erf) = vpow2.f32 v33  }
0x110: {  	s8 =	simm.s32 $0x192A0;
	s10 =	simm.s32 $0x1CEA0;
	s7 =	simm.s32 $0x1CEA0;
	v29 =	vld.idx.msk [tilespmem:v32+s5+$0x0], $0xffff;
	v21 =	vmul.f32 v30, v17;
	(erf) = vpow2.f32 v34  }
.LBB2_5:
0x111: {  	v1 =	vld.idx.msk [tilespmem:v1+s5+$0x0], $0xffff;
	s0 =	sadd.s32 $0x140, s0;
	s7 =	sadd.s32 $0x140, s7;
	s2 =	sadd.s32 $0x140, s2  }
0x112: {  	p0 =	sne.s32 s9, $0x4600;
	s16 =	smov.u32 s9;
	s9 =	sadd.s32 $0xA00, s9;
	v17 =	vld.idx.msk [tilespmem:v27+s5+$0x0], $0xffff;
	v27 =	vpop (erf);
	(erf) = vpow2.f32 v5  }
0x113: {  	v5 =	vld.idx.msk [tilespmem:v26+s5+$0x0], $0xffff;
	v25 =	vmul.f32 v25, v27;
	(erf) = vpow2.f32 v28  }
0x114: {  	v26 =	vld [tilespmem:s8+$0x90];
	(erf) = vpow2.f32 v12  }
0x115: {  	v23 =	vmul.f32 v29, v23;
	v12 =	vld [tilespmem:s8+$0x70];
	v27 =	vpop (erf);
	(erf) = vpow2.f32 v10;
	s8 =	smov.u32 s2  }
0x116: {  	v9 =	vld.idx.msk [tilespmem:v9+s5+$0x0], $0xffff;
	v27 =	vmul.f32 v24, v27;
	v24 =	vpop (erf);
	(erf) = vpow2.f32 v8  }
0x117: {  	v18 =	vmul.f32 v19, v18;
	[tilespmem:s10+$0xFFFFFF60] =	vst v23;
	v8 =	vmul.f32 v22, v24  }
0x118: {  	v13 =	vmul.f32 v13, v15;
	[tilespmem:s11+$0x1CE00] =	vst v25;
	v15 =	vpop (erf);
	(erf) = vpow2.f32 v4  }
0x119: {  	v19 =	vmul.f32 $1.442695020e+00, v26;
	[tilespmem:s26+$0x1CE00] =	vst v27;
	v5 =	vmul.f32 v5, v15;
	v10 =	vpop (erf)  }
0x11a: {  	v12 =	vmul.f32 $1.442695020e+00, v12;
	[tilespmem:s15+$0x1CE00] =	vst v8;
	v3 =	vmul.f32 v3, v10  }
0x11b: {  	[tilespmem:s10+$0xFFFFFFA0] =	vst v21;
	v8 =	vpop (erf);
	(erf) = vpow2.f32 v19  }
0x11c: {  	[tilespmem:s10+$0xFFFFFFB0] =	vst v18;
	v4 =	vpop (erf);
	(erf) = vpow2.f32 v12  }
0x11d: {  	[tilespmem:s10+$0xFFFFFFC0] =	vst v20;
	v12 =	vmul.f32 v17, v4;
	v10 =	vpop (erf)  }
0x11e: {  	[tilespmem:s10+$0xFFFFFFD0] =	vst v16;
	v6 =	vmul.f32 v6, v10;
	v10 =	vpop (erf)  }
0x11f: {  	[tilespmem:s28+$0x1CE00] =	vst v12;
	v4 =	vpop (erf)  }
0x120: {  	[tilespmem:s10+$0x0] =	vst v6;
	v4 =	vmul.f32 v9, v4  }
0x121: {  	[tilespmem:s10+$0xFFFFFFF0] =	vst v3;
	v3 =	vpop (erf)  }
0x122: {  	[tilespmem:s10+$0x40] =	vst v4  }
0x123: {  	v6 =	vmul.f32 v7, v8;
	[tilespmem:s10+$0x30] =	vst v11  }
0x124: {  	v2 =	vmul.f32 v2, v10;
	v1 =	vmul.f32 v1, v3;
	[tilespmem:s10+$0x50] =	vst v13;
	v3 =	vpop (erf)  }
0x125: {  	[tilespmem:s10+$0x20] =	vst v6;
	v3 =	vmul.f32 v14, v3;
	v4 =	vpop (erf)  }
0x126: {  	[tilespmem:s10+$0x10] =	vst v2;
	v0 =	vmul.f32 v0, v4  }
0x127: {  	s1 =	sadd.s32 $0x700, s16;
	s3 =	sadd.s32 $0x800, s16;
	[tilespmem:s21+$0x1CE00] =	vst v5  }
0x128: {  	s4 =	sadd.s32 $0xFFFFFFE0, s0;
	s21 =	sand.u32 $0xFC00, s3;
	s3 =	sand.u32 $0x70, s0;
	[tilespmem:s10+$0x70] =	vst v0  }
0x129: {  	s6 =	sadd.s32 $0x880, s16;
	s4 =	sand.u32 $0x50, s4;
	s11 =	sadd.s32 $0x900, s16;
	[tilespmem:s10+$0x80] =	vst v1  }
0x12a: {  	s12 =	sadd.s32 $0xFFFFFFF0, s0;
	s13 =	sadd.s32 $0x980, s16;
	s11 =	sand.u32 $0xFC00, s11;
	[tilespmem:s10+$0x90] =	vst v3  }
0x12b: {  	s11 =	sshrl.u32 s11, $0x2;
	s10 =	sand.u32 $0x60, s12;
	s12 =	sand.u32 $0xFC00, s13;
	v0 =	vld [tilespmem:s2+$0x20]  }
0x12c: {  	s6 =	sand.u32 $0xFC00, s6;
	s13 =	sor.u32 s10, s11;
	s10 =	sshrl.u32 s12, $0x2;
	v6 =	vld [tilespmem:s2+$0xFFFFFFB0]  }
0x12d: {  	s15 =	sadd.s32 $0x300, s16;
	s12 =	sadd.s32 $0x280, s16;
	s3 =	sor.u32 s3, s10;
	v2 =	vld [tilespmem:s2+$0x0]  }
0x12e: {  	s6 =	sshrl.u32 s6, $0x2;
	s11 =	sadd.s32 $0xFFFFFFB0, s0;
	s10 =	sadd.s32 $0x780, s16;
	v7 =	vld [tilespmem:s2+$0xFFFFFFC0]  }
0x12f: {  	s4 =	sor.u32 s4, s6;
	s26 =	sadd.s32 $0xFFFFFFC0, s0;
	s10 =	sand.u32 $0xFC00, s10;
	v11 =	vld [tilespmem:s2+$0xFFFFFFD0]  }
0x130: {  	s14 =	sadd.s32 $0x480, s16;
	s6 =	sadd.s32 $0xFFFFFF20, s0;
	s11 =	sand.u32 $0x60, s11;
	v3 =	vld [tilespmem:s2+$0xFFFFFFF0];
	v5 =	vmul.f32 $1.442695020e+00, v0  }
0x131: {  	s17 =	sadd.s32 $0xFFFFFF60, s0;
	s18 =	sadd.s32 $0x500, s16;
	s1 =	sand.u32 $0xFC00, s1;
	v0 =	vld [tilespmem:s2+$0x80]  }
0x132: {  	s19 =	sadd.s32 $0xFFFFFF70, s0;
	s20 =	sadd.s32 $0x580, s16;
	s28 =	sshrl.u32 s1, $0x2;
	v13 =	vld [tilespmem:s2+$0xFFFFFF60]  }
0x133: {  	s23 =	sadd.s32 $0x600, s16;
	s20 =	sand.u32 $0xFC00, s20;
	s1 =	sadd.s32 $0xFFFFFF80, s0;
	v16 =	vld [tilespmem:s2+$0xFFFFFFA0]  }
0x134: {  	s24 =	sadd.s32 $0xFFFFFF90, s0;
	s25 =	sadd.s32 $0x680, s16;
	s12 =	sand.u32 $0xFC00, s12;
	v8 =	vld [tilespmem:s2+$0x40]  }
0x135: {  	s29 =	sadd.s32 $0xFFFFFFA0, s0;
	s23 =	sand.u32 $0xFC00, s23;
	s25 =	sand.u32 $0xFC00, s25;
	v9 =	vld [tilespmem:s2+$0x10]  }
0x136: {  	s19 =	sand.u32 $0x60, s19;
	s29 =	sand.u32 $0x50, s29;
	s25 =	sshrl.u32 s25, $0x2;
	v1 =	vld [tilespmem:s13+$0x1B080];
	v4 =	vmul.f32 $1.442695020e+00, v0  }
0x137: {  	s13 =	sand.u32 $0xFC00, s18;
	s18 =	sshrl.u32 s23, $0x2;
	s23 =	sor.u32 s29, s25;
	v14 =	vld [tilespmem:s3+$0x1B080]  }
0x138: {  	s1 =	sand.u32 $0x70, s1;
	s3 =	sshrl.u32 s20, $0x2;
	s20 =	sand.u32 $0x40, s24;
	v0 =	vld [tilespmem:s4+$0x1B080]  }
0x139: {  	s13 =	sshrl.u32 s13, $0x2;
	s4 =	sand.u32 $0xFC00, s14;
	s1 =	sor.u32 s1, s3;
	v15 =	vld [tilespmem:s23+$0x1B080];
	v8 =	vmul.f32 $1.442695020e+00, v8  }
0x13a: {  	s3 =	sand.u32 $0x50, s17;
	s13 =	sor.u32 s19, s13;
	s4 =	sshrl.u32 s4, $0x2;
	v18 =	vld [tilespmem:s2+$0x30];
	v10 =	vmul.f32 $1.442695020e+00, v9  }
0x13b: {  	s6 =	sand.u32 $0x50, s6;
	s12 =	sshrl.u32 s12, $0x2;
	v12 =	vmul.f32 $1.442695020e+00, v2;
	s3 =	sor.u32 s3, s4;
	v19 =	vld [tilespmem:s13+$0x1B080]  }
0x13c: {  	s6 =	sor.u32 s6, s12;
	s4 =	sadd.s32 $0xFFFFFF40, s0;
	s13 =	sadd.s32 $0x200, s16;
	v2 =	vld [tilespmem:s3+$0x1B080]  }
0x13d: {  	s3 =	sadd.s32 $0xFFFFFF10, s0;
	s12 =	sand.u32 $0xFC00, s13;
	v20 =	vld [tilespmem:s6+$0x1B080];
	s6 =	sadd.s32 $0x380, s16  }
0x13e: {  	v17 =	vmul.f32 $1.442695020e+00, v3;
	s3 =	sand.u32 $0x40, s3;
	s12 =	sshrl.u32 s12, $0x2;
	s6 =	sand.u32 $0xFC00, s6;
	v9 =	vld [tilespmem:s2+$0x50]  }
0x13f: {  	s4 =	sand.u32 $0x70, s4;
	s3 =	sor.u32 s3, s12;
	s6 =	sshrl.u32 s6, $0x2;
	v21 =	vld [tilespmem:s1+$0x1B080];
	v3 =	vmul.f32 $1.442695020e+00, v18  }
0x140: {  	s12 =	sand.u32 $0xFC00, s15;
	s1 =	sadd.s32 $0xFFFFFF30, s0;
	s4 =	sor.u32 s4, s6;
	v0 =	vld.idx.msk [tilespmem:v0+s5+$0x0], $0xffff  }
0x141: {  	s1 =	sand.u32 $0x60, s1;
	s6 =	sand.u32 $0x70, s26;
	v18 =	vld [tilespmem:s3+$0x1B080];
	s3 =	sshrl.u32 s12, $0x2;
	(erf) = vpow2.f32 v3  }
0x142: {  	s10 =	sshrl.u32 s10, $0x2;
	s1 =	sor.u32 s1, s3;
	s3 =	sor.u32 s20, s18;
	v15 =	vld.idx.msk [tilespmem:v15+s5+$0x0], $0xffff  }
0x143: {  	s12 =	sadd.s32 $0xFFFFFED0, s0;
	s6 =	sor.u32 s6, s10;
	v22 =	vld [tilespmem:s3+$0x1B080];
	s3 =	sor.u32 s11, s28  }
0x144: {  	s10 =	sand.u32 $0x7C00, s16;
	s29 =	sand.u32 $0x40, s12;
	v24 =	vmul.f32 $1.442695020e+00, v9;
	v23 =	vld [tilespmem:s4+$0x1B080];
	s4 =	sadd.s32 $0x400, s16  }
0x145: {  	s12 =	sand.u32 $0xF80, s12;
	s13 =	sor.u32 $0x10, s29;
	s14 =	sor.u32 $0x30, s29;
	v3 =	vld.idx.msk [tilespmem:v2+s5+$0x0], $0xffff  }
0x146: {  	s17 =	sor.u32 $0x20, s29;
	s11 =	sor.u32 s12, s13;
	s4 =	sand.u32 $0xFC00, s4;
	v9 =	vld [tilespmem:s3+$0x1B080];
	(erf) = vpow2.f32 v24  }
0x147: {  	v6 =	vmul.f32 $1.442695020e+00, v6;
	s15 =	sor.u32 s12, s14;
	s3 =	sshrl.u32 s10, $0x2;
	s4 =	sshrl.u32 s4, $0x2;
	v2 =	vld.idx.msk [tilespmem:v21+s5+$0x0], $0xffff  }
0x148: {  	s3 =	sadd.s32 $0x1B000, s3;
	s16 =	sor.u32 s29, s4;
	s4 =	sshrl.u32 s21, $0x2;
	v21 =	vld [tilespmem:s6+$0x1B080]  }
0x149: {  	v11 =	vmul.f32 $1.442695020e+00, v11;
	s6 =	sor.u32 s29, s3;
	s13 =	sor.u32 s13, s3;
	s19 =	sor.u32 s29, s4;
	v24 =	vld [tilespmem:s1+$0x1B080];
	(erf) = vpow2.f32 v6  }
0x14a: {  	v7 =	vmul.f32 $1.442695020e+00, v7;
	s10 =	smov.u32 s7;
	s1 =	sor.u32 s17, s3;
	s3 =	sor.u32 s14, s3;
	v6 =	vld.idx.msk [tilespmem:v19+s5+$0x0], $0xffff;
	v19 =	vpop (erf)  }
0x14b: {  	v13 =	vmul.f32 $1.442695020e+00, v13;
	v25 =	vld [tilespmem:s11+$0x19200];
	(erf) = vpow2.f32 v11  }
0x14c: {  	v11 =	vmul.f32 v15, v19;
	v29 =	vld.idx.msk [tilespmem:v23+s5+$0x0], $0xffff;
	(erf) = vpow2.f32 v7  }
0x14d: {  	s4 =	sadd.s32 $0xFFFFFF50, s0;
	v30 =	vld.idx.msk [tilespmem:v18+s5+$0x0], $0xffff  }
0x14e: {  	s26 =	sor.u32 s12, s17;
	s4 =	sand.u32 $0x1F80, s4;
	v7 =	vld.idx.msk [tilespmem:v22+s5+$0x0], $0xffff  }
0x14f: {  	s28 =	sor.u32 s29, s4;
	v31 =	vld [tilespmem:s1+$0x80];
	(erf) = vpow2.f32 v13;
	v15 =	vpop (erf)  }
0x150: {  	v13 =	vld.idx.msk [tilespmem:v21+s5+$0x0], $0xffff;
	v21 =	vmul.f32 $1.442695020e+00, v25  }
0x151: {  	v32 =	vld.idx.msk [tilespmem:v24+s5+$0x0], $0xffff  }
0x152: {  	v22 =	vld [tilespmem:s3+$0x80];
	v18 =	vpop (erf)  }
0x153: {  	v23 =	vmul.f32 $1.442695020e+00, v16;
	v19 =	vld [tilespmem:s15+$0x19200]  }
0x154: {  	v24 =	vld [tilespmem:s13+$0x80];
	v33 =	vpop (erf)  }
0x155: {  	s1 =	sadd.s32 $0xFFFFFFD0, s0;
	v25 =	vld [tilespmem:s26+$0x19200];
	(erf) = vpow2.f32 v23;
	v16 =	vpop (erf)  }
0x156: {  	s1 =	sand.u32 $0x1F80, s1;
	v28 =	vld [tilespmem:s28+$0x19200]  }
0x157: {  	s21 =	sor.u32 s29, s1;
	v34 =	vld [tilespmem:s6+$0x80]  }
0x158: {  	v35 =	vld [tilespmem:s21+$0x19200];
	v36 =	vmul.f32 $1.442695020e+00, v19;
	v23 =	vpop (erf)  }
0x159: {  	v19 =	vld.idx.msk [tilespmem:v20+s5+$0x0], $0xffff;
	(erf) = vpow2.f32 v21  }
0x15a: {  	v27 =	vld [tilespmem:s16+$0x1B080];
	v20 =	vmul.f32 $1.442695020e+00, v25  }
0x15b: {  	v26 =	vld [tilespmem:s19+$0x1B080];
	v28 =	vmul.f32 $1.442695020e+00, v28  }
.Ltmp1:
0x15c: {  	v25 =	vld.idx.msk [tilespmem:v24+s5+$0x0], $0xffff;
	(erf) = vpow2.f32 v20;
	(pc) =	sbr.rel @p0 .LBB2_5-.Ltmp1, $4  }
0x15d: {  	v22 =	vld.idx.msk [tilespmem:v22+s5+$0x0], $0xffff;
	v35 =	vmul.f32 $1.442695020e+00, v35;
	(erf) = vpow2.f32 v36  }
0x15e: {  	v20 =	vmul.f32 v32, v16;
	v16 =	vmul.f32 v29, v33;
	v24 =	vld.idx.msk [tilespmem:v31+s5+$0x0], $0xffff;
	v21 =	vpop (erf)  }
0x15f: {  	v29 =	vld.idx.msk [tilespmem:v34+s5+$0x0], $0xffff;
	v21 =	vmul.f32 v30, v21;
	(erf) = vpow2.f32 v35  }
0x160: {  	v14 =	vld.idx.msk [tilespmem:v14+s5+$0x0], $0xffff;
	(erf) = vpow2.f32 v17  }
0x161: {  	_ =	sdelay $0x3  }
0x162: {  	v1 =	vld.idx.msk [tilespmem:v1+s5+$0x0], $0xffff;
	(erf) = vpow2.f32 v5  }
0x163: {  	v17 =	vld.idx.msk [tilespmem:v27+s5+$0x0], $0xffff;
	(erf) = vpow2.f32 v28  }
0x164: {  	v41 =	vld.idx.msk [tilespmem:v26+s5+$0x0], $0xffff;
	(erf) = vpow2.f32 v12  }
0x165: {  	v42 =	vld [tilespmem:s8+$0x90];
	v43 =	vpop (erf);
	v23 =	vmul.f32 v29, v23  }
0x166: {  	v44 =	vld [tilespmem:s8+$0x70];
	v45 =	vmul.f32 v25, v43;
	v46 =	vpop (erf)  }
0x167: {  	v9 =	vld.idx.msk [tilespmem:v9+s5+$0x0], $0xffff;
	(erf) = vpow2.f32 v10;
	v47 =	vpop (erf);
	v12 =	vmul.f32 v24, v46;
	[tilespmem:s10+$0xFFFFFF60] =	vst v23  }
0x168: {  	(erf) = vpow2.f32 v8;
	v8 =	vmul.f32 v22, v47;
	[tilespmem:s11+$0x1CE00] =	vst v45  }
0x169: {  	v49 =	vpop (erf);
	[tilespmem:s26+$0x1CE00] =	vst v12  }
0x16a: {  	v48 =	vmul.f32 v19, v18;
	v51 =	vpop (erf);
	[tilespmem:s15+$0x1CE00] =	vst v8  }
0x16b: {  	v50 =	vmul.f32 $1.442695020e+00, v42;
	[tilespmem:s10+$0xFFFFFFA0] =	vst v21;
	v53 =	vpop (erf)  }
0x16c: {  	(erf) = vpow2.f32 v4;
	v52 =	vmul.f32 $1.442695020e+00, v44;
	[tilespmem:s10+$0xFFFFFFB0] =	vst v48;
	v54 =	vpop (erf)  }
0x16d: {  	(erf) = vpow2.f32 v50;
	[tilespmem:s10+$0xFFFFFFC0] =	vst v20;
	v10 =	vmul.f32 v17, v54;
	v55 =	vpop (erf)  }
0x16e: {  	(erf) = vpow2.f32 v52;
	[tilespmem:s10+$0xFFFFFFD0] =	vst v16;
	v6 =	vmul.f32 v6, v55  }
0x16f: {  	v3 =	vmul.f32 v3, v51;
	[tilespmem:s28+$0x1CE00] =	vst v10  }
0x170: {  	[tilespmem:s10+$0x0] =	vst v6  }
0x171: {  	v58 =	vmul.f32 v13, v15;
	[tilespmem:s10+$0xFFFFFFF0] =	vst v3  }
0x172: {  	v60 =	vmul.f32 v7, v53;
	v56 =	vpop (erf);
	[tilespmem:s10+$0x30] =	vst v11  }
0x173: {  	v57 =	vpop (erf);
	v2 =	vmul.f32 v2, v56;
	[tilespmem:s10+$0x50] =	vst v58  }
0x174: {  	v4 =	vmul.f32 v9, v57;
	[tilespmem:s10+$0x20] =	vst v60  }
0x175: {  	v5 =	vmul.f32 v41, v49;
	v59 =	vpop (erf);
	[tilespmem:s10+$0x10] =	vst v2  }
0x176: {  	s0 =	rddreg [dreg:$0xc];
	p0 =	seq.s32 s30, $0x26;
	v1 =	vmul.f32 v1, v59;
	[tilespmem:s10+$0x40] =	vst v4;
	v61 =	vpop (erf)  }
.Ltmp2:
0x177: {  	s0 =	sadd.s32 s31, s0;
	[tilespmem:s21+$0x1CE00] =	vst v5;
	v62 =	vpop (erf);
	v63 =	vmul.f32 v14, v61;
	(pc) =	sbr.rel @p0 .LBB2_8-.Ltmp2, $4  }
0x178: {  	s0 =	smul.u32 $0x140, s0;
	[tilespmem:s10+$0x80] =	vst v1;
	v0 =	vmul.f32 v0, v62  }
0x179: {  	s1 =	rddreg [dreg:$0x3];
	[tilespmem:s10+$0x90] =	vst v63  }
0x17a: {  	s29 =	simm.s32 $0x1CE00;
	s0 =	sadd.s32 s1, s0;
	[tilespmem:s10+$0x70] =	vst v0  }
0x17b: {  	[hbm4b:s0+s5] =	stream.linear.scatter [tilespmem:s29], [sflag:$0x4], $0xA00, $0x38;
	[tilespmem:$0x1D800] =	vst v63  }
0x17c: {  	s0 =	rddreg [dreg:$0xd]  }
0x17d: {  	s0 =	sadd.s32 s31, s0  }
0x17e: {  	s0 =	smul.u32 $0xA00, s0;
	_ =	sdelay $0x1  }
0x17f: {  	s2 =	rddreg [dreg:$0x0];
	s0 =	smin.u32 s0, $0x619E00  }
.Ltmp3:
0x180: {  	s28 =	simm.s32 $0x19200;
	s1 =	sshrl.u32 s0, $0x3;
	(pc) =	sbr.rel .LBB2_2-.Ltmp3, $4  }
0x181: {  	s29 =	rddreg [dreg:$0x1];
	s0 =	sshrl.u32 s0, $0x2;
	s1 =	sadd.s32 s2, s1  }
0x182: {  	[tilespmem:s28], [sflag:$0x2] =	stream.linear.gather [hbm4b:s1+s5], $0xA00, $0x38;
	[tilespmem:$0x1D800] =	vst v63  }
0x183: {  	s30 =	sadd.s32 $0x1, s30;
	s31 =	simm.s32 $0x1B000;
	s0 =	sadd.s32 s29, s0  }
0x184: {  	[tilespmem:s31], [sflag:$0x2] =	stream.linear.gather [hbm4b:s0+s5], $0x1400, $0x38;
	[tilespmem:$0x1D800] =	vst v63  }
.LBB2_8:
0x185: {  	_ =	swait.ge [sflag:s22], $0xA00  }
0x186: {  	[sflag:s22] =	ssyncset.done $0x0  }
0x187: {  	[sflag:s22] =	ssyncadd.s32 $0xFFFFF600  }
0x188: {  	_ =	swait.ge [sflag:s22], $0x1400  }
0x189: {  	[sflag:s22] =	ssyncset.done $0x0  }
0x18a: {  	s30 =	simm.s32 $0x3;
	[sflag:s22] =	ssyncadd.s32 $0xFFFFEC00  }
0x18b: {  	_ =	swait.ge [sflag:s30], $0xA00  }
0x18c: {  	[sflag:s30] =	ssyncset.done $0x0  }
0x18d: {  	s2 =	simm.s32 $0x188A0;
	s0 =	simm.s32 $0x130;
	[sflag:s30] =	ssyncadd.s32 $0xFFFFF600  }
0x18e: {  	s7 =	simm.s32 $0x700;
	s1 =	simm.s32 $0x110;
	s4 =	simm.s32 $0x900;
	v4 =	vld [tilespmem:s2+$0x20]  }
0x18f: {  	s6 =	simm.s32 $0x880;
	s8 =	simm.s32 $0x120;
	s9 =	simm.s32 $0x980;
	v5 =	vld [tilespmem:s2+$0xFFFFFFB0]  }
0x190: {  	s10 =	simm.s32 $0x280;
	s23 =	simm.s32 $0x500;
	s11 =	simm.s32 $0x680;
	v11 =	vld [tilespmem:s2+$0x0]  }
0x191: {  	s24 =	simm.s32 $0xA0;
	s25 =	simm.s32 $0xD0;
	s29 =	simm.s32 $0x780;
	v10 =	vld [tilespmem:s2+$0xFFFFFFC0]  }
0x192: {  	s31 =	simm.s32 $0x480;
	s12 =	simm.s32 $0x50;
	s13 =	simm.s32 $0x90;
	v12 =	vld [tilespmem:s2+$0xFFFFFFD0]  }
0x193: {  	s14 =	simm.s32 $0x580;
	s15 =	simm.s32 $0xB0;
	s4 =	sand.u32 $0xFC00, s4;
	v15 =	vld [tilespmem:s2+$0xFFFFFFF0]  }
0x194: {  	s8 =	sand.u32 $0x60, s8;
	s9 =	sand.u32 $0xFC00, s9;
	s4 =	sshrl.u32 s4, $0x2;
	v8 =	vld [tilespmem:s2+$0x80]  }
0x195: {  	s3 =	sand.u32 $0x70, s0;
	s9 =	sshrl.u32 s9, $0x2;
	s4 =	sor.u32 s8, s4;
	v16 =	vld [tilespmem:s2+$0xFFFFFF60]  }
0x196: {  	s16 =	simm.s32 $0x600;
	s6 =	sand.u32 $0xFC00, s6;
	s3 =	sor.u32 s3, s9;
	v1 =	vld [tilespmem:s4+$0x19C80]  }
0x197: {  	s17 =	simm.s32 $0xC0;
	s1 =	sand.u32 $0x50, s1;
	s6 =	sshrl.u32 s6, $0x2;
	v14 =	vld [tilespmem:s3+$0x19C80]  }
0x198: {  	s18 =	simm.s32 $0x200;
	s19 =	simm.s32 $0x40;
	s1 =	sor.u32 s1, s6;
	v17 =	vld [tilespmem:s2+$0xFFFFFFA0]  }
0x199: {  	s21 =	simm.s32 $0x380;
	s11 =	sand.u32 $0xFC00, s11;
	s10 =	sand.u32 $0xFC00, s10;
	v0 =	vld [tilespmem:s1+$0x19C80]  }
0x19a: {  	s7 =	sand.u32 $0xFC00, s7;
	s11 =	sshrl.u32 s11, $0x2;
	s6 =	sand.u32 $0xFC00, s23;
	v18 =	vld [tilespmem:s2+$0x40]  }
0x19b: {  	s10 =	sshrl.u32 s10, $0x2;
	s26 =	sshrl.u32 s6, $0x2;
	s3 =	sand.u32 $0x50, s25;
	v19 =	vld [tilespmem:s2+$0x10]  }
0x19c: {  	s4 =	sand.u32 $0x60, s24;
	v7 =	vld [tilespmem:s2+$0x30];
	s3 =	sor.u32 s3, s11;
	s11 =	sand.u32 $0xFC00, s31  }
0x19d: {  	s1 =	sor.u32 s4, s26;
	s4 =	sand.u32 $0x50, s13;
	v2 =	vld [tilespmem:s3+$0x19C80];
	s11 =	sshrl.u32 s11, $0x2  }
0x19e: {  	v6 =	vld [tilespmem:s1+$0x19C80];
	s1 =	sand.u32 $0xFC00, s14;
	s3 =	sand.u32 $0x50, s12;
	s4 =	sor.u32 s4, s11  }
0x19f: {  	v13 =	vld [tilespmem:s2+$0x50];
	s3 =	sor.u32 s3, s10;
	s11 =	sand.u32 $0x70, s15;
	s1 =	sshrl.u32 s1, $0x2  }
0x1a0: {  	s9 =	simm.s32 $0xE0;
	v20 =	vld [tilespmem:s3+$0x19C80];
	s1 =	sor.u32 s11, s1;
	s3 =	sand.u32 $0xFC00, s18  }
0x1a1: {  	v3 =	vld [tilespmem:s4+$0x19C80];
	s4 =	sand.u32 $0xFC00, s16;
	s11 =	sand.u32 $0x40, s19;
	s3 =	sshrl.u32 s3, $0x2  }
0x1a2: {  	s10 =	sand.u32 $0x40, s17;
	v21 =	vld [tilespmem:s1+$0x19C80];
	s20 =	sshrl.u32 s4, $0x2;
	s3 =	sor.u32 s11, s3  }
0x1a3: {  	s23 =	simm.s32 $0x70;
	s4 =	sand.u32 $0xFC00, s21;
	s1 =	sor.u32 s10, s20;
	v22 =	vld [tilespmem:s3+$0x19C80]  }
0x1a4: {  	s24 =	sand.u32 $0x70, s23;
	s26 =	sand.u32 $0xFC00, s29;
	s4 =	sshrl.u32 s4, $0x2;
	v24 =	vld [tilespmem:s1+$0x19C80]  }
0x1a5: {  	s29 =	sand.u32 $0x60, s9;
	s31 =	sshrl.u32 s7, $0x2;
	s3 =	sor.u32 s24, s4;
	v0 =	vld.idx.msk [tilespmem:v0+s5+$0x0], $0xffff  }
0x1a6: {  	s8 =	simm.s32 $0x300;
	s4 =	sor.u32 s29, s31;
	v25 =	vld [tilespmem:s3+$0x19C80]  }
0x1a7: {  	s8 =	sand.u32 $0xFC00, s8;
	s7 =	simm.s32 $0x60;
	v9 =	vld [tilespmem:s4+$0x19C80]  }
0x1a8: {  	s10 =	sshrl.u32 s8, $0x2;
	s11 =	simm.s32 $0x0;
	s3 =	sand.u32 $0x60, s7;
	v14 =	vld.idx.msk [tilespmem:v14+s5+$0x0], $0xffff  }
0x1a9: {  	s12 =	sand.u32 $0x40, s11;
	s3 =	sor.u32 s3, s10;
	v23 =	vld.idx.msk [tilespmem:v2+s5+$0x0], $0xffff  }
0x1aa: {  	s15 =	simm.s32 $0x0;
	s14 =	sand.u32 $0xF80, s11;
	s13 =	sor.u32 $0x10, s12;
	v26 =	vld [tilespmem:s3+$0x19C80]  }
0x1ab: {  	s25 =	simm.s32 $0xF0;
	s10 =	sor.u32 s14, s13;
	v6 =	vld.idx.msk [tilespmem:v6+s5+$0x0], $0xffff;
	s3 =	sand.u32 $0x7C00, s15  }
0x1ac: {  	s9 =	sand.u32 $0x70, s25;
	s1 =	sshrl.u32 s26, $0x2;
	v27 =	vld [tilespmem:s10+$0x18800];
	s3 =	sshrl.u32 s3, $0x2  }
0x1ad: {  	s1 =	sor.u32 s9, s1;
	s16 =	sor.u32 $0x20, s12;
	s3 =	sadd.s32 $0x19C00, s3;
	v2 =	vld.idx.msk [tilespmem:v21+s5+$0x0], $0xffff  }
0x1ae: {  	s18 =	sor.u32 $0x30, s12;
	v21 =	vld [tilespmem:s1+$0x19C80];
	s17 =	sor.u32 s16, s3  }
0x1af: {  	s19 =	sor.u32 s18, s3;
	s1 =	sor.u32 s13, s3;
	s3 =	sor.u32 s12, s3;
	v31 =	vld [tilespmem:s17+$0x80]  }
0x1b0: {  	v32 =	vld [tilespmem:s3+$0x80]  }
0x1b1: {  	s20 =	simm.s32 $0x80;
	v30 =	vld.idx.msk [tilespmem:v22+s5+$0x0], $0xffff;
	v22 =	vmul.f32 $1.442695020e+00, v7  }
0x1b2: {  	s21 =	sand.u32 $0x1F80, s20;
	v7 =	vld.idx.msk [tilespmem:v24+s5+$0x0], $0xffff;
	v24 =	vmul.f32 $1.442695020e+00, v13  }
0x1b3: {  	v5 =	vmul.f32 $1.442695020e+00, v5;
	s28 =	sor.u32 s12, s21;
	v29 =	vld.idx.msk [tilespmem:v25+s5+$0x0], $0xffff;
	(erf) = vpow2.f32 v22  }
0x1b4: {  	v12 =	vmul.f32 $1.442695020e+00, v12;
	v25 =	vld [tilespmem:s28+$0x18800];
	(erf) = vpow2.f32 v24  }
0x1b5: {  	s26 =	sor.u32 s14, s16;
	v22 =	vld [tilespmem:s19+$0x80];
	(erf) = vpow2.f32 v5;
	v5 =	vmul.f32 $1.442695020e+00, v10  }
0x1b6: {  	s15 =	sor.u32 s14, s18;
	v24 =	vld [tilespmem:s26+$0x18800];
	v10 =	vmul.f32 $1.442695020e+00, v16;
	(erf) = vpow2.f32 v12  }
0x1b7: {  	v16 =	vld [tilespmem:s15+$0x18800];
	(erf) = vpow2.f32 v5;
	v5 =	vmul.f32 $1.442695020e+00, v17  }
0x1b8: {  	s23 =	simm.s32 $0x100;
	v34 =	vmul.f32 $1.442695020e+00, v15;
	v17 =	vld [tilespmem:s1+$0x80];
	(erf) = vpow2.f32 v10  }
0x1b9: {  	s24 =	simm.s32 $0x400;
	v12 =	vmul.f32 $1.442695020e+00, v11;
	v13 =	vld.idx.msk [tilespmem:v21+s5+$0x0], $0xffff;
	s1 =	sand.u32 $0x1F80, s23;
	(erf) = vpow2.f32 v5  }
0x1ba: {  	s25 =	simm.s32 $0x800;
	s4 =	sand.u32 $0xFC00, s24;
	s21 =	sor.u32 s12, s1;
	v10 =	vmul.f32 $1.442695020e+00, v19;
	v19 =	vld.idx.msk [tilespmem:v20+s5+$0x0], $0xffff;
	v20 =	vmul.f32 $1.442695020e+00, v27  }
0x1bb: {  	s29 =	sand.u32 $0xFC00, s25;
	s31 =	sshrl.u32 s4, $0x2;
	v5 =	vmul.f32 $1.442695020e+00, v4;
	v4 =	vmul.f32 $1.442695020e+00, v8;
	v33 =	vld [tilespmem:s21+$0x18800]  }
0x1bc: {  	s3 =	sor.u32 s12, s31;
	v21 =	vld.idx.msk [tilespmem:v26+s5+$0x0], $0xffff;
	s1 =	sshrl.u32 s29, $0x2;
	v8 =	vmul.f32 $1.442695020e+00, v18;
	(erf) = vpow2.f32 v20;
	v18 =	vpop (erf)  }
0x1bd: {  	v27 =	vld [tilespmem:s3+$0x19C80];
	s1 =	sor.u32 s12, s1;
	v15 =	vpop (erf);
	v11 =	vmul.f32 v23, v18;
	v23 =	vmul.f32 $1.442695020e+00, v24  }
0x1be: {  	v16 =	vmul.f32 $1.442695020e+00, v16;
	v26 =	vld [tilespmem:s1+$0x19C80];
	v18 =	vpop (erf)  }
0x1bf: {  	v3 =	vld.idx.msk [tilespmem:v3+s5+$0x0], $0xffff;
	v28 =	vmul.f32 $1.442695020e+00, v25;
	v35 =	vpop (erf);
	(erf) = vpow2.f32 v23  }
0x1c0: {  	v33 =	vmul.f32 $1.442695020e+00, v33;
	v25 =	vld.idx.msk [tilespmem:v17+s5+$0x0], $0xffff;
	v17 =	vpop (erf);
	(erf) = vpow2.f32 v16  }
0x1c1: {  	v22 =	vld.idx.msk [tilespmem:v22+s5+$0x0], $0xffff;
	v16 =	vmul.f32 v29, v35;
	v23 =	vpop (erf)  }
0x1c2: {  	s8 =	simm.s32 $0x188A0;
	v24 =	vld.idx.msk [tilespmem:v31+s5+$0x0], $0xffff;
	v20 =	vmul.f32 v21, v17;
	(erf) = vpow2.f32 v33;
	v17 =	vpop (erf)  }
0x1c3: {  	s11 =	simm.s32 $0x1C4A0;
	s7 =	simm.s32 $0x1C4A0;
	s9 =	simm.s32 $0xA00;
	v29 =	vld.idx.msk [tilespmem:v32+s5+$0x0], $0xffff;
	(erf) = vpow2.f32 v34;
	v21 =	vmul.f32 v30, v17  }
.LBB2_9:
0x1c4: {  	v1 =	vld.idx.msk [tilespmem:v1+s5+$0x0], $0xffff;
	s0 =	sadd.s32 $0x140, s0;
	s7 =	sadd.s32 $0x140, s7;
	s2 =	sadd.s32 $0x140, s2  }
0x1c5: {  	p0 =	sne.s32 s9, $0x4600;
	s16 =	smov.u32 s9;
	s9 =	sadd.s32 $0xA00, s9;
	v17 =	vld.idx.msk [tilespmem:v27+s5+$0x0], $0xffff;
	v27 =	vpop (erf);
	(erf) = vpow2.f32 v5  }
0x1c6: {  	v5 =	vld.idx.msk [tilespmem:v26+s5+$0x0], $0xffff;
	v25 =	vmul.f32 v25, v27;
	(erf) = vpow2.f32 v28  }
0x1c7: {  	v26 =	vld [tilespmem:s8+$0x90];
	(erf) = vpow2.f32 v12  }
0x1c8: {  	v23 =	vmul.f32 v29, v23;
	v12 =	vld [tilespmem:s8+$0x70];
	v27 =	vpop (erf);
	(erf) = vpow2.f32 v10;
	s8 =	smov.u32 s2  }
0x1c9: {  	v9 =	vld.idx.msk [tilespmem:v9+s5+$0x0], $0xffff;
	v27 =	vmul.f32 v24, v27;
	v24 =	vpop (erf);
	(erf) = vpow2.f32 v8  }
0x1ca: {  	v18 =	vmul.f32 v19, v18;
	[tilespmem:s11+$0xFFFFFF60] =	vst v23;
	v8 =	vmul.f32 v22, v24  }
0x1cb: {  	v13 =	vmul.f32 v13, v15;
	[tilespmem:s10+$0x1C400] =	vst v25;
	v15 =	vpop (erf);
	(erf) = vpow2.f32 v4  }
0x1cc: {  	v19 =	vmul.f32 $1.442695020e+00, v26;
	[tilespmem:s26+$0x1C400] =	vst v27;
	v5 =	vmul.f32 v5, v15;
	v10 =	vpop (erf)  }
0x1cd: {  	v12 =	vmul.f32 $1.442695020e+00, v12;
	[tilespmem:s15+$0x1C400] =	vst v8;
	v3 =	vmul.f32 v3, v10  }
0x1ce: {  	[tilespmem:s11+$0xFFFFFFA0] =	vst v21;
	v8 =	vpop (erf);
	(erf) = vpow2.f32 v19  }
0x1cf: {  	[tilespmem:s11+$0xFFFFFFB0] =	vst v18;
	v4 =	vpop (erf);
	(erf) = vpow2.f32 v12  }
0x1d0: {  	[tilespmem:s11+$0xFFFFFFC0] =	vst v20;
	v12 =	vmul.f32 v17, v4;
	v10 =	vpop (erf)  }
0x1d1: {  	[tilespmem:s11+$0xFFFFFFD0] =	vst v16;
	v6 =	vmul.f32 v6, v10;
	v10 =	vpop (erf)  }
0x1d2: {  	[tilespmem:s28+$0x1C400] =	vst v12;
	v4 =	vpop (erf)  }
0x1d3: {  	[tilespmem:s11+$0x0] =	vst v6;
	v4 =	vmul.f32 v9, v4  }
0x1d4: {  	[tilespmem:s11+$0xFFFFFFF0] =	vst v3;
	v3 =	vpop (erf)  }
0x1d5: {  	[tilespmem:s11+$0x40] =	vst v4  }
0x1d6: {  	v6 =	vmul.f32 v7, v8;
	[tilespmem:s11+$0x30] =	vst v11  }
0x1d7: {  	v2 =	vmul.f32 v2, v10;
	v1 =	vmul.f32 v1, v3;
	[tilespmem:s11+$0x50] =	vst v13;
	v3 =	vpop (erf)  }
0x1d8: {  	[tilespmem:s11+$0x20] =	vst v6;
	v3 =	vmul.f32 v14, v3;
	v4 =	vpop (erf)  }
0x1d9: {  	[tilespmem:s11+$0x10] =	vst v2;
	v0 =	vmul.f32 v0, v4  }
0x1da: {  	s1 =	sadd.s32 $0x700, s16;
	s3 =	sadd.s32 $0x800, s16;
	[tilespmem:s21+$0x1C400] =	vst v5  }
0x1db: {  	s4 =	sadd.s32 $0xFFFFFFE0, s0;
	s21 =	sand.u32 $0xFC00, s3;
	s3 =	sand.u32 $0x70, s0;
	[tilespmem:s11+$0x70] =	vst v0  }
0x1dc: {  	s6 =	sadd.s32 $0x880, s16;
	s4 =	sand.u32 $0x50, s4;
	s10 =	sadd.s32 $0x900, s16;
	[tilespmem:s11+$0x80] =	vst v1  }
0x1dd: {  	s12 =	sadd.s32 $0xFFFFFFF0, s0;
	s13 =	sadd.s32 $0x980, s16;
	s10 =	sand.u32 $0xFC00, s10;
	[tilespmem:s11+$0x90] =	vst v3  }
0x1de: {  	s10 =	sshrl.u32 s10, $0x2;
	s11 =	sand.u32 $0x60, s12;
	s12 =	sand.u32 $0xFC00, s13;
	v0 =	vld [tilespmem:s2+$0x20]  }
0x1df: {  	s6 =	sand.u32 $0xFC00, s6;
	s13 =	sor.u32 s11, s10;
	s10 =	sshrl.u32 s12, $0x2;
	v6 =	vld [tilespmem:s2+$0xFFFFFFB0]  }
0x1e0: {  	s15 =	sadd.s32 $0x300, s16;
	s12 =	sadd.s32 $0x280, s16;
	s3 =	sor.u32 s3, s10;
	v2 =	vld [tilespmem:s2+$0x0]  }
0x1e1: {  	s6 =	sshrl.u32 s6, $0x2;
	s11 =	sadd.s32 $0xFFFFFFB0, s0;
	s10 =	sadd.s32 $0x780, s16;
	v7 =	vld [tilespmem:s2+$0xFFFFFFC0]  }
0x1e2: {  	s4 =	sor.u32 s4, s6;
	s26 =	sadd.s32 $0xFFFFFFC0, s0;
	s10 =	sand.u32 $0xFC00, s10;
	v11 =	vld [tilespmem:s2+$0xFFFFFFD0]  }
0x1e3: {  	s14 =	sadd.s32 $0x480, s16;
	s6 =	sadd.s32 $0xFFFFFF20, s0;
	s11 =	sand.u32 $0x60, s11;
	v3 =	vld [tilespmem:s2+$0xFFFFFFF0];
	v5 =	vmul.f32 $1.442695020e+00, v0  }
0x1e4: {  	s17 =	sadd.s32 $0xFFFFFF60, s0;
	s18 =	sadd.s32 $0x500, s16;
	s1 =	sand.u32 $0xFC00, s1;
	v0 =	vld [tilespmem:s2+$0x80]  }
0x1e5: {  	s19 =	sadd.s32 $0xFFFFFF70, s0;
	s20 =	sadd.s32 $0x580, s16;
	s28 =	sshrl.u32 s1, $0x2;
	v13 =	vld [tilespmem:s2+$0xFFFFFF60]  }
0x1e6: {  	s23 =	sadd.s32 $0x600, s16;
	s20 =	sand.u32 $0xFC00, s20;
	s1 =	sadd.s32 $0xFFFFFF80, s0;
	v16 =	vld [tilespmem:s2+$0xFFFFFFA0]  }
0x1e7: {  	s24 =	sadd.s32 $0xFFFFFF90, s0;
	s25 =	sadd.s32 $0x680, s16;
	s12 =	sand.u32 $0xFC00, s12;
	v8 =	vld [tilespmem:s2+$0x40]  }
0x1e8: {  	s29 =	sadd.s32 $0xFFFFFFA0, s0;
	s23 =	sand.u32 $0xFC00, s23;
	s25 =	sand.u32 $0xFC00, s25;
	v9 =	vld [tilespmem:s2+$0x10]  }
0x1e9: {  	s19 =	sand.u32 $0x60, s19;
	s29 =	sand.u32 $0x50, s29;
	s25 =	sshrl.u32 s25, $0x2;
	v1 =	vld [tilespmem:s13+$0x19C80];
	v4 =	vmul.f32 $1.442695020e+00, v0  }
0x1ea: {  	s13 =	sand.u32 $0xFC00, s18;
	s18 =	sshrl.u32 s23, $0x2;
	s23 =	sor.u32 s29, s25;
	v14 =	vld [tilespmem:s3+$0x19C80]  }
0x1eb: {  	s1 =	sand.u32 $0x70, s1;
	s3 =	sshrl.u32 s20, $0x2;
	s20 =	sand.u32 $0x40, s24;
	v0 =	vld [tilespmem:s4+$0x19C80]  }
0x1ec: {  	s13 =	sshrl.u32 s13, $0x2;
	s4 =	sand.u32 $0xFC00, s14;
	s1 =	sor.u32 s1, s3;
	v15 =	vld [tilespmem:s23+$0x19C80];
	v8 =	vmul.f32 $1.442695020e+00, v8  }
0x1ed: {  	s3 =	sand.u32 $0x50, s17;
	s13 =	sor.u32 s19, s13;
	s4 =	sshrl.u32 s4, $0x2;
	v18 =	vld [tilespmem:s2+$0x30];
	v10 =	vmul.f32 $1.442695020e+00, v9  }
0x1ee: {  	s6 =	sand.u32 $0x50, s6;
	s12 =	sshrl.u32 s12, $0x2;
	v12 =	vmul.f32 $1.442695020e+00, v2;
	s3 =	sor.u32 s3, s4;
	v19 =	vld [tilespmem:s13+$0x19C80]  }
0x1ef: {  	s6 =	sor.u32 s6, s12;
	s4 =	sadd.s32 $0xFFFFFF40, s0;
	s13 =	sadd.s32 $0x200, s16;
	v2 =	vld [tilespmem:s3+$0x19C80]  }
0x1f0: {  	s3 =	sadd.s32 $0xFFFFFF10, s0;
	s12 =	sand.u32 $0xFC00, s13;
	v20 =	vld [tilespmem:s6+$0x19C80];
	s6 =	sadd.s32 $0x380, s16  }
0x1f1: {  	v17 =	vmul.f32 $1.442695020e+00, v3;
	s3 =	sand.u32 $0x40, s3;
	s12 =	sshrl.u32 s12, $0x2;
	s6 =	sand.u32 $0xFC00, s6;
	v9 =	vld [tilespmem:s2+$0x50]  }
0x1f2: {  	s4 =	sand.u32 $0x70, s4;
	s3 =	sor.u32 s3, s12;
	s6 =	sshrl.u32 s6, $0x2;
	v21 =	vld [tilespmem:s1+$0x19C80];
	v3 =	vmul.f32 $1.442695020e+00, v18  }
0x1f3: {  	s12 =	sand.u32 $0xFC00, s15;
	s1 =	sadd.s32 $0xFFFFFF30, s0;
	s4 =	sor.u32 s4, s6;
	v0 =	vld.idx.msk [tilespmem:v0+s5+$0x0], $0xffff  }
0x1f4: {  	s1 =	sand.u32 $0x60, s1;
	s6 =	sand.u32 $0x70, s26;
	v18 =	vld [tilespmem:s3+$0x19C80];
	s3 =	sshrl.u32 s12, $0x2;
	(erf) = vpow2.f32 v3  }
0x1f5: {  	s10 =	sshrl.u32 s10, $0x2;
	s1 =	sor.u32 s1, s3;
	s3 =	sor.u32 s20, s18;
	v15 =	vld.idx.msk [tilespmem:v15+s5+$0x0], $0xffff  }
0x1f6: {  	s12 =	sadd.s32 $0xFFFFFED0, s0;
	s6 =	sor.u32 s6, s10;
	v22 =	vld [tilespmem:s3+$0x19C80];
	s3 =	sor.u32 s11, s28  }
0x1f7: {  	s29 =	sand.u32 $0x40, s12;
	s11 =	sand.u32 $0x7C00, s16;
	v24 =	vmul.f32 $1.442695020e+00, v9;
	v23 =	vld [tilespmem:s4+$0x19C80];
	s4 =	sadd.s32 $0x400, s16  }
0x1f8: {  	s12 =	sand.u32 $0xF80, s12;
	s13 =	sor.u32 $0x10, s29;
	s14 =	sor.u32 $0x30, s29;
	v3 =	vld.idx.msk [tilespmem:v2+s5+$0x0], $0xffff  }
0x1f9: {  	s17 =	sor.u32 $0x20, s29;
	s10 =	sor.u32 s12, s13;
	s4 =	sand.u32 $0xFC00, s4;
	v9 =	vld [tilespmem:s3+$0x19C80];
	(erf) = vpow2.f32 v24  }
0x1fa: {  	v6 =	vmul.f32 $1.442695020e+00, v6;
	s15 =	sor.u32 s12, s14;
	s3 =	sshrl.u32 s11, $0x2;
	s4 =	sshrl.u32 s4, $0x2;
	v2 =	vld.idx.msk [tilespmem:v21+s5+$0x0], $0xffff  }
0x1fb: {  	s3 =	sadd.s32 $0x19C00, s3;
	s16 =	sor.u32 s29, s4;
	s4 =	sshrl.u32 s21, $0x2;
	v21 =	vld [tilespmem:s6+$0x19C80]  }
0x1fc: {  	v11 =	vmul.f32 $1.442695020e+00, v11;
	s6 =	sor.u32 s29, s3;
	s13 =	sor.u32 s13, s3;
	s19 =	sor.u32 s29, s4;
	v24 =	vld [tilespmem:s1+$0x19C80];
	(erf) = vpow2.f32 v6  }
0x1fd: {  	v7 =	vmul.f32 $1.442695020e+00, v7;
	s11 =	smov.u32 s7;
	s1 =	sor.u32 s17, s3;
	s3 =	sor.u32 s14, s3;
	v6 =	vld.idx.msk [tilespmem:v19+s5+$0x0], $0xffff;
	v19 =	vpop (erf)  }
0x1fe: {  	v13 =	vmul.f32 $1.442695020e+00, v13;
	v25 =	vld [tilespmem:s10+$0x18800];
	(erf) = vpow2.f32 v11  }
0x1ff: {  	v11 =	vmul.f32 v15, v19;
	v29 =	vld.idx.msk [tilespmem:v23+s5+$0x0], $0xffff;
	(erf) = vpow2.f32 v7  }
0x200: {  	s4 =	sadd.s32 $0xFFFFFF50, s0;
	v30 =	vld.idx.msk [tilespmem:v18+s5+$0x0], $0xffff  }
0x201: {  	s26 =	sor.u32 s12, s17;
	s4 =	sand.u32 $0x1F80, s4;
	v7 =	vld.idx.msk [tilespmem:v22+s5+$0x0], $0xffff  }
0x202: {  	s28 =	sor.u32 s29, s4;
	v31 =	vld [tilespmem:s1+$0x80];
	(erf) = vpow2.f32 v13;
	v15 =	vpop (erf)  }
0x203: {  	v13 =	vld.idx.msk [tilespmem:v21+s5+$0x0], $0xffff;
	v21 =	vmul.f32 $1.442695020e+00, v25  }
0x204: {  	v32 =	vld.idx.msk [tilespmem:v24+s5+$0x0], $0xffff  }
0x205: {  	v22 =	vld [tilespmem:s3+$0x80];
	v18 =	vpop (erf)  }
0x206: {  	v23 =	vmul.f32 $1.442695020e+00, v16;
	v19 =	vld [tilespmem:s15+$0x18800]  }
0x207: {  	v24 =	vld [tilespmem:s13+$0x80];
	v33 =	vpop (erf)  }
0x208: {  	s1 =	sadd.s32 $0xFFFFFFD0, s0;
	v25 =	vld [tilespmem:s26+$0x18800];
	(erf) = vpow2.f32 v23;
	v16 =	vpop (erf)  }
0x209: {  	s1 =	sand.u32 $0x1F80, s1;
	v28 =	vld [tilespmem:s28+$0x18800]  }
0x20a: {  	s21 =	sor.u32 s29, s1;
	v34 =	vld [tilespmem:s6+$0x80]  }
0x20b: {  	v35 =	vld [tilespmem:s21+$0x18800];
	v36 =	vmul.f32 $1.442695020e+00, v19;
	v23 =	vpop (erf)  }
0x20c: {  	v19 =	vld.idx.msk [tilespmem:v20+s5+$0x0], $0xffff;
	(erf) = vpow2.f32 v21  }
0x20d: {  	v27 =	vld [tilespmem:s16+$0x19C80];
	v20 =	vmul.f32 $1.442695020e+00, v25  }
0x20e: {  	v26 =	vld [tilespmem:s19+$0x19C80];
	v28 =	vmul.f32 $1.442695020e+00, v28  }
.Ltmp4:
0x20f: {  	v25 =	vld.idx.msk [tilespmem:v24+s5+$0x0], $0xffff;
	(erf) = vpow2.f32 v20;
	(pc) =	sbr.rel @p0 .LBB2_9-.Ltmp4, $4  }
0x210: {  	v22 =	vld.idx.msk [tilespmem:v22+s5+$0x0], $0xffff;
	v35 =	vmul.f32 $1.442695020e+00, v35;
	(erf) = vpow2.f32 v36  }
0x211: {  	v20 =	vmul.f32 v32, v16;
	v16 =	vmul.f32 v29, v33;
	v24 =	vld.idx.msk [tilespmem:v31+s5+$0x0], $0xffff;
	v21 =	vpop (erf)  }
0x212: {  	v29 =	vld.idx.msk [tilespmem:v34+s5+$0x0], $0xffff;
	v21 =	vmul.f32 v30, v21;
	(erf) = vpow2.f32 v35  }
0x213: {  	v14 =	vld.idx.msk [tilespmem:v14+s5+$0x0], $0xffff;
	(erf) = vpow2.f32 v17  }
0x214: {  	_ =	sdelay $0x3  }
0x215: {  	v1 =	vld.idx.msk [tilespmem:v1+s5+$0x0], $0xffff;
	(erf) = vpow2.f32 v5  }
0x216: {  	v17 =	vld.idx.msk [tilespmem:v27+s5+$0x0], $0xffff;
	(erf) = vpow2.f32 v28  }
0x217: {  	v41 =	vld.idx.msk [tilespmem:v26+s5+$0x0], $0xffff;
	(erf) = vpow2.f32 v12  }
0x218: {  	v42 =	vld [tilespmem:s8+$0x90];
	v43 =	vpop (erf);
	v23 =	vmul.f32 v29, v23  }
0x219: {  	v44 =	vld [tilespmem:s8+$0x70];
	v45 =	vmul.f32 v25, v43;
	v46 =	vpop (erf)  }
0x21a: {  	v9 =	vld.idx.msk [tilespmem:v9+s5+$0x0], $0xffff;
	(erf) = vpow2.f32 v10;
	v47 =	vpop (erf);
	v12 =	vmul.f32 v24, v46;
	[tilespmem:s11+$0xFFFFFF60] =	vst v23  }
0x21b: {  	(erf) = vpow2.f32 v8;
	v8 =	vmul.f32 v22, v47;
	[tilespmem:s10+$0x1C400] =	vst v45  }
0x21c: {  	v49 =	vpop (erf);
	[tilespmem:s26+$0x1C400] =	vst v12  }
0x21d: {  	v48 =	vmul.f32 v19, v18;
	v51 =	vpop (erf);
	[tilespmem:s15+$0x1C400] =	vst v8  }
0x21e: {  	v50 =	vmul.f32 $1.442695020e+00, v42;
	[tilespmem:s11+$0xFFFFFFA0] =	vst v21;
	v53 =	vpop (erf)  }
0x21f: {  	(erf) = vpow2.f32 v4;
	v52 =	vmul.f32 $1.442695020e+00, v44;
	[tilespmem:s11+$0xFFFFFFB0] =	vst v48;
	v54 =	vpop (erf)  }
0x220: {  	(erf) = vpow2.f32 v50;
	[tilespmem:s11+$0xFFFFFFC0] =	vst v20;
	v10 =	vmul.f32 v17, v54;
	v55 =	vpop (erf)  }
0x221: {  	(erf) = vpow2.f32 v52;
	[tilespmem:s11+$0xFFFFFFD0] =	vst v16;
	v6 =	vmul.f32 v6, v55  }
0x222: {  	v3 =	vmul.f32 v3, v51;
	[tilespmem:s28+$0x1C400] =	vst v10  }
0x223: {  	[tilespmem:s11+$0x0] =	vst v6  }
0x224: {  	v58 =	vmul.f32 v13, v15;
	[tilespmem:s11+$0xFFFFFFF0] =	vst v3  }
0x225: {  	v60 =	vmul.f32 v7, v53;
	v56 =	vpop (erf);
	[tilespmem:s11+$0x30] =	vst v11  }
0x226: {  	v57 =	vpop (erf);
	v2 =	vmul.f32 v2, v56;
	[tilespmem:s11+$0x50] =	vst v58  }
0x227: {  	v4 =	vmul.f32 v9, v57;
	[tilespmem:s11+$0x20] =	vst v60  }
0x228: {  	v5 =	vmul.f32 v41, v49;
	v59 =	vpop (erf);
	[tilespmem:s11+$0x10] =	vst v2  }
0x229: {  	v1 =	vmul.f32 v1, v59;
	[tilespmem:s11+$0x40] =	vst v4;
	v61 =	vpop (erf)  }
0x22a: {  	[tilespmem:s21+$0x1C400] =	vst v5;
	v62 =	vpop (erf);
	v63 =	vmul.f32 v14, v61  }
0x22b: {  	[tilespmem:s11+$0x80] =	vst v1;
	v0 =	vmul.f32 v0, v62  }
0x22c: {  	[tilespmem:s11+$0x90] =	vst v63  }
0x22d: {  	s0 =	rddreg [dreg:$0xe];
	s1 =	simm.s32 $0x1C400;
	s28 =	simm.s32 $0x4;
	[tilespmem:s11+$0x70] =	vst v0  }
0x22e: {  	[hbm4b:s0+s5] =	stream.linear.scatter [tilespmem:s1], [sflag:$0x3], $0xA00, $0x38;
	[tilespmem:$0x1D800] =	vst v63  }
0x22f: {  	_ =	swait.ge [sflag:s28], $0xA00  }
0x230: {  	[sflag:s28] =	ssyncset.done $0x0  }
0x231: {  	[sflag:s28] =	ssyncadd.s32 $0xFFFFF600  }
0x232: {  	_ =	swait.ge [sflag:s30], $0xA00  }
0x233: {  	s29 =	rddreg [dreg:$0x10]  }
0x234: {  	s31 =	rddreg [dreg:$0xf];
	s1 =	sadd.s32 $0x1, s29  }
0x235: {  	p0 =	sne.s32 s1, s31  }
.Ltmp5:
0x236: {  	_ = 	snop;
	(pc) =	sbr.rel @p0 .LBB2_1-.Ltmp5, $3  }
0x237: {  	_ =	sdelay $0x1  }
0x238: {  	[sflag:s30] =	ssyncset.done $0x0  }
0x239: {  	[sflag:s30] =	ssyncadd.s32 $0xFFFFF600  }
0x23a: {  	_ =	sfence.sel $0x180000  }
0x23b: {  	[bflag:$0x0] =	sbarrier.arrive $0xFFFF  }
0x23c: {  	_ =	strace $0x9000004A  }
0x23d: {  	s0 =	stileid.u32;
	[bflag:$0x2] =	sbarrier.arrive $0xFFFF  }
0x23e: {  	p0 =	sne.s32 s0, $0x0;
	s0 =	rddreg [dreg:$0x4]  }
0x23f: {  	s0 =	sadd.s32 @!p0 $0x100000, s0  }
0x240: {  	[sflag:s0] =	ssyncadd.tile.s32 @!p0 $0x1;
	_ =	shalt  }
.Lfunc_end2:
_tile_overlayer_lowered:
.L_overlay_start_2:
0x241: {  	(tag) =	ssettag $0x2  }
0x242: {  	s0 =	rddreg [dreg:$0x0];
	s2 =	stileid.u32  }
0x243: {  	s1 =	rddreg [dreg:$0x1];
	p0 =	sne.s32 s2, $0x0  }
0x244: {  	s3 =	rddreg [dreg:$0x2];
	[bflag:$0x3] =	sbarrier.arrive $0xFFFF;
	s2 =	simm.s32 @!p0 $0x1C05  }
0x245: {  	[timem:s3], [sflag:s2] =	dma.local @!p0 [hbm:s0], s1  }
0x246: {  	s0 =	simm.s32 @!p0 $0x5  }
0x247: {  	_ =	swait.ge @!p0 [sflag:s0], s1  }
0x248: {  	s1 =	ssub.s32 @!p0 $0x0, s1;
	[sflag:s0] =	ssyncset.done @!p0 $0x0  }
0x249: {  	[sflag:s0] =	ssyncadd.s32 @!p0 s1  }
0x24a: {  	[bflag:$0x3] =	sbarrier.arrive $0xFFFF  }
0x24b: {  	_ =	shalt  }

</sc_bundles>
